<compile_context>
chip_gen: v7x
topology: tpu7x:2x2x1
jax: 0.10.2.dev20260603
libtpu: 0.0.44.dev20260713+nightly
codegen_flags: <defaults>
</compile_context>

<pallas_src>
import functools

import jax
import jax.numpy as jnp
from jax import lax
from jax.experimental import pallas as pl
from jax.experimental.pallas import tpu as pltpu
from jax.experimental.pallas import tpu_sc as plsc

N_NODES = 10000
D = 128
N_PAD = 10240
DUMMY = N_NODES
NC = 2
NS = 16
L = 16
NW = NC * NS
CHUNK = 32
NBUF = 8
NSTAGE = 8
SDEPTH = 2
ROW_BLK = 1024

_SC_PARAMS = pltpu.CompilerParams(needs_layout_passes=False)


def _sc_hist(dsts):
    ept_l = dsts.shape[1]
    mesh = plsc.VectorSubcoreMesh(core_axis_name="c", subcore_axis_name="s")

    @functools.partial(
        pl.kernel, mesh=mesh, compiler_params=_SC_PARAMS,
        out_type=jax.ShapeDtypeStruct((NW, N_PAD), jnp.float32),
        scratch_types=[
            pltpu.VMEM((ept_l, L), jnp.int32),
            pltpu.VMEM((N_PAD,), jnp.float32),
        ],
    )
    def k(dst_hbm, out_hbm, idx_v, hist_v):
        cid = lax.axis_index("c")
        sid = lax.axis_index("s")
        wid = sid * NC + cid
        zeros16 = jnp.zeros((L,), jnp.float32)
        ones16 = jnp.ones((L,), jnp.float32)

        @pl.loop(0, N_PAD // L)
        def _(i):
            hist_v[pl.ds(i * L, L)] = zeros16

        pltpu.sync_copy(dst_hbm.at[wid], idx_v)

        @pl.loop(0, ept_l)
        def _(j):
            plsc.addupdate_scatter(hist_v, [idx_v[j]], ones16)

        pltpu.sync_copy(hist_v, out_hbm.at[wid])

    return k(dsts)


def _sc_agg(g, srcs, dsts):
    nchunk = srcs.shape[1]
    stage = nchunk // NSTAGE
    rows_per_tile = N_PAD // NS
    dt = g.dtype
    vw = 32 if dt == jnp.bfloat16 else L
    mesh = plsc.VectorSubcoreMesh(core_axis_name="c", subcore_axis_name="s")

    @functools.partial(
        pl.kernel, mesh=mesh,
        out_type=jax.ShapeDtypeStruct((NC, N_PAD, D), dt),
        scratch_types=[
            pltpu.VMEM((stage, CHUNK), jnp.int32),
            pltpu.VMEM((stage, CHUNK), jnp.int32),
            pltpu.VMEM((NBUF, CHUNK, D), dt),
            pltpu.VMEM_SHARED((N_PAD, D), dt),
        ] + [pltpu.SemaphoreType.DMA] * (2 * NBUF),
    )
    def k(g_hbm, src_hbm, dst_hbm, out_hbm,
          src_v, dst_v, bufs, acc, *sems):
        sem_g, sem_s = sems[:NBUF], sems[NBUF:]
        cid = lax.axis_index("c")
        sid = lax.axis_index("s")
        wid = sid * NC + cid
        if dt == jnp.bfloat16:
            zblk = jnp.zeros((2, L), dt)

            @pl.loop(0, CHUNK, step=2)
            def _(r):
                @pl.loop(0, D // L)
                def _(c):
                    bufs[0, pl.ds(r, 2), pl.ds(c * L, L)] = zblk
        else:
            zvec = jnp.zeros((vw,), dt)

            @pl.loop(0, CHUNK)
            def _(r):
                @pl.loop(0, D // vw)
                def _(c):
                    bufs[0, r, pl.ds(c * vw, vw)] = zvec

        @pl.loop(0, rows_per_tile // CHUNK)
        def _(t):
            pltpu.sync_copy(
                bufs.at[0],
                acc.at[pl.ds(sid * rows_per_tile + t * CHUNK, CHUNK)])

        plsc.subcore_barrier()

        @pl.loop(0, NSTAGE)
        def _(st):
            pltpu.sync_copy(src_hbm.at[wid].at[pl.ds(st * stage, stage)],
                            src_v)
            pltpu.sync_copy(dst_hbm.at[wid].at[pl.ds(st * stage, stage)],
                            dst_v)
            for b in range(NBUF):
                pltpu.async_copy(g_hbm.at[src_v.at[b]], bufs.at[b],
                                 sem_g[b])

            @pl.loop(0, stage, step=NBUF)
            def _(j):
                for b in range(NBUF):
                    slot_r = (b - SDEPTH) % NBUF

                    @pl.when((j + b >= SDEPTH)
                             & (j + b - SDEPTH + NBUF < stage))
                    def _():
                        pltpu.make_async_copy(
                            bufs.at[slot_r],
                            acc.at[dst_v.at[j + b - SDEPTH]],
                            sem_s[slot_r]).wait()
                        pltpu.async_copy(
                            g_hbm.at[src_v.at[j + b - SDEPTH + NBUF]],
                            bufs.at[slot_r], sem_g[slot_r])

                    pltpu.make_async_copy(g_hbm.at[src_v.at[j + b]],
                                          bufs.at[b], sem_g[b]).wait()
                    pltpu.async_copy(bufs.at[b], acc.at[dst_v.at[j + b]],
                                     sem_s[b], add=True)

            for b in range(NBUF):
                pltpu.make_async_copy(bufs.at[b],
                                      acc.at[dst_v.at[stage - NBUF + b]],
                                      sem_s[b]).wait()

        plsc.subcore_barrier()
        pltpu.sync_copy(
            acc.at[pl.ds(sid * rows_per_tile, rows_per_tile)],
            out_hbm.at[cid].at[pl.ds(sid * rows_per_tile, rows_per_tile)])

    return k(g, srcs, dsts)


def _tc_matmul(x, w1):
    def body(x_b, w1_b, h_b):
        h_b[...] = jnp.dot(x_b[...], w1_b[...],
                           preferred_element_type=jnp.float32,
                           precision=lax.Precision.HIGHEST)

    grid = (N_PAD // ROW_BLK,)
    return pl.pallas_call(
        body,
        grid=grid,
        in_specs=[
            pl.BlockSpec((ROW_BLK, D), lambda b: (b, 0)),
            pl.BlockSpec((D, D), lambda b: (0, 0)),
        ],
        out_specs=pl.BlockSpec((ROW_BLK, D), lambda b: (b, 0)),
        out_shape=jax.ShapeDtypeStruct((N_PAD, D), jnp.float32),
    )(x, w1)


def _tc_scale_in(hist, h1):
    def body(hist_b, h_b, dis_b, g1_b):
        deg = jnp.sum(hist_b[...], axis=0) + 1.0
        dis = lax.rsqrt(deg)
        dis_b[...] = dis[:, None]
        g1_b[...] = h_b[...] * dis[:, None]

    grid = (N_PAD // ROW_BLK,)
    return pl.pallas_call(
        body,
        grid=grid,
        in_specs=[
            pl.BlockSpec((NW, ROW_BLK), lambda b: (0, b)),
            pl.BlockSpec((ROW_BLK, D), lambda b: (b, 0)),
        ],
        out_specs=[
            pl.BlockSpec((ROW_BLK, 1), lambda b: (b, 0)),
            pl.BlockSpec((ROW_BLK, D), lambda b: (b, 0)),
        ],
        out_shape=[
            jax.ShapeDtypeStruct((N_PAD, 1), jnp.float32),
            jax.ShapeDtypeStruct((N_PAD, D), jnp.float32),
        ],
    )(hist, h1)


def _tc_mid(p, g1, dis, b1, w2):
    def body(p_b, g1_b, dis_b, b1_b, w2_b, g2_b):
        dis = dis_b[...]
        agg = p_b[0].astype(jnp.float32) + p_b[1].astype(jnp.float32)
        a = (agg + g1_b[...]) * dis + b1_b[...]
        a = jnp.maximum(a, 0.0)
        h2 = jnp.dot(a, w2_b[...],
                     preferred_element_type=jnp.float32,
                     precision=lax.Precision.HIGHEST)
        g2_b[...] = h2 * dis

    grid = (N_PAD // ROW_BLK,)
    return pl.pallas_call(
        body,
        grid=grid,
        in_specs=[
            pl.BlockSpec((NC, ROW_BLK, D), lambda b: (0, b, 0)),
            pl.BlockSpec((ROW_BLK, D), lambda b: (b, 0)),
            pl.BlockSpec((ROW_BLK, 1), lambda b: (b, 0)),
            pl.BlockSpec((1, D), lambda b: (0, 0)),
            pl.BlockSpec((D, D), lambda b: (0, 0)),
        ],
        out_specs=pl.BlockSpec((ROW_BLK, D), lambda b: (b, 0)),
        out_shape=jax.ShapeDtypeStruct((N_PAD, D), jnp.float32),
    )(p, g1, dis, b1, w2)


def _tc_out(q, g2, dis, b2):
    def body(q_b, g2_b, dis_b, b2_b, o_b):
        agg = q_b[0].astype(jnp.float32) + q_b[1].astype(jnp.float32)
        o_b[...] = (agg + g2_b[...]) * dis_b[...] + b2_b[...]

    grid = (N_PAD // ROW_BLK,)
    return pl.pallas_call(
        body,
        grid=grid,
        in_specs=[
            pl.BlockSpec((NC, ROW_BLK, D), lambda b: (0, b, 0)),
            pl.BlockSpec((ROW_BLK, D), lambda b: (b, 0)),
            pl.BlockSpec((ROW_BLK, 1), lambda b: (b, 0)),
            pl.BlockSpec((1, D), lambda b: (0, 0)),
        ],
        out_specs=pl.BlockSpec((ROW_BLK, D), lambda b: (b, 0)),
        out_shape=jax.ShapeDtypeStruct((N_PAD, D), jnp.float32),
    )(q, g2, dis, b2)


def kernel(x, edge_index, W1, b1, W2, b2):
    n_edges = edge_index.shape[1]
    ept = -(-n_edges // NW)
    q = NSTAGE * 8 * CHUNK
    ept = -(-ept // q) * q
    e_pad = ept * NW
    nchunk = ept // CHUNK

    src = edge_index[0].astype(jnp.int32)
    dst = edge_index[1].astype(jnp.int32)
    pad = e_pad - n_edges
    src_p = jnp.concatenate([src, jnp.zeros((pad,), jnp.int32)])
    dst_p = jnp.concatenate([dst, jnp.full((pad,), DUMMY, jnp.int32)])
    srcs = src_p.reshape(NW, nchunk, CHUNK)
    dsts = dst_p.reshape(NW, nchunk, CHUNK)
    dsts_hist = dst_p.reshape(NW, ept // L, L)

    x_pad = jnp.zeros((N_PAD, D), x.dtype).at[:N_NODES].set(x)
    b1r = b1.reshape(1, D)
    b2r = b2.reshape(1, D)

    hist = _sc_hist(dsts_hist)
    h1 = _tc_matmul(x_pad, W1)
    dis, g1 = _tc_scale_in(hist, h1)
    p = _sc_agg(g1, srcs, dsts)
    g2 = _tc_mid(p, g1, dis, b1r, W2)
    q = _sc_agg(g2, srcs, dsts)
    out = _tc_out(q, g2, dis, b2r)
    return out[:N_NODES]

# --- scband reference (transcript-rebuilt; emitter-appended) ---
"""Pipeline reference for scband-gcn-18047452578507 (READ-ONLY COPY).

The authoritative reference and input builder live on the scoring server;
editing this copy changes nothing except your own understanding.
"""

import jax, jax.numpy as jnp
import numpy as np

N_NODES = 10000
N_EDGES = 320000
D_IN = 128
D_HID = 128
D_OUT = 128


def setup_inputs(seed: int = 0) -> dict:
    key = jax.random.key(seed)
    k1, k2, k3, k4, k5, k6 = jax.random.split(key, 6)
    x = jax.random.normal(k1, (N_NODES, D_IN), dtype=jnp.float32)
    edge_index = jax.random.randint(k2, (2, N_EDGES), 0, N_NODES, dtype=jnp.int64)
    # Glorot-style init for linear weights, zeros for bias (matches PyG GCNConv defaults)
    s1 = (6.0 / (D_IN + D_HID)) ** 0.5
    s2 = (6.0 / (D_HID + D_OUT)) ** 0.5
    W1 = jax.random.uniform(k3, (D_IN, D_HID), dtype=jnp.float32, minval=-s1, maxval=s1)
    b1 = jnp.zeros((D_HID,), dtype=jnp.float32)
    W2 = jax.random.uniform(k4, (D_HID, D_OUT), dtype=jnp.float32, minval=-s2, maxval=s2)
    b2 = jnp.zeros((D_OUT,), dtype=jnp.float32)
    return {"x": x, "edge_index": edge_index, "W1": W1, "b1": b1, "W2": W2, "b2": b2}


def _gcn_conv(x, src, dst, W, b, num_nodes):
    # linear transform first (PyG GCNConv order)
    h = x @ W
    # symmetric normalization with self-loops (self-loops already appended to src/dst)
    ones = jnp.ones((src.shape[0],), dtype=h.dtype)
    deg = jnp.zeros((num_nodes,), dtype=h.dtype).at[dst].add(ones)
    deg_inv_sqrt = jnp.where(deg > 0, deg ** -0.5, 0.0)
    norm = deg_inv_sqrt[src] * deg_inv_sqrt[dst]
    msg = h[src] * norm[:, None]
    out = jnp.zeros((num_nodes, h.shape[1]), dtype=h.dtype).at[dst].add(msg)
    return out + b


def reference(x, edge_index, W1, b1, W2, b2):
    num_nodes = x.shape[0]
    loop = jnp.arange(num_nodes, dtype=edge_index.dtype)
    src = jnp.concatenate([edge_index[0], loop])
    dst = jnp.concatenate([edge_index[1], loop])
    h = _gcn_conv(x, src, dst, W1, b1, num_nodes)
    h = jax.nn.relu(h)
    # dropout is identity in eval mode
    out = _gcn_conv(h, src, dst, W2, b2, num_nodes)
    return out

if __name__ == "__main__":
    import jax
    _d = setup_inputs()
    print(jax.jit(kernel)(*tuple(_d.values())))

</pallas_src>

<mosaic_0001>
#map = affine_map<(d0, d1) -> (0, 0)>
#map1 = affine_map<(d0, d1) -> (0, 0, 0)>
module attributes {stable_mosaic.version = 14 : i64} {
  func.func @k(%arg0: i32, %arg1: i32, %arg2: memref<10240x128xf32, #tpu.memory_space<hbm>>, %arg3: memref<32x320x32xi32, #tpu.memory_space<hbm>>, %arg4: memref<32x320x32xi32, #tpu.memory_space<hbm>>, %arg5: memref<2x10240x128xf32, #tpu.memory_space<hbm>>, %arg6: memref<40x32xi32, #tpu.memory_space<vmem>>, %arg7: memref<40x32xi32, #tpu.memory_space<vmem>>, %arg8: memref<8x32x128xf32, #tpu.memory_space<vmem>>, %arg9: memref<10240x128xf32, #tpu.memory_space<vmem_shared>>, %arg10: memref<!tpu.dma_semaphore, #tpu.memory_space<semaphore_mem>>, %arg11: memref<!tpu.dma_semaphore, #tpu.memory_space<semaphore_mem>>, %arg12: memref<!tpu.dma_semaphore, #tpu.memory_space<semaphore_mem>>, %arg13: memref<!tpu.dma_semaphore, #tpu.memory_space<semaphore_mem>>, %arg14: memref<!tpu.dma_semaphore, #tpu.memory_space<semaphore_mem>>, %arg15: memref<!tpu.dma_semaphore, #tpu.memory_space<semaphore_mem>>, %arg16: memref<!tpu.dma_semaphore, #tpu.memory_space<semaphore_mem>>, %arg17: memref<!tpu.dma_semaphore, #tpu.memory_space<semaphore_mem>>, %arg18: memref<!tpu.dma_semaphore, #tpu.memory_space<semaphore_mem>>, %arg19: memref<!tpu.dma_semaphore, #tpu.memory_space<semaphore_mem>>, %arg20: memref<!tpu.dma_semaphore, #tpu.memory_space<semaphore_mem>>, %arg21: memref<!tpu.dma_semaphore, #tpu.memory_space<semaphore_mem>>, %arg22: memref<!tpu.dma_semaphore, #tpu.memory_space<semaphore_mem>>, %arg23: memref<!tpu.dma_semaphore, #tpu.memory_space<semaphore_mem>>, %arg24: memref<!tpu.dma_semaphore, #tpu.memory_space<semaphore_mem>>, %arg25: memref<!tpu.dma_semaphore, #tpu.memory_space<semaphore_mem>>) attributes {dimension_semantics = [#tpu.dimension_semantics<core_parallel>, #tpu.dimension_semantics<subcore_parallel>], iteration_bounds = array<i64: 2, 16>, scalar_prefetch = 0 : i64, scratch_operands = 20 : i64, tpu.core_type = #tpu.core_type<sc_vector_subcore>, window_params = [{transform_indices = #map}, {transform_indices = #map1}, {transform_indices = #map1}, {transform_indices = #map1}]} {
    %mul3A = arith.constant 2 : i32
    %mul3A_0 = arith.muli %arg1, %mul3A : i32
    %add3A = arith.addi %mul3A_0, %arg0 : i32
    %broadcast_in_dim3A = arith.constant 0.000000e+00 : f32
    %broadcast_in_dim3A_1 = vector.broadcast %broadcast_in_dim3A : f32 to vector<16xf32>
    %scan3A = arith.constant 0 : i32
    %scan3A_2 = arith.constant 32 : i32
    %scan3A_3 = arith.addi %scan3A, %scan3A_2 : i32
    %scan3A_4 = arith.constant 1 : i32
    scf.for %scan3A_21 = %scan3A to %scan3A_3 step %scan3A_4  : i32 {
      %mul3A_22 = arith.constant 1 : i32
      %mul3A_23 = arith.muli %scan3A_21, %mul3A_22 : i32
      %add3A_24 = arith.constant 0 : i32
      %add3A_25 = arith.addi %add3A_24, %mul3A_23 : i32
      %scan3A_26 = arith.constant 0 : i32
      %scan3A_27 = arith.constant 8 : i32
      %scan3A_28 = arith.addi %scan3A_26, %scan3A_27 : i32
      %scan3A_29 = arith.constant 1 : i32
      scf.for %scan3A_31 = %scan3A_26 to %scan3A_28 step %scan3A_29  : i32 {
        %mul3A_32 = arith.constant 1 : i32
        %mul3A_33 = arith.muli %scan3A_31, %mul3A_32 : i32
        %add3A_34 = arith.constant 0 : i32
        %add3A_35 = arith.addi %add3A_34, %mul3A_33 : i32
        %mul3A_36 = arith.constant 16 : i32
        %mul3A_37 = arith.muli %add3A_35, %mul3A_36 : i32
        %swap3A = arith.constant 0 : i32
        %swap3A_38 = arith.index_cast %swap3A : i32 to index
        %swap3A_39 = arith.index_cast %add3A_25 : i32 to index
        %swap3A_40 = arith.index_cast %mul3A_37 : i32 to index
        %swap3A_41 = tpu.vector_load %arg8[%swap3A_38, %swap3A_39, %swap3A_40] {strides = array<i32>} : memref<8x32x128xf32, #tpu.memory_space<vmem>>, vector<1x1x16xf32>,
        %swap3A_42 = vector.shape_cast %swap3A_41 : vector<1x1x16xf32> to vector<16xf32>
        %swap3A_43 = vector.shape_cast %broadcast_in_dim3A_1 : vector<16xf32> to vector<1x1x16xf32>
        tpu.vector_store %arg8[%swap3A_38, %swap3A_39, %swap3A_40], %swap3A_43 {strides = array<i32>} : memref<8x32x128xf32, #tpu.memory_space<vmem>>, vector<1x1x16xf32>,
      }
      %scan3A_30 = arith.constant 8 : i32
    }
    %scan3A_5 = arith.constant 32 : i32
    %scan3A_6 = arith.constant 0 : i32
    %scan3A_7 = arith.constant 20 : i32
    %scan3A_8 = arith.addi %scan3A_6, %scan3A_7 : i32
    %scan3A_9 = arith.constant 1 : i32
    scf.for %scan3A_21 = %scan3A_6 to %scan3A_8 step %scan3A_9  : i32 {
      %mul3A_22 = arith.constant 1 : i32
      %mul3A_23 = arith.muli %scan3A_21, %mul3A_22 : i32
      %add3A_24 = arith.constant 0 : i32
      %add3A_25 = arith.addi %add3A_24, %mul3A_23 : i32
      %mul3A_26 = arith.constant 640 : i32
      %mul3A_27 = arith.muli %arg1, %mul3A_26 : i32
      %mul3A_28 = arith.constant 32 : i32
      %mul3A_29 = arith.muli %add3A_25, %mul3A_28 : i32
      %add3A_30 = arith.addi %mul3A_27, %mul3A_29 : i32
      %run_scoped3A = arith.constant 0 : i32
      "tpu.region"() ({
        %run_scoped3A_31 = tpu.sem_alloc : memref<!tpu.dma_semaphore, #tpu.memory_space<semaphore_mem>>
        %dma_start3A = arith.constant 0 : i32
        %dma_start3A_32 = arith.constant 0 : i32
        %dma_start3A_33 = tpu.memref_slice %arg8[%run_scoped3A, %dma_start3A, %dma_start3A_32] : memref<8x32x128xf32, #tpu.memory_space<vmem>> -> memref<1x32x128xf32, #tpu.memory_space<vmem>>
        %dma_start3A_34 = tpu.memref_squeeze %dma_start3A_33 : memref<1x32x128xf32, #tpu.memory_space<vmem>> -> memref<32x128xf32, #tpu.memory_space<vmem>>
        %dma_start3A_35 = arith.constant 0 : i32
        %dma_start3A_36 = tpu.memref_slice %arg9[%add3A_30, %dma_start3A_35] : memref<10240x128xf32, #tpu.memory_space<vmem_shared>> -> memref<32x128xf32, #tpu.memory_space<vmem_shared>>
        %dma_start3A_37 = arith.constant 0 : i32
        %dma_start3A_38 = tpu.memref_slice %arg9[%add3A_30, %dma_start3A_37] : memref<10240x128xf32, #tpu.memory_space<vmem_shared>> -> memref<32x128xf32, #tpu.memory_space<vmem_shared>>
        %dma_start3A_39 = arith.constant 0 : i32
        %dma_start3A_40 = arith.constant 0 : i32
        %dma_start3A_41 = tpu.memref_slice %arg8[%run_scoped3A, %dma_start3A_39, %dma_start3A_40] : memref<8x32x128xf32, #tpu.memory_space<vmem>> -> memref<1x32x128xf32, #tpu.memory_space<vmem>>
        %dma_start3A_42 = tpu.memref_squeeze %dma_start3A_41 : memref<1x32x128xf32, #tpu.memory_space<vmem>> -> memref<32x128xf32, #tpu.memory_space<vmem>>
        tpu.enqueue_dma source(%dma_start3A_42 : memref<32x128xf32, #tpu.memory_space<vmem>>) target(%dma_start3A_38 : memref<32x128xf32, #tpu.memory_space<vmem_shared>>) target_semaphore(%run_scoped3A_31 : memref<!tpu.dma_semaphore, #tpu.memory_space<semaphore_mem>>)
        %dma_wait3A = arith.constant 0 : i32
        %dma_wait3A_43 = arith.constant 0 : i32
        %dma_wait3A_44 = tpu.memref_slice %arg8[%run_scoped3A, %dma_wait3A, %dma_wait3A_43] : memref<8x32x128xf32, #tpu.memory_space<vmem>> -> memref<1x32x128xf32, #tpu.memory_space<vmem>>
        %dma_wait3A_45 = tpu.memref_squeeze %dma_wait3A_44 : memref<1x32x128xf32, #tpu.memory_space<vmem>> -> memref<32x128xf32, #tpu.memory_space<vmem>>
        %dma_wait3A_46 = arith.constant 0 : i32
        %dma_wait3A_47 = tpu.memref_slice %arg9[%add3A_30, %dma_wait3A_46] : memref<10240x128xf32, #tpu.memory_space<vmem_shared>> -> memref<32x128xf32, #tpu.memory_space<vmem_shared>>
        %dma_wait3A_48 = arith.constant 0 : i32
        %dma_wait3A_49 = tpu.memref_slice %arg9[%add3A_30, %dma_wait3A_48] : memref<10240x128xf32, #tpu.memory_space<vmem_shared>> -> memref<32x128xf32, #tpu.memory_space<vmem_shared>>
        %dma_wait3A_50 = arith.constant 0 : i32
        %dma_wait3A_51 = arith.constant 0 : i32
        %dma_wait3A_52 = tpu.memref_slice %arg8[%run_scoped3A, %dma_wait3A_50, %dma_wait3A_51] : memref<8x32x128xf32, #tpu.memory_space<vmem>> -> memref<1x32x128xf32, #tpu.memory_space<vmem>>
        %dma_wait3A_53 = tpu.memref_squeeze %dma_wait3A_52 : memref<1x32x128xf32, #tpu.memory_space<vmem>> -> memref<32x128xf32, #tpu.memory_space<vmem>>
        tpu.wait_dma2 semaphore(%run_scoped3A_31 : memref<!tpu.dma_semaphore, #tpu.memory_space<semaphore_mem>>) src(%dma_wait3A_53 : memref<32x128xf32, #tpu.memory_space<vmem>>) dst(%dma_wait3A_49 : memref<32x128xf32, #tpu.memory_space<vmem_shared>>)
        tpu.yield
      }) : () -> ()
    }
    %scan3A_10 = arith.constant 20 : i32
    %barrier3A = arith.constant 0 : index
    tpu.barrier barrier_id(%barrier3A)
    %scan3A_11 = arith.constant 0 : i32
    %scan3A_12 = arith.constant 8 : i32
    %scan3A_13 = arith.addi %scan3A_11, %scan3A_12 : i32
    %scan3A_14 = arith.constant 1 : i32
    scf.for %scan3A_21 = %scan3A_11 to %scan3A_13 step %scan3A_14  : i32 {
      %mul3A_22 = arith.constant 1 : i32
      %mul3A_23 = arith.muli %scan3A_21, %mul3A_22 : i32
      %add3A_24 = arith.constant 0 : i32
      %add3A_25 = arith.addi %add3A_24, %mul3A_23 : i32
      %mul3A_26 = arith.constant 40 : i32
      %mul3A_27 = arith.muli %add3A_25, %mul3A_26 : i32
      "tpu.region"() ({
        %run_scoped3A = tpu.sem_alloc : memref<!tpu.dma_semaphore, #tpu.memory_space<semaphore_mem>>
        %dma_start3A_225 = arith.constant 0 : i32
        %dma_start3A_226 = arith.constant 0 : i32
        %dma_start3A_227 = tpu.memref_slice %arg3[%add3A, %dma_start3A_225, %dma_start3A_226] : memref<32x320x32xi32, #tpu.memory_space<hbm>> -> memref<1x320x32xi32, #tpu.memory_space<hbm>>
        %dma_start3A_228 = tpu.memref_squeeze %dma_start3A_227 : memref<1x320x32xi32, #tpu.memory_space<hbm>> -> memref<320x32xi32, #tpu.memory_space<hbm>>
        %dma_start3A_229 = arith.constant 0 : i32
        %dma_start3A_230 = tpu.memref_slice %dma_start3A_228[%mul3A_27, %dma_start3A_229] : memref<320x32xi32, #tpu.memory_space<hbm>> -> memref<40x32xi32, #tpu.memory_space<hbm>>
        %dma_start3A_231 = arith.constant 0 : i32
        %dma_start3A_232 = arith.constant 0 : i32
        %dma_start3A_233 = tpu.memref_slice %arg3[%add3A, %dma_start3A_231, %dma_start3A_232] : memref<32x320x32xi32, #tpu.memory_space<hbm>> -> memref<1x320x32xi32, #tpu.memory_space<hbm>>
        %dma_start3A_234 = tpu.memref_squeeze %dma_start3A_233 : memref<1x320x32xi32, #tpu.memory_space<hbm>> -> memref<320x32xi32, #tpu.memory_space<hbm>>
        %dma_start3A_235 = arith.constant 0 : i32
        %dma_start3A_236 = tpu.memref_slice %dma_start3A_234[%mul3A_27, %dma_start3A_235] : memref<320x32xi32, #tpu.memory_space<hbm>> -> memref<40x32xi32, #tpu.memory_space<hbm>>
        tpu.enqueue_dma source(%dma_start3A_236 : memref<40x32xi32, #tpu.memory_space<hbm>>) target(%arg6 : memref<40x32xi32, #tpu.memory_space<vmem>>) target_semaphore(%run_scoped3A : memref<!tpu.dma_semaphore, #tpu.memory_space<semaphore_mem>>)
        %dma_wait3A_237 = arith.constant 0 : i32
        %dma_wait3A_238 = arith.constant 0 : i32
        %dma_wait3A_239 = tpu.memref_slice %arg3[%add3A, %dma_wait3A_237, %dma_wait3A_238] : memref<32x320x32xi32, #tpu.memory_space<hbm>> -> memref<1x320x32xi32, #tpu.memory_space<hbm>>
        %dma_wait3A_240 = tpu.memref_squeeze %dma_wait3A_239 : memref<1x320x32xi32, #tpu.memory_space<hbm>> -> memref<320x32xi32, #tpu.memory_space<hbm>>
        %dma_wait3A_241 = arith.constant 0 : i32
        %dma_wait3A_242 = tpu.memref_slice %dma_wait3A_240[%mul3A_27, %dma_wait3A_241] : memref<320x32xi32, #tpu.memory_space<hbm>> -> memref<40x32xi32, #tpu.memory_space<hbm>>
        %dma_wait3A_243 = arith.constant 0 : i32
        %dma_wait3A_244 = arith.constant 0 : i32
        %dma_wait3A_245 = tpu.memref_slice %arg3[%add3A, %dma_wait3A_243, %dma_wait3A_244] : memref<32x320x32xi32, #tpu.memory_space<hbm>> -> memref<1x320x32xi32, #tpu.memory_space<hbm>>
        %dma_wait3A_246 = tpu.memref_squeeze %dma_wait3A_245 : memref<1x320x32xi32, #tpu.memory_space<hbm>> -> memref<320x32xi32, #tpu.memory_space<hbm>>
        %dma_wait3A_247 = arith.constant 0 : i32
        %dma_wait3A_248 = tpu.memref_slice %dma_wait3A_246[%mul3A_27, %dma_wait3A_247] : memref<320x32xi32, #tpu.memory_space<hbm>> -> memref<40x32xi32, #tpu.memory_space<hbm>>
        tpu.wait_dma2 semaphore(%run_scoped3A : memref<!tpu.dma_semaphore, #tpu.memory_space<semaphore_mem>>) src(%dma_wait3A_248 : memref<40x32xi32, #tpu.memory_space<hbm>>) dst(%arg6 : memref<40x32xi32, #tpu.memory_space<vmem>>)
        tpu.yield
      }) : () -> ()
      %mul3A_28 = arith.constant 40 : i32
      %mul3A_29 = arith.muli %add3A_25, %mul3A_28 : i32
      "tpu.region"() ({
        %run_scoped3A = tpu.sem_alloc : memref<!tpu.dma_semaphore, #tpu.memory_space<semaphore_mem>>
        %dma_start3A_225 = arith.constant 0 : i32
        %dma_start3A_226 = arith.constant 0 : i32
        %dma_start3A_227 = tpu.memref_slice %arg4[%add3A, %dma_start3A_225, %dma_start3A_226] : memref<32x320x32xi32, #tpu.memory_space<hbm>> -> memref<1x320x32xi32, #tpu.memory_space<hbm>>
        %dma_start3A_228 = tpu.memref_squeeze %dma_start3A_227 : memref<1x320x32xi32, #tpu.memory_space<hbm>> -> memref<320x32xi32, #tpu.memory_space<hbm>>
        %dma_start3A_229 = arith.constant 0 : i32
        %dma_start3A_230 = tpu.memref_slice %dma_start3A_228[%mul3A_29, %dma_start3A_229] : memref<320x32xi32, #tpu.memory_space<hbm>> -> memref<40x32xi32, #tpu.memory_space<hbm>>
        %dma_start3A_231 = arith.constant 0 : i32
        %dma_start3A_232 = arith.constant 0 : i32
        %dma_start3A_233 = tpu.memref_slice %arg4[%add3A, %dma_start3A_231, %dma_start3A_232] : memref<32x320x32xi32, #tpu.memory_space<hbm>> -> memref<1x320x32xi32, #tpu.memory_space<hbm>>
        %dma_start3A_234 = tpu.memref_squeeze %dma_start3A_233 : memref<1x320x32xi32, #tpu.memory_space<hbm>> -> memref<320x32xi32, #tpu.memory_space<hbm>>
        %dma_start3A_235 = arith.constant 0 : i32
        %dma_start3A_236 = tpu.memref_slice %dma_start3A_234[%mul3A_29, %dma_start3A_235] : memref<320x32xi32, #tpu.memory_space<hbm>> -> memref<40x32xi32, #tpu.memory_space<hbm>>
        tpu.enqueue_dma source(%dma_start3A_236 : memref<40x32xi32, #tpu.memory_space<hbm>>) target(%arg7 : memref<40x32xi32, #tpu.memory_space<vmem>>) target_semaphore(%run_scoped3A : memref<!tpu.dma_semaphore, #tpu.memory_space<semaphore_mem>>)
        %dma_wait3A_237 = arith.constant 0 : i32
        %dma_wait3A_238 = arith.constant 0 : i32
        %dma_wait3A_239 = tpu.memref_slice %arg4[%add3A, %dma_wait3A_237, %dma_wait3A_238] : memref<32x320x32xi32, #tpu.memory_space<hbm>> -> memref<1x320x32xi32, #tpu.memory_space<hbm>>
        %dma_wait3A_240 = tpu.memref_squeeze %dma_wait3A_239 : memref<1x320x32xi32, #tpu.memory_space<hbm>> -> memref<320x32xi32, #tpu.memory_space<hbm>>
        %dma_wait3A_241 = arith.constant 0 : i32
        %dma_wait3A_242 = tpu.memref_slice %dma_wait3A_240[%mul3A_29, %dma_wait3A_241] : memref<320x32xi32, #tpu.memory_space<hbm>> -> memref<40x32xi32, #tpu.memory_space<hbm>>
        %dma_wait3A_243 = arith.constant 0 : i32
        %dma_wait3A_244 = arith.constant 0 : i32
        %dma_wait3A_245 = tpu.memref_slice %arg4[%add3A, %dma_wait3A_243, %dma_wait3A_244] : memref<32x320x32xi32, #tpu.memory_space<hbm>> -> memref<1x320x32xi32, #tpu.memory_space<hbm>>
        %dma_wait3A_246 = tpu.memref_squeeze %dma_wait3A_245 : memref<1x320x32xi32, #tpu.memory_space<hbm>> -> memref<320x32xi32, #tpu.memory_space<hbm>>
        %dma_wait3A_247 = arith.constant 0 : i32
        %dma_wait3A_248 = tpu.memref_slice %dma_wait3A_246[%mul3A_29, %dma_wait3A_247] : memref<320x32xi32, #tpu.memory_space<hbm>> -> memref<40x32xi32, #tpu.memory_space<hbm>>
        tpu.wait_dma2 semaphore(%run_scoped3A : memref<!tpu.dma_semaphore, #tpu.memory_space<semaphore_mem>>) src(%dma_wait3A_248 : memref<40x32xi32, #tpu.memory_space<hbm>>) dst(%arg7 : memref<40x32xi32, #tpu.memory_space<vmem>>)
        tpu.yield
      }) : () -> ()
      %dma_start3A = arith.constant 0 : i32
      %dma_start3A_30 = arith.constant 0 : i32
      %dma_start3A_31 = arith.constant 0 : i32
      %dma_start3A_32 = arith.constant 0 : i32
      %dma_start3A_33 = tpu.memref_slice %arg8[%dma_start3A_30, %dma_start3A_31, %dma_start3A_32] : memref<8x32x128xf32, #tpu.memory_space<vmem>> -> memref<1x32x128xf32, #tpu.memory_space<vmem>>
      %dma_start3A_34 = tpu.memref_squeeze %dma_start3A_33 : memref<1x32x128xf32, #tpu.memory_space<vmem>> -> memref<32x128xf32, #tpu.memory_space<vmem>>
      %dma_start3A_35 = arith.constant 0 : i32
      %dma_start3A_36 = tpu.memref_slice %arg6[%dma_start3A, %dma_start3A_35] : memref<40x32xi32, #tpu.memory_space<vmem>> -> memref<1x32xi32, #tpu.memory_space<vmem>>
      %dma_start3A_37 = tpu.memref_squeeze %dma_start3A_36 : memref<1x32xi32, #tpu.memory_space<vmem>> -> memref<32xi32, #tpu.memory_space<vmem>>
      %dma_start3A_38 = arith.constant 0 : i32
      %dma_start3A_39 = arith.constant 0 : i32
      %dma_start3A_40 = tpu.memref_slice %arg2[%dma_start3A_38, %dma_start3A_39] : memref<10240x128xf32, #tpu.memory_space<hbm>> -> memref<10240x128xf32, #tpu.memory_space<hbm>>
      tpu.enqueue_indirect_dma source(%dma_start3A_40 : memref<10240x128xf32, #tpu.memory_space<hbm>>) target(%dma_start3A_34 : memref<32x128xf32, #tpu.memory_space<vmem>>) offsets(%dma_start3A_37 : memref<32xi32, #tpu.memory_space<vmem>>) semaphore(%arg10 : memref<!tpu.dma_semaphore, #tpu.memory_space<semaphore_mem>>)
      %dma_start3A_41 = arith.constant 1 : i32
      %dma_start3A_42 = arith.constant 1 : i32
      %dma_start3A_43 = arith.constant 0 : i32
      %dma_start3A_44 = arith.constant 0 : i32
      %dma_start3A_45 = tpu.memref_slice %arg8[%dma_start3A_42, %dma_start3A_43, %dma_start3A_44] : memref<8x32x128xf32, #tpu.memory_space<vmem>> -> memref<1x32x128xf32, #tpu.memory_space<vmem>>
      %dma_start3A_46 = tpu.memref_squeeze %dma_start3A_45 : memref<1x32x128xf32, #tpu.memory_space<vmem>> -> memref<32x128xf32, #tpu.memory_space<vmem>>
      %dma_start3A_47 = arith.constant 0 : i32
      %dma_start3A_48 = tpu.memref_slice %arg6[%dma_start3A_41, %dma_start3A_47] : memref<40x32xi32, #tpu.memory_space<vmem>> -> memref<1x32xi32, #tpu.memory_space<vmem>>
      %dma_start3A_49 = tpu.memref_squeeze %dma_start3A_48 : memref<1x32xi32, #tpu.memory_space<vmem>> -> memref<32xi32, #tpu.memory_space<vmem>>
      %dma_start3A_50 = arith.constant 0 : i32
      %dma_start3A_51 = arith.constant 0 : i32
      %dma_start3A_52 = tpu.memref_slice %arg2[%dma_start3A_50, %dma_start3A_51] : memref<10240x128xf32, #tpu.memory_space<hbm>> -> memref<10240x128xf32, #tpu.memory_space<hbm>>
      tpu.enqueue_indirect_dma source(%dma_start3A_52 : memref<10240x128xf32, #tpu.memory_space<hbm>>) target(%dma_start3A_46 : memref<32x128xf32, #tpu.memory_space<vmem>>) offsets(%dma_start3A_49 : memref<32xi32, #tpu.memory_space<vmem>>) semaphore(%arg11 : memref<!tpu.dma_semaphore, #tpu.memory_space<semaphore_mem>>)
      %dma_start3A_53 = arith.constant 2 : i32
      %dma_start3A_54 = arith.constant 2 : i32
      %dma_start3A_55 = arith.constant 0 : i32
      %dma_start3A_56 = arith.constant 0 : i32
      %dma_start3A_57 = tpu.memref_slice %arg8[%dma_start3A_54, %dma_start3A_55, %dma_start3A_56] : memref<8x32x128xf32, #tpu.memory_space<vmem>> -> memref<1x32x128xf32, #tpu.memory_space<vmem>>
      %dma_start3A_58 = tpu.memref_squeeze %dma_start3A_57 : memref<1x32x128xf32, #tpu.memory_space<vmem>> -> memref<32x128xf32, #tpu.memory_space<vmem>>
      %dma_start3A_59 = arith.constant 0 : i32
      %dma_start3A_60 = tpu.memref_slice %arg6[%dma_start3A_53, %dma_start3A_59] : memref<40x32xi32, #tpu.memory_space<vmem>> -> memref<1x32xi32, #tpu.memory_space<vmem>>
      %dma_start3A_61 = tpu.memref_squeeze %dma_start3A_60 : memref<1x32xi32, #tpu.memory_space<vmem>> -> memref<32xi32, #tpu.memory_space<vmem>>
      %dma_start3A_62 = arith.constant 0 : i32
      %dma_start3A_63 = arith.constant 0 : i32
      %dma_start3A_64 = tpu.memref_slice %arg2[%dma_start3A_62, %dma_start3A_63] : memref<10240x128xf32, #tpu.memory_space<hbm>> -> memref<10240x128xf32, #tpu.memory_space<hbm>>
      tpu.enqueue_indirect_dma source(%dma_start3A_64 : memref<10240x128xf32, #tpu.memory_space<hbm>>) target(%dma_start3A_58 : memref<32x128xf32, #tpu.memory_space<vmem>>) offsets(%dma_start3A_61 : memref<32xi32, #tpu.memory_space<vmem>>) semaphore(%arg12 : memref<!tpu.dma_semaphore, #tpu.memory_space<semaphore_mem>>)
      %dma_start3A_65 = arith.constant 3 : i32
      %dma_start3A_66 = arith.constant 3 : i32
      %dma_start3A_67 = arith.constant 0 : i32
      %dma_start3A_68 = arith.constant 0 : i32
      %dma_start3A_69 = tpu.memref_slice %arg8[%dma_start3A_66, %dma_start3A_67, %dma_start3A_68] : memref<8x32x128xf32, #tpu.memory_space<vmem>> -> memref<1x32x128xf32, #tpu.memory_space<vmem>>
      %dma_start3A_70 = tpu.memref_squeeze %dma_start3A_69 : memref<1x32x128xf32, #tpu.memory_space<vmem>> -> memref<32x128xf32, #tpu.memory_space<vmem>>
      %dma_start3A_71 = arith.constant 0 : i32
      %dma_start3A_72 = tpu.memref_slice %arg6[%dma_start3A_65, %dma_start3A_71] : memref<40x32xi32, #tpu.memory_space<vmem>> -> memref<1x32xi32, #tpu.memory_space<vmem>>
      %dma_start3A_73 = tpu.memref_squeeze %dma_start3A_72 : memref<1x32xi32, #tpu.memory_space<vmem>> -> memref<32xi32, #tpu.memory_space<vmem>>
      %dma_start3A_74 = arith.constant 0 : i32
      %dma_start3A_75 = arith.constant 0 : i32
      %dma_start3A_76 = tpu.memref_slice %arg2[%dma_start3A_74, %dma_start3A_75] : memref<10240x128xf32, #tpu.memory_space<hbm>> -> memref<10240x128xf32, #tpu.memory_space<hbm>>
      tpu.enqueue_indirect_dma source(%dma_start3A_76 : memref<10240x128xf32, #tpu.memory_space<hbm>>) target(%dma_start3A_70 : memref<32x128xf32, #tpu.memory_space<vmem>>) offsets(%dma_start3A_73 : memref<32xi32, #tpu.memory_space<vmem>>) semaphore(%arg13 : memref<!tpu.dma_semaphore, #tpu.memory_space<semaphore_mem>>)
      %dma_start3A_77 = arith.constant 4 : i32
      %dma_start3A_78 = arith.constant 4 : i32
      %dma_start3A_79 = arith.constant 0 : i32
      %dma_start3A_80 = arith.constant 0 : i32
      %dma_start3A_81 = tpu.memref_slice %arg8[%dma_start3A_78, %dma_start3A_79, %dma_start3A_80] : memref<8x32x128xf32, #tpu.memory_space<vmem>> -> memref<1x32x128xf32, #tpu.memory_space<vmem>>
      %dma_start3A_82 = tpu.memref_squeeze %dma_start3A_81 : memref<1x32x128xf32, #tpu.memory_space<vmem>> -> memref<32x128xf32, #tpu.memory_space<vmem>>
      %dma_start3A_83 = arith.constant 0 : i32
      %dma_start3A_84 = tpu.memref_slice %arg6[%dma_start3A_77, %dma_start3A_83] : memref<40x32xi32, #tpu.memory_space<vmem>> -> memref<1x32xi32, #tpu.memory_space<vmem>>
      %dma_start3A_85 = tpu.memref_squeeze %dma_start3A_84 : memref<1x32xi32, #tpu.memory_space<vmem>> -> memref<32xi32, #tpu.memory_space<vmem>>
      %dma_start3A_86 = arith.constant 0 : i32
      %dma_start3A_87 = arith.constant 0 : i32
      %dma_start3A_88 = tpu.memref_slice %arg2[%dma_start3A_86, %dma_start3A_87] : memref<10240x128xf32, #tpu.memory_space<hbm>> -> memref<10240x128xf32, #tpu.memory_space<hbm>>
      tpu.enqueue_indirect_dma source(%dma_start3A_88 : memref<10240x128xf32, #tpu.memory_space<hbm>>) target(%dma_start3A_82 : memref<32x128xf32, #tpu.memory_space<vmem>>) offsets(%dma_start3A_85 : memref<32xi32, #tpu.memory_space<vmem>>) semaphore(%arg14 : memref<!tpu.dma_semaphore, #tpu.memory_space<semaphore_mem>>)
      %dma_start3A_89 = arith.constant 5 : i32
      %dma_start3A_90 = arith.constant 5 : i32
      %dma_start3A_91 = arith.constant 0 : i32
      %dma_start3A_92 = arith.constant 0 : i32
      %dma_start3A_93 = tpu.memref_slice %arg8[%dma_start3A_90, %dma_start3A_91, %dma_start3A_92] : memref<8x32x128xf32, #tpu.memory_space<vmem>> -> memref<1x32x128xf32, #tpu.memory_space<vmem>>
      %dma_start3A_94 = tpu.memref_squeeze %dma_start3A_93 : memref<1x32x128xf32, #tpu.memory_space<vmem>> -> memref<32x128xf32, #tpu.memory_space<vmem>>
      %dma_start3A_95 = arith.constant 0 : i32
      %dma_start3A_96 = tpu.memref_slice %arg6[%dma_start3A_89, %dma_start3A_95] : memref<40x32xi32, #tpu.memory_space<vmem>> -> memref<1x32xi32, #tpu.memory_space<vmem>>
      %dma_start3A_97 = tpu.memref_squeeze %dma_start3A_96 : memref<1x32xi32, #tpu.memory_space<vmem>> -> memref<32xi32, #tpu.memory_space<vmem>>
      %dma_start3A_98 = arith.constant 0 : i32
      %dma_start3A_99 = arith.constant 0 : i32
      %dma_start3A_100 = tpu.memref_slice %arg2[%dma_start3A_98, %dma_start3A_99] : memref<10240x128xf32, #tpu.memory_space<hbm>> -> memref<10240x128xf32, #tpu.memory_space<hbm>>
      tpu.enqueue_indirect_dma source(%dma_start3A_100 : memref<10240x128xf32, #tpu.memory_space<hbm>>) target(%dma_start3A_94 : memref<32x128xf32, #tpu.memory_space<vmem>>) offsets(%dma_start3A_97 : memref<32xi32, #tpu.memory_space<vmem>>) semaphore(%arg15 : memref<!tpu.dma_semaphore, #tpu.memory_space<semaphore_mem>>)
      %dma_start3A_101 = arith.constant 6 : i32
      %dma_start3A_102 = arith.constant 6 : i32
      %dma_start3A_103 = arith.constant 0 : i32
      %dma_start3A_104 = arith.constant 0 : i32
      %dma_start3A_105 = tpu.memref_slice %arg8[%dma_start3A_102, %dma_start3A_103, %dma_start3A_104] : memref<8x32x128xf32, #tpu.memory_space<vmem>> -> memref<1x32x128xf32, #tpu.memory_space<vmem>>
      %dma_start3A_106 = tpu.memref_squeeze %dma_start3A_105 : memref<1x32x128xf32, #tpu.memory_space<vmem>> -> memref<32x128xf32, #tpu.memory_space<vmem>>
      %dma_start3A_107 = arith.constant 0 : i32
      %dma_start3A_108 = tpu.memref_slice %arg6[%dma_start3A_101, %dma_start3A_107] : memref<40x32xi32, #tpu.memory_space<vmem>> -> memref<1x32xi32, #tpu.memory_space<vmem>>
      %dma_start3A_109 = tpu.memref_squeeze %dma_start3A_108 : memref<1x32xi32, #tpu.memory_space<vmem>> -> memref<32xi32, #tpu.memory_space<vmem>>
      %dma_start3A_110 = arith.constant 0 : i32
      %dma_start3A_111 = arith.constant 0 : i32
      %dma_start3A_112 = tpu.memref_slice %arg2[%dma_start3A_110, %dma_start3A_111] : memref<10240x128xf32, #tpu.memory_space<hbm>> -> memref<10240x128xf32, #tpu.memory_space<hbm>>
      tpu.enqueue_indirect_dma source(%dma_start3A_112 : memref<10240x128xf32, #tpu.memory_space<hbm>>) target(%dma_start3A_106 : memref<32x128xf32, #tpu.memory_space<vmem>>) offsets(%dma_start3A_109 : memref<32xi32, #tpu.memory_space<vmem>>) semaphore(%arg16 : memref<!tpu.dma_semaphore, #tpu.memory_space<semaphore_mem>>)
      %dma_start3A_113 = arith.constant 7 : i32
      %dma_start3A_114 = arith.constant 7 : i32
      %dma_start3A_115 = arith.constant 0 : i32
      %dma_start3A_116 = arith.constant 0 : i32
      %dma_start3A_117 = tpu.memref_slice %arg8[%dma_start3A_114, %dma_start3A_115, %dma_start3A_116] : memref<8x32x128xf32, #tpu.memory_space<vmem>> -> memref<1x32x128xf32, #tpu.memory_space<vmem>>
      %dma_start3A_118 = tpu.memref_squeeze %dma_start3A_117 : memref<1x32x128xf32, #tpu.memory_space<vmem>> -> memref<32x128xf32, #tpu.memory_space<vmem>>
      %dma_start3A_119 = arith.constant 0 : i32
      %dma_start3A_120 = tpu.memref_slice %arg6[%dma_start3A_113, %dma_start3A_119] : memref<40x32xi32, #tpu.memory_space<vmem>> -> memref<1x32xi32, #tpu.memory_space<vmem>>
      %dma_start3A_121 = tpu.memref_squeeze %dma_start3A_120 : memref<1x32xi32, #tpu.memory_space<vmem>> -> memref<32xi32, #tpu.memory_space<vmem>>
      %dma_start3A_122 = arith.constant 0 : i32
      %dma_start3A_123 = arith.constant 0 : i32
      %dma_start3A_124 = tpu.memref_slice %arg2[%dma_start3A_122, %dma_start3A_123] : memref<10240x128xf32, #tpu.memory_space<hbm>> -> memref<10240x128xf32, #tpu.memory_space<hbm>>
      tpu.enqueue_indirect_dma source(%dma_start3A_124 : memref<10240x128xf32, #tpu.memory_space<hbm>>) target(%dma_start3A_118 : memref<32x128xf32, #tpu.memory_space<vmem>>) offsets(%dma_start3A_121 : memref<32xi32, #tpu.memory_space<vmem>>) semaphore(%arg17 : memref<!tpu.dma_semaphore, #tpu.memory_space<semaphore_mem>>)
      %scan3A_125 = arith.constant 0 : i32
      %scan3A_126 = arith.constant 5 : i32
      %scan3A_127 = arith.addi %scan3A_125, %scan3A_126 : i32
      %scan3A_128 = arith.constant 1 : i32
      scf.for %scan3A_225 = %scan3A_125 to %scan3A_127 step %scan3A_128  : i32 {
        %mul3A_226 = arith.constant 8 : i32
        %mul3A_227 = arith.muli %scan3A_225, %mul3A_226 : i32
        %add3A_228 = arith.constant 0 : i32
        %add3A_229 = arith.addi %add3A_228, %mul3A_227 : i32
        %add3A_230 = arith.constant 0 : i32
        %add3A_231 = arith.addi %add3A_229, %add3A_230 : i32
        %ge3A = arith.constant 2 : i32
        %ge3A_232 = arith.cmpi sge, %add3A_231, %ge3A : i32
        %add3A_233 = arith.constant 0 : i32
        %add3A_234 = arith.addi %add3A_229, %add3A_233 : i32
        %sub3A = arith.constant 2 : i32
        %sub3A_235 = arith.subi %add3A_234, %sub3A : i32
        %add3A_236 = arith.constant 8 : i32
        %add3A_237 = arith.addi %sub3A_235, %add3A_236 : i32
        %lt3A = arith.constant 40 : i32
        %lt3A_238 = arith.cmpi slt, %add3A_237, %lt3A : i32
        %and3A = arith.andi %ge3A_232, %lt3A_238 : i1
        %convert_element_type3A = arith.extui %and3A : i1 to i32
        %cond3A = arith.constant 0 : i32
        %cond3A_239 = arith.cmpi ne, %convert_element_type3A, %cond3A : i32
        scf.if %cond3A_239 {
          %add3A_560 = arith.constant 0 : i32
          %add3A_561 = arith.addi %add3A_229, %add3A_560 : i32
          %sub3A_562 = arith.constant 2 : i32
          %sub3A_563 = arith.subi %add3A_561, %sub3A_562 : i32
          %dma_wait3A_564 = arith.constant 6 : i32
          %dma_wait3A_565 = arith.constant 0 : i32
          %dma_wait3A_566 = arith.constant 0 : i32
          %dma_wait3A_567 = tpu.memref_slice %arg8[%dma_wait3A_564, %dma_wait3A_565, %dma_wait3A_566] : memref<8x32x128xf32, #tpu.memory_space<vmem>> -> memref<1x32x128xf32, #tpu.memory_space<vmem>>
          %dma_wait3A_568 = tpu.memref_squeeze %dma_wait3A_567 : memref<1x32x128xf32, #tpu.memory_space<vmem>> -> memref<32x128xf32, #tpu.memory_space<vmem>>
          %dma_wait3A_569 = arith.constant 0 : i32
          %dma_wait3A_570 = tpu.memref_slice %arg7[%sub3A_563, %dma_wait3A_569] : memref<40x32xi32, #tpu.memory_space<vmem>> -> memref<1x32xi32, #tpu.memory_space<vmem>>
          %dma_wait3A_571 = tpu.memref_squeeze %dma_wait3A_570 : memref<1x32xi32, #tpu.memory_space<vmem>> -> memref<32xi32, #tpu.memory_space<vmem>>
          %dma_wait3A_572 = arith.constant 0 : i32
          %dma_wait3A_573 = arith.constant 0 : i32
          %dma_wait3A_574 = tpu.memref_slice %arg9[%dma_wait3A_572, %dma_wait3A_573] : memref<10240x128xf32, #tpu.memory_space<vmem_shared>> -> memref<10240x128xf32, #tpu.memory_space<vmem_shared>>
          tpu.wait_indirect_dma semaphore(%arg24 : memref<!tpu.dma_semaphore, #tpu.memory_space<semaphore_mem>>) src(%dma_wait3A_568 : memref<32x128xf32, #tpu.memory_space<vmem>>) dst(%dma_wait3A_574 : memref<10240x128xf32, #tpu.memory_space<vmem_shared>>)
          %add3A_575 = arith.constant 0 : i32
          %add3A_576 = arith.addi %add3A_229, %add3A_575 : i32
          %sub3A_577 = arith.constant 2 : i32
          %sub3A_578 = arith.subi %add3A_576, %sub3A_577 : i32
          %add3A_579 = arith.constant 8 : i32
          %add3A_580 = arith.addi %sub3A_578, %add3A_579 : i32
          %dma_start3A_581 = arith.constant 6 : i32
          %dma_start3A_582 = arith.constant 0 : i32
          %dma_start3A_583 = arith.constant 0 : i32
          %dma_start3A_584 = tpu.memref_slice %arg8[%dma_start3A_581, %dma_start3A_582, %dma_start3A_583] : memref<8x32x128xf32, #tpu.memory_space<vmem>> -> memref<1x32x128xf32, #tpu.memory_space<vmem>>
          %dma_start3A_585 = tpu.memref_squeeze %dma_start3A_584 : memref<1x32x128xf32, #tpu.memory_space<vmem>> -> memref<32x128xf32, #tpu.memory_space<vmem>>
          %dma_start3A_586 = arith.constant 0 : i32
          %dma_start3A_587 = tpu.memref_slice %arg6[%add3A_580, %dma_start3A_586] : memref<40x32xi32, #tpu.memory_space<vmem>> -> memref<1x32xi32, #tpu.memory_space<vmem>>
          %dma_start3A_588 = tpu.memref_squeeze %dma_start3A_587 : memref<1x32xi32, #tpu.memory_space<vmem>> -> memref<32xi32, #tpu.memory_space<vmem>>
          %dma_start3A_589 = arith.constant 0 : i32
          %dma_start3A_590 = arith.constant 0 : i32
          %dma_start3A_591 = tpu.memref_slice %arg2[%dma_start3A_589, %dma_start3A_590] : memref<10240x128xf32, #tpu.memory_space<hbm>> -> memref<10240x128xf32, #tpu.memory_space<hbm>>
          tpu.enqueue_indirect_dma source(%dma_start3A_591 : memref<10240x128xf32, #tpu.memory_space<hbm>>) target(%dma_start3A_585 : memref<32x128xf32, #tpu.memory_space<vmem>>) offsets(%dma_start3A_588 : memref<32xi32, #tpu.memory_space<vmem>>) semaphore(%arg16 : memref<!tpu.dma_semaphore, #tpu.memory_space<semaphore_mem>>)
        } else {
        }
        %add3A_240 = arith.constant 0 : i32
        %add3A_241 = arith.addi %add3A_229, %add3A_240 : i32
        %dma_wait3A_242 = arith.constant 0 : i32
        %dma_wait3A_243 = arith.constant 0 : i32
        %dma_wait3A_244 = arith.constant 0 : i32
        %dma_wait3A_245 = tpu.memref_slice %arg8[%dma_wait3A_242, %dma_wait3A_243, %dma_wait3A_244] : memref<8x32x128xf32, #tpu.memory_space<vmem>> -> memref<1x32x128xf32, #tpu.memory_space<vmem>>
        %dma_wait3A_246 = tpu.memref_squeeze %dma_wait3A_245 : memref<1x32x128xf32, #tpu.memory_space<vmem>> -> memref<32x128xf32, #tpu.memory_space<vmem>>
        %dma_wait3A_247 = arith.constant 0 : i32
        %dma_wait3A_248 = tpu.memref_slice %arg6[%add3A_241, %dma_wait3A_247] : memref<40x32xi32, #tpu.memory_space<vmem>> -> memref<1x32xi32, #tpu.memory_space<vmem>>
        %dma_wait3A_249 = tpu.memref_squeeze %dma_wait3A_248 : memref<1x32xi32, #tpu.memory_space<vmem>> -> memref<32xi32, #tpu.memory_space<vmem>>
        %dma_wait3A_250 = arith.constant 0 : i32
        %dma_wait3A_251 = arith.constant 0 : i32
        %dma_wait3A_252 = tpu.memref_slice %arg2[%dma_wait3A_250, %dma_wait3A_251] : memref<10240x128xf32, #tpu.memory_space<hbm>> -> memref<10240x128xf32, #tpu.memory_space<hbm>>
        tpu.wait_indirect_dma semaphore(%arg10 : memref<!tpu.dma_semaphore, #tpu.memory_space<semaphore_mem>>) src(%dma_wait3A_252 : memref<10240x128xf32, #tpu.memory_space<hbm>>) dst(%dma_wait3A_246 : memref<32x128xf32, #tpu.memory_space<vmem>>)
        %add3A_253 = arith.constant 0 : i32
        %add3A_254 = arith.addi %add3A_229, %add3A_253 : i32
        %dma_start3A_255 = arith.constant 0 : i32
        %dma_start3A_256 = arith.constant 0 : i32
        %dma_start3A_257 = arith.constant 0 : i32
        %dma_start3A_258 = tpu.memref_slice %arg8[%dma_start3A_255, %dma_start3A_256, %dma_start3A_257] : memref<8x32x128xf32, #tpu.memory_space<vmem>> -> memref<1x32x128xf32, #tpu.memory_space<vmem>>
        %dma_start3A_259 = tpu.memref_squeeze %dma_start3A_258 : memref<1x32x128xf32, #tpu.memory_space<vmem>> -> memref<32x128xf32, #tpu.memory_space<vmem>>
        %dma_start3A_260 = arith.constant 0 : i32
        %dma_start3A_261 = tpu.memref_slice %arg7[%add3A_254, %dma_start3A_260] : memref<40x32xi32, #tpu.memory_space<vmem>> -> memref<1x32xi32, #tpu.memory_space<vmem>>
        %dma_start3A_262 = tpu.memref_squeeze %dma_start3A_261 : memref<1x32xi32, #tpu.memory_space<vmem>> -> memref<32xi32, #tpu.memory_space<vmem>>
        %dma_start3A_263 = arith.constant 0 : i32
        %dma_start3A_264 = arith.constant 0 : i32
        %dma_start3A_265 = tpu.memref_slice %arg9[%dma_start3A_263, %dma_start3A_264] : memref<10240x128xf32, #tpu.memory_space<vmem_shared>> -> memref<10240x128xf32, #tpu.memory_space<vmem_shared>>
        tpu.enqueue_indirect_dma source(%dma_start3A_259 : memref<32x128xf32, #tpu.memory_space<vmem>>) target(%dma_start3A_265 : memref<10240x128xf32, #tpu.memory_space<vmem_shared>>) offsets(%dma_start3A_262 : memref<32xi32, #tpu.memory_space<vmem>>) semaphore(%arg18 : memref<!tpu.dma_semaphore, #tpu.memory_space<semaphore_mem>>) {add = true}
        %add3A_266 = arith.constant 1 : i32
        %add3A_267 = arith.addi %add3A_229, %add3A_266 : i32
        %ge3A_268 = arith.constant 2 : i32
        %ge3A_269 = arith.cmpi sge, %add3A_267, %ge3A_268 : i32
        %add3A_270 = arith.constant 1 : i32
        %add3A_271 = arith.addi %add3A_229, %add3A_270 : i32
        %sub3A_272 = arith.constant 2 : i32
        %sub3A_273 = arith.subi %add3A_271, %sub3A_272 : i32
        %add3A_274 = arith.constant 8 : i32
        %add3A_275 = arith.addi %sub3A_273, %add3A_274 : i32
        %lt3A_276 = arith.constant 40 : i32
        %lt3A_277 = arith.cmpi slt, %add3A_275, %lt3A_276 : i32
        %and3A_278 = arith.andi %ge3A_269, %lt3A_277 : i1
        %convert_element_type3A_279 = arith.extui %and3A_278 : i1 to i32
        %cond3A_280 = arith.constant 0 : i32
        %cond3A_281 = arith.cmpi ne, %convert_element_type3A_279, %cond3A_280 : i32
        scf.if %cond3A_281 {
          %add3A_560 = arith.constant 1 : i32
          %add3A_561 = arith.addi %add3A_229, %add3A_560 : i32
          %sub3A_562 = arith.constant 2 : i32
          %sub3A_563 = arith.subi %add3A_561, %sub3A_562 : i32
          %dma_wait3A_564 = arith.constant 7 : i32
          %dma_wait3A_565 = arith.constant 0 : i32
          %dma_wait3A_566 = arith.constant 0 : i32
          %dma_wait3A_567 = tpu.memref_slice %arg8[%dma_wait3A_564, %dma_wait3A_565, %dma_wait3A_566] : memref<8x32x128xf32, #tpu.memory_space<vmem>> -> memref<1x32x128xf32, #tpu.memory_space<vmem>>
          %dma_wait3A_568 = tpu.memref_squeeze %dma_wait3A_567 : memref<1x32x128xf32, #tpu.memory_space<vmem>> -> memref<32x128xf32, #tpu.memory_space<vmem>>
          %dma_wait3A_569 = arith.constant 0 : i32
          %dma_wait3A_570 = tpu.memref_slice %arg7[%sub3A_563, %dma_wait3A_569] : memref<40x32xi32, #tpu.memory_space<vmem>> -> memref<1x32xi32, #tpu.memory_space<vmem>>
          %dma_wait3A_571 = tpu.memref_squeeze %dma_wait3A_570 : memref<1x32xi32, #tpu.memory_space<vmem>> -> memref<32xi32, #tpu.memory_space<vmem>>
          %dma_wait3A_572 = arith.constant 0 : i32
          %dma_wait3A_573 = arith.constant 0 : i32
          %dma_wait3A_574 = tpu.memref_slice %arg9[%dma_wait3A_572, %dma_wait3A_573] : memref<10240x128xf32, #tpu.memory_space<vmem_shared>> -> memref<10240x128xf32, #tpu.memory_space<vmem_shared>>
          tpu.wait_indirect_dma semaphore(%arg25 : memref<!tpu.dma_semaphore, #tpu.memory_space<semaphore_mem>>) src(%dma_wait3A_568 : memref<32x128xf32, #tpu.memory_space<vmem>>) dst(%dma_wait3A_574 : memref<10240x128xf32, #tpu.memory_space<vmem_shared>>)
          %add3A_575 = arith.constant 1 : i32
          %add3A_576 = arith.addi %add3A_229, %add3A_575 : i32
          %sub3A_577 = arith.constant 2 : i32
          %sub3A_578 = arith.subi %add3A_576, %sub3A_577 : i32
          %add3A_579 = arith.constant 8 : i32
          %add3A_580 = arith.addi %sub3A_578, %add3A_579 : i32
          %dma_start3A_581 = arith.constant 7 : i32
          %dma_start3A_582 = arith.constant 0 : i32
          %dma_start3A_583 = arith.constant 0 : i32
          %dma_start3A_584 = tpu.memref_slice %arg8[%dma_start3A_581, %dma_start3A_582, %dma_start3A_583] : memref<8x32x128xf32, #tpu.memory_space<vmem>> -> memref<1x32x128xf32, #tpu.memory_space<vmem>>
          %dma_start3A_585 = tpu.memref_squeeze %dma_start3A_584 : memref<1x32x128xf32, #tpu.memory_space<vmem>> -> memref<32x128xf32, #tpu.memory_space<vmem>>
          %dma_start3A_586 = arith.constant 0 : i32
          %dma_start3A_587 = tpu.memref_slice %arg6[%add3A_580, %dma_start3A_586] : memref<40x32xi32, #tpu.memory_space<vmem>> -> memref<1x32xi32, #tpu.memory_space<vmem>>
          %dma_start3A_588 = tpu.memref_squeeze %dma_start3A_587 : memref<1x32xi32, #tpu.memory_space<vmem>> -> memref<32xi32, #tpu.memory_space<vmem>>
          %dma_start3A_589 = arith.constant 0 : i32
          %dma_start3A_590 = arith.constant 0 : i32
          %dma_start3A_591 = tpu.memref_slice %arg2[%dma_start3A_589, %dma_start3A_590] : memref<10240x128xf32, #tpu.memory_space<hbm>> -> memref<10240x128xf32, #tpu.memory_space<hbm>>
          tpu.enqueue_indirect_dma source(%dma_start3A_591 : memref<10240x128xf32, #tpu.memory_space<hbm>>) target(%dma_start3A_585 : memref<32x128xf32, #tpu.memory_space<vmem>>) offsets(%dma_start3A_588 : memref<32xi32, #tpu.memory_space<vmem>>) semaphore(%arg17 : memref<!tpu.dma_semaphore, #tpu.memory_space<semaphore_mem>>)
        } else {
        }
        %add3A_282 = arith.constant 1 : i32
        %add3A_283 = arith.addi %add3A_229, %add3A_282 : i32
        %dma_wait3A_284 = arith.constant 1 : i32
        %dma_wait3A_285 = arith.constant 0 : i32
        %dma_wait3A_286 = arith.constant 0 : i32
        %dma_wait3A_287 = tpu.memref_slice %arg8[%dma_wait3A_284, %dma_wait3A_285, %dma_wait3A_286] : memref<8x32x128xf32, #tpu.memory_space<vmem>> -> memref<1x32x128xf32, #tpu.memory_space<vmem>>
        %dma_wait3A_288 = tpu.memref_squeeze %dma_wait3A_287 : memref<1x32x128xf32, #tpu.memory_space<vmem>> -> memref<32x128xf32, #tpu.memory_space<vmem>>
        %dma_wait3A_289 = arith.constant 0 : i32
        %dma_wait3A_290 = tpu.memref_slice %arg6[%add3A_283, %dma_wait3A_289] : memref<40x32xi32, #tpu.memory_space<vmem>> -> memref<1x32xi32, #tpu.memory_space<vmem>>
        %dma_wait3A_291 = tpu.memref_squeeze %dma_wait3A_290 : memref<1x32xi32, #tpu.memory_space<vmem>> -> memref<32xi32, #tpu.memory_space<vmem>>
        %dma_wait3A_292 = arith.constant 0 : i32
        %dma_wait3A_293 = arith.constant 0 : i32
        %dma_wait3A_294 = tpu.memref_slice %arg2[%dma_wait3A_292, %dma_wait3A_293] : memref<10240x128xf32, #tpu.memory_space<hbm>> -> memref<10240x128xf32, #tpu.memory_space<hbm>>
        tpu.wait_indirect_dma semaphore(%arg11 : memref<!tpu.dma_semaphore, #tpu.memory_space<semaphore_mem>>) src(%dma_wait3A_294 : memref<10240x128xf32, #tpu.memory_space<hbm>>) dst(%dma_wait3A_288 : memref<32x128xf32, #tpu.memory_space<vmem>>)
        %add3A_295 = arith.constant 1 : i32
        %add3A_296 = arith.addi %add3A_229, %add3A_295 : i32
        %dma_start3A_297 = arith.constant 1 : i32
        %dma_start3A_298 = arith.constant 0 : i32
        %dma_start3A_299 = arith.constant 0 : i32
        %dma_start3A_300 = tpu.memref_slice %arg8[%dma_start3A_297, %dma_start3A_298, %dma_start3A_299] : memref<8x32x128xf32, #tpu.memory_space<vmem>> -> memref<1x32x128xf32, #tpu.memory_space<vmem>>
        %dma_start3A_301 = tpu.memref_squeeze %dma_start3A_300 : memref<1x32x128xf32, #tpu.memory_space<vmem>> -> memref<32x128xf32, #tpu.memory_space<vmem>>
        %dma_start3A_302 = arith.constant 0 : i32
        %dma_start3A_303 = tpu.memref_slice %arg7[%add3A_296, %dma_start3A_302] : memref<40x32xi32, #tpu.memory_space<vmem>> -> memref<1x32xi32, #tpu.memory_space<vmem>>
        %dma_start3A_304 = tpu.memref_squeeze %dma_start3A_303 : memref<1x32xi32, #tpu.memory_space<vmem>> -> memref<32xi32, #tpu.memory_space<vmem>>
        %dma_start3A_305 = arith.constant 0 : i32
        %dma_start3A_306 = arith.constant 0 : i32
        %dma_start3A_307 = tpu.memref_slice %arg9[%dma_start3A_305, %dma_start3A_306] : memref<10240x128xf32, #tpu.memory_space<vmem_shared>> -> memref<10240x128xf32, #tpu.memory_space<vmem_shared>>
        tpu.enqueue_indirect_dma source(%dma_start3A_301 : memref<32x128xf32, #tpu.memory_space<vmem>>) target(%dma_start3A_307 : memref<10240x128xf32, #tpu.memory_space<vmem_shared>>) offsets(%dma_start3A_304 : memref<32xi32, #tpu.memory_space<vmem>>) semaphore(%arg19 : memref<!tpu.dma_semaphore, #tpu.memory_space<semaphore_mem>>) {add = true}
        %add3A_308 = arith.constant 2 : i32
        %add3A_309 = arith.addi %add3A_229, %add3A_308 : i32
        %ge3A_310 = arith.constant 2 : i32
        %ge3A_311 = arith.cmpi sge, %add3A_309, %ge3A_310 : i32
        %add3A_312 = arith.constant 2 : i32
        %add3A_313 = arith.addi %add3A_229, %add3A_312 : i32
        %sub3A_314 = arith.constant 2 : i32
        %sub3A_315 = arith.subi %add3A_313, %sub3A_314 : i32
        %add3A_316 = arith.constant 8 : i32
        %add3A_317 = arith.addi %sub3A_315, %add3A_316 : i32
        %lt3A_318 = arith.constant 40 : i32
        %lt3A_319 = arith.cmpi slt, %add3A_317, %lt3A_318 : i32
        %and3A_320 = arith.andi %ge3A_311, %lt3A_319 : i1
        %convert_element_type3A_321 = arith.extui %and3A_320 : i1 to i32
        %cond3A_322 = arith.constant 0 : i32
        %cond3A_323 = arith.cmpi ne, %convert_element_type3A_321, %cond3A_322 : i32
        scf.if %cond3A_323 {
          %add3A_560 = arith.constant 2 : i32
          %add3A_561 = arith.addi %add3A_229, %add3A_560 : i32
          %sub3A_562 = arith.constant 2 : i32
          %sub3A_563 = arith.subi %add3A_561, %sub3A_562 : i32
          %dma_wait3A_564 = arith.constant 0 : i32
          %dma_wait3A_565 = arith.constant 0 : i32
          %dma_wait3A_566 = arith.constant 0 : i32
          %dma_wait3A_567 = tpu.memref_slice %arg8[%dma_wait3A_564, %dma_wait3A_565, %dma_wait3A_566] : memref<8x32x128xf32, #tpu.memory_space<vmem>> -> memref<1x32x128xf32, #tpu.memory_space<vmem>>
          %dma_wait3A_568 = tpu.memref_squeeze %dma_wait3A_567 : memref<1x32x128xf32, #tpu.memory_space<vmem>> -> memref<32x128xf32, #tpu.memory_space<vmem>>
          %dma_wait3A_569 = arith.constant 0 : i32
          %dma_wait3A_570 = tpu.memref_slice %arg7[%sub3A_563, %dma_wait3A_569] : memref<40x32xi32, #tpu.memory_space<vmem>> -> memref<1x32xi32, #tpu.memory_space<vmem>>
          %dma_wait3A_571 = tpu.memref_squeeze %dma_wait3A_570 : memref<1x32xi32, #tpu.memory_space<vmem>> -> memref<32xi32, #tpu.memory_space<vmem>>
          %dma_wait3A_572 = arith.constant 0 : i32
          %dma_wait3A_573 = arith.constant 0 : i32
          %dma_wait3A_574 = tpu.memref_slice %arg9[%dma_wait3A_572, %dma_wait3A_573] : memref<10240x128xf32, #tpu.memory_space<vmem_shared>> -> memref<10240x128xf32, #tpu.memory_space<vmem_shared>>
          tpu.wait_indirect_dma semaphore(%arg18 : memref<!tpu.dma_semaphore, #tpu.memory_space<semaphore_mem>>) src(%dma_wait3A_568 : memref<32x128xf32, #tpu.memory_space<vmem>>) dst(%dma_wait3A_574 : memref<10240x128xf32, #tpu.memory_space<vmem_shared>>)
          %add3A_575 = arith.constant 2 : i32
          %add3A_576 = arith.addi %add3A_229, %add3A_575 : i32
          %sub3A_577 = arith.constant 2 : i32
          %sub3A_578 = arith.subi %add3A_576, %sub3A_577 : i32
          %add3A_579 = arith.constant 8 : i32
          %add3A_580 = arith.addi %sub3A_578, %add3A_579 : i32
          %dma_start3A_581 = arith.constant 0 : i32
          %dma_start3A_582 = arith.constant 0 : i32
          %dma_start3A_583 = arith.constant 0 : i32
          %dma_start3A_584 = tpu.memref_slice %arg8[%dma_start3A_581, %dma_start3A_582, %dma_start3A_583] : memref<8x32x128xf32, #tpu.memory_space<vmem>> -> memref<1x32x128xf32, #tpu.memory_space<vmem>>
          %dma_start3A_585 = tpu.memref_squeeze %dma_start3A_584 : memref<1x32x128xf32, #tpu.memory_space<vmem>> -> memref<32x128xf32, #tpu.memory_space<vmem>>
          %dma_start3A_586 = arith.constant 0 : i32
          %dma_start3A_587 = tpu.memref_slice %arg6[%add3A_580, %dma_start3A_586] : memref<40x32xi32, #tpu.memory_space<vmem>> -> memref<1x32xi32, #tpu.memory_space<vmem>>
          %dma_start3A_588 = tpu.memref_squeeze %dma_start3A_587 : memref<1x32xi32, #tpu.memory_space<vmem>> -> memref<32xi32, #tpu.memory_space<vmem>>
          %dma_start3A_589 = arith.constant 0 : i32
          %dma_start3A_590 = arith.constant 0 : i32
          %dma_start3A_591 = tpu.memref_slice %arg2[%dma_start3A_589, %dma_start3A_590] : memref<10240x128xf32, #tpu.memory_space<hbm>> -> memref<10240x128xf32, #tpu.memory_space<hbm>>
          tpu.enqueue_indirect_dma source(%dma_start3A_591 : memref<10240x128xf32, #tpu.memory_space<hbm>>) target(%dma_start3A_585 : memref<32x128xf32, #tpu.memory_space<vmem>>) offsets(%dma_start3A_588 : memref<32xi32, #tpu.memory_space<vmem>>) semaphore(%arg10 : memref<!tpu.dma_semaphore, #tpu.memory_space<semaphore_mem>>)
        } else {
        }
        %add3A_324 = arith.constant 2 : i32
        %add3A_325 = arith.addi %add3A_229, %add3A_324 : i32
        %dma_wait3A_326 = arith.constant 2 : i32
        %dma_wait3A_327 = arith.constant 0 : i32
        %dma_wait3A_328 = arith.constant 0 : i32
        %dma_wait3A_329 = tpu.memref_slice %arg8[%dma_wait3A_326, %dma_wait3A_327, %dma_wait3A_328] : memref<8x32x128xf32, #tpu.memory_space<vmem>> -> memref<1x32x128xf32, #tpu.memory_space<vmem>>
        %dma_wait3A_330 = tpu.memref_squeeze %dma_wait3A_329 : memref<1x32x128xf32, #tpu.memory_space<vmem>> -> memref<32x128xf32, #tpu.memory_space<vmem>>
        %dma_wait3A_331 = arith.constant 0 : i32
        %dma_wait3A_332 = tpu.memref_slice %arg6[%add3A_325, %dma_wait3A_331] : memref<40x32xi32, #tpu.memory_space<vmem>> -> memref<1x32xi32, #tpu.memory_space<vmem>>
        %dma_wait3A_333 = tpu.memref_squeeze %dma_wait3A_332 : memref<1x32xi32, #tpu.memory_space<vmem>> -> memref<32xi32, #tpu.memory_space<vmem>>
        %dma_wait3A_334 = arith.constant 0 : i32
        %dma_wait3A_335 = arith.constant 0 : i32
        %dma_wait3A_336 = tpu.memref_slice %arg2[%dma_wait3A_334, %dma_wait3A_335] : memref<10240x128xf32, #tpu.memory_space<hbm>> -> memref<10240x128xf32, #tpu.memory_space<hbm>>
        tpu.wait_indirect_dma semaphore(%arg12 : memref<!tpu.dma_semaphore, #tpu.memory_space<semaphore_mem>>) src(%dma_wait3A_336 : memref<10240x128xf32, #tpu.memory_space<hbm>>) dst(%dma_wait3A_330 : memref<32x128xf32, #tpu.memory_space<vmem>>)
        %add3A_337 = arith.constant 2 : i32
        %add3A_338 = arith.addi %add3A_229, %add3A_337 : i32
        %dma_start3A_339 = arith.constant 2 : i32
        %dma_start3A_340 = arith.constant 0 : i32
        %dma_start3A_341 = arith.constant 0 : i32
        %dma_start3A_342 = tpu.memref_slice %arg8[%dma_start3A_339, %dma_start3A_340, %dma_start3A_341] : memref<8x32x128xf32, #tpu.memory_space<vmem>> -> memref<1x32x128xf32, #tpu.memory_space<vmem>>
        %dma_start3A_343 = tpu.memref_squeeze %dma_start3A_342 : memref<1x32x128xf32, #tpu.memory_space<vmem>> -> memref<32x128xf32, #tpu.memory_space<vmem>>
        %dma_start3A_344 = arith.constant 0 : i32
        %dma_start3A_345 = tpu.memref_slice %arg7[%add3A_338, %dma_start3A_344] : memref<40x32xi32, #tpu.memory_space<vmem>> -> memref<1x32xi32, #tpu.memory_space<vmem>>
        %dma_start3A_346 = tpu.memref_squeeze %dma_start3A_345 : memref<1x32xi32, #tpu.memory_space<vmem>> -> memref<32xi32, #tpu.memory_space<vmem>>
        %dma_start3A_347 = arith.constant 0 : i32
        %dma_start3A_348 = arith.constant 0 : i32
        %dma_start3A_349 = tpu.memref_slice %arg9[%dma_start3A_347, %dma_start3A_348] : memref<10240x128xf32, #tpu.memory_space<vmem_shared>> -> memref<10240x128xf32, #tpu.memory_space<vmem_shared>>
        tpu.enqueue_indirect_dma source(%dma_start3A_343 : memref<32x128xf32, #tpu.memory_space<vmem>>) target(%dma_start3A_349 : memref<10240x128xf32, #tpu.memory_space<vmem_shared>>) offsets(%dma_start3A_346 : memref<32xi32, #tpu.memory_space<vmem>>) semaphore(%arg20 : memref<!tpu.dma_semaphore, #tpu.memory_space<semaphore_mem>>) {add = true}
        %add3A_350 = arith.constant 3 : i32
        %add3A_351 = arith.addi %add3A_229, %add3A_350 : i32
        %ge3A_352 = arith.constant 2 : i32
        %ge3A_353 = arith.cmpi sge, %add3A_351, %ge3A_352 : i32
        %add3A_354 = arith.constant 3 : i32
        %add3A_355 = arith.addi %add3A_229, %add3A_354 : i32
        %sub3A_356 = arith.constant 2 : i32
        %sub3A_357 = arith.subi %add3A_355, %sub3A_356 : i32
        %add3A_358 = arith.constant 8 : i32
        %add3A_359 = arith.addi %sub3A_357, %add3A_358 : i32
        %lt3A_360 = arith.constant 40 : i32
        %lt3A_361 = arith.cmpi slt, %add3A_359, %lt3A_360 : i32
        %and3A_362 = arith.andi %ge3A_353, %lt3A_361 : i1
        %convert_element_type3A_363 = arith.extui %and3A_362 : i1 to i32
        %cond3A_364 = arith.constant 0 : i32
        %cond3A_365 = arith.cmpi ne, %convert_element_type3A_363, %cond3A_364 : i32
        scf.if %cond3A_365 {
          %add3A_560 = arith.constant 3 : i32
          %add3A_561 = arith.addi %add3A_229, %add3A_560 : i32
          %sub3A_562 = arith.constant 2 : i32
          %sub3A_563 = arith.subi %add3A_561, %sub3A_562 : i32
          %dma_wait3A_564 = arith.constant 1 : i32
          %dma_wait3A_565 = arith.constant 0 : i32
          %dma_wait3A_566 = arith.constant 0 : i32
          %dma_wait3A_567 = tpu.memref_slice %arg8[%dma_wait3A_564, %dma_wait3A_565, %dma_wait3A_566] : memref<8x32x128xf32, #tpu.memory_space<vmem>> -> memref<1x32x128xf32, #tpu.memory_space<vmem>>
          %dma_wait3A_568 = tpu.memref_squeeze %dma_wait3A_567 : memref<1x32x128xf32, #tpu.memory_space<vmem>> -> memref<32x128xf32, #tpu.memory_space<vmem>>
          %dma_wait3A_569 = arith.constant 0 : i32
          %dma_wait3A_570 = tpu.memref_slice %arg7[%sub3A_563, %dma_wait3A_569] : memref<40x32xi32, #tpu.memory_space<vmem>> -> memref<1x32xi32, #tpu.memory_space<vmem>>
          %dma_wait3A_571 = tpu.memref_squeeze %dma_wait3A_570 : memref<1x32xi32, #tpu.memory_space<vmem>> -> memref<32xi32, #tpu.memory_space<vmem>>
          %dma_wait3A_572 = arith.constant 0 : i32
          %dma_wait3A_573 = arith.constant 0 : i32
          %dma_wait3A_574 = tpu.memref_slice %arg9[%dma_wait3A_572, %dma_wait3A_573] : memref<10240x128xf32, #tpu.memory_space<vmem_shared>> -> memref<10240x128xf32, #tpu.memory_space<vmem_shared>>
          tpu.wait_indirect_dma semaphore(%arg19 : memref<!tpu.dma_semaphore, #tpu.memory_space<semaphore_mem>>) src(%dma_wait3A_568 : memref<32x128xf32, #tpu.memory_space<vmem>>) dst(%dma_wait3A_574 : memref<10240x128xf32, #tpu.memory_space<vmem_shared>>)
          %add3A_575 = arith.constant 3 : i32
          %add3A_576 = arith.addi %add3A_229, %add3A_575 : i32
          %sub3A_577 = arith.constant 2 : i32
          %sub3A_578 = arith.subi %add3A_576, %sub3A_577 : i32
          %add3A_579 = arith.constant 8 : i32
          %add3A_580 = arith.addi %sub3A_578, %add3A_579 : i32
          %dma_start3A_581 = arith.constant 1 : i32
          %dma_start3A_582 = arith.constant 0 : i32
          %dma_start3A_583 = arith.constant 0 : i32
          %dma_start3A_584 = tpu.memref_slice %arg8[%dma_start3A_581, %dma_start3A_582, %dma_start3A_583] : memref<8x32x128xf32, #tpu.memory_space<vmem>> -> memref<1x32x128xf32, #tpu.memory_space<vmem>>
          %dma_start3A_585 = tpu.memref_squeeze %dma_start3A_584 : memref<1x32x128xf32, #tpu.memory_space<vmem>> -> memref<32x128xf32, #tpu.memory_space<vmem>>
          %dma_start3A_586 = arith.constant 0 : i32
          %dma_start3A_587 = tpu.memref_slice %arg6[%add3A_580, %dma_start3A_586] : memref<40x32xi32, #tpu.memory_space<vmem>> -> memref<1x32xi32, #tpu.memory_space<vmem>>
          %dma_start3A_588 = tpu.memref_squeeze %dma_start3A_587 : memref<1x32xi32, #tpu.memory_space<vmem>> -> memref<32xi32, #tpu.memory_space<vmem>>
          %dma_start3A_589 = arith.constant 0 : i32
          %dma_start3A_590 = arith.constant 0 : i32
          %dma_start3A_591 = tpu.memref_slice %arg2[%dma_start3A_589, %dma_start3A_590] : memref<10240x128xf32, #tpu.memory_space<hbm>> -> memref<10240x128xf32, #tpu.memory_space<hbm>>
          tpu.enqueue_indirect_dma source(%dma_start3A_591 : memref<10240x128xf32, #tpu.memory_space<hbm>>) target(%dma_start3A_585 : memref<32x128xf32, #tpu.memory_space<vmem>>) offsets(%dma_start3A_588 : memref<32xi32, #tpu.memory_space<vmem>>) semaphore(%arg11 : memref<!tpu.dma_semaphore, #tpu.memory_space<semaphore_mem>>)
        } else {
        }
        %add3A_366 = arith.constant 3 : i32
        %add3A_367 = arith.addi %add3A_229, %add3A_366 : i32
        %dma_wait3A_368 = arith.constant 3 : i32
        %dma_wait3A_369 = arith.constant 0 : i32
        %dma_wait3A_370 = arith.constant 0 : i32
        %dma_wait3A_371 = tpu.memref_slice %arg8[%dma_wait3A_368, %dma_wait3A_369, %dma_wait3A_370] : memref<8x32x128xf32, #tpu.memory_space<vmem>> -> memref<1x32x128xf32, #tpu.memory_space<vmem>>
        %dma_wait3A_372 = tpu.memref_squeeze %dma_wait3A_371 : memref<1x32x128xf32, #tpu.memory_space<vmem>> -> memref<32x128xf32, #tpu.memory_space<vmem>>
        %dma_wait3A_373 = arith.constant 0 : i32
        %dma_wait3A_374 = tpu.memref_slice %arg6[%add3A_367, %dma_wait3A_373] : memref<40x32xi32, #tpu.memory_space<vmem>> -> memref<1x32xi32, #tpu.memory_space<vmem>>
        %dma_wait3A_375 = tpu.memref_squeeze %dma_wait3A_374 : memref<1x32xi32, #tpu.memory_space<vmem>> -> memref<32xi32, #tpu.memory_space<vmem>>
        %dma_wait3A_376 = arith.constant 0 : i32
        %dma_wait3A_377 = arith.constant 0 : i32
        %dma_wait3A_378 = tpu.memref_slice %arg2[%dma_wait3A_376, %dma_wait3A_377] : memref<10240x128xf32, #tpu.memory_space<hbm>> -> memref<10240x128xf32, #tpu.memory_space<hbm>>
        tpu.wait_indirect_dma semaphore(%arg13 : memref<!tpu.dma_semaphore, #tpu.memory_space<semaphore_mem>>) src(%dma_wait3A_378 : memref<10240x128xf32, #tpu.memory_space<hbm>>) dst(%dma_wait3A_372 : memref<32x128xf32, #tpu.memory_space<vmem>>)
        %add3A_379 = arith.constant 3 : i32
        %add3A_380 = arith.addi %add3A_229, %add3A_379 : i32
        %dma_start3A_381 = arith.constant 3 : i32
        %dma_start3A_382 = arith.constant 0 : i32
        %dma_start3A_383 = arith.constant 0 : i32
        %dma_start3A_384 = tpu.memref_slice %arg8[%dma_start3A_381, %dma_start3A_382, %dma_start3A_383] : memref<8x32x128xf32, #tpu.memory_space<vmem>> -> memref<1x32x128xf32, #tpu.memory_space<vmem>>
        %dma_start3A_385 = tpu.memref_squeeze %dma_start3A_384 : memref<1x32x128xf32, #tpu.memory_space<vmem>> -> memref<32x128xf32, #tpu.memory_space<vmem>>
        %dma_start3A_386 = arith.constant 0 : i32
        %dma_start3A_387 = tpu.memref_slice %arg7[%add3A_380, %dma_start3A_386] : memref<40x32xi32, #tpu.memory_space<vmem>> -> memref<1x32xi32, #tpu.memory_space<vmem>>
        %dma_start3A_388 = tpu.memref_squeeze %dma_start3A_387 : memref<1x32xi32, #tpu.memory_space<vmem>> -> memref<32xi32, #tpu.memory_space<vmem>>
        %dma_start3A_389 = arith.constant 0 : i32
        %dma_start3A_390 = arith.constant 0 : i32
        %dma_start3A_391 = tpu.memref_slice %arg9[%dma_start3A_389, %dma_start3A_390] : memref<10240x128xf32, #tpu.memory_space<vmem_shared>> -> memref<10240x128xf32, #tpu.memory_space<vmem_shared>>
        tpu.enqueue_indirect_dma source(%dma_start3A_385 : memref<32x128xf32, #tpu.memory_space<vmem>>) target(%dma_start3A_391 : memref<10240x128xf32, #tpu.memory_space<vmem_shared>>) offsets(%dma_start3A_388 : memref<32xi32, #tpu.memory_space<vmem>>) semaphore(%arg21 : memref<!tpu.dma_semaphore, #tpu.memory_space<semaphore_mem>>) {add = true}
        %add3A_392 = arith.constant 4 : i32
        %add3A_393 = arith.addi %add3A_229, %add3A_392 : i32
        %ge3A_394 = arith.constant 2 : i32
        %ge3A_395 = arith.cmpi sge, %add3A_393, %ge3A_394 : i32
        %add3A_396 = arith.constant 4 : i32
        %add3A_397 = arith.addi %add3A_229, %add3A_396 : i32
        %sub3A_398 = arith.constant 2 : i32
        %sub3A_399 = arith.subi %add3A_397, %sub3A_398 : i32
        %add3A_400 = arith.constant 8 : i32
        %add3A_401 = arith.addi %sub3A_399, %add3A_400 : i32
        %lt3A_402 = arith.constant 40 : i32
        %lt3A_403 = arith.cmpi slt, %add3A_401, %lt3A_402 : i32
        %and3A_404 = arith.andi %ge3A_395, %lt3A_403 : i1
        %convert_element_type3A_405 = arith.extui %and3A_404 : i1 to i32
        %cond3A_406 = arith.constant 0 : i32
        %cond3A_407 = arith.cmpi ne, %convert_element_type3A_405, %cond3A_406 : i32
        scf.if %cond3A_407 {
          %add3A_560 = arith.constant 4 : i32
          %add3A_561 = arith.addi %add3A_229, %add3A_560 : i32
          %sub3A_562 = arith.constant 2 : i32
          %sub3A_563 = arith.subi %add3A_561, %sub3A_562 : i32
          %dma_wait3A_564 = arith.constant 2 : i32
          %dma_wait3A_565 = arith.constant 0 : i32
          %dma_wait3A_566 = arith.constant 0 : i32
          %dma_wait3A_567 = tpu.memref_slice %arg8[%dma_wait3A_564, %dma_wait3A_565, %dma_wait3A_566] : memref<8x32x128xf32, #tpu.memory_space<vmem>> -> memref<1x32x128xf32, #tpu.memory_space<vmem>>
          %dma_wait3A_568 = tpu.memref_squeeze %dma_wait3A_567 : memref<1x32x128xf32, #tpu.memory_space<vmem>> -> memref<32x128xf32, #tpu.memory_space<vmem>>
          %dma_wait3A_569 = arith.constant 0 : i32
          %dma_wait3A_570 = tpu.memref_slice %arg7[%sub3A_563, %dma_wait3A_569] : memref<40x32xi32, #tpu.memory_space<vmem>> -> memref<1x32xi32, #tpu.memory_space<vmem>>
          %dma_wait3A_571 = tpu.memref_squeeze %dma_wait3A_570 : memref<1x32xi32, #tpu.memory_space<vmem>> -> memref<32xi32, #tpu.memory_space<vmem>>
          %dma_wait3A_572 = arith.constant 0 : i32
          %dma_wait3A_573 = arith.constant 0 : i32
          %dma_wait3A_574 = tpu.memref_slice %arg9[%dma_wait3A_572, %dma_wait3A_573] : memref<10240x128xf32, #tpu.memory_space<vmem_shared>> -> memref<10240x128xf32, #tpu.memory_space<vmem_shared>>
          tpu.wait_indirect_dma semaphore(%arg20 : memref<!tpu.dma_semaphore, #tpu.memory_space<semaphore_mem>>) src(%dma_wait3A_568 : memref<32x128xf32, #tpu.memory_space<vmem>>) dst(%dma_wait3A_574 : memref<10240x128xf32, #tpu.memory_space<vmem_shared>>)
          %add3A_575 = arith.constant 4 : i32
          %add3A_576 = arith.addi %add3A_229, %add3A_575 : i32
          %sub3A_577 = arith.constant 2 : i32
          %sub3A_578 = arith.subi %add3A_576, %sub3A_577 : i32
          %add3A_579 = arith.constant 8 : i32
          %add3A_580 = arith.addi %sub3A_578, %add3A_579 : i32
          %dma_start3A_581 = arith.constant 2 : i32
          %dma_start3A_582 = arith.constant 0 : i32
          %dma_start3A_583 = arith.constant 0 : i32
          %dma_start3A_584 = tpu.memref_slice %arg8[%dma_start3A_581, %dma_start3A_582, %dma_start3A_583] : memref<8x32x128xf32, #tpu.memory_space<vmem>> -> memref<1x32x128xf32, #tpu.memory_space<vmem>>
          %dma_start3A_585 = tpu.memref_squeeze %dma_start3A_584 : memref<1x32x128xf32, #tpu.memory_space<vmem>> -> memref<32x128xf32, #tpu.memory_space<vmem>>
          %dma_start3A_586 = arith.constant 0 : i32
          %dma_start3A_587 = tpu.memref_slice %arg6[%add3A_580, %dma_start3A_586] : memref<40x32xi32, #tpu.memory_space<vmem>> -> memref<1x32xi32, #tpu.memory_space<vmem>>
          %dma_start3A_588 = tpu.memref_squeeze %dma_start3A_587 : memref<1x32xi32, #tpu.memory_space<vmem>> -> memref<32xi32, #tpu.memory_space<vmem>>
          %dma_start3A_589 = arith.constant 0 : i32
          %dma_start3A_590 = arith.constant 0 : i32
          %dma_start3A_591 = tpu.memref_slice %arg2[%dma_start3A_589, %dma_start3A_590] : memref<10240x128xf32, #tpu.memory_space<hbm>> -> memref<10240x128xf32, #tpu.memory_space<hbm>>
          tpu.enqueue_indirect_dma source(%dma_start3A_591 : memref<10240x128xf32, #tpu.memory_space<hbm>>) target(%dma_start3A_585 : memref<32x128xf32, #tpu.memory_space<vmem>>) offsets(%dma_start3A_588 : memref<32xi32, #tpu.memory_space<vmem>>) semaphore(%arg12 : memref<!tpu.dma_semaphore, #tpu.memory_space<semaphore_mem>>)
        } else {
        }
        %add3A_408 = arith.constant 4 : i32
        %add3A_409 = arith.addi %add3A_229, %add3A_408 : i32
        %dma_wait3A_410 = arith.constant 4 : i32
        %dma_wait3A_411 = arith.constant 0 : i32
        %dma_wait3A_412 = arith.constant 0 : i32
        %dma_wait3A_413 = tpu.memref_slice %arg8[%dma_wait3A_410, %dma_wait3A_411, %dma_wait3A_412] : memref<8x32x128xf32, #tpu.memory_space<vmem>> -> memref<1x32x128xf32, #tpu.memory_space<vmem>>
        %dma_wait3A_414 = tpu.memref_squeeze %dma_wait3A_413 : memref<1x32x128xf32, #tpu.memory_space<vmem>> -> memref<32x128xf32, #tpu.memory_space<vmem>>
        %dma_wait3A_415 = arith.constant 0 : i32
        %dma_wait3A_416 = tpu.memref_slice %arg6[%add3A_409, %dma_wait3A_415] : memref<40x32xi32, #tpu.memory_space<vmem>> -> memref<1x32xi32, #tpu.memory_space<vmem>>
        %dma_wait3A_417 = tpu.memref_squeeze %dma_wait3A_416 : memref<1x32xi32, #tpu.memory_space<vmem>> -> memref<32xi32, #tpu.memory_space<vmem>>
        %dma_wait3A_418 = arith.constant 0 : i32
        %dma_wait3A_419 = arith.constant 0 : i32
        %dma_wait3A_420 = tpu.memref_slice %arg2[%dma_wait3A_418, %dma_wait3A_419] : memref<10240x128xf32, #tpu.memory_space<hbm>> -> memref<10240x128xf32, #tpu.memory_space<hbm>>
        tpu.wait_indirect_dma semaphore(%arg14 : memref<!tpu.dma_semaphore, #tpu.memory_space<semaphore_mem>>) src(%dma_wait3A_420 : memref<10240x128xf32, #tpu.memory_space<hbm>>) dst(%dma_wait3A_414 : memref<32x128xf32, #tpu.memory_space<vmem>>)
        %add3A_421 = arith.constant 4 : i32
        %add3A_422 = arith.addi %add3A_229, %add3A_421 : i32
        %dma_start3A_423 = arith.constant 4 : i32
        %dma_start3A_424 = arith.constant 0 : i32
        %dma_start3A_425 = arith.constant 0 : i32
        %dma_start3A_426 = tpu.memref_slice %arg8[%dma_start3A_423, %dma_start3A_424, %dma_start3A_425] : memref<8x32x128xf32, #tpu.memory_space<vmem>> -> memref<1x32x128xf32, #tpu.memory_space<vmem>>
        %dma_start3A_427 = tpu.memref_squeeze %dma_start3A_426 : memref<1x32x128xf32, #tpu.memory_space<vmem>> -> memref<32x128xf32, #tpu.memory_space<vmem>>
        %dma_start3A_428 = arith.constant 0 : i32
        %dma_start3A_429 = tpu.memref_slice %arg7[%add3A_422, %dma_start3A_428] : memref<40x32xi32, #tpu.memory_space<vmem>> -> memref<1x32xi32, #tpu.memory_space<vmem>>
        %dma_start3A_430 = tpu.memref_squeeze %dma_start3A_429 : memref<1x32xi32, #tpu.memory_space<vmem>> -> memref<32xi32, #tpu.memory_space<vmem>>
        %dma_start3A_431 = arith.constant 0 : i32
        %dma_start3A_432 = arith.constant 0 : i32
        %dma_start3A_433 = tpu.memref_slice %arg9[%dma_start3A_431, %dma_start3A_432] : memref<10240x128xf32, #tpu.memory_space<vmem_shared>> -> memref<10240x128xf32, #tpu.memory_space<vmem_shared>>
        tpu.enqueue_indirect_dma source(%dma_start3A_427 : memref<32x128xf32, #tpu.memory_space<vmem>>) target(%dma_start3A_433 : memref<10240x128xf32, #tpu.memory_space<vmem_shared>>) offsets(%dma_start3A_430 : memref<32xi32, #tpu.memory_space<vmem>>) semaphore(%arg22 : memref<!tpu.dma_semaphore, #tpu.memory_space<semaphore_mem>>) {add = true}
        %add3A_434 = arith.constant 5 : i32
        %add3A_435 = arith.addi %add3A_229, %add3A_434 : i32
        %ge3A_436 = arith.constant 2 : i32
        %ge3A_437 = arith.cmpi sge, %add3A_435, %ge3A_436 : i32
        %add3A_438 = arith.constant 5 : i32
        %add3A_439 = arith.addi %add3A_229, %add3A_438 : i32
        %sub3A_440 = arith.constant 2 : i32
        %sub3A_441 = arith.subi %add3A_439, %sub3A_440 : i32
        %add3A_442 = arith.constant 8 : i32
        %add3A_443 = arith.addi %sub3A_441, %add3A_442 : i32
        %lt3A_444 = arith.constant 40 : i32
        %lt3A_445 = arith.cmpi slt, %add3A_443, %lt3A_444 : i32
        %and3A_446 = arith.andi %ge3A_437, %lt3A_445 : i1
        %convert_element_type3A_447 = arith.extui %and3A_446 : i1 to i32
        %cond3A_448 = arith.constant 0 : i32
        %cond3A_449 = arith.cmpi ne, %convert_element_type3A_447, %cond3A_448 : i32
        scf.if %cond3A_449 {
          %add3A_560 = arith.constant 5 : i32
          %add3A_561 = arith.addi %add3A_229, %add3A_560 : i32
          %sub3A_562 = arith.constant 2 : i32
          %sub3A_563 = arith.subi %add3A_561, %sub3A_562 : i32
          %dma_wait3A_564 = arith.constant 3 : i32
          %dma_wait3A_565 = arith.constant 0 : i32
          %dma_wait3A_566 = arith.constant 0 : i32
          %dma_wait3A_567 = tpu.memref_slice %arg8[%dma_wait3A_564, %dma_wait3A_565, %dma_wait3A_566] : memref<8x32x128xf32, #tpu.memory_space<vmem>> -> memref<1x32x128xf32, #tpu.memory_space<vmem>>
          %dma_wait3A_568 = tpu.memref_squeeze %dma_wait3A_567 : memref<1x32x128xf32, #tpu.memory_space<vmem>> -> memref<32x128xf32, #tpu.memory_space<vmem>>
          %dma_wait3A_569 = arith.constant 0 : i32
          %dma_wait3A_570 = tpu.memref_slice %arg7[%sub3A_563, %dma_wait3A_569] : memref<40x32xi32, #tpu.memory_space<vmem>> -> memref<1x32xi32, #tpu.memory_space<vmem>>
          %dma_wait3A_571 = tpu.memref_squeeze %dma_wait3A_570 : memref<1x32xi32, #tpu.memory_space<vmem>> -> memref<32xi32, #tpu.memory_space<vmem>>
          %dma_wait3A_572 = arith.constant 0 : i32
          %dma_wait3A_573 = arith.constant 0 : i32
          %dma_wait3A_574 = tpu.memref_slice %arg9[%dma_wait3A_572, %dma_wait3A_573] : memref<10240x128xf32, #tpu.memory_space<vmem_shared>> -> memref<10240x128xf32, #tpu.memory_space<vmem_shared>>
          tpu.wait_indirect_dma semaphore(%arg21 : memref<!tpu.dma_semaphore, #tpu.memory_space<semaphore_mem>>) src(%dma_wait3A_568 : memref<32x128xf32, #tpu.memory_space<vmem>>) dst(%dma_wait3A_574 : memref<10240x128xf32, #tpu.memory_space<vmem_shared>>)
          %add3A_575 = arith.constant 5 : i32
          %add3A_576 = arith.addi %add3A_229, %add3A_575 : i32
          %sub3A_577 = arith.constant 2 : i32
          %sub3A_578 = arith.subi %add3A_576, %sub3A_577 : i32
          %add3A_579 = arith.constant 8 : i32
          %add3A_580 = arith.addi %sub3A_578, %add3A_579 : i32
          %dma_start3A_581 = arith.constant 3 : i32
          %dma_start3A_582 = arith.constant 0 : i32
          %dma_start3A_583 = arith.constant 0 : i32
          %dma_start3A_584 = tpu.memref_slice %arg8[%dma_start3A_581, %dma_start3A_582, %dma_start3A_583] : memref<8x32x128xf32, #tpu.memory_space<vmem>> -> memref<1x32x128xf32, #tpu.memory_space<vmem>>
          %dma_start3A_585 = tpu.memref_squeeze %dma_start3A_584 : memref<1x32x128xf32, #tpu.memory_space<vmem>> -> memref<32x128xf32, #tpu.memory_space<vmem>>
          %dma_start3A_586 = arith.constant 0 : i32
          %dma_start3A_587 = tpu.memref_slice %arg6[%add3A_580, %dma_start3A_586] : memref<40x32xi32, #tpu.memory_space<vmem>> -> memref<1x32xi32, #tpu.memory_space<vmem>>
          %dma_start3A_588 = tpu.memref_squeeze %dma_start3A_587 : memref<1x32xi32, #tpu.memory_space<vmem>> -> memref<32xi32, #tpu.memory_space<vmem>>
          %dma_start3A_589 = arith.constant 0 : i32
          %dma_start3A_590 = arith.constant 0 : i32
          %dma_start3A_591 = tpu.memref_slice %arg2[%dma_start3A_589, %dma_start3A_590] : memref<10240x128xf32, #tpu.memory_space<hbm>> -> memref<10240x128xf32, #tpu.memory_space<hbm>>
          tpu.enqueue_indirect_dma source(%dma_start3A_591 : memref<10240x128xf32, #tpu.memory_space<hbm>>) target(%dma_start3A_585 : memref<32x128xf32, #tpu.memory_space<vmem>>) offsets(%dma_start3A_588 : memref<32xi32, #tpu.memory_space<vmem>>) semaphore(%arg13 : memref<!tpu.dma_semaphore, #tpu.memory_space<semaphore_mem>>)
        } else {
        }
        %add3A_450 = arith.constant 5 : i32
        %add3A_451 = arith.addi %add3A_229, %add3A_450 : i32
        %dma_wait3A_452 = arith.constant 5 : i32
        %dma_wait3A_453 = arith.constant 0 : i32
        %dma_wait3A_454 = arith.constant 0 : i32
        %dma_wait3A_455 = tpu.memref_slice %arg8[%dma_wait3A_452, %dma_wait3A_453, %dma_wait3A_454] : memref<8x32x128xf32, #tpu.memory_space<vmem>> -> memref<1x32x128xf32, #tpu.memory_space<vmem>>
        %dma_wait3A_456 = tpu.memref_squeeze %dma_wait3A_455 : memref<1x32x128xf32, #tpu.memory_space<vmem>> -> memref<32x128xf32, #tpu.memory_space<vmem>>
        %dma_wait3A_457 = arith.constant 0 : i32
        %dma_wait3A_458 = tpu.memref_slice %arg6[%add3A_451, %dma_wait3A_457] : memref<40x32xi32, #tpu.memory_space<vmem>> -> memref<1x32xi32, #tpu.memory_space<vmem>>
        %dma_wait3A_459 = tpu.memref_squeeze %dma_wait3A_458 : memref<1x32xi32, #tpu.memory_space<vmem>> -> memref<32xi32, #tpu.memory_space<vmem>>
        %dma_wait3A_460 = arith.constant 0 : i32
        %dma_wait3A_461 = arith.constant 0 : i32
        %dma_wait3A_462 = tpu.memref_slice %arg2[%dma_wait3A_460, %dma_wait3A_461] : memref<10240x128xf32, #tpu.memory_space<hbm>> -> memref<10240x128xf32, #tpu.memory_space<hbm>>
        tpu.wait_indirect_dma semaphore(%arg15 : memref<!tpu.dma_semaphore, #tpu.memory_space<semaphore_mem>>) src(%dma_wait3A_462 : memref<10240x128xf32, #tpu.memory_space<hbm>>) dst(%dma_wait3A_456 : memref<32x128xf32, #tpu.memory_space<vmem>>)
        %add3A_463 = arith.constant 5 : i32
        %add3A_464 = arith.addi %add3A_229, %add3A_463 : i32
        %dma_start3A_465 = arith.constant 5 : i32
        %dma_start3A_466 = arith.constant 0 : i32
        %dma_start3A_467 = arith.constant 0 : i32
        %dma_start3A_468 = tpu.memref_slice %arg8[%dma_start3A_465, %dma_start3A_466, %dma_start3A_467] : memref<8x32x128xf32, #tpu.memory_space<vmem>> -> memref<1x32x128xf32, #tpu.memory_space<vmem>>
        %dma_start3A_469 = tpu.memref_squeeze %dma_start3A_468 : memref<1x32x128xf32, #tpu.memory_space<vmem>> -> memref<32x128xf32, #tpu.memory_space<vmem>>
        %dma_start3A_470 = arith.constant 0 : i32
        %dma_start3A_471 = tpu.memref_slice %arg7[%add3A_464, %dma_start3A_470] : memref<40x32xi32, #tpu.memory_space<vmem>> -> memref<1x32xi32, #tpu.memory_space<vmem>>
        %dma_start3A_472 = tpu.memref_squeeze %dma_start3A_471 : memref<1x32xi32, #tpu.memory_space<vmem>> -> memref<32xi32, #tpu.memory_space<vmem>>
        %dma_start3A_473 = arith.constant 0 : i32
        %dma_start3A_474 = arith.constant 0 : i32
        %dma_start3A_475 = tpu.memref_slice %arg9[%dma_start3A_473, %dma_start3A_474] : memref<10240x128xf32, #tpu.memory_space<vmem_shared>> -> memref<10240x128xf32, #tpu.memory_space<vmem_shared>>
        tpu.enqueue_indirect_dma source(%dma_start3A_469 : memref<32x128xf32, #tpu.memory_space<vmem>>) target(%dma_start3A_475 : memref<10240x128xf32, #tpu.memory_space<vmem_shared>>) offsets(%dma_start3A_472 : memref<32xi32, #tpu.memory_space<vmem>>) semaphore(%arg23 : memref<!tpu.dma_semaphore, #tpu.memory_space<semaphore_mem>>) {add = true}
        %add3A_476 = arith.constant 6 : i32
        %add3A_477 = arith.addi %add3A_229, %add3A_476 : i32
        %ge3A_478 = arith.constant 2 : i32
        %ge3A_479 = arith.cmpi sge, %add3A_477, %ge3A_478 : i32
        %add3A_480 = arith.constant 6 : i32
        %add3A_481 = arith.addi %add3A_229, %add3A_480 : i32
        %sub3A_482 = arith.constant 2 : i32
        %sub3A_483 = arith.subi %add3A_481, %sub3A_482 : i32
        %add3A_484 = arith.constant 8 : i32
        %add3A_485 = arith.addi %sub3A_483, %add3A_484 : i32
        %lt3A_486 = arith.constant 40 : i32
        %lt3A_487 = arith.cmpi slt, %add3A_485, %lt3A_486 : i32
        %and3A_488 = arith.andi %ge3A_479, %lt3A_487 : i1
        %convert_element_type3A_489 = arith.extui %and3A_488 : i1 to i32
        %cond3A_490 = arith.constant 0 : i32
        %cond3A_491 = arith.cmpi ne, %convert_element_type3A_489, %cond3A_490 : i32
        scf.if %cond3A_491 {
          %add3A_560 = arith.constant 6 : i32
          %add3A_561 = arith.addi %add3A_229, %add3A_560 : i32
          %sub3A_562 = arith.constant 2 : i32
          %sub3A_563 = arith.subi %add3A_561, %sub3A_562 : i32
          %dma_wait3A_564 = arith.constant 4 : i32
          %dma_wait3A_565 = arith.constant 0 : i32
          %dma_wait3A_566 = arith.constant 0 : i32
          %dma_wait3A_567 = tpu.memref_slice %arg8[%dma_wait3A_564, %dma_wait3A_565, %dma_wait3A_566] : memref<8x32x128xf32, #tpu.memory_space<vmem>> -> memref<1x32x128xf32, #tpu.memory_space<vmem>>
          %dma_wait3A_568 = tpu.memref_squeeze %dma_wait3A_567 : memref<1x32x128xf32, #tpu.memory_space<vmem>> -> memref<32x128xf32, #tpu.memory_space<vmem>>
          %dma_wait3A_569 = arith.constant 0 : i32
          %dma_wait3A_570 = tpu.memref_slice %arg7[%sub3A_563, %dma_wait3A_569] : memref<40x32xi32, #tpu.memory_space<vmem>> -> memref<1x32xi32, #tpu.memory_space<vmem>>
          %dma_wait3A_571 = tpu.memref_squeeze %dma_wait3A_570 : memref<1x32xi32, #tpu.memory_space<vmem>> -> memref<32xi32, #tpu.memory_space<vmem>>
          %dma_wait3A_572 = arith.constant 0 : i32
          %dma_wait3A_573 = arith.constant 0 : i32
          %dma_wait3A_574 = tpu.memref_slice %arg9[%dma_wait3A_572, %dma_wait3A_573] : memref<10240x128xf32, #tpu.memory_space<vmem_shared>> -> memref<10240x128xf32, #tpu.memory_space<vmem_shared>>
          tpu.wait_indirect_dma semaphore(%arg22 : memref<!tpu.dma_semaphore, #tpu.memory_space<semaphore_mem>>) src(%dma_wait3A_568 : memref<32x128xf32, #tpu.memory_space<vmem>>) dst(%dma_wait3A_574 : memref<10240x128xf32, #tpu.memory_space<vmem_shared>>)
          %add3A_575 = arith.constant 6 : i32
          %add3A_576 = arith.addi %add3A_229, %add3A_575 : i32
          %sub3A_577 = arith.constant 2 : i32
          %sub3A_578 = arith.subi %add3A_576, %sub3A_577 : i32
          %add3A_579 = arith.constant 8 : i32
          %add3A_580 = arith.addi %sub3A_578, %add3A_579 : i32
          %dma_start3A_581 = arith.constant 4 : i32
          %dma_start3A_582 = arith.constant 0 : i32
          %dma_start3A_583 = arith.constant 0 : i32
          %dma_start3A_584 = tpu.memref_slice %arg8[%dma_start3A_581, %dma_start3A_582, %dma_start3A_583] : memref<8x32x128xf32, #tpu.memory_space<vmem>> -> memref<1x32x128xf32, #tpu.memory_space<vmem>>
          %dma_start3A_585 = tpu.memref_squeeze %dma_start3A_584 : memref<1x32x128xf32, #tpu.memory_space<vmem>> -> memref<32x128xf32, #tpu.memory_space<vmem>>
          %dma_start3A_586 = arith.constant 0 : i32
          %dma_start3A_587 = tpu.memref_slice %arg6[%add3A_580, %dma_start3A_586] : memref<40x32xi32, #tpu.memory_space<vmem>> -> memref<1x32xi32, #tpu.memory_space<vmem>>
          %dma_start3A_588 = tpu.memref_squeeze %dma_start3A_587 : memref<1x32xi32, #tpu.memory_space<vmem>> -> memref<32xi32, #tpu.memory_space<vmem>>
          %dma_start3A_589 = arith.constant 0 : i32
          %dma_start3A_590 = arith.constant 0 : i32
          %dma_start3A_591 = tpu.memref_slice %arg2[%dma_start3A_589, %dma_start3A_590] : memref<10240x128xf32, #tpu.memory_space<hbm>> -> memref<10240x128xf32, #tpu.memory_space<hbm>>
          tpu.enqueue_indirect_dma source(%dma_start3A_591 : memref<10240x128xf32, #tpu.memory_space<hbm>>) target(%dma_start3A_585 : memref<32x128xf32, #tpu.memory_space<vmem>>) offsets(%dma_start3A_588 : memref<32xi32, #tpu.memory_space<vmem>>) semaphore(%arg14 : memref<!tpu.dma_semaphore, #tpu.memory_space<semaphore_mem>>)
        } else {
        }
        %add3A_492 = arith.constant 6 : i32
        %add3A_493 = arith.addi %add3A_229, %add3A_492 : i32
        %dma_wait3A_494 = arith.constant 6 : i32
        %dma_wait3A_495 = arith.constant 0 : i32
        %dma_wait3A_496 = arith.constant 0 : i32
        %dma_wait3A_497 = tpu.memref_slice %arg8[%dma_wait3A_494, %dma_wait3A_495, %dma_wait3A_496] : memref<8x32x128xf32, #tpu.memory_space<vmem>> -> memref<1x32x128xf32, #tpu.memory_space<vmem>>
        %dma_wait3A_498 = tpu.memref_squeeze %dma_wait3A_497 : memref<1x32x128xf32, #tpu.memory_space<vmem>> -> memref<32x128xf32, #tpu.memory_space<vmem>>
        %dma_wait3A_499 = arith.constant 0 : i32
        %dma_wait3A_500 = tpu.memref_slice %arg6[%add3A_493, %dma_wait3A_499] : memref<40x32xi32, #tpu.memory_space<vmem>> -> memref<1x32xi32, #tpu.memory_space<vmem>>
        %dma_wait3A_501 = tpu.memref_squeeze %dma_wait3A_500 : memref<1x32xi32, #tpu.memory_space<vmem>> -> memref<32xi32, #tpu.memory_space<vmem>>
        %dma_wait3A_502 = arith.constant 0 : i32
        %dma_wait3A_503 = arith.constant 0 : i32
        %dma_wait3A_504 = tpu.memref_slice %arg2[%dma_wait3A_502, %dma_wait3A_503] : memref<10240x128xf32, #tpu.memory_space<hbm>> -> memref<10240x128xf32, #tpu.memory_space<hbm>>
        tpu.wait_indirect_dma semaphore(%arg16 : memref<!tpu.dma_semaphore, #tpu.memory_space<semaphore_mem>>) src(%dma_wait3A_504 : memref<10240x128xf32, #tpu.memory_space<hbm>>) dst(%dma_wait3A_498 : memref<32x128xf32, #tpu.memory_space<vmem>>)
        %add3A_505 = arith.constant 6 : i32
        %add3A_506 = arith.addi %add3A_229, %add3A_505 : i32
        %dma_start3A_507 = arith.constant 6 : i32
        %dma_start3A_508 = arith.constant 0 : i32
        %dma_start3A_509 = arith.constant 0 : i32
        %dma_start3A_510 = tpu.memref_slice %arg8[%dma_start3A_507, %dma_start3A_508, %dma_start3A_509] : memref<8x32x128xf32, #tpu.memory_space<vmem>> -> memref<1x32x128xf32, #tpu.memory_space<vmem>>
        %dma_start3A_511 = tpu.memref_squeeze %dma_start3A_510 : memref<1x32x128xf32, #tpu.memory_space<vmem>> -> memref<32x128xf32, #tpu.memory_space<vmem>>
        %dma_start3A_512 = arith.constant 0 : i32
        %dma_start3A_513 = tpu.memref_slice %arg7[%add3A_506, %dma_start3A_512] : memref<40x32xi32, #tpu.memory_space<vmem>> -> memref<1x32xi32, #tpu.memory_space<vmem>>
        %dma_start3A_514 = tpu.memref_squeeze %dma_start3A_513 : memref<1x32xi32, #tpu.memory_space<vmem>> -> memref<32xi32, #tpu.memory_space<vmem>>
        %dma_start3A_515 = arith.constant 0 : i32
        %dma_start3A_516 = arith.constant 0 : i32
        %dma_start3A_517 = tpu.memref_slice %arg9[%dma_start3A_515, %dma_start3A_516] : memref<10240x128xf32, #tpu.memory_space<vmem_shared>> -> memref<10240x128xf32, #tpu.memory_space<vmem_shared>>
        tpu.enqueue_indirect_dma source(%dma_start3A_511 : memref<32x128xf32, #tpu.memory_space<vmem>>) target(%dma_start3A_517 : memref<10240x128xf32, #tpu.memory_space<vmem_shared>>) offsets(%dma_start3A_514 : memref<32xi32, #tpu.memory_space<vmem>>) semaphore(%arg24 : memref<!tpu.dma_semaphore, #tpu.memory_space<semaphore_mem>>) {add = true}
        %add3A_518 = arith.constant 7 : i32
        %add3A_519 = arith.addi %add3A_229, %add3A_518 : i32
        %ge3A_520 = arith.constant 2 : i32
        %ge3A_521 = arith.cmpi sge, %add3A_519, %ge3A_520 : i32
        %add3A_522 = arith.constant 7 : i32
        %add3A_523 = arith.addi %add3A_229, %add3A_522 : i32
        %sub3A_524 = arith.constant 2 : i32
        %sub3A_525 = arith.subi %add3A_523, %sub3A_524 : i32
        %add3A_526 = arith.constant 8 : i32
        %add3A_527 = arith.addi %sub3A_525, %add3A_526 : i32
        %lt3A_528 = arith.constant 40 : i32
        %lt3A_529 = arith.cmpi slt, %add3A_527, %lt3A_528 : i32
        %and3A_530 = arith.andi %ge3A_521, %lt3A_529 : i1
        %convert_element_type3A_531 = arith.extui %and3A_530 : i1 to i32
        %cond3A_532 = arith.constant 0 : i32
        %cond3A_533 = arith.cmpi ne, %convert_element_type3A_531, %cond3A_532 : i32
        scf.if %cond3A_533 {
          %add3A_560 = arith.constant 7 : i32
          %add3A_561 = arith.addi %add3A_229, %add3A_560 : i32
          %sub3A_562 = arith.constant 2 : i32
          %sub3A_563 = arith.subi %add3A_561, %sub3A_562 : i32
          %dma_wait3A_564 = arith.constant 5 : i32
          %dma_wait3A_565 = arith.constant 0 : i32
          %dma_wait3A_566 = arith.constant 0 : i32
          %dma_wait3A_567 = tpu.memref_slice %arg8[%dma_wait3A_564, %dma_wait3A_565, %dma_wait3A_566] : memref<8x32x128xf32, #tpu.memory_space<vmem>> -> memref<1x32x128xf32, #tpu.memory_space<vmem>>
          %dma_wait3A_568 = tpu.memref_squeeze %dma_wait3A_567 : memref<1x32x128xf32, #tpu.memory_space<vmem>> -> memref<32x128xf32, #tpu.memory_space<vmem>>
          %dma_wait3A_569 = arith.constant 0 : i32
          %dma_wait3A_570 = tpu.memref_slice %arg7[%sub3A_563, %dma_wait3A_569] : memref<40x32xi32, #tpu.memory_space<vmem>> -> memref<1x32xi32, #tpu.memory_space<vmem>>
          %dma_wait3A_571 = tpu.memref_squeeze %dma_wait3A_570 : memref<1x32xi32, #tpu.memory_space<vmem>> -> memref<32xi32, #tpu.memory_space<vmem>>
          %dma_wait3A_572 = arith.constant 0 : i32
          %dma_wait3A_573 = arith.constant 0 : i32
          %dma_wait3A_574 = tpu.memref_slice %arg9[%dma_wait3A_572, %dma_wait3A_573] : memref<10240x128xf32, #tpu.memory_space<vmem_shared>> -> memref<10240x128xf32, #tpu.memory_space<vmem_shared>>
          tpu.wait_indirect_dma semaphore(%arg23 : memref<!tpu.dma_semaphore, #tpu.memory_space<semaphore_mem>>) src(%dma_wait3A_568 : memref<32x128xf32, #tpu.memory_space<vmem>>) dst(%dma_wait3A_574 : memref<10240x128xf32, #tpu.memory_space<vmem_shared>>)
          %add3A_575 = arith.constant 7 : i32
          %add3A_576 = arith.addi %add3A_229, %add3A_575 : i32
          %sub3A_577 = arith.constant 2 : i32
          %sub3A_578 = arith.subi %add3A_576, %sub3A_577 : i32
          %add3A_579 = arith.constant 8 : i32
          %add3A_580 = arith.addi %sub3A_578, %add3A_579 : i32
          %dma_start3A_581 = arith.constant 5 : i32
          %dma_start3A_582 = arith.constant 0 : i32
          %dma_start3A_583 = arith.constant 0 : i32
          %dma_start3A_584 = tpu.memref_slice %arg8[%dma_start3A_581, %dma_start3A_582, %dma_start3A_583] : memref<8x32x128xf32, #tpu.memory_space<vmem>> -> memref<1x32x128xf32, #tpu.memory_space<vmem>>
          %dma_start3A_585 = tpu.memref_squeeze %dma_start3A_584 : memref<1x32x128xf32, #tpu.memory_space<vmem>> -> memref<32x128xf32, #tpu.memory_space<vmem>>
          %dma_start3A_586 = arith.constant 0 : i32
          %dma_start3A_587 = tpu.memref_slice %arg6[%add3A_580, %dma_start3A_586] : memref<40x32xi32, #tpu.memory_space<vmem>> -> memref<1x32xi32, #tpu.memory_space<vmem>>
          %dma_start3A_588 = tpu.memref_squeeze %dma_start3A_587 : memref<1x32xi32, #tpu.memory_space<vmem>> -> memref<32xi32, #tpu.memory_space<vmem>>
          %dma_start3A_589 = arith.constant 0 : i32
          %dma_start3A_590 = arith.constant 0 : i32
          %dma_start3A_591 = tpu.memref_slice %arg2[%dma_start3A_589, %dma_start3A_590] : memref<10240x128xf32, #tpu.memory_space<hbm>> -> memref<10240x128xf32, #tpu.memory_space<hbm>>
          tpu.enqueue_indirect_dma source(%dma_start3A_591 : memref<10240x128xf32, #tpu.memory_space<hbm>>) target(%dma_start3A_585 : memref<32x128xf32, #tpu.memory_space<vmem>>) offsets(%dma_start3A_588 : memref<32xi32, #tpu.memory_space<vmem>>) semaphore(%arg15 : memref<!tpu.dma_semaphore, #tpu.memory_space<semaphore_mem>>)
        } else {
        }
        %add3A_534 = arith.constant 7 : i32
        %add3A_535 = arith.addi %add3A_229, %add3A_534 : i32
        %dma_wait3A_536 = arith.constant 7 : i32
        %dma_wait3A_537 = arith.constant 0 : i32
        %dma_wait3A_538 = arith.constant 0 : i32
        %dma_wait3A_539 = tpu.memref_slice %arg8[%dma_wait3A_536, %dma_wait3A_537, %dma_wait3A_538] : memref<8x32x128xf32, #tpu.memory_space<vmem>> -> memref<1x32x128xf32, #tpu.memory_space<vmem>>
        %dma_wait3A_540 = tpu.memref_squeeze %dma_wait3A_539 : memref<1x32x128xf32, #tpu.memory_space<vmem>> -> memref<32x128xf32, #tpu.memory_space<vmem>>
        %dma_wait3A_541 = arith.constant 0 : i32
        %dma_wait3A_542 = tpu.memref_slice %arg6[%add3A_535, %dma_wait3A_541] : memref<40x32xi32, #tpu.memory_space<vmem>> -> memref<1x32xi32, #tpu.memory_space<vmem>>
        %dma_wait3A_543 = tpu.memref_squeeze %dma_wait3A_542 : memref<1x32xi32, #tpu.memory_space<vmem>> -> memref<32xi32, #tpu.memory_space<vmem>>
        %dma_wait3A_544 = arith.constant 0 : i32
        %dma_wait3A_545 = arith.constant 0 : i32
        %dma_wait3A_546 = tpu.memref_slice %arg2[%dma_wait3A_544, %dma_wait3A_545] : memref<10240x128xf32, #tpu.memory_space<hbm>> -> memref<10240x128xf32, #tpu.memory_space<hbm>>
        tpu.wait_indirect_dma semaphore(%arg17 : memref<!tpu.dma_semaphore, #tpu.memory_space<semaphore_mem>>) src(%dma_wait3A_546 : memref<10240x128xf32, #tpu.memory_space<hbm>>) dst(%dma_wait3A_540 : memref<32x128xf32, #tpu.memory_space<vmem>>)
        %add3A_547 = arith.constant 7 : i32
        %add3A_548 = arith.addi %add3A_229, %add3A_547 : i32
        %dma_start3A_549 = arith.constant 7 : i32
        %dma_start3A_550 = arith.constant 0 : i32
        %dma_start3A_551 = arith.constant 0 : i32
        %dma_start3A_552 = tpu.memref_slice %arg8[%dma_start3A_549, %dma_start3A_550, %dma_start3A_551] : memref<8x32x128xf32, #tpu.memory_space<vmem>> -> memref<1x32x128xf32, #tpu.memory_space<vmem>>
        %dma_start3A_553 = tpu.memref_squeeze %dma_start3A_552 : memref<1x32x128xf32, #tpu.memory_space<vmem>> -> memref<32x128xf32, #tpu.memory_space<vmem>>
        %dma_start3A_554 = arith.constant 0 : i32
        %dma_start3A_555 = tpu.memref_slice %arg7[%add3A_548, %dma_start3A_554] : memref<40x32xi32, #tpu.memory_space<vmem>> -> memref<1x32xi32, #tpu.memory_space<vmem>>
        %dma_start3A_556 = tpu.memref_squeeze %dma_start3A_555 : memref<1x32xi32, #tpu.memory_space<vmem>> -> memref<32xi32, #tpu.memory_space<vmem>>
        %dma_start3A_557 = arith.constant 0 : i32
        %dma_start3A_558 = arith.constant 0 : i32
        %dma_start3A_559 = tpu.memref_slice %arg9[%dma_start3A_557, %dma_start3A_558] : memref<10240x128xf32, #tpu.memory_space<vmem_shared>> -> memref<10240x128xf32, #tpu.memory_space<vmem_shared>>
        tpu.enqueue_indirect_dma source(%dma_start3A_553 : memref<32x128xf32, #tpu.memory_space<vmem>>) target(%dma_start3A_559 : memref<10240x128xf32, #tpu.memory_space<vmem_shared>>) offsets(%dma_start3A_556 : memref<32xi32, #tpu.memory_space<vmem>>) semaphore(%arg25 : memref<!tpu.dma_semaphore, #tpu.memory_space<semaphore_mem>>) {add = true}
      }
      %scan3A_129 = arith.constant 5 : i32
      %dma_wait3A = arith.constant 0 : i32
      %dma_wait3A_130 = arith.constant 32 : i32
      %dma_wait3A_131 = arith.constant 0 : i32
      %dma_wait3A_132 = arith.constant 0 : i32
      %dma_wait3A_133 = tpu.memref_slice %arg8[%dma_wait3A, %dma_wait3A_131, %dma_wait3A_132] : memref<8x32x128xf32, #tpu.memory_space<vmem>> -> memref<1x32x128xf32, #tpu.memory_space<vmem>>
      %dma_wait3A_134 = tpu.memref_squeeze %dma_wait3A_133 : memref<1x32x128xf32, #tpu.memory_space<vmem>> -> memref<32x128xf32, #tpu.memory_space<vmem>>
      %dma_wait3A_135 = arith.constant 0 : i32
      %dma_wait3A_136 = tpu.memref_slice %arg7[%dma_wait3A_130, %dma_wait3A_135] : memref<40x32xi32, #tpu.memory_space<vmem>> -> memref<1x32xi32, #tpu.memory_space<vmem>>
      %dma_wait3A_137 = tpu.memref_squeeze %dma_wait3A_136 : memref<1x32xi32, #tpu.memory_space<vmem>> -> memref<32xi32, #tpu.memory_space<vmem>>
      %dma_wait3A_138 = arith.constant 0 : i32
      %dma_wait3A_139 = arith.constant 0 : i32
      %dma_wait3A_140 = tpu.memref_slice %arg9[%dma_wait3A_138, %dma_wait3A_139] : memref<10240x128xf32, #tpu.memory_space<vmem_shared>> -> memref<10240x128xf32, #tpu.memory_space<vmem_shared>>
      tpu.wait_indirect_dma semaphore(%arg18 : memref<!tpu.dma_semaphore, #tpu.memory_space<semaphore_mem>>) src(%dma_wait3A_134 : memref<32x128xf32, #tpu.memory_space<vmem>>) dst(%dma_wait3A_140 : memref<10240x128xf32, #tpu.memory_space<vmem_shared>>)
      %dma_wait3A_141 = arith.constant 1 : i32
      %dma_wait3A_142 = arith.constant 33 : i32
      %dma_wait3A_143 = arith.constant 0 : i32
      %dma_wait3A_144 = arith.constant 0 : i32
      %dma_wait3A_145 = tpu.memref_slice %arg8[%dma_wait3A_141, %dma_wait3A_143, %dma_wait3A_144] : memref<8x32x128xf32, #tpu.memory_space<vmem>> -> memref<1x32x128xf32, #tpu.memory_space<vmem>>
      %dma_wait3A_146 = tpu.memref_squeeze %dma_wait3A_145 : memref<1x32x128xf32, #tpu.memory_space<vmem>> -> memref<32x128xf32, #tpu.memory_space<vmem>>
      %dma_wait3A_147 = arith.constant 0 : i32
      %dma_wait3A_148 = tpu.memref_slice %arg7[%dma_wait3A_142, %dma_wait3A_147] : memref<40x32xi32, #tpu.memory_space<vmem>> -> memref<1x32xi32, #tpu.memory_space<vmem>>
      %dma_wait3A_149 = tpu.memref_squeeze %dma_wait3A_148 : memref<1x32xi32, #tpu.memory_space<vmem>> -> memref<32xi32, #tpu.memory_space<vmem>>
      %dma_wait3A_150 = arith.constant 0 : i32
      %dma_wait3A_151 = arith.constant 0 : i32
      %dma_wait3A_152 = tpu.memref_slice %arg9[%dma_wait3A_150, %dma_wait3A_151] : memref<10240x128xf32, #tpu.memory_space<vmem_shared>> -> memref<10240x128xf32, #tpu.memory_space<vmem_shared>>
      tpu.wait_indirect_dma semaphore(%arg19 : memref<!tpu.dma_semaphore, #tpu.memory_space<semaphore_mem>>) src(%dma_wait3A_146 : memref<32x128xf32, #tpu.memory_space<vmem>>) dst(%dma_wait3A_152 : memref<10240x128xf32, #tpu.memory_space<vmem_shared>>)
      %dma_wait3A_153 = arith.constant 2 : i32
      %dma_wait3A_154 = arith.constant 34 : i32
      %dma_wait3A_155 = arith.constant 0 : i32
      %dma_wait3A_156 = arith.constant 0 : i32
      %dma_wait3A_157 = tpu.memref_slice %arg8[%dma_wait3A_153, %dma_wait3A_155, %dma_wait3A_156] : memref<8x32x128xf32, #tpu.memory_space<vmem>> -> memref<1x32x128xf32, #tpu.memory_space<vmem>>
      %dma_wait3A_158 = tpu.memref_squeeze %dma_wait3A_157 : memref<1x32x128xf32, #tpu.memory_space<vmem>> -> memref<32x128xf32, #tpu.memory_space<vmem>>
      %dma_wait3A_159 = arith.constant 0 : i32
      %dma_wait3A_160 = tpu.memref_slice %arg7[%dma_wait3A_154, %dma_wait3A_159] : memref<40x32xi32, #tpu.memory_space<vmem>> -> memref<1x32xi32, #tpu.memory_space<vmem>>
      %dma_wait3A_161 = tpu.memref_squeeze %dma_wait3A_160 : memref<1x32xi32, #tpu.memory_space<vmem>> -> memref<32xi32, #tpu.memory_space<vmem>>
      %dma_wait3A_162 = arith.constant 0 : i32
      %dma_wait3A_163 = arith.constant 0 : i32
      %dma_wait3A_164 = tpu.memref_slice %arg9[%dma_wait3A_162, %dma_wait3A_163] : memref<10240x128xf32, #tpu.memory_space<vmem_shared>> -> memref<10240x128xf32, #tpu.memory_space<vmem_shared>>
      tpu.wait_indirect_dma semaphore(%arg20 : memref<!tpu.dma_semaphore, #tpu.memory_space<semaphore_mem>>) src(%dma_wait3A_158 : memref<32x128xf32, #tpu.memory_space<vmem>>) dst(%dma_wait3A_164 : memref<10240x128xf32, #tpu.memory_space<vmem_shared>>)
      %dma_wait3A_165 = arith.constant 3 : i32
      %dma_wait3A_166 = arith.constant 35 : i32
      %dma_wait3A_167 = arith.constant 0 : i32
      %dma_wait3A_168 = arith.constant 0 : i32
      %dma_wait3A_169 = tpu.memref_slice %arg8[%dma_wait3A_165, %dma_wait3A_167, %dma_wait3A_168] : memref<8x32x128xf32, #tpu.memory_space<vmem>> -> memref<1x32x128xf32, #tpu.memory_space<vmem>>
      %dma_wait3A_170 = tpu.memref_squeeze %dma_wait3A_169 : memref<1x32x128xf32, #tpu.memory_space<vmem>> -> memref<32x128xf32, #tpu.memory_space<vmem>>
      %dma_wait3A_171 = arith.constant 0 : i32
      %dma_wait3A_172 = tpu.memref_slice %arg7[%dma_wait3A_166, %dma_wait3A_171] : memref<40x32xi32, #tpu.memory_space<vmem>> -> memref<1x32xi32, #tpu.memory_space<vmem>>
      %dma_wait3A_173 = tpu.memref_squeeze %dma_wait3A_172 : memref<1x32xi32, #tpu.memory_space<vmem>> -> memref<32xi32, #tpu.memory_space<vmem>>
      %dma_wait3A_174 = arith.constant 0 : i32
      %dma_wait3A_175 = arith.constant 0 : i32
      %dma_wait3A_176 = tpu.memref_slice %arg9[%dma_wait3A_174, %dma_wait3A_175] : memref<10240x128xf32, #tpu.memory_space<vmem_shared>> -> memref<10240x128xf32, #tpu.memory_space<vmem_shared>>
      tpu.wait_indirect_dma semaphore(%arg21 : memref<!tpu.dma_semaphore, #tpu.memory_space<semaphore_mem>>) src(%dma_wait3A_170 : memref<32x128xf32, #tpu.memory_space<vmem>>) dst(%dma_wait3A_176 : memref<10240x128xf32, #tpu.memory_space<vmem_shared>>)
      %dma_wait3A_177 = arith.constant 4 : i32
      %dma_wait3A_178 = arith.constant 36 : i32
      %dma_wait3A_179 = arith.constant 0 : i32
      %dma_wait3A_180 = arith.constant 0 : i32
      %dma_wait3A_181 = tpu.memref_slice %arg8[%dma_wait3A_177, %dma_wait3A_179, %dma_wait3A_180] : memref<8x32x128xf32, #tpu.memory_space<vmem>> -> memref<1x32x128xf32, #tpu.memory_space<vmem>>
      %dma_wait3A_182 = tpu.memref_squeeze %dma_wait3A_181 : memref<1x32x128xf32, #tpu.memory_space<vmem>> -> memref<32x128xf32, #tpu.memory_space<vmem>>
      %dma_wait3A_183 = arith.constant 0 : i32
      %dma_wait3A_184 = tpu.memref_slice %arg7[%dma_wait3A_178, %dma_wait3A_183] : memref<40x32xi32, #tpu.memory_space<vmem>> -> memref<1x32xi32, #tpu.memory_space<vmem>>
      %dma_wait3A_185 = tpu.memref_squeeze %dma_wait3A_184 : memref<1x32xi32, #tpu.memory_space<vmem>> -> memref<32xi32, #tpu.memory_space<vmem>>
      %dma_wait3A_186 = arith.constant 0 : i32
      %dma_wait3A_187 = arith.constant 0 : i32
      %dma_wait3A_188 = tpu.memref_slice %arg9[%dma_wait3A_186, %dma_wait3A_187] : memref<10240x128xf32, #tpu.memory_space<vmem_shared>> -> memref<10240x128xf32, #tpu.memory_space<vmem_shared>>
      tpu.wait_indirect_dma semaphore(%arg22 : memref<!tpu.dma_semaphore, #tpu.memory_space<semaphore_mem>>) src(%dma_wait3A_182 : memref<32x128xf32, #tpu.memory_space<vmem>>) dst(%dma_wait3A_188 : memref<10240x128xf32, #tpu.memory_space<vmem_shared>>)
      %dma_wait3A_189 = arith.constant 5 : i32
      %dma_wait3A_190 = arith.constant 37 : i32
      %dma_wait3A_191 = arith.constant 0 : i32
      %dma_wait3A_192 = arith.constant 0 : i32
      %dma_wait3A_193 = tpu.memref_slice %arg8[%dma_wait3A_189, %dma_wait3A_191, %dma_wait3A_192] : memref<8x32x128xf32, #tpu.memory_space<vmem>> -> memref<1x32x128xf32, #tpu.memory_space<vmem>>
      %dma_wait3A_194 = tpu.memref_squeeze %dma_wait3A_193 : memref<1x32x128xf32, #tpu.memory_space<vmem>> -> memref<32x128xf32, #tpu.memory_space<vmem>>
      %dma_wait3A_195 = arith.constant 0 : i32
      %dma_wait3A_196 = tpu.memref_slice %arg7[%dma_wait3A_190, %dma_wait3A_195] : memref<40x32xi32, #tpu.memory_space<vmem>> -> memref<1x32xi32, #tpu.memory_space<vmem>>
      %dma_wait3A_197 = tpu.memref_squeeze %dma_wait3A_196 : memref<1x32xi32, #tpu.memory_space<vmem>> -> memref<32xi32, #tpu.memory_space<vmem>>
      %dma_wait3A_198 = arith.constant 0 : i32
      %dma_wait3A_199 = arith.constant 0 : i32
      %dma_wait3A_200 = tpu.memref_slice %arg9[%dma_wait3A_198, %dma_wait3A_199] : memref<10240x128xf32, #tpu.memory_space<vmem_shared>> -> memref<10240x128xf32, #tpu.memory_space<vmem_shared>>
      tpu.wait_indirect_dma semaphore(%arg23 : memref<!tpu.dma_semaphore, #tpu.memory_space<semaphore_mem>>) src(%dma_wait3A_194 : memref<32x128xf32, #tpu.memory_space<vmem>>) dst(%dma_wait3A_200 : memref<10240x128xf32, #tpu.memory_space<vmem_shared>>)
      %dma_wait3A_201 = arith.constant 6 : i32
      %dma_wait3A_202 = arith.constant 38 : i32
      %dma_wait3A_203 = arith.constant 0 : i32
      %dma_wait3A_204 = arith.constant 0 : i32
      %dma_wait3A_205 = tpu.memref_slice %arg8[%dma_wait3A_201, %dma_wait3A_203, %dma_wait3A_204] : memref<8x32x128xf32, #tpu.memory_space<vmem>> -> memref<1x32x128xf32, #tpu.memory_space<vmem>>
      %dma_wait3A_206 = tpu.memref_squeeze %dma_wait3A_205 : memref<1x32x128xf32, #tpu.memory_space<vmem>> -> memref<32x128xf32, #tpu.memory_space<vmem>>
      %dma_wait3A_207 = arith.constant 0 : i32
      %dma_wait3A_208 = tpu.memref_slice %arg7[%dma_wait3A_202, %dma_wait3A_207] : memref<40x32xi32, #tpu.memory_space<vmem>> -> memref<1x32xi32, #tpu.memory_space<vmem>>
      %dma_wait3A_209 = tpu.memref_squeeze %dma_wait3A_208 : memref<1x32xi32, #tpu.memory_space<vmem>> -> memref<32xi32, #tpu.memory_space<vmem>>
      %dma_wait3A_210 = arith.constant 0 : i32
      %dma_wait3A_211 = arith.constant 0 : i32
      %dma_wait3A_212 = tpu.memref_slice %arg9[%dma_wait3A_210, %dma_wait3A_211] : memref<10240x128xf32, #tpu.memory_space<vmem_shared>> -> memref<10240x128xf32, #tpu.memory_space<vmem_shared>>
      tpu.wait_indirect_dma semaphore(%arg24 : memref<!tpu.dma_semaphore, #tpu.memory_space<semaphore_mem>>) src(%dma_wait3A_206 : memref<32x128xf32, #tpu.memory_space<vmem>>) dst(%dma_wait3A_212 : memref<10240x128xf32, #tpu.memory_space<vmem_shared>>)
      %dma_wait3A_213 = arith.constant 7 : i32
      %dma_wait3A_214 = arith.constant 39 : i32
      %dma_wait3A_215 = arith.constant 0 : i32
      %dma_wait3A_216 = arith.constant 0 : i32
      %dma_wait3A_217 = tpu.memref_slice %arg8[%dma_wait3A_213, %dma_wait3A_215, %dma_wait3A_216] : memref<8x32x128xf32, #tpu.memory_space<vmem>> -> memref<1x32x128xf32, #tpu.memory_space<vmem>>
      %dma_wait3A_218 = tpu.memref_squeeze %dma_wait3A_217 : memref<1x32x128xf32, #tpu.memory_space<vmem>> -> memref<32x128xf32, #tpu.memory_space<vmem>>
      %dma_wait3A_219 = arith.constant 0 : i32
      %dma_wait3A_220 = tpu.memref_slice %arg7[%dma_wait3A_214, %dma_wait3A_219] : memref<40x32xi32, #tpu.memory_space<vmem>> -> memref<1x32xi32, #tpu.memory_space<vmem>>
      %dma_wait3A_221 = tpu.memref_squeeze %dma_wait3A_220 : memref<1x32xi32, #tpu.memory_space<vmem>> -> memref<32xi32, #tpu.memory_space<vmem>>
      %dma_wait3A_222 = arith.constant 0 : i32
      %dma_wait3A_223 = arith.constant 0 : i32
      %dma_wait3A_224 = tpu.memref_slice %arg9[%dma_wait3A_222, %dma_wait3A_223] : memref<10240x128xf32, #tpu.memory_space<vmem_shared>> -> memref<10240x128xf32, #tpu.memory_space<vmem_shared>>
      tpu.wait_indirect_dma semaphore(%arg25 : memref<!tpu.dma_semaphore, #tpu.memory_space<semaphore_mem>>) src(%dma_wait3A_218 : memref<32x128xf32, #tpu.memory_space<vmem>>) dst(%dma_wait3A_224 : memref<10240x128xf32, #tpu.memory_space<vmem_shared>>)
    }
    %scan3A_15 = arith.constant 8 : i32
    %barrier3A_16 = arith.constant 0 : index
    tpu.barrier barrier_id(%barrier3A_16)
    %mul3A_17 = arith.constant 640 : i32
    %mul3A_18 = arith.muli %arg1, %mul3A_17 : i32
    %mul3A_19 = arith.constant 640 : i32
    %mul3A_20 = arith.muli %arg1, %mul3A_19 : i32
    "tpu.region"() ({
      %run_scoped3A = tpu.sem_alloc : memref<!tpu.dma_semaphore, #tpu.memory_space<semaphore_mem>>
      %dma_start3A = arith.constant 0 : i32
      %dma_start3A_21 = arith.constant 0 : i32
      %dma_start3A_22 = tpu.memref_slice %arg5[%arg0, %dma_start3A, %dma_start3A_21] : memref<2x10240x128xf32, #tpu.memory_space<hbm>> -> memref<1x10240x128xf32, #tpu.memory_space<hbm>>
      %dma_start3A_23 = tpu.memref_squeeze %dma_start3A_22 : memref<1x10240x128xf32, #tpu.memory_space<hbm>> -> memref<10240x128xf32, #tpu.memory_space<hbm>>
      %dma_start3A_24 = arith.constant 0 : i32
      %dma_start3A_25 = tpu.memref_slice %dma_start3A_23[%mul3A_20, %dma_start3A_24] : memref<10240x128xf32, #tpu.memory_space<hbm>> -> memref<640x128xf32, #tpu.memory_space<hbm>>
      %dma_start3A_26 = arith.constant 0 : i32
      %dma_start3A_27 = tpu.memref_slice %arg9[%mul3A_18, %dma_start3A_26] : memref<10240x128xf32, #tpu.memory_space<vmem_shared>> -> memref<640x128xf32, #tpu.memory_space<vmem_shared>>
      tpu.enqueue_dma source(%dma_start3A_27 : memref<640x128xf32, #tpu.memory_space<vmem_shared>>) target(%dma_start3A_25 : memref<640x128xf32, #tpu.memory_space<hbm>>) target_semaphore(%run_scoped3A : memref<!tpu.dma_semaphore, #tpu.memory_space<semaphore_mem>>)
      %dma_wait3A = arith.constant 0 : i32
      %dma_wait3A_28 = arith.constant 0 : i32
      %dma_wait3A_29 = tpu.memref_slice %arg5[%arg0, %dma_wait3A, %dma_wait3A_28] : memref<2x10240x128xf32, #tpu.memory_space<hbm>> -> memref<1x10240x128xf32, #tpu.memory_space<hbm>>
      %dma_wait3A_30 = tpu.memref_squeeze %dma_wait3A_29 : memref<1x10240x128xf32, #tpu.memory_space<hbm>> -> memref<10240x128xf32, #tpu.memory_space<hbm>>
      %dma_wait3A_31 = arith.constant 0 : i32
      %dma_wait3A_32 = tpu.memref_slice %dma_wait3A_30[%mul3A_20, %dma_wait3A_31] : memref<10240x128xf32, #tpu.memory_space<hbm>> -> memref<640x128xf32, #tpu.memory_space<hbm>>
      %dma_wait3A_33 = arith.constant 0 : i32
      %dma_wait3A_34 = tpu.memref_slice %arg9[%mul3A_18, %dma_wait3A_33] : memref<10240x128xf32, #tpu.memory_space<vmem_shared>> -> memref<640x128xf32, #tpu.memory_space<vmem_shared>>
      tpu.wait_dma2 semaphore(%run_scoped3A : memref<!tpu.dma_semaphore, #tpu.memory_space<semaphore_mem>>) src(%dma_wait3A_34 : memref<640x128xf32, #tpu.memory_space<vmem_shared>>) dst(%dma_wait3A_32 : memref<640x128xf32, #tpu.memory_space<hbm>>)
      tpu.yield
    }) : () -> ()
    return
  }
}

#map = affine_map<(d0, d1) -> (0, 0, 0)>
#map1 = affine_map<(d0, d1) -> (0, 0)>
module attributes {stable_mosaic.version = 14 : i64} {
  func.func @k(%arg0: i32, %arg1: i32, %arg2: memref<32x640x16xi32, #tpu.memory_space<hbm>>, %arg3: memref<32x10240xf32, #tpu.memory_space<hbm>>, %arg4: memref<640x16xi32, #tpu.memory_space<vmem>>, %arg5: memref<10240xf32, #tpu.memory_space<vmem>>) attributes {dimension_semantics = [#tpu.dimension_semantics<core_parallel>, #tpu.dimension_semantics<subcore_parallel>], iteration_bounds = array<i64: 2, 16>, scalar_prefetch = 0 : i64, scratch_operands = 2 : i64, tpu.core_type = #tpu.core_type<sc_vector_subcore>, window_params = [{transform_indices = #map}, {transform_indices = #map1}]} {
    %mul3A = arith.constant 2 : i32
    %mul3A_0 = arith.muli %arg1, %mul3A : i32
    %add3A = arith.addi %mul3A_0, %arg0 : i32
    %broadcast_in_dim3A = arith.constant 0.000000e+00 : f32
    %broadcast_in_dim3A_1 = vector.broadcast %broadcast_in_dim3A : f32 to vector<16xf32>
    %broadcast_in_dim3A_2 = arith.constant 1.000000e+00 : f32
    %broadcast_in_dim3A_3 = vector.broadcast %broadcast_in_dim3A_2 : f32 to vector<16xf32>
    %scan3A = arith.constant 0 : i32
    %scan3A_4 = arith.constant 640 : i32
    %scan3A_5 = arith.addi %scan3A, %scan3A_4 : i32
    %scan3A_6 = arith.constant 1 : i32
    scf.for %scan3A_13 = %scan3A to %scan3A_5 step %scan3A_6  : i32 {
      %mul3A_14 = arith.constant 1 : i32
      %mul3A_15 = arith.muli %scan3A_13, %mul3A_14 : i32
      %add3A_16 = arith.constant 0 : i32
      %add3A_17 = arith.addi %add3A_16, %mul3A_15 : i32
      %mul3A_18 = arith.constant 16 : i32
      %mul3A_19 = arith.muli %add3A_17, %mul3A_18 : i32
      %swap3A = arith.index_cast %mul3A_19 : i32 to index
      %swap3A_20 = tpu.vector_load %arg5[%swap3A] {strides = array<i32>} : memref<10240xf32, #tpu.memory_space<vmem>>, vector<16xf32>,
      tpu.vector_store %arg5[%swap3A], %broadcast_in_dim3A_1 {strides = array<i32>} : memref<10240xf32, #tpu.memory_space<vmem>>, vector<16xf32>,
    }
    %scan3A_7 = arith.constant 640 : i32
    "tpu.region"() ({
      %run_scoped3A = tpu.sem_alloc : memref<!tpu.dma_semaphore, #tpu.memory_space<semaphore_mem>>
      %dma_start3A = arith.constant 0 : i32
      %dma_start3A_13 = arith.constant 0 : i32
      %dma_start3A_14 = tpu.memref_slice %arg2[%add3A, %dma_start3A, %dma_start3A_13] : memref<32x640x16xi32, #tpu.memory_space<hbm>> -> memref<1x640x16xi32, #tpu.memory_space<hbm>>
      %dma_start3A_15 = tpu.memref_squeeze %dma_start3A_14 : memref<1x640x16xi32, #tpu.memory_space<hbm>> -> memref<640x16xi32, #tpu.memory_space<hbm>>
      %dma_start3A_16 = arith.constant 0 : i32
      %dma_start3A_17 = arith.constant 0 : i32
      %dma_start3A_18 = tpu.memref_slice %arg2[%add3A, %dma_start3A_16, %dma_start3A_17] : memref<32x640x16xi32, #tpu.memory_space<hbm>> -> memref<1x640x16xi32, #tpu.memory_space<hbm>>
      %dma_start3A_19 = tpu.memref_squeeze %dma_start3A_18 : memref<1x640x16xi32, #tpu.memory_space<hbm>> -> memref<640x16xi32, #tpu.memory_space<hbm>>
      tpu.enqueue_dma source(%dma_start3A_19 : memref<640x16xi32, #tpu.memory_space<hbm>>) target(%arg4 : memref<640x16xi32, #tpu.memory_space<vmem>>) target_semaphore(%run_scoped3A : memref<!tpu.dma_semaphore, #tpu.memory_space<semaphore_mem>>)
      %dma_wait3A = arith.constant 0 : i32
      %dma_wait3A_20 = arith.constant 0 : i32
      %dma_wait3A_21 = tpu.memref_slice %arg2[%add3A, %dma_wait3A, %dma_wait3A_20] : memref<32x640x16xi32, #tpu.memory_space<hbm>> -> memref<1x640x16xi32, #tpu.memory_space<hbm>>
      %dma_wait3A_22 = tpu.memref_squeeze %dma_wait3A_21 : memref<1x640x16xi32, #tpu.memory_space<hbm>> -> memref<640x16xi32, #tpu.memory_space<hbm>>
      %dma_wait3A_23 = arith.constant 0 : i32
      %dma_wait3A_24 = arith.constant 0 : i32
      %dma_wait3A_25 = tpu.memref_slice %arg2[%add3A, %dma_wait3A_23, %dma_wait3A_24] : memref<32x640x16xi32, #tpu.memory_space<hbm>> -> memref<1x640x16xi32, #tpu.memory_space<hbm>>
      %dma_wait3A_26 = tpu.memref_squeeze %dma_wait3A_25 : memref<1x640x16xi32, #tpu.memory_space<hbm>> -> memref<640x16xi32, #tpu.memory_space<hbm>>
      tpu.wait_dma2 semaphore(%run_scoped3A : memref<!tpu.dma_semaphore, #tpu.memory_space<semaphore_mem>>) src(%dma_wait3A_26 : memref<640x16xi32, #tpu.memory_space<hbm>>) dst(%arg4 : memref<640x16xi32, #tpu.memory_space<vmem>>)
      tpu.yield
    }) : () -> ()
    %scan3A_8 = arith.constant 0 : i32
    %scan3A_9 = arith.constant 640 : i32
    %scan3A_10 = arith.addi %scan3A_8, %scan3A_9 : i32
    %scan3A_11 = arith.constant 1 : i32
    scf.for %scan3A_13 = %scan3A_8 to %scan3A_10 step %scan3A_11  : i32 {
      %mul3A_14 = arith.constant 1 : i32
      %mul3A_15 = arith.muli %scan3A_13, %mul3A_14 : i32
      %add3A_16 = arith.constant 0 : i32
      %add3A_17 = arith.addi %add3A_16, %mul3A_15 : i32
      %get3A = arith.index_cast %add3A_17 : i32 to index
      %get3A_18 = arith.constant 0 : index
      %get3A_19 = tpu.vector_load %arg4[%get3A, %get3A_18] {strides = array<i32>} : memref<640x16xi32, #tpu.memory_space<vmem>>, vector<16xi32>,
      tpu.vector_store_idx %arg5[%get3A_19], %broadcast_in_dim3A_3 {add = true} : memref<10240xf32, #tpu.memory_space<vmem>>[vector<16xi32>], vector<16xf32>,
    }
    %scan3A_12 = arith.constant 640 : i32
    "tpu.region"() ({
      %run_scoped3A = tpu.sem_alloc : memref<!tpu.dma_semaphore, #tpu.memory_space<semaphore_mem>>
      %dma_start3A = arith.constant 0 : i32
      %dma_start3A_13 = tpu.memref_slice %arg3[%add3A, %dma_start3A] : memref<32x10240xf32, #tpu.memory_space<hbm>> -> memref<1x10240xf32, #tpu.memory_space<hbm>>
      %dma_start3A_14 = tpu.memref_squeeze %dma_start3A_13 : memref<1x10240xf32, #tpu.memory_space<hbm>> -> memref<10240xf32, #tpu.memory_space<hbm>>
      %dma_start3A_15 = arith.constant 0 : i32
      %dma_start3A_16 = tpu.memref_slice %arg3[%add3A, %dma_start3A_15] : memref<32x10240xf32, #tpu.memory_space<hbm>> -> memref<1x10240xf32, #tpu.memory_space<hbm>>
      %dma_start3A_17 = tpu.memref_squeeze %dma_start3A_16 : memref<1x10240xf32, #tpu.memory_space<hbm>> -> memref<10240xf32, #tpu.memory_space<hbm>>
      tpu.enqueue_dma source(%arg5 : memref<10240xf32, #tpu.memory_space<vmem>>) target(%dma_start3A_17 : memref<10240xf32, #tpu.memory_space<hbm>>) target_semaphore(%run_scoped3A : memref<!tpu.dma_semaphore, #tpu.memory_space<semaphore_mem>>)
      %dma_wait3A = arith.constant 0 : i32
      %dma_wait3A_18 = tpu.memref_slice %arg3[%add3A, %dma_wait3A] : memref<32x10240xf32, #tpu.memory_space<hbm>> -> memref<1x10240xf32, #tpu.memory_space<hbm>>
      %dma_wait3A_19 = tpu.memref_squeeze %dma_wait3A_18 : memref<1x10240xf32, #tpu.memory_space<hbm>> -> memref<10240xf32, #tpu.memory_space<hbm>>
      %dma_wait3A_20 = arith.constant 0 : i32
      %dma_wait3A_21 = tpu.memref_slice %arg3[%add3A, %dma_wait3A_20] : memref<32x10240xf32, #tpu.memory_space<hbm>> -> memref<1x10240xf32, #tpu.memory_space<hbm>>
      %dma_wait3A_22 = tpu.memref_squeeze %dma_wait3A_21 : memref<1x10240xf32, #tpu.memory_space<hbm>> -> memref<10240xf32, #tpu.memory_space<hbm>>
      tpu.wait_dma2 semaphore(%run_scoped3A : memref<!tpu.dma_semaphore, #tpu.memory_space<semaphore_mem>>) src(%arg5 : memref<10240xf32, #tpu.memory_space<vmem>>) dst(%dma_wait3A_22 : memref<10240xf32, #tpu.memory_space<hbm>>)
      tpu.yield
    }) : () -> ()
    return
  }
}

#map = affine_map<(d0, d1) -> (0, 0)>
#map1 = affine_map<(d0, d1) -> (0, 0, 0)>
module attributes {stable_mosaic.version = 14 : i64} {
  func.func @k(%arg0: i32, %arg1: i32, %arg2: memref<10240x128xf32, #tpu.memory_space<hbm>>, %arg3: memref<32x320x32xi32, #tpu.memory_space<hbm>>, %arg4: memref<32x320x32xi32, #tpu.memory_space<hbm>>, %arg5: memref<2x10240x128xf32, #tpu.memory_space<hbm>>, %arg6: memref<40x32xi32, #tpu.memory_space<vmem>>, %arg7: memref<40x32xi32, #tpu.memory_space<vmem>>, %arg8: memref<8x32x128xf32, #tpu.memory_space<vmem>>, %arg9: memref<10240x128xf32, #tpu.memory_space<vmem_shared>>, %arg10: memref<!tpu.dma_semaphore, #tpu.memory_space<semaphore_mem>>, %arg11: memref<!tpu.dma_semaphore, #tpu.memory_space<semaphore_mem>>, %arg12: memref<!tpu.dma_semaphore, #tpu.memory_space<semaphore_mem>>, %arg13: memref<!tpu.dma_semaphore, #tpu.memory_space<semaphore_mem>>, %arg14: memref<!tpu.dma_semaphore, #tpu.memory_space<semaphore_mem>>, %arg15: memref<!tpu.dma_semaphore, #tpu.memory_space<semaphore_mem>>, %arg16: memref<!tpu.dma_semaphore, #tpu.memory_space<semaphore_mem>>, %arg17: memref<!tpu.dma_semaphore, #tpu.memory_space<semaphore_mem>>, %arg18: memref<!tpu.dma_semaphore, #tpu.memory_space<semaphore_mem>>, %arg19: memref<!tpu.dma_semaphore, #tpu.memory_space<semaphore_mem>>, %arg20: memref<!tpu.dma_semaphore, #tpu.memory_space<semaphore_mem>>, %arg21: memref<!tpu.dma_semaphore, #tpu.memory_space<semaphore_mem>>, %arg22: memref<!tpu.dma_semaphore, #tpu.memory_space<semaphore_mem>>, %arg23: memref<!tpu.dma_semaphore, #tpu.memory_space<semaphore_mem>>, %arg24: memref<!tpu.dma_semaphore, #tpu.memory_space<semaphore_mem>>, %arg25: memref<!tpu.dma_semaphore, #tpu.memory_space<semaphore_mem>>) attributes {dimension_semantics = [#tpu.dimension_semantics<core_parallel>, #tpu.dimension_semantics<subcore_parallel>], iteration_bounds = array<i64: 2, 16>, scalar_prefetch = 0 : i64, scratch_operands = 20 : i64, tpu.core_type = #tpu.core_type<sc_vector_subcore>, window_params = [{transform_indices = #map}, {transform_indices = #map1}, {transform_indices = #map1}, {transform_indices = #map1}]} {
    %mul3A = arith.constant 2 : i32
    %mul3A_0 = arith.muli %arg1, %mul3A : i32
    %add3A = arith.addi %mul3A_0, %arg0 : i32
    %broadcast_in_dim3A = arith.constant 0.000000e+00 : f32
    %broadcast_in_dim3A_1 = vector.broadcast %broadcast_in_dim3A : f32 to vector<16xf32>
    %scan3A = arith.constant 0 : i32
    %scan3A_2 = arith.constant 32 : i32
    %scan3A_3 = arith.addi %scan3A, %scan3A_2 : i32
    %scan3A_4 = arith.constant 1 : i32
    scf.for %scan3A_21 = %scan3A to %scan3A_3 step %scan3A_4  : i32 {
      %mul3A_22 = arith.constant 1 : i32
      %mul3A_23 = arith.muli %scan3A_21, %mul3A_22 : i32
      %add3A_24 = arith.constant 0 : i32
      %add3A_25 = arith.addi %add3A_24, %mul3A_23 : i32
      %scan3A_26 = arith.constant 0 : i32
      %scan3A_27 = arith.constant 8 : i32
      %scan3A_28 = arith.addi %scan3A_26, %scan3A_27 : i32
      %scan3A_29 = arith.constant 1 : i32
      scf.for %scan3A_31 = %scan3A_26 to %scan3A_28 step %scan3A_29  : i32 {
        %mul3A_32 = arith.constant 1 : i32
        %mul3A_33 = arith.muli %scan3A_31, %mul3A_32 : i32
        %add3A_34 = arith.constant 0 : i32
        %add3A_35 = arith.addi %add3A_34, %mul3A_33 : i32
        %mul3A_36 = arith.constant 16 : i32
        %mul3A_37 = arith.muli %add3A_35, %mul3A_36 : i32
        %swap3A = arith.constant 0 : i32
        %swap3A_38 = arith.index_cast %swap3A : i32 to index
        %swap3A_39 = arith.index_cast %add3A_25 : i32 to index
        %swap3A_40 = arith.index_cast %mul3A_37 : i32 to index
        %swap3A_41 = tpu.vector_load %arg8[%swap3A_38, %swap3A_39, %swap3A_40] {strides = array<i32>} : memref<8x32x128xf32, #tpu.memory_space<vmem>>, vector<1x1x16xf32>,
        %swap3A_42 = vector.shape_cast %swap3A_41 : vector<1x1x16xf32> to vector<16xf32>
        %swap3A_43 = vector.shape_cast %broadcast_in_dim3A_1 : vector<16xf32> to vector<1x1x16xf32>
        tpu.vector_store %arg8[%swap3A_38, %swap3A_39, %swap3A_40], %swap3A_43 {strides = array<i32>} : memref<8x32x128xf32, #tpu.memory_space<vmem>>, vector<1x1x16xf32>,
      }
      %scan3A_30 = arith.constant 8 : i32
    }
    %scan3A_5 = arith.constant 32 : i32
    %scan3A_6 = arith.constant 0 : i32
    %scan3A_7 = arith.constant 20 : i32
    %scan3A_8 = arith.addi %scan3A_6, %scan3A_7 : i32
    %scan3A_9 = arith.constant 1 : i32
    scf.for %scan3A_21 = %scan3A_6 to %scan3A_8 step %scan3A_9  : i32 {
      %mul3A_22 = arith.constant 1 : i32
      %mul3A_23 = arith.muli %scan3A_21, %mul3A_22 : i32
      %add3A_24 = arith.constant 0 : i32
      %add3A_25 = arith.addi %add3A_24, %mul3A_23 : i32
      %mul3A_26 = arith.constant 640 : i32
      %mul3A_27 = arith.muli %arg1, %mul3A_26 : i32
      %mul3A_28 = arith.constant 32 : i32
      %mul3A_29 = arith.muli %add3A_25, %mul3A_28 : i32
      %add3A_30 = arith.addi %mul3A_27, %mul3A_29 : i32
      %run_scoped3A = arith.constant 0 : i32
      "tpu.region"() ({
        %run_scoped3A_31 = tpu.sem_alloc : memref<!tpu.dma_semaphore, #tpu.memory_space<semaphore_mem>>
        %dma_start3A = arith.constant 0 : i32
        %dma_start3A_32 = arith.constant 0 : i32
        %dma_start3A_33 = tpu.memref_slice %arg8[%run_scoped3A, %dma_start3A, %dma_start3A_32] : memref<8x32x128xf32, #tpu.memory_space<vmem>> -> memref<1x32x128xf32, #tpu.memory_space<vmem>>
        %dma_start3A_34 = tpu.memref_squeeze %dma_start3A_33 : memref<1x32x128xf32, #tpu.memory_space<vmem>> -> memref<32x128xf32, #tpu.memory_space<vmem>>
        %dma_start3A_35 = arith.constant 0 : i32
        %dma_start3A_36 = tpu.memref_slice %arg9[%add3A_30, %dma_start3A_35] : memref<10240x128xf32, #tpu.memory_space<vmem_shared>> -> memref<32x128xf32, #tpu.memory_space<vmem_shared>>
        %dma_start3A_37 = arith.constant 0 : i32
        %dma_start3A_38 = tpu.memref_slice %arg9[%add3A_30, %dma_start3A_37] : memref<10240x128xf32, #tpu.memory_space<vmem_shared>> -> memref<32x128xf32, #tpu.memory_space<vmem_shared>>
        %dma_start3A_39 = arith.constant 0 : i32
        %dma_start3A_40 = arith.constant 0 : i32
        %dma_start3A_41 = tpu.memref_slice %arg8[%run_scoped3A, %dma_start3A_39, %dma_start3A_40] : memref<8x32x128xf32, #tpu.memory_space<vmem>> -> memref<1x32x128xf32, #tpu.memory_space<vmem>>
        %dma_start3A_42 = tpu.memref_squeeze %dma_start3A_41 : memref<1x32x128xf32, #tpu.memory_space<vmem>> -> memref<32x128xf32, #tpu.memory_space<vmem>>
        tpu.enqueue_dma source(%dma_start3A_42 : memref<32x128xf32, #tpu.memory_space<vmem>>) target(%dma_start3A_38 : memref<32x128xf32, #tpu.memory_space<vmem_shared>>) target_semaphore(%run_scoped3A_31 : memref<!tpu.dma_semaphore, #tpu.memory_space<semaphore_mem>>)
        %dma_wait3A = arith.constant 0 : i32
        %dma_wait3A_43 = arith.constant 0 : i32
        %dma_wait3A_44 = tpu.memref_slice %arg8[%run_scoped3A, %dma_wait3A, %dma_wait3A_43] : memref<8x32x128xf32, #tpu.memory_space<vmem>> -> memref<1x32x128xf32, #tpu.memory_space<vmem>>
        %dma_wait3A_45 = tpu.memref_squeeze %dma_wait3A_44 : memref<1x32x128xf32, #tpu.memory_space<vmem>> -> memref<32x128xf32, #tpu.memory_space<vmem>>
        %dma_wait3A_46 = arith.constant 0 : i32
        %dma_wait3A_47 = tpu.memref_slice %arg9[%add3A_30, %dma_wait3A_46] : memref<10240x128xf32, #tpu.memory_space<vmem_shared>> -> memref<32x128xf32, #tpu.memory_space<vmem_shared>>
        %dma_wait3A_48 = arith.constant 0 : i32
        %dma_wait3A_49 = tpu.memref_slice %arg9[%add3A_30, %dma_wait3A_48] : memref<10240x128xf32, #tpu.memory_space<vmem_shared>> -> memref<32x128xf32, #tpu.memory_space<vmem_shared>>
        %dma_wait3A_50 = arith.constant 0 : i32
        %dma_wait3A_51 = arith.constant 0 : i32
        %dma_wait3A_52 = tpu.memref_slice %arg8[%run_scoped3A, %dma_wait3A_50, %dma_wait3A_51] : memref<8x32x128xf32, #tpu.memory_space<vmem>> -> memref<1x32x128xf32, #tpu.memory_space<vmem>>
        %dma_wait3A_53 = tpu.memref_squeeze %dma_wait3A_52 : memref<1x32x128xf32, #tpu.memory_space<vmem>> -> memref<32x128xf32, #tpu.memory_space<vmem>>
        tpu.wait_dma2 semaphore(%run_scoped3A_31 : memref<!tpu.dma_semaphore, #tpu.memory_space<semaphore_mem>>) src(%dma_wait3A_53 : memref<32x128xf32, #tpu.memory_space<vmem>>) dst(%dma_wait3A_49 : memref<32x128xf32, #tpu.memory_space<vmem_shared>>)
        tpu.yield
      }) : () -> ()
    }
    %scan3A_10 = arith.constant 20 : i32
    %barrier3A = arith.constant 0 : index
    tpu.barrier barrier_id(%barrier3A)
    %scan3A_11 = arith.constant 0 : i32
    %scan3A_12 = arith.constant 8 : i32
    %scan3A_13 = arith.addi %scan3A_11, %scan3A_12 : i32
    %scan3A_14 = arith.constant 1 : i32
    scf.for %scan3A_21 = %scan3A_11 to %scan3A_13 step %scan3A_14  : i32 {
      %mul3A_22 = arith.constant 1 : i32
      %mul3A_23 = arith.muli %scan3A_21, %mul3A_22 : i32
      %add3A_24 = arith.constant 0 : i32
      %add3A_25 = arith.addi %add3A_24, %mul3A_23 : i32
      %mul3A_26 = arith.constant 40 : i32
      %mul3A_27 = arith.muli %add3A_25, %mul3A_26 : i32
      "tpu.region"() ({
        %run_scoped3A = tpu.sem_alloc : memref<!tpu.dma_semaphore, #tpu.memory_space<semaphore_mem>>
        %dma_start3A_225 = arith.constant 0 : i32
        %dma_start3A_226 = arith.constant 0 : i32
        %dma_start3A_227 = tpu.memref_slice %arg3[%add3A, %dma_start3A_225, %dma_start3A_226] : memref<32x320x32xi32, #tpu.memory_space<hbm>> -> memref<1x320x32xi32, #tpu.memory_space<hbm>>
        %dma_start3A_228 = tpu.memref_squeeze %dma_start3A_227 : memref<1x320x32xi32, #tpu.memory_space<hbm>> -> memref<320x32xi32, #tpu.memory_space<hbm>>
        %dma_start3A_229 = arith.constant 0 : i32
        %dma_start3A_230 = tpu.memref_slice %dma_start3A_228[%mul3A_27, %dma_start3A_229] : memref<320x32xi32, #tpu.memory_space<hbm>> -> memref<40x32xi32, #tpu.memory_space<hbm>>
        %dma_start3A_231 = arith.constant 0 : i32
        %dma_start3A_232 = arith.constant 0 : i32
        %dma_start3A_233 = tpu.memref_slice %arg3[%add3A, %dma_start3A_231, %dma_start3A_232] : memref<32x320x32xi32, #tpu.memory_space<hbm>> -> memref<1x320x32xi32, #tpu.memory_space<hbm>>
        %dma_start3A_234 = tpu.memref_squeeze %dma_start3A_233 : memref<1x320x32xi32, #tpu.memory_space<hbm>> -> memref<320x32xi32, #tpu.memory_space<hbm>>
        %dma_start3A_235 = arith.constant 0 : i32
        %dma_start3A_236 = tpu.memref_slice %dma_start3A_234[%mul3A_27, %dma_start3A_235] : memref<320x32xi32, #tpu.memory_space<hbm>> -> memref<40x32xi32, #tpu.memory_space<hbm>>
        tpu.enqueue_dma source(%dma_start3A_236 : memref<40x32xi32, #tpu.memory_space<hbm>>) target(%arg6 : memref<40x32xi32, #tpu.memory_space<vmem>>) target_semaphore(%run_scoped3A : memref<!tpu.dma_semaphore, #tpu.memory_space<semaphore_mem>>)
        %dma_wait3A_237 = arith.constant 0 : i32
        %dma_wait3A_238 = arith.constant 0 : i32
        %dma_wait3A_239 = tpu.memref_slice %arg3[%add3A, %dma_wait3A_237, %dma_wait3A_238] : memref<32x320x32xi32, #tpu.memory_space<hbm>> -> memref<1x320x32xi32, #tpu.memory_space<hbm>>
        %dma_wait3A_240 = tpu.memref_squeeze %dma_wait3A_239 : memref<1x320x32xi32, #tpu.memory_space<hbm>> -> memref<320x32xi32, #tpu.memory_space<hbm>>
        %dma_wait3A_241 = arith.constant 0 : i32
        %dma_wait3A_242 = tpu.memref_slice %dma_wait3A_240[%mul3A_27, %dma_wait3A_241] : memref<320x32xi32, #tpu.memory_space<hbm>> -> memref<40x32xi32, #tpu.memory_space<hbm>>
        %dma_wait3A_243 = arith.constant 0 : i32
        %dma_wait3A_244 = arith.constant 0 : i32
        %dma_wait3A_245 = tpu.memref_slice %arg3[%add3A, %dma_wait3A_243, %dma_wait3A_244] : memref<32x320x32xi32, #tpu.memory_space<hbm>> -> memref<1x320x32xi32, #tpu.memory_space<hbm>>
        %dma_wait3A_246 = tpu.memref_squeeze %dma_wait3A_245 : memref<1x320x32xi32, #tpu.memory_space<hbm>> -> memref<320x32xi32, #tpu.memory_space<hbm>>
        %dma_wait3A_247 = arith.constant 0 : i32
        %dma_wait3A_248 = tpu.memref_slice %dma_wait3A_246[%mul3A_27, %dma_wait3A_247] : memref<320x32xi32, #tpu.memory_space<hbm>> -> memref<40x32xi32, #tpu.memory_space<hbm>>
        tpu.wait_dma2 semaphore(%run_scoped3A : memref<!tpu.dma_semaphore, #tpu.memory_space<semaphore_mem>>) src(%dma_wait3A_248 : memref<40x32xi32, #tpu.memory_space<hbm>>) dst(%arg6 : memref<40x32xi32, #tpu.memory_space<vmem>>)
        tpu.yield
      }) : () -> ()
      %mul3A_28 = arith.constant 40 : i32
      %mul3A_29 = arith.muli %add3A_25, %mul3A_28 : i32
      "tpu.region"() ({
        %run_scoped3A = tpu.sem_alloc : memref<!tpu.dma_semaphore, #tpu.memory_space<semaphore_mem>>
        %dma_start3A_225 = arith.constant 0 : i32
        %dma_start3A_226 = arith.constant 0 : i32
        %dma_start3A_227 = tpu.memref_slice %arg4[%add3A, %dma_start3A_225, %dma_start3A_226] : memref<32x320x32xi32, #tpu.memory_space<hbm>> -> memref<1x320x32xi32, #tpu.memory_space<hbm>>
        %dma_start3A_228 = tpu.memref_squeeze %dma_start3A_227 : memref<1x320x32xi32, #tpu.memory_space<hbm>> -> memref<320x32xi32, #tpu.memory_space<hbm>>
        %dma_start3A_229 = arith.constant 0 : i32
        %dma_start3A_230 = tpu.memref_slice %dma_start3A_228[%mul3A_29, %dma_start3A_229] : memref<320x32xi32, #tpu.memory_space<hbm>> -> memref<40x32xi32, #tpu.memory_space<hbm>>
        %dma_start3A_231 = arith.constant 0 : i32
        %dma_start3A_232 = arith.constant 0 : i32
        %dma_start3A_233 = tpu.memref_slice %arg4[%add3A, %dma_start3A_231, %dma_start3A_232] : memref<32x320x32xi32, #tpu.memory_space<hbm>> -> memref<1x320x32xi32, #tpu.memory_space<hbm>>
        %dma_start3A_234 = tpu.memref_squeeze %dma_start3A_233 : memref<1x320x32xi32, #tpu.memory_space<hbm>> -> memref<320x32xi32, #tpu.memory_space<hbm>>
        %dma_start3A_235 = arith.constant 0 : i32
        %dma_start3A_236 = tpu.memref_slice %dma_start3A_234[%mul3A_29, %dma_start3A_235] : memref<320x32xi32, #tpu.memory_space<hbm>> -> memref<40x32xi32, #tpu.memory_space<hbm>>
        tpu.enqueue_dma source(%dma_start3A_236 : memref<40x32xi32, #tpu.memory_space<hbm>>) target(%arg7 : memref<40x32xi32, #tpu.memory_space<vmem>>) target_semaphore(%run_scoped3A : memref<!tpu.dma_semaphore, #tpu.memory_space<semaphore_mem>>)
        %dma_wait3A_237 = arith.constant 0 : i32
        %dma_wait3A_238 = arith.constant 0 : i32
        %dma_wait3A_239 = tpu.memref_slice %arg4[%add3A, %dma_wait3A_237, %dma_wait3A_238] : memref<32x320x32xi32, #tpu.memory_space<hbm>> -> memref<1x320x32xi32, #tpu.memory_space<hbm>>
        %dma_wait3A_240 = tpu.memref_squeeze %dma_wait3A_239 : memref<1x320x32xi32, #tpu.memory_space<hbm>> -> memref<320x32xi32, #tpu.memory_space<hbm>>
        %dma_wait3A_241 = arith.constant 0 : i32
        %dma_wait3A_242 = tpu.memref_slice %dma_wait3A_240[%mul3A_29, %dma_wait3A_241] : memref<320x32xi32, #tpu.memory_space<hbm>> -> memref<40x32xi32, #tpu.memory_space<hbm>>
        %dma_wait3A_243 = arith.constant 0 : i32
        %dma_wait3A_244 = arith.constant 0 : i32
        %dma_wait3A_245 = tpu.memref_slice %arg4[%add3A, %dma_wait3A_243, %dma_wait3A_244] : memref<32x320x32xi32, #tpu.memory_space<hbm>> -> memref<1x320x32xi32, #tpu.memory_space<hbm>>
        %dma_wait3A_246 = tpu.memref_squeeze %dma_wait3A_245 : memref<1x320x32xi32, #tpu.memory_space<hbm>> -> memref<320x32xi32, #tpu.memory_space<hbm>>
        %dma_wait3A_247 = arith.constant 0 : i32
        %dma_wait3A_248 = tpu.memref_slice %dma_wait3A_246[%mul3A_29, %dma_wait3A_247] : memref<320x32xi32, #tpu.memory_space<hbm>> -> memref<40x32xi32, #tpu.memory_space<hbm>>
        tpu.wait_dma2 semaphore(%run_scoped3A : memref<!tpu.dma_semaphore, #tpu.memory_space<semaphore_mem>>) src(%dma_wait3A_248 : memref<40x32xi32, #tpu.memory_space<hbm>>) dst(%arg7 : memref<40x32xi32, #tpu.memory_space<vmem>>)
        tpu.yield
      }) : () -> ()
      %dma_start3A = arith.constant 0 : i32
      %dma_start3A_30 = arith.constant 0 : i32
      %dma_start3A_31 = arith.constant 0 : i32
      %dma_start3A_32 = arith.constant 0 : i32
      %dma_start3A_33 = tpu.memref_slice %arg8[%dma_start3A_30, %dma_start3A_31, %dma_start3A_32] : memref<8x32x128xf32, #tpu.memory_space<vmem>> -> memref<1x32x128xf32, #tpu.memory_space<vmem>>
      %dma_start3A_34 = tpu.memref_squeeze %dma_start3A_33 : memref<1x32x128xf32, #tpu.memory_space<vmem>> -> memref<32x128xf32, #tpu.memory_space<vmem>>
      %dma_start3A_35 = arith.constant 0 : i32
      %dma_start3A_36 = tpu.memref_slice %arg6[%dma_start3A, %dma_start3A_35] : memref<40x32xi32, #tpu.memory_space<vmem>> -> memref<1x32xi32, #tpu.memory_space<vmem>>
      %dma_start3A_37 = tpu.memref_squeeze %dma_start3A_36 : memref<1x32xi32, #tpu.memory_space<vmem>> -> memref<32xi32, #tpu.memory_space<vmem>>
      %dma_start3A_38 = arith.constant 0 : i32
      %dma_start3A_39 = arith.constant 0 : i32
      %dma_start3A_40 = tpu.memref_slice %arg2[%dma_start3A_38, %dma_start3A_39] : memref<10240x128xf32, #tpu.memory_space<hbm>> -> memref<10240x128xf32, #tpu.memory_space<hbm>>
      tpu.enqueue_indirect_dma source(%dma_start3A_40 : memref<10240x128xf32, #tpu.memory_space<hbm>>) target(%dma_start3A_34 : memref<32x128xf32, #tpu.memory_space<vmem>>) offsets(%dma_start3A_37 : memref<32xi32, #tpu.memory_space<vmem>>) semaphore(%arg10 : memref<!tpu.dma_semaphore, #tpu.memory_space<semaphore_mem>>)
      %dma_start3A_41 = arith.constant 1 : i32
      %dma_start3A_42 = arith.constant 1 : i32
      %dma_start3A_43 = arith.constant 0 : i32
      %dma_start3A_44 = arith.constant 0 : i32
      %dma_start3A_45 = tpu.memref_slice %arg8[%dma_start3A_42, %dma_start3A_43, %dma_start3A_44] : memref<8x32x128xf32, #tpu.memory_space<vmem>> -> memref<1x32x128xf32, #tpu.memory_space<vmem>>
      %dma_start3A_46 = tpu.memref_squeeze %dma_start3A_45 : memref<1x32x128xf32, #tpu.memory_space<vmem>> -> memref<32x128xf32, #tpu.memory_space<vmem>>
      %dma_start3A_47 = arith.constant 0 : i32
      %dma_start3A_48 = tpu.memref_slice %arg6[%dma_start3A_41, %dma_start3A_47] : memref<40x32xi32, #tpu.memory_space<vmem>> -> memref<1x32xi32, #tpu.memory_space<vmem>>
      %dma_start3A_49 = tpu.memref_squeeze %dma_start3A_48 : memref<1x32xi32, #tpu.memory_space<vmem>> -> memref<32xi32, #tpu.memory_space<vmem>>
      %dma_start3A_50 = arith.constant 0 : i32
      %dma_start3A_51 = arith.constant 0 : i32
      %dma_start3A_52 = tpu.memref_slice %arg2[%dma_start3A_50, %dma_start3A_51] : memref<10240x128xf32, #tpu.memory_space<hbm>> -> memref<10240x128xf32, #tpu.memory_space<hbm>>
      tpu.enqueue_indirect_dma source(%dma_start3A_52 : memref<10240x128xf32, #tpu.memory_space<hbm>>) target(%dma_start3A_46 : memref<32x128xf32, #tpu.memory_space<vmem>>) offsets(%dma_start3A_49 : memref<32xi32, #tpu.memory_space<vmem>>) semaphore(%arg11 : memref<!tpu.dma_semaphore, #tpu.memory_space<semaphore_mem>>)
      %dma_start3A_53 = arith.constant 2 : i32
      %dma_start3A_54 = arith.constant 2 : i32
      %dma_start3A_55 = arith.constant 0 : i32
      %dma_start3A_56 = arith.constant 0 : i32
      %dma_start3A_57 = tpu.memref_slice %arg8[%dma_start3A_54, %dma_start3A_55, %dma_start3A_56] : memref<8x32x128xf32, #tpu.memory_space<vmem>> -> memref<1x32x128xf32, #tpu.memory_space<vmem>>
      %dma_start3A_58 = tpu.memref_squeeze %dma_start3A_57 : memref<1x32x128xf32, #tpu.memory_space<vmem>> -> memref<32x128xf32, #tpu.memory_space<vmem>>
      %dma_start3A_59 = arith.constant 0 : i32
      %dma_start3A_60 = tpu.memref_slice %arg6[%dma_start3A_53, %dma_start3A_59] : memref<40x32xi32, #tpu.memory_space<vmem>> -> memref<1x32xi32, #tpu.memory_space<vmem>>
      %dma_start3A_61 = tpu.memref_squeeze %dma_start3A_60 : memref<1x32xi32, #tpu.memory_space<vmem>> -> memref<32xi32, #tpu.memory_space<vmem>>
      %dma_start3A_62 = arith.constant 0 : i32
      %dma_start3A_63 = arith.constant 0 : i32
      %dma_start3A_64 = tpu.memref_slice %arg2[%dma_start3A_62, %dma_start3A_63] : memref<10240x128xf32, #tpu.memory_space<hbm>> -> memref<10240x128xf32, #tpu.memory_space<hbm>>
      tpu.enqueue_indirect_dma source(%dma_start3A_64 : memref<10240x128xf32, #tpu.memory_space<hbm>>) target(%dma_start3A_58 : memref<32x128xf32, #tpu.memory_space<vmem>>) offsets(%dma_start3A_61 : memref<32xi32, #tpu.memory_space<vmem>>) semaphore(%arg12 : memref<!tpu.dma_semaphore, #tpu.memory_space<semaphore_mem>>)
      %dma_start3A_65 = arith.constant 3 : i32
      %dma_start3A_66 = arith.constant 3 : i32
      %dma_start3A_67 = arith.constant 0 : i32
      %dma_start3A_68 = arith.constant 0 : i32
      %dma_start3A_69 = tpu.memref_slice %arg8[%dma_start3A_66, %dma_start3A_67, %dma_start3A_68] : memref<8x32x128xf32, #tpu.memory_space<vmem>> -> memref<1x32x128xf32, #tpu.memory_space<vmem>>
      %dma_start3A_70 = tpu.memref_squeeze %dma_start3A_69 : memref<1x32x128xf32, #tpu.memory_space<vmem>> -> memref<32x128xf32, #tpu.memory_space<vmem>>
      %dma_start3A_71 = arith.constant 0 : i32
      %dma_start3A_72 = tpu.memref_slice %arg6[%dma_start3A_65, %dma_start3A_71] : memref<40x32xi32, #tpu.memory_space<vmem>> -> memref<1x32xi32, #tpu.memory_space<vmem>>
      %dma_start3A_73 = tpu.memref_squeeze %dma_start3A_72 : memref<1x32xi32, #tpu.memory_space<vmem>> -> memref<32xi32, #tpu.memory_space<vmem>>
      %dma_start3A_74 = arith.constant 0 : i32
      %dma_start3A_75 = arith.constant 0 : i32
      %dma_start3A_76 = tpu.memref_slice %arg2[%dma_start3A_74, %dma_start3A_75] : memref<10240x128xf32, #tpu.memory_space<hbm>> -> memref<10240x128xf32, #tpu.memory_space<hbm>>
      tpu.enqueue_indirect_dma source(%dma_start3A_76 : memref<10240x128xf32, #tpu.memory_space<hbm>>) target(%dma_start3A_70 : memref<32x128xf32, #tpu.memory_space<vmem>>) offsets(%dma_start3A_73 : memref<32xi32, #tpu.memory_space<vmem>>) semaphore(%arg13 : memref<!tpu.dma_semaphore, #tpu.memory_space<semaphore_mem>>)
      %dma_start3A_77 = arith.constant 4 : i32
      %dma_start3A_78 = arith.constant 4 : i32
      %dma_start3A_79 = arith.constant 0 : i32
      %dma_start3A_80 = arith.constant 0 : i32
      %dma_start3A_81 = tpu.memref_slice %arg8[%dma_start3A_78, %dma_start3A_79, %dma_start3A_80] : memref<8x32x128xf32, #tpu.memory_space<vmem>> -> memref<1x32x128xf32, #tpu.memory_space<vmem>>
      %dma_start3A_82 = tpu.memref_squeeze %dma_start3A_81 : memref<1x32x128xf32, #tpu.memory_space<vmem>> -> memref<32x128xf32, #tpu.memory_space<vmem>>
      %dma_start3A_83 = arith.constant 0 : i32
      %dma_start3A_84 = tpu.memref_slice %arg6[%dma_start3A_77, %dma_start3A_83] : memref<40x32xi32, #tpu.memory_space<vmem>> -> memref<1x32xi32, #tpu.memory_space<vmem>>
      %dma_start3A_85 = tpu.memref_squeeze %dma_start3A_84 : memref<1x32xi32, #tpu.memory_space<vmem>> -> memref<32xi32, #tpu.memory_space<vmem>>
      %dma_start3A_86 = arith.constant 0 : i32
      %dma_start3A_87 = arith.constant 0 : i32
      %dma_start3A_88 = tpu.memref_slice %arg2[%dma_start3A_86, %dma_start3A_87] : memref<10240x128xf32, #tpu.memory_space<hbm>> -> memref<10240x128xf32, #tpu.memory_space<hbm>>
      tpu.enqueue_indirect_dma source(%dma_start3A_88 : memref<10240x128xf32, #tpu.memory_space<hbm>>) target(%dma_start3A_82 : memref<32x128xf32, #tpu.memory_space<vmem>>) offsets(%dma_start3A_85 : memref<32xi32, #tpu.memory_space<vmem>>) semaphore(%arg14 : memref<!tpu.dma_semaphore, #tpu.memory_space<semaphore_mem>>)
      %dma_start3A_89 = arith.constant 5 : i32
      %dma_start3A_90 = arith.constant 5 : i32
      %dma_start3A_91 = arith.constant 0 : i32
      %dma_start3A_92 = arith.constant 0 : i32
      %dma_start3A_93 = tpu.memref_slice %arg8[%dma_start3A_90, %dma_start3A_91, %dma_start3A_92] : memref<8x32x128xf32, #tpu.memory_space<vmem>> -> memref<1x32x128xf32, #tpu.memory_space<vmem>>
      %dma_start3A_94 = tpu.memref_squeeze %dma_start3A_93 : memref<1x32x128xf32, #tpu.memory_space<vmem>> -> memref<32x128xf32, #tpu.memory_space<vmem>>
      %dma_start3A_95 = arith.constant 0 : i32
      %dma_start3A_96 = tpu.memref_slice %arg6[%dma_start3A_89, %dma_start3A_95] : memref<40x32xi32, #tpu.memory_space<vmem>> -> memref<1x32xi32, #tpu.memory_space<vmem>>
      %dma_start3A_97 = tpu.memref_squeeze %dma_start3A_96 : memref<1x32xi32, #tpu.memory_space<vmem>> -> memref<32xi32, #tpu.memory_space<vmem>>
      %dma_start3A_98 = arith.constant 0 : i32
      %dma_start3A_99 = arith.constant 0 : i32
      %dma_start3A_100 = tpu.memref_slice %arg2[%dma_start3A_98, %dma_start3A_99] : memref<10240x128xf32, #tpu.memory_space<hbm>> -> memref<10240x128xf32, #tpu.memory_space<hbm>>
      tpu.enqueue_indirect_dma source(%dma_start3A_100 : memref<10240x128xf32, #tpu.memory_space<hbm>>) target(%dma_start3A_94 : memref<32x128xf32, #tpu.memory_space<vmem>>) offsets(%dma_start3A_97 : memref<32xi32, #tpu.memory_space<vmem>>) semaphore(%arg15 : memref<!tpu.dma_semaphore, #tpu.memory_space<semaphore_mem>>)
      %dma_start3A_101 = arith.constant 6 : i32
      %dma_start3A_102 = arith.constant 6 : i32
      %dma_start3A_103 = arith.constant 0 : i32
      %dma_start3A_104 = arith.constant 0 : i32
      %dma_start3A_105 = tpu.memref_slice %arg8[%dma_start3A_102, %dma_start3A_103, %dma_start3A_104] : memref<8x32x128xf32, #tpu.memory_space<vmem>> -> memref<1x32x128xf32, #tpu.memory_space<vmem>>
      %dma_start3A_106 = tpu.memref_squeeze %dma_start3A_105 : memref<1x32x128xf32, #tpu.memory_space<vmem>> -> memref<32x128xf32, #tpu.memory_space<vmem>>
      %dma_start3A_107 = arith.constant 0 : i32
      %dma_start3A_108 = tpu.memref_slice %arg6[%dma_start3A_101, %dma_start3A_107] : memref<40x32xi32, #tpu.memory_space<vmem>> -> memref<1x32xi32, #tpu.memory_space<vmem>>
      %dma_start3A_109 = tpu.memref_squeeze %dma_start3A_108 : memref<1x32xi32, #tpu.memory_space<vmem>> -> memref<32xi32, #tpu.memory_space<vmem>>
      %dma_start3A_110 = arith.constant 0 : i32
      %dma_start3A_111 = arith.constant 0 : i32
      %dma_start3A_112 = tpu.memref_slice %arg2[%dma_start3A_110, %dma_start3A_111] : memref<10240x128xf32, #tpu.memory_space<hbm>> -> memref<10240x128xf32, #tpu.memory_space<hbm>>
      tpu.enqueue_indirect_dma source(%dma_start3A_112 : memref<10240x128xf32, #tpu.memory_space<hbm>>) target(%dma_start3A_106 : memref<32x128xf32, #tpu.memory_space<vmem>>) offsets(%dma_start3A_109 : memref<32xi32, #tpu.memory_space<vmem>>) semaphore(%arg16 : memref<!tpu.dma_semaphore, #tpu.memory_space<semaphore_mem>>)
      %dma_start3A_113 = arith.constant 7 : i32
      %dma_start3A_114 = arith.constant 7 : i32
      %dma_start3A_115 = arith.constant 0 : i32
      %dma_start3A_116 = arith.constant 0 : i32
      %dma_start3A_117 = tpu.memref_slice %arg8[%dma_start3A_114, %dma_start3A_115, %dma_start3A_116] : memref<8x32x128xf32, #tpu.memory_space<vmem>> -> memref<1x32x128xf32, #tpu.memory_space<vmem>>
      %dma_start3A_118 = tpu.memref_squeeze %dma_start3A_117 : memref<1x32x128xf32, #tpu.memory_space<vmem>> -> memref<32x128xf32, #tpu.memory_space<vmem>>
      %dma_start3A_119 = arith.constant 0 : i32
      %dma_start3A_120 = tpu.memref_slice %arg6[%dma_start3A_113, %dma_start3A_119] : memref<40x32xi32, #tpu.memory_space<vmem>> -> memref<1x32xi32, #tpu.memory_space<vmem>>
      %dma_start3A_121 = tpu.memref_squeeze %dma_start3A_120 : memref<1x32xi32, #tpu.memory_space<vmem>> -> memref<32xi32, #tpu.memory_space<vmem>>
      %dma_start3A_122 = arith.constant 0 : i32
      %dma_start3A_123 = arith.constant 0 : i32
      %dma_start3A_124 = tpu.memref_slice %arg2[%dma_start3A_122, %dma_start3A_123] : memref<10240x128xf32, #tpu.memory_space<hbm>> -> memref<10240x128xf32, #tpu.memory_space<hbm>>
      tpu.enqueue_indirect_dma source(%dma_start3A_124 : memref<10240x128xf32, #tpu.memory_space<hbm>>) target(%dma_start3A_118 : memref<32x128xf32, #tpu.memory_space<vmem>>) offsets(%dma_start3A_121 : memref<32xi32, #tpu.memory_space<vmem>>) semaphore(%arg17 : memref<!tpu.dma_semaphore, #tpu.memory_space<semaphore_mem>>)
      %scan3A_125 = arith.constant 0 : i32
      %scan3A_126 = arith.constant 5 : i32
      %scan3A_127 = arith.addi %scan3A_125, %scan3A_126 : i32
      %scan3A_128 = arith.constant 1 : i32
      scf.for %scan3A_225 = %scan3A_125 to %scan3A_127 step %scan3A_128  : i32 {
        %mul3A_226 = arith.constant 8 : i32
        %mul3A_227 = arith.muli %scan3A_225, %mul3A_226 : i32
        %add3A_228 = arith.constant 0 : i32
        %add3A_229 = arith.addi %add3A_228, %mul3A_227 : i32
        %add3A_230 = arith.constant 0 : i32
        %add3A_231 = arith.addi %add3A_229, %add3A_230 : i32
        %ge3A = arith.constant 2 : i32
        %ge3A_232 = arith.cmpi sge, %add3A_231, %ge3A : i32
        %add3A_233 = arith.constant 0 : i32
        %add3A_234 = arith.addi %add3A_229, %add3A_233 : i32
        %sub3A = arith.constant 2 : i32
        %sub3A_235 = arith.subi %add3A_234, %sub3A : i32
        %add3A_236 = arith.constant 8 : i32
        %add3A_237 = arith.addi %sub3A_235, %add3A_236 : i32
        %lt3A = arith.constant 40 : i32
        %lt3A_238 = arith.cmpi slt, %add3A_237, %lt3A : i32
        %and3A = arith.andi %ge3A_232, %lt3A_238 : i1
        %convert_element_type3A = arith.extui %and3A : i1 to i32
        %cond3A = arith.constant 0 : i32
        %cond3A_239 = arith.cmpi ne, %convert_element_type3A, %cond3A : i32
        scf.if %cond3A_239 {
          %add3A_560 = arith.constant 0 : i32
          %add3A_561 = arith.addi %add3A_229, %add3A_560 : i32
          %sub3A_562 = arith.constant 2 : i32
          %sub3A_563 = arith.subi %add3A_561, %sub3A_562 : i32
          %dma_wait3A_564 = arith.constant 6 : i32
          %dma_wait3A_565 = arith.constant 0 : i32
          %dma_wait3A_566 = arith.constant 0 : i32
          %dma_wait3A_567 = tpu.memref_slice %arg8[%dma_wait3A_564, %dma_wait3A_565, %dma_wait3A_566] : memref<8x32x128xf32, #tpu.memory_space<vmem>> -> memref<1x32x128xf32, #tpu.memory_space<vmem>>
          %dma_wait3A_568 = tpu.memref_squeeze %dma_wait3A_567 : memref<1x32x128xf32, #tpu.memory_space<vmem>> -> memref<32x128xf32, #tpu.memory_space<vmem>>
          %dma_wait3A_569 = arith.constant 0 : i32
          %dma_wait3A_570 = tpu.memref_slice %arg7[%sub3A_563, %dma_wait3A_569] : memref<40x32xi32, #tpu.memory_space<vmem>> -> memref<1x32xi32, #tpu.memory_space<vmem>>
          %dma_wait3A_571 = tpu.memref_squeeze %dma_wait3A_570 : memref<1x32xi32, #tpu.memory_space<vmem>> -> memref<32xi32, #tpu.memory_space<vmem>>
          %dma_wait3A_572 = arith.constant 0 : i32
          %dma_wait3A_573 = arith.constant 0 : i32
          %dma_wait3A_574 = tpu.memref_slice %arg9[%dma_wait3A_572, %dma_wait3A_573] : memref<10240x128xf32, #tpu.memory_space<vmem_shared>> -> memref<10240x128xf32, #tpu.memory_space<vmem_shared>>
          tpu.wait_indirect_dma semaphore(%arg24 : memref<!tpu.dma_semaphore, #tpu.memory_space<semaphore_mem>>) src(%dma_wait3A_568 : memref<32x128xf32, #tpu.memory_space<vmem>>) dst(%dma_wait3A_574 : memref<10240x128xf32, #tpu.memory_space<vmem_shared>>)
          %add3A_575 = arith.constant 0 : i32
          %add3A_576 = arith.addi %add3A_229, %add3A_575 : i32
          %sub3A_577 = arith.constant 2 : i32
          %sub3A_578 = arith.subi %add3A_576, %sub3A_577 : i32
          %add3A_579 = arith.constant 8 : i32
          %add3A_580 = arith.addi %sub3A_578, %add3A_579 : i32
          %dma_start3A_581 = arith.constant 6 : i32
          %dma_start3A_582 = arith.constant 0 : i32
          %dma_start3A_583 = arith.constant 0 : i32
          %dma_start3A_584 = tpu.memref_slice %arg8[%dma_start3A_581, %dma_start3A_582, %dma_start3A_583] : memref<8x32x128xf32, #tpu.memory_space<vmem>> -> memref<1x32x128xf32, #tpu.memory_space<vmem>>
          %dma_start3A_585 = tpu.memref_squeeze %dma_start3A_584 : memref<1x32x128xf32, #tpu.memory_space<vmem>> -> memref<32x128xf32, #tpu.memory_space<vmem>>
          %dma_start3A_586 = arith.constant 0 : i32
          %dma_start3A_587 = tpu.memref_slice %arg6[%add3A_580, %dma_start3A_586] : memref<40x32xi32, #tpu.memory_space<vmem>> -> memref<1x32xi32, #tpu.memory_space<vmem>>
          %dma_start3A_588 = tpu.memref_squeeze %dma_start3A_587 : memref<1x32xi32, #tpu.memory_space<vmem>> -> memref<32xi32, #tpu.memory_space<vmem>>
          %dma_start3A_589 = arith.constant 0 : i32
          %dma_start3A_590 = arith.constant 0 : i32
          %dma_start3A_591 = tpu.memref_slice %arg2[%dma_start3A_589, %dma_start3A_590] : memref<10240x128xf32, #tpu.memory_space<hbm>> -> memref<10240x128xf32, #tpu.memory_space<hbm>>
          tpu.enqueue_indirect_dma source(%dma_start3A_591 : memref<10240x128xf32, #tpu.memory_space<hbm>>) target(%dma_start3A_585 : memref<32x128xf32, #tpu.memory_space<vmem>>) offsets(%dma_start3A_588 : memref<32xi32, #tpu.memory_space<vmem>>) semaphore(%arg16 : memref<!tpu.dma_semaphore, #tpu.memory_space<semaphore_mem>>)
        } else {
        }
        %add3A_240 = arith.constant 0 : i32
        %add3A_241 = arith.addi %add3A_229, %add3A_240 : i32
        %dma_wait3A_242 = arith.constant 0 : i32
        %dma_wait3A_243 = arith.constant 0 : i32
        %dma_wait3A_244 = arith.constant 0 : i32
        %dma_wait3A_245 = tpu.memref_slice %arg8[%dma_wait3A_242, %dma_wait3A_243, %dma_wait3A_244] : memref<8x32x128xf32, #tpu.memory_space<vmem>> -> memref<1x32x128xf32, #tpu.memory_space<vmem>>
        %dma_wait3A_246 = tpu.memref_squeeze %dma_wait3A_245 : memref<1x32x128xf32, #tpu.memory_space<vmem>> -> memref<32x128xf32, #tpu.memory_space<vmem>>
        %dma_wait3A_247 = arith.constant 0 : i32
        %dma_wait3A_248 = tpu.memref_slice %arg6[%add3A_241, %dma_wait3A_247] : memref<40x32xi32, #tpu.memory_space<vmem>> -> memref<1x32xi32, #tpu.memory_space<vmem>>
        %dma_wait3A_249 = tpu.memref_squeeze %dma_wait3A_248 : memref<1x32xi32, #tpu.memory_space<vmem>> -> memref<32xi32, #tpu.memory_space<vmem>>
        %dma_wait3A_250 = arith.constant 0 : i32
        %dma_wait3A_251 = arith.constant 0 : i32
        %dma_wait3A_252 = tpu.memref_slice %arg2[%dma_wait3A_250, %dma_wait3A_251] : memref<10240x128xf32, #tpu.memory_space<hbm>> -> memref<10240x128xf32, #tpu.memory_space<hbm>>
        tpu.wait_indirect_dma semaphore(%arg10 : memref<!tpu.dma_semaphore, #tpu.memory_space<semaphore_mem>>) src(%dma_wait3A_252 : memref<10240x128xf32, #tpu.memory_space<hbm>>) dst(%dma_wait3A_246 : memref<32x128xf32, #tpu.memory_space<vmem>>)
        %add3A_253 = arith.constant 0 : i32
        %add3A_254 = arith.addi %add3A_229, %add3A_253 : i32
        %dma_start3A_255 = arith.constant 0 : i32
        %dma_start3A_256 = arith.constant 0 : i32
        %dma_start3A_257 = arith.constant 0 : i32
        %dma_start3A_258 = tpu.memref_slice %arg8[%dma_start3A_255, %dma_start3A_256, %dma_start3A_257] : memref<8x32x128xf32, #tpu.memory_space<vmem>> -> memref<1x32x128xf32, #tpu.memory_space<vmem>>
        %dma_start3A_259 = tpu.memref_squeeze %dma_start3A_258 : memref<1x32x128xf32, #tpu.memory_space<vmem>> -> memref<32x128xf32, #tpu.memory_space<vmem>>
        %dma_start3A_260 = arith.constant 0 : i32
        %dma_start3A_261 = tpu.memref_slice %arg7[%add3A_254, %dma_start3A_260] : memref<40x32xi32, #tpu.memory_space<vmem>> -> memref<1x32xi32, #tpu.memory_space<vmem>>
        %dma_start3A_262 = tpu.memref_squeeze %dma_start3A_261 : memref<1x32xi32, #tpu.memory_space<vmem>> -> memref<32xi32, #tpu.memory_space<vmem>>
        %dma_start3A_263 = arith.constant 0 : i32
        %dma_start3A_264 = arith.constant 0 : i32
        %dma_start3A_265 = tpu.memref_slice %arg9[%dma_start3A_263, %dma_start3A_264] : memref<10240x128xf32, #tpu.memory_space<vmem_shared>> -> memref<10240x128xf32, #tpu.memory_space<vmem_shared>>
        tpu.enqueue_indirect_dma source(%dma_start3A_259 : memref<32x128xf32, #tpu.memory_space<vmem>>) target(%dma_start3A_265 : memref<10240x128xf32, #tpu.memory_space<vmem_shared>>) offsets(%dma_start3A_262 : memref<32xi32, #tpu.memory_space<vmem>>) semaphore(%arg18 : memref<!tpu.dma_semaphore, #tpu.memory_space<semaphore_mem>>) {add = true}
        %add3A_266 = arith.constant 1 : i32
        %add3A_267 = arith.addi %add3A_229, %add3A_266 : i32
        %ge3A_268 = arith.constant 2 : i32
        %ge3A_269 = arith.cmpi sge, %add3A_267, %ge3A_268 : i32
        %add3A_270 = arith.constant 1 : i32
        %add3A_271 = arith.addi %add3A_229, %add3A_270 : i32
        %sub3A_272 = arith.constant 2 : i32
        %sub3A_273 = arith.subi %add3A_271, %sub3A_272 : i32
        %add3A_274 = arith.constant 8 : i32
        %add3A_275 = arith.addi %sub3A_273, %add3A_274 : i32
        %lt3A_276 = arith.constant 40 : i32
        %lt3A_277 = arith.cmpi slt, %add3A_275, %lt3A_276 : i32
        %and3A_278 = arith.andi %ge3A_269, %lt3A_277 : i1
        %convert_element_type3A_279 = arith.extui %and3A_278 : i1 to i32
        %cond3A_280 = arith.constant 0 : i32
        %cond3A_281 = arith.cmpi ne, %convert_element_type3A_279, %cond3A_280 : i32
        scf.if %cond3A_281 {
          %add3A_560 = arith.constant 1 : i32
          %add3A_561 = arith.addi %add3A_229, %add3A_560 : i32
          %sub3A_562 = arith.constant 2 : i32
          %sub3A_563 = arith.subi %add3A_561, %sub3A_562 : i32
          %dma_wait3A_564 = arith.constant 7 : i32
          %dma_wait3A_565 = arith.constant 0 : i32
          %dma_wait3A_566 = arith.constant 0 : i32
          %dma_wait3A_567 = tpu.memref_slice %arg8[%dma_wait3A_564, %dma_wait3A_565, %dma_wait3A_566] : memref<8x32x128xf32, #tpu.memory_space<vmem>> -> memref<1x32x128xf32, #tpu.memory_space<vmem>>
          %dma_wait3A_568 = tpu.memref_squeeze %dma_wait3A_567 : memref<1x32x128xf32, #tpu.memory_space<vmem>> -> memref<32x128xf32, #tpu.memory_space<vmem>>
          %dma_wait3A_569 = arith.constant 0 : i32
          %dma_wait3A_570 = tpu.memref_slice %arg7[%sub3A_563, %dma_wait3A_569] : memref<40x32xi32, #tpu.memory_space<vmem>> -> memref<1x32xi32, #tpu.memory_space<vmem>>
          %dma_wait3A_571 = tpu.memref_squeeze %dma_wait3A_570 : memref<1x32xi32, #tpu.memory_space<vmem>> -> memref<32xi32, #tpu.memory_space<vmem>>
          %dma_wait3A_572 = arith.constant 0 : i32
          %dma_wait3A_573 = arith.constant 0 : i32
          %dma_wait3A_574 = tpu.memref_slice %arg9[%dma_wait3A_572, %dma_wait3A_573] : memref<10240x128xf32, #tpu.memory_space<vmem_shared>> -> memref<10240x128xf32, #tpu.memory_space<vmem_shared>>
          tpu.wait_indirect_dma semaphore(%arg25 : memref<!tpu.dma_semaphore, #tpu.memory_space<semaphore_mem>>) src(%dma_wait3A_568 : memref<32x128xf32, #tpu.memory_space<vmem>>) dst(%dma_wait3A_574 : memref<10240x128xf32, #tpu.memory_space<vmem_shared>>)
          %add3A_575 = arith.constant 1 : i32
          %add3A_576 = arith.addi %add3A_229, %add3A_575 : i32
          %sub3A_577 = arith.constant 2 : i32
          %sub3A_578 = arith.subi %add3A_576, %sub3A_577 : i32
          %add3A_579 = arith.constant 8 : i32
          %add3A_580 = arith.addi %sub3A_578, %add3A_579 : i32
          %dma_start3A_581 = arith.constant 7 : i32
          %dma_start3A_582 = arith.constant 0 : i32
          %dma_start3A_583 = arith.constant 0 : i32
          %dma_start3A_584 = tpu.memref_slice %arg8[%dma_start3A_581, %dma_start3A_582, %dma_start3A_583] : memref<8x32x128xf32, #tpu.memory_space<vmem>> -> memref<1x32x128xf32, #tpu.memory_space<vmem>>
          %dma_start3A_585 = tpu.memref_squeeze %dma_start3A_584 : memref<1x32x128xf32, #tpu.memory_space<vmem>> -> memref<32x128xf32, #tpu.memory_space<vmem>>
          %dma_start3A_586 = arith.constant 0 : i32
          %dma_start3A_587 = tpu.memref_slice %arg6[%add3A_580, %dma_start3A_586] : memref<40x32xi32, #tpu.memory_space<vmem>> -> memref<1x32xi32, #tpu.memory_space<vmem>>
          %dma_start3A_588 = tpu.memref_squeeze %dma_start3A_587 : memref<1x32xi32, #tpu.memory_space<vmem>> -> memref<32xi32, #tpu.memory_space<vmem>>
          %dma_start3A_589 = arith.constant 0 : i32
          %dma_start3A_590 = arith.constant 0 : i32
          %dma_start3A_591 = tpu.memref_slice %arg2[%dma_start3A_589, %dma_start3A_590] : memref<10240x128xf32, #tpu.memory_space<hbm>> -> memref<10240x128xf32, #tpu.memory_space<hbm>>
          tpu.enqueue_indirect_dma source(%dma_start3A_591 : memref<10240x128xf32, #tpu.memory_space<hbm>>) target(%dma_start3A_585 : memref<32x128xf32, #tpu.memory_space<vmem>>) offsets(%dma_start3A_588 : memref<32xi32, #tpu.memory_space<vmem>>) semaphore(%arg17 : memref<!tpu.dma_semaphore, #tpu.memory_space<semaphore_mem>>)
        } else {
        }
        %add3A_282 = arith.constant 1 : i32
        %add3A_283 = arith.addi %add3A_229, %add3A_282 : i32
        %dma_wait3A_284 = arith.constant 1 : i32
        %dma_wait3A_285 = arith.constant 0 : i32
        %dma_wait3A_286 = arith.constant 0 : i32
        %dma_wait3A_287 = tpu.memref_slice %arg8[%dma_wait3A_284, %dma_wait3A_285, %dma_wait3A_286] : memref<8x32x128xf32, #tpu.memory_space<vmem>> -> memref<1x32x128xf32, #tpu.memory_space<vmem>>
        %dma_wait3A_288 = tpu.memref_squeeze %dma_wait3A_287 : memref<1x32x128xf32, #tpu.memory_space<vmem>> -> memref<32x128xf32, #tpu.memory_space<vmem>>
        %dma_wait3A_289 = arith.constant 0 : i32
        %dma_wait3A_290 = tpu.memref_slice %arg6[%add3A_283, %dma_wait3A_289] : memref<40x32xi32, #tpu.memory_space<vmem>> -> memref<1x32xi32, #tpu.memory_space<vmem>>
        %dma_wait3A_291 = tpu.memref_squeeze %dma_wait3A_290 : memref<1x32xi32, #tpu.memory_space<vmem>> -> memref<32xi32, #tpu.memory_space<vmem>>
        %dma_wait3A_292 = arith.constant 0 : i32
        %dma_wait3A_293 = arith.constant 0 : i32
        %dma_wait3A_294 = tpu.memref_slice %arg2[%dma_wait3A_292, %dma_wait3A_293] : memref<10240x128xf32, #tpu.memory_space<hbm>> -> memref<10240x128xf32, #tpu.memory_space<hbm>>
        tpu.wait_indirect_dma semaphore(%arg11 : memref<!tpu.dma_semaphore, #tpu.memory_space<semaphore_mem>>) src(%dma_wait3A_294 : memref<10240x128xf32, #tpu.memory_space<hbm>>) dst(%dma_wait3A_288 : memref<32x128xf32, #tpu.memory_space<vmem>>)
        %add3A_295 = arith.constant 1 : i32
        %add3A_296 = arith.addi %add3A_229, %add3A_295 : i32
        %dma_start3A_297 = arith.constant 1 : i32
        %dma_start3A_298 = arith.constant 0 : i32
        %dma_start3A_299 = arith.constant 0 : i32
        %dma_start3A_300 = tpu.memref_slice %arg8[%dma_start3A_297, %dma_start3A_298, %dma_start3A_299] : memref<8x32x128xf32, #tpu.memory_space<vmem>> -> memref<1x32x128xf32, #tpu.memory_space<vmem>>
        %dma_start3A_301 = tpu.memref_squeeze %dma_start3A_300 : memref<1x32x128xf32, #tpu.memory_space<vmem>> -> memref<32x128xf32, #tpu.memory_space<vmem>>
        %dma_start3A_302 = arith.constant 0 : i32
        %dma_start3A_303 = tpu.memref_slice %arg7[%add3A_296, %dma_start3A_302] : memref<40x32xi32, #tpu.memory_space<vmem>> -> memref<1x32xi32, #tpu.memory_space<vmem>>
        %dma_start3A_304 = tpu.memref_squeeze %dma_start3A_303 : memref<1x32xi32, #tpu.memory_space<vmem>> -> memref<32xi32, #tpu.memory_space<vmem>>
        %dma_start3A_305 = arith.constant 0 : i32
        %dma_start3A_306 = arith.constant 0 : i32
        %dma_start3A_307 = tpu.memref_slice %arg9[%dma_start3A_305, %dma_start3A_306] : memref<10240x128xf32, #tpu.memory_space<vmem_shared>> -> memref<10240x128xf32, #tpu.memory_space<vmem_shared>>
        tpu.enqueue_indirect_dma source(%dma_start3A_301 : memref<32x128xf32, #tpu.memory_space<vmem>>) target(%dma_start3A_307 : memref<10240x128xf32, #tpu.memory_space<vmem_shared>>) offsets(%dma_start3A_304 : memref<32xi32, #tpu.memory_space<vmem>>) semaphore(%arg19 : memref<!tpu.dma_semaphore, #tpu.memory_space<semaphore_mem>>) {add = true}
        %add3A_308 = arith.constant 2 : i32
        %add3A_309 = arith.addi %add3A_229, %add3A_308 : i32
        %ge3A_310 = arith.constant 2 : i32
        %ge3A_311 = arith.cmpi sge, %add3A_309, %ge3A_310 : i32
        %add3A_312 = arith.constant 2 : i32
        %add3A_313 = arith.addi %add3A_229, %add3A_312 : i32
        %sub3A_314 = arith.constant 2 : i32
        %sub3A_315 = arith.subi %add3A_313, %sub3A_314 : i32
        %add3A_316 = arith.constant 8 : i32
        %add3A_317 = arith.addi %sub3A_315, %add3A_316 : i32
        %lt3A_318 = arith.constant 40 : i32
        %lt3A_319 = arith.cmpi slt, %add3A_317, %lt3A_318 : i32
        %and3A_320 = arith.andi %ge3A_311, %lt3A_319 : i1
        %convert_element_type3A_321 = arith.extui %and3A_320 : i1 to i32
        %cond3A_322 = arith.constant 0 : i32
        %cond3A_323 = arith.cmpi ne, %convert_element_type3A_321, %cond3A_322 : i32
        scf.if %cond3A_323 {
          %add3A_560 = arith.constant 2 : i32
          %add3A_561 = arith.addi %add3A_229, %add3A_560 : i32
          %sub3A_562 = arith.constant 2 : i32
          %sub3A_563 = arith.subi %add3A_561, %sub3A_562 : i32
          %dma_wait3A_564 = arith.constant 0 : i32
          %dma_wait3A_565 = arith.constant 0 : i32
          %dma_wait3A_566 = arith.constant 0 : i32
          %dma_wait3A_567 = tpu.memref_slice %arg8[%dma_wait3A_564, %dma_wait3A_565, %dma_wait3A_566] : memref<8x32x128xf32, #tpu.memory_space<vmem>> -> memref<1x32x128xf32, #tpu.memory_space<vmem>>
          %dma_wait3A_568 = tpu.memref_squeeze %dma_wait3A_567 : memref<1x32x128xf32, #tpu.memory_space<vmem>> -> memref<32x128xf32, #tpu.memory_space<vmem>>
          %dma_wait3A_569 = arith.constant 0 : i32
          %dma_wait3A_570 = tpu.memref_slice %arg7[%sub3A_563, %dma_wait3A_569] : memref<40x32xi32, #tpu.memory_space<vmem>> -> memref<1x32xi32, #tpu.memory_space<vmem>>
          %dma_wait3A_571 = tpu.memref_squeeze %dma_wait3A_570 : memref<1x32xi32, #tpu.memory_space<vmem>> -> memref<32xi32, #tpu.memory_space<vmem>>
          %dma_wait3A_572 = arith.constant 0 : i32
          %dma_wait3A_573 = arith.constant 0 : i32
          %dma_wait3A_574 = tpu.memref_slice %arg9[%dma_wait3A_572, %dma_wait3A_573] : memref<10240x128xf32, #tpu.memory_space<vmem_shared>> -> memref<10240x128xf32, #tpu.memory_space<vmem_shared>>
          tpu.wait_indirect_dma semaphore(%arg18 : memref<!tpu.dma_semaphore, #tpu.memory_space<semaphore_mem>>) src(%dma_wait3A_568 : memref<32x128xf32, #tpu.memory_space<vmem>>) dst(%dma_wait3A_574 : memref<10240x128xf32, #tpu.memory_space<vmem_shared>>)
          %add3A_575 = arith.constant 2 : i32
          %add3A_576 = arith.addi %add3A_229, %add3A_575 : i32
          %sub3A_577 = arith.constant 2 : i32
          %sub3A_578 = arith.subi %add3A_576, %sub3A_577 : i32
          %add3A_579 = arith.constant 8 : i32
          %add3A_580 = arith.addi %sub3A_578, %add3A_579 : i32
          %dma_start3A_581 = arith.constant 0 : i32
          %dma_start3A_582 = arith.constant 0 : i32
          %dma_start3A_583 = arith.constant 0 : i32
          %dma_start3A_584 = tpu.memref_slice %arg8[%dma_start3A_581, %dma_start3A_582, %dma_start3A_583] : memref<8x32x128xf32, #tpu.memory_space<vmem>> -> memref<1x32x128xf32, #tpu.memory_space<vmem>>
          %dma_start3A_585 = tpu.memref_squeeze %dma_start3A_584 : memref<1x32x128xf32, #tpu.memory_space<vmem>> -> memref<32x128xf32, #tpu.memory_space<vmem>>
          %dma_start3A_586 = arith.constant 0 : i32
          %dma_start3A_587 = tpu.memref_slice %arg6[%add3A_580, %dma_start3A_586] : memref<40x32xi32, #tpu.memory_space<vmem>> -> memref<1x32xi32, #tpu.memory_space<vmem>>
          %dma_start3A_588 = tpu.memref_squeeze %dma_start3A_587 : memref<1x32xi32, #tpu.memory_space<vmem>> -> memref<32xi32, #tpu.memory_space<vmem>>
          %dma_start3A_589 = arith.constant 0 : i32
          %dma_start3A_590 = arith.constant 0 : i32
          %dma_start3A_591 = tpu.memref_slice %arg2[%dma_start3A_589, %dma_start3A_590] : memref<10240x128xf32, #tpu.memory_space<hbm>> -> memref<10240x128xf32, #tpu.memory_space<hbm>>
          tpu.enqueue_indirect_dma source(%dma_start3A_591 : memref<10240x128xf32, #tpu.memory_space<hbm>>) target(%dma_start3A_585 : memref<32x128xf32, #tpu.memory_space<vmem>>) offsets(%dma_start3A_588 : memref<32xi32, #tpu.memory_space<vmem>>) semaphore(%arg10 : memref<!tpu.dma_semaphore, #tpu.memory_space<semaphore_mem>>)
        } else {
        }
        %add3A_324 = arith.constant 2 : i32
        %add3A_325 = arith.addi %add3A_229, %add3A_324 : i32
        %dma_wait3A_326 = arith.constant 2 : i32
        %dma_wait3A_327 = arith.constant 0 : i32
        %dma_wait3A_328 = arith.constant 0 : i32
        %dma_wait3A_329 = tpu.memref_slice %arg8[%dma_wait3A_326, %dma_wait3A_327, %dma_wait3A_328] : memref<8x32x128xf32, #tpu.memory_space<vmem>> -> memref<1x32x128xf32, #tpu.memory_space<vmem>>
        %dma_wait3A_330 = tpu.memref_squeeze %dma_wait3A_329 : memref<1x32x128xf32, #tpu.memory_space<vmem>> -> memref<32x128xf32, #tpu.memory_space<vmem>>
        %dma_wait3A_331 = arith.constant 0 : i32
        %dma_wait3A_332 = tpu.memref_slice %arg6[%add3A_325, %dma_wait3A_331] : memref<40x32xi32, #tpu.memory_space<vmem>> -> memref<1x32xi32, #tpu.memory_space<vmem>>
        %dma_wait3A_333 = tpu.memref_squeeze %dma_wait3A_332 : memref<1x32xi32, #tpu.memory_space<vmem>> -> memref<32xi32, #tpu.memory_space<vmem>>
        %dma_wait3A_334 = arith.constant 0 : i32
        %dma_wait3A_335 = arith.constant 0 : i32
        %dma_wait3A_336 = tpu.memref_slice %arg2[%dma_wait3A_334, %dma_wait3A_335] : memref<10240x128xf32, #tpu.memory_space<hbm>> -> memref<10240x128xf32, #tpu.memory_space<hbm>>
        tpu.wait_indirect_dma semaphore(%arg12 : memref<!tpu.dma_semaphore, #tpu.memory_space<semaphore_mem>>) src(%dma_wait3A_336 : memref<10240x128xf32, #tpu.memory_space<hbm>>) dst(%dma_wait3A_330 : memref<32x128xf32, #tpu.memory_space<vmem>>)
        %add3A_337 = arith.constant 2 : i32
        %add3A_338 = arith.addi %add3A_229, %add3A_337 : i32
        %dma_start3A_339 = arith.constant 2 : i32
        %dma_start3A_340 = arith.constant 0 : i32
        %dma_start3A_341 = arith.constant 0 : i32
        %dma_start3A_342 = tpu.memref_slice %arg8[%dma_start3A_339, %dma_start3A_340, %dma_start3A_341] : memref<8x32x128xf32, #tpu.memory_space<vmem>> -> memref<1x32x128xf32, #tpu.memory_space<vmem>>
        %dma_start3A_343 = tpu.memref_squeeze %dma_start3A_342 : memref<1x32x128xf32, #tpu.memory_space<vmem>> -> memref<32x128xf32, #tpu.memory_space<vmem>>
        %dma_start3A_344 = arith.constant 0 : i32
        %dma_start3A_345 = tpu.memref_slice %arg7[%add3A_338, %dma_start3A_344] : memref<40x32xi32, #tpu.memory_space<vmem>> -> memref<1x32xi32, #tpu.memory_space<vmem>>
        %dma_start3A_346 = tpu.memref_squeeze %dma_start3A_345 : memref<1x32xi32, #tpu.memory_space<vmem>> -> memref<32xi32, #tpu.memory_space<vmem>>
        %dma_start3A_347 = arith.constant 0 : i32
        %dma_start3A_348 = arith.constant 0 : i32
        %dma_start3A_349 = tpu.memref_slice %arg9[%dma_start3A_347, %dma_start3A_348] : memref<10240x128xf32, #tpu.memory_space<vmem_shared>> -> memref<10240x128xf32, #tpu.memory_space<vmem_shared>>
        tpu.enqueue_indirect_dma source(%dma_start3A_343 : memref<32x128xf32, #tpu.memory_space<vmem>>) target(%dma_start3A_349 : memref<10240x128xf32, #tpu.memory_space<vmem_shared>>) offsets(%dma_start3A_346 : memref<32xi32, #tpu.memory_space<vmem>>) semaphore(%arg20 : memref<!tpu.dma_semaphore, #tpu.memory_space<semaphore_mem>>) {add = true}
        %add3A_350 = arith.constant 3 : i32
        %add3A_351 = arith.addi %add3A_229, %add3A_350 : i32
        %ge3A_352 = arith.constant 2 : i32
        %ge3A_353 = arith.cmpi sge, %add3A_351, %ge3A_352 : i32
        %add3A_354 = arith.constant 3 : i32
        %add3A_355 = arith.addi %add3A_229, %add3A_354 : i32
        %sub3A_356 = arith.constant 2 : i32
        %sub3A_357 = arith.subi %add3A_355, %sub3A_356 : i32
        %add3A_358 = arith.constant 8 : i32
        %add3A_359 = arith.addi %sub3A_357, %add3A_358 : i32
        %lt3A_360 = arith.constant 40 : i32
        %lt3A_361 = arith.cmpi slt, %add3A_359, %lt3A_360 : i32
        %and3A_362 = arith.andi %ge3A_353, %lt3A_361 : i1
        %convert_element_type3A_363 = arith.extui %and3A_362 : i1 to i32
        %cond3A_364 = arith.constant 0 : i32
        %cond3A_365 = arith.cmpi ne, %convert_element_type3A_363, %cond3A_364 : i32
        scf.if %cond3A_365 {
          %add3A_560 = arith.constant 3 : i32
          %add3A_561 = arith.addi %add3A_229, %add3A_560 : i32
          %sub3A_562 = arith.constant 2 : i32
          %sub3A_563 = arith.subi %add3A_561, %sub3A_562 : i32
          %dma_wait3A_564 = arith.constant 1 : i32
          %dma_wait3A_565 = arith.constant 0 : i32
          %dma_wait3A_566 = arith.constant 0 : i32
          %dma_wait3A_567 = tpu.memref_slice %arg8[%dma_wait3A_564, %dma_wait3A_565, %dma_wait3A_566] : memref<8x32x128xf32, #tpu.memory_space<vmem>> -> memref<1x32x128xf32, #tpu.memory_space<vmem>>
          %dma_wait3A_568 = tpu.memref_squeeze %dma_wait3A_567 : memref<1x32x128xf32, #tpu.memory_space<vmem>> -> memref<32x128xf32, #tpu.memory_space<vmem>>
          %dma_wait3A_569 = arith.constant 0 : i32
          %dma_wait3A_570 = tpu.memref_slice %arg7[%sub3A_563, %dma_wait3A_569] : memref<40x32xi32, #tpu.memory_space<vmem>> -> memref<1x32xi32, #tpu.memory_space<vmem>>
          %dma_wait3A_571 = tpu.memref_squeeze %dma_wait3A_570 : memref<1x32xi32, #tpu.memory_space<vmem>> -> memref<32xi32, #tpu.memory_space<vmem>>
          %dma_wait3A_572 = arith.constant 0 : i32
          %dma_wait3A_573 = arith.constant 0 : i32
          %dma_wait3A_574 = tpu.memref_slice %arg9[%dma_wait3A_572, %dma_wait3A_573] : memref<10240x128xf32, #tpu.memory_space<vmem_shared>> -> memref<10240x128xf32, #tpu.memory_space<vmem_shared>>
          tpu.wait_indirect_dma semaphore(%arg19 : memref<!tpu.dma_semaphore, #tpu.memory_space<semaphore_mem>>) src(%dma_wait3A_568 : memref<32x128xf32, #tpu.memory_space<vmem>>) dst(%dma_wait3A_574 : memref<10240x128xf32, #tpu.memory_space<vmem_shared>>)
          %add3A_575 = arith.constant 3 : i32
          %add3A_576 = arith.addi %add3A_229, %add3A_575 : i32
          %sub3A_577 = arith.constant 2 : i32
          %sub3A_578 = arith.subi %add3A_576, %sub3A_577 : i32
          %add3A_579 = arith.constant 8 : i32
          %add3A_580 = arith.addi %sub3A_578, %add3A_579 : i32
          %dma_start3A_581 = arith.constant 1 : i32
          %dma_start3A_582 = arith.constant 0 : i32
          %dma_start3A_583 = arith.constant 0 : i32
          %dma_start3A_584 = tpu.memref_slice %arg8[%dma_start3A_581, %dma_start3A_582, %dma_start3A_583] : memref<8x32x128xf32, #tpu.memory_space<vmem>> -> memref<1x32x128xf32, #tpu.memory_space<vmem>>
          %dma_start3A_585 = tpu.memref_squeeze %dma_start3A_584 : memref<1x32x128xf32, #tpu.memory_space<vmem>> -> memref<32x128xf32, #tpu.memory_space<vmem>>
          %dma_start3A_586 = arith.constant 0 : i32
          %dma_start3A_587 = tpu.memref_slice %arg6[%add3A_580, %dma_start3A_586] : memref<40x32xi32, #tpu.memory_space<vmem>> -> memref<1x32xi32, #tpu.memory_space<vmem>>
          %dma_start3A_588 = tpu.memref_squeeze %dma_start3A_587 : memref<1x32xi32, #tpu.memory_space<vmem>> -> memref<32xi32, #tpu.memory_space<vmem>>
          %dma_start3A_589 = arith.constant 0 : i32
          %dma_start3A_590 = arith.constant 0 : i32
          %dma_start3A_591 = tpu.memref_slice %arg2[%dma_start3A_589, %dma_start3A_590] : memref<10240x128xf32, #tpu.memory_space<hbm>> -> memref<10240x128xf32, #tpu.memory_space<hbm>>
          tpu.enqueue_indirect_dma source(%dma_start3A_591 : memref<10240x128xf32, #tpu.memory_space<hbm>>) target(%dma_start3A_585 : memref<32x128xf32, #tpu.memory_space<vmem>>) offsets(%dma_start3A_588 : memref<32xi32, #tpu.memory_space<vmem>>) semaphore(%arg11 : memref<!tpu.dma_semaphore, #tpu.memory_space<semaphore_mem>>)
        } else {
        }
        %add3A_366 = arith.constant 3 : i32
        %add3A_367 = arith.addi %add3A_229, %add3A_366 : i32
        %dma_wait3A_368 = arith.constant 3 : i32
        %dma_wait3A_369 = arith.constant 0 : i32
        %dma_wait3A_370 = arith.constant 0 : i32
        %dma_wait3A_371 = tpu.memref_slice %arg8[%dma_wait3A_368, %dma_wait3A_369, %dma_wait3A_370] : memref<8x32x128xf32, #tpu.memory_space<vmem>> -> memref<1x32x128xf32, #tpu.memory_space<vmem>>
        %dma_wait3A_372 = tpu.memref_squeeze %dma_wait3A_371 : memref<1x32x128xf32, #tpu.memory_space<vmem>> -> memref<32x128xf32, #tpu.memory_space<vmem>>
        %dma_wait3A_373 = arith.constant 0 : i32
        %dma_wait3A_374 = tpu.memref_slice %arg6[%add3A_367, %dma_wait3A_373] : memref<40x32xi32, #tpu.memory_space<vmem>> -> memref<1x32xi32, #tpu.memory_space<vmem>>
        %dma_wait3A_375 = tpu.memref_squeeze %dma_wait3A_374 : memref<1x32xi32, #tpu.memory_space<vmem>> -> memref<32xi32, #tpu.memory_space<vmem>>
        %dma_wait3A_376 = arith.constant 0 : i32
        %dma_wait3A_377 = arith.constant 0 : i32
        %dma_wait3A_378 = tpu.memref_slice %arg2[%dma_wait3A_376, %dma_wait3A_377] : memref<10240x128xf32, #tpu.memory_space<hbm>> -> memref<10240x128xf32, #tpu.memory_space<hbm>>
        tpu.wait_indirect_dma semaphore(%arg13 : memref<!tpu.dma_semaphore, #tpu.memory_space<semaphore_mem>>) src(%dma_wait3A_378 : memref<10240x128xf32, #tpu.memory_space<hbm>>) dst(%dma_wait3A_372 : memref<32x128xf32, #tpu.memory_space<vmem>>)
        %add3A_379 = arith.constant 3 : i32
        %add3A_380 = arith.addi %add3A_229, %add3A_379 : i32
        %dma_start3A_381 = arith.constant 3 : i32
        %dma_start3A_382 = arith.constant 0 : i32
        %dma_start3A_383 = arith.constant 0 : i32
        %dma_start3A_384 = tpu.memref_slice %arg8[%dma_start3A_381, %dma_start3A_382, %dma_start3A_383] : memref<8x32x128xf32, #tpu.memory_space<vmem>> -> memref<1x32x128xf32, #tpu.memory_space<vmem>>
        %dma_start3A_385 = tpu.memref_squeeze %dma_start3A_384 : memref<1x32x128xf32, #tpu.memory_space<vmem>> -> memref<32x128xf32, #tpu.memory_space<vmem>>
        %dma_start3A_386 = arith.constant 0 : i32
        %dma_start3A_387 = tpu.memref_slice %arg7[%add3A_380, %dma_start3A_386] : memref<40x32xi32, #tpu.memory_space<vmem>> -> memref<1x32xi32, #tpu.memory_space<vmem>>
        %dma_start3A_388 = tpu.memref_squeeze %dma_start3A_387 : memref<1x32xi32, #tpu.memory_space<vmem>> -> memref<32xi32, #tpu.memory_space<vmem>>
        %dma_start3A_389 = arith.constant 0 : i32
        %dma_start3A_390 = arith.constant 0 : i32
        %dma_start3A_391 = tpu.memref_slice %arg9[%dma_start3A_389, %dma_start3A_390] : memref<10240x128xf32, #tpu.memory_space<vmem_shared>> -> memref<10240x128xf32, #tpu.memory_space<vmem_shared>>
        tpu.enqueue_indirect_dma source(%dma_start3A_385 : memref<32x128xf32, #tpu.memory_space<vmem>>) target(%dma_start3A_391 : memref<10240x128xf32, #tpu.memory_space<vmem_shared>>) offsets(%dma_start3A_388 : memref<32xi32, #tpu.memory_space<vmem>>) semaphore(%arg21 : memref<!tpu.dma_semaphore, #tpu.memory_space<semaphore_mem>>) {add = true}
        %add3A_392 = arith.constant 4 : i32
        %add3A_393 = arith.addi %add3A_229, %add3A_392 : i32
        %ge3A_394 = arith.constant 2 : i32
        %ge3A_395 = arith.cmpi sge, %add3A_393, %ge3A_394 : i32
        %add3A_396 = arith.constant 4 : i32
        %add3A_397 = arith.addi %add3A_229, %add3A_396 : i32
        %sub3A_398 = arith.constant 2 : i32
        %sub3A_399 = arith.subi %add3A_397, %sub3A_398 : i32
        %add3A_400 = arith.constant 8 : i32
        %add3A_401 = arith.addi %sub3A_399, %add3A_400 : i32
        %lt3A_402 = arith.constant 40 : i32
        %lt3A_403 = arith.cmpi slt, %add3A_401, %lt3A_402 : i32
        %and3A_404 = arith.andi %ge3A_395, %lt3A_403 : i1
        %convert_element_type3A_405 = arith.extui %and3A_404 : i1 to i32
        %cond3A_406 = arith.constant 0 : i32
        %cond3A_407 = arith.cmpi ne, %convert_element_type3A_405, %cond3A_406 : i32
        scf.if %cond3A_407 {
          %add3A_560 = arith.constant 4 : i32
          %add3A_561 = arith.addi %add3A_229, %add3A_560 : i32
          %sub3A_562 = arith.constant 2 : i32
          %sub3A_563 = arith.subi %add3A_561, %sub3A_562 : i32
          %dma_wait3A_564 = arith.constant 2 : i32
          %dma_wait3A_565 = arith.constant 0 : i32
          %dma_wait3A_566 = arith.constant 0 : i32
          %dma_wait3A_567 = tpu.memref_slice %arg8[%dma_wait3A_564, %dma_wait3A_565, %dma_wait3A_566] : memref<8x32x128xf32, #tpu.memory_space<vmem>> -> memref<1x32x128xf32, #tpu.memory_space<vmem>>
          %dma_wait3A_568 = tpu.memref_squeeze %dma_wait3A_567 : memref<1x32x128xf32, #tpu.memory_space<vmem>> -> memref<32x128xf32, #tpu.memory_space<vmem>>
          %dma_wait3A_569 = arith.constant 0 : i32
          %dma_wait3A_570 = tpu.memref_slice %arg7[%sub3A_563, %dma_wait3A_569] : memref<40x32xi32, #tpu.memory_space<vmem>> -> memref<1x32xi32, #tpu.memory_space<vmem>>
          %dma_wait3A_571 = tpu.memref_squeeze %dma_wait3A_570 : memref<1x32xi32, #tpu.memory_space<vmem>> -> memref<32xi32, #tpu.memory_space<vmem>>
          %dma_wait3A_572 = arith.constant 0 : i32
          %dma_wait3A_573 = arith.constant 0 : i32
          %dma_wait3A_574 = tpu.memref_slice %arg9[%dma_wait3A_572, %dma_wait3A_573] : memref<10240x128xf32, #tpu.memory_space<vmem_shared>> -> memref<10240x128xf32, #tpu.memory_space<vmem_shared>>
          tpu.wait_indirect_dma semaphore(%arg20 : memref<!tpu.dma_semaphore, #tpu.memory_space<semaphore_mem>>) src(%dma_wait3A_568 : memref<32x128xf32, #tpu.memory_space<vmem>>) dst(%dma_wait3A_574 : memref<10240x128xf32, #tpu.memory_space<vmem_shared>>)
          %add3A_575 = arith.constant 4 : i32
          %add3A_576 = arith.addi %add3A_229, %add3A_575 : i32
          %sub3A_577 = arith.constant 2 : i32
          %sub3A_578 = arith.subi %add3A_576, %sub3A_577 : i32
          %add3A_579 = arith.constant 8 : i32
          %add3A_580 = arith.addi %sub3A_578, %add3A_579 : i32
          %dma_start3A_581 = arith.constant 2 : i32
          %dma_start3A_582 = arith.constant 0 : i32
          %dma_start3A_583 = arith.constant 0 : i32
          %dma_start3A_584 = tpu.memref_slice %arg8[%dma_start3A_581, %dma_start3A_582, %dma_start3A_583] : memref<8x32x128xf32, #tpu.memory_space<vmem>> -> memref<1x32x128xf32, #tpu.memory_space<vmem>>
          %dma_start3A_585 = tpu.memref_squeeze %dma_start3A_584 : memref<1x32x128xf32, #tpu.memory_space<vmem>> -> memref<32x128xf32, #tpu.memory_space<vmem>>
          %dma_start3A_586 = arith.constant 0 : i32
          %dma_start3A_587 = tpu.memref_slice %arg6[%add3A_580, %dma_start3A_586] : memref<40x32xi32, #tpu.memory_space<vmem>> -> memref<1x32xi32, #tpu.memory_space<vmem>>
          %dma_start3A_588 = tpu.memref_squeeze %dma_start3A_587 : memref<1x32xi32, #tpu.memory_space<vmem>> -> memref<32xi32, #tpu.memory_space<vmem>>
          %dma_start3A_589 = arith.constant 0 : i32
          %dma_start3A_590 = arith.constant 0 : i32
          %dma_start3A_591 = tpu.memref_slice %arg2[%dma_start3A_589, %dma_start3A_590] : memref<10240x128xf32, #tpu.memory_space<hbm>> -> memref<10240x128xf32, #tpu.memory_space<hbm>>
          tpu.enqueue_indirect_dma source(%dma_start3A_591 : memref<10240x128xf32, #tpu.memory_space<hbm>>) target(%dma_start3A_585 : memref<32x128xf32, #tpu.memory_space<vmem>>) offsets(%dma_start3A_588 : memref<32xi32, #tpu.memory_space<vmem>>) semaphore(%arg12 : memref<!tpu.dma_semaphore, #tpu.memory_space<semaphore_mem>>)
        } else {
        }
        %add3A_408 = arith.constant 4 : i32
        %add3A_409 = arith.addi %add3A_229, %add3A_408 : i32
        %dma_wait3A_410 = arith.constant 4 : i32
        %dma_wait3A_411 = arith.constant 0 : i32
        %dma_wait3A_412 = arith.constant 0 : i32
        %dma_wait3A_413 = tpu.memref_slice %arg8[%dma_wait3A_410, %dma_wait3A_411, %dma_wait3A_412] : memref<8x32x128xf32, #tpu.memory_space<vmem>> -> memref<1x32x128xf32, #tpu.memory_space<vmem>>
        %dma_wait3A_414 = tpu.memref_squeeze %dma_wait3A_413 : memref<1x32x128xf32, #tpu.memory_space<vmem>> -> memref<32x128xf32, #tpu.memory_space<vmem>>
        %dma_wait3A_415 = arith.constant 0 : i32
        %dma_wait3A_416 = tpu.memref_slice %arg6[%add3A_409, %dma_wait3A_415] : memref<40x32xi32, #tpu.memory_space<vmem>> -> memref<1x32xi32, #tpu.memory_space<vmem>>
        %dma_wait3A_417 = tpu.memref_squeeze %dma_wait3A_416 : memref<1x32xi32, #tpu.memory_space<vmem>> -> memref<32xi32, #tpu.memory_space<vmem>>
        %dma_wait3A_418 = arith.constant 0 : i32
        %dma_wait3A_419 = arith.constant 0 : i32
        %dma_wait3A_420 = tpu.memref_slice %arg2[%dma_wait3A_418, %dma_wait3A_419] : memref<10240x128xf32, #tpu.memory_space<hbm>> -> memref<10240x128xf32, #tpu.memory_space<hbm>>
        tpu.wait_indirect_dma semaphore(%arg14 : memref<!tpu.dma_semaphore, #tpu.memory_space<semaphore_mem>>) src(%dma_wait3A_420 : memref<10240x128xf32, #tpu.memory_space<hbm>>) dst(%dma_wait3A_414 : memref<32x128xf32, #tpu.memory_space<vmem>>)
        %add3A_421 = arith.constant 4 : i32
        %add3A_422 = arith.addi %add3A_229, %add3A_421 : i32
        %dma_start3A_423 = arith.constant 4 : i32
        %dma_start3A_424 = arith.constant 0 : i32
        %dma_start3A_425 = arith.constant 0 : i32
        %dma_start3A_426 = tpu.memref_slice %arg8[%dma_start3A_423, %dma_start3A_424, %dma_start3A_425] : memref<8x32x128xf32, #tpu.memory_space<vmem>> -> memref<1x32x128xf32, #tpu.memory_space<vmem>>
        %dma_start3A_427 = tpu.memref_squeeze %dma_start3A_426 : memref<1x32x128xf32, #tpu.memory_space<vmem>> -> memref<32x128xf32, #tpu.memory_space<vmem>>
        %dma_start3A_428 = arith.constant 0 : i32
        %dma_start3A_429 = tpu.memref_slice %arg7[%add3A_422, %dma_start3A_428] : memref<40x32xi32, #tpu.memory_space<vmem>> -> memref<1x32xi32, #tpu.memory_space<vmem>>
        %dma_start3A_430 = tpu.memref_squeeze %dma_start3A_429 : memref<1x32xi32, #tpu.memory_space<vmem>> -> memref<32xi32, #tpu.memory_space<vmem>>
        %dma_start3A_431 = arith.constant 0 : i32
        %dma_start3A_432 = arith.constant 0 : i32
        %dma_start3A_433 = tpu.memref_slice %arg9[%dma_start3A_431, %dma_start3A_432] : memref<10240x128xf32, #tpu.memory_space<vmem_shared>> -> memref<10240x128xf32, #tpu.memory_space<vmem_shared>>
        tpu.enqueue_indirect_dma source(%dma_start3A_427 : memref<32x128xf32, #tpu.memory_space<vmem>>) target(%dma_start3A_433 : memref<10240x128xf32, #tpu.memory_space<vmem_shared>>) offsets(%dma_start3A_430 : memref<32xi32, #tpu.memory_space<vmem>>) semaphore(%arg22 : memref<!tpu.dma_semaphore, #tpu.memory_space<semaphore_mem>>) {add = true}
        %add3A_434 = arith.constant 5 : i32
        %add3A_435 = arith.addi %add3A_229, %add3A_434 : i32
        %ge3A_436 = arith.constant 2 : i32
        %ge3A_437 = arith.cmpi sge, %add3A_435, %ge3A_436 : i32
        %add3A_438 = arith.constant 5 : i32
        %add3A_439 = arith.addi %add3A_229, %add3A_438 : i32
        %sub3A_440 = arith.constant 2 : i32
        %sub3A_441 = arith.subi %add3A_439, %sub3A_440 : i32
        %add3A_442 = arith.constant 8 : i32
        %add3A_443 = arith.addi %sub3A_441, %add3A_442 : i32
        %lt3A_444 = arith.constant 40 : i32
        %lt3A_445 = arith.cmpi slt, %add3A_443, %lt3A_444 : i32
        %and3A_446 = arith.andi %ge3A_437, %lt3A_445 : i1
        %convert_element_type3A_447 = arith.extui %and3A_446 : i1 to i32
        %cond3A_448 = arith.constant 0 : i32
        %cond3A_449 = arith.cmpi ne, %convert_element_type3A_447, %cond3A_448 : i32
        scf.if %cond3A_449 {
          %add3A_560 = arith.constant 5 : i32
          %add3A_561 = arith.addi %add3A_229, %add3A_560 : i32
          %sub3A_562 = arith.constant 2 : i32
          %sub3A_563 = arith.subi %add3A_561, %sub3A_562 : i32
          %dma_wait3A_564 = arith.constant 3 : i32
          %dma_wait3A_565 = arith.constant 0 : i32
          %dma_wait3A_566 = arith.constant 0 : i32
          %dma_wait3A_567 = tpu.memref_slice %arg8[%dma_wait3A_564, %dma_wait3A_565, %dma_wait3A_566] : memref<8x32x128xf32, #tpu.memory_space<vmem>> -> memref<1x32x128xf32, #tpu.memory_space<vmem>>
          %dma_wait3A_568 = tpu.memref_squeeze %dma_wait3A_567 : memref<1x32x128xf32, #tpu.memory_space<vmem>> -> memref<32x128xf32, #tpu.memory_space<vmem>>
          %dma_wait3A_569 = arith.constant 0 : i32
          %dma_wait3A_570 = tpu.memref_slice %arg7[%sub3A_563, %dma_wait3A_569] : memref<40x32xi32, #tpu.memory_space<vmem>> -> memref<1x32xi32, #tpu.memory_space<vmem>>
          %dma_wait3A_571 = tpu.memref_squeeze %dma_wait3A_570 : memref<1x32xi32, #tpu.memory_space<vmem>> -> memref<32xi32, #tpu.memory_space<vmem>>
          %dma_wait3A_572 = arith.constant 0 : i32
          %dma_wait3A_573 = arith.constant 0 : i32
          %dma_wait3A_574 = tpu.memref_slice %arg9[%dma_wait3A_572, %dma_wait3A_573] : memref<10240x128xf32, #tpu.memory_space<vmem_shared>> -> memref<10240x128xf32, #tpu.memory_space<vmem_shared>>
          tpu.wait_indirect_dma semaphore(%arg21 : memref<!tpu.dma_semaphore, #tpu.memory_space<semaphore_mem>>) src(%dma_wait3A_568 : memref<32x128xf32, #tpu.memory_space<vmem>>) dst(%dma_wait3A_574 : memref<10240x128xf32, #tpu.memory_space<vmem_shared>>)
          %add3A_575 = arith.constant 5 : i32
          %add3A_576 = arith.addi %add3A_229, %add3A_575 : i32
          %sub3A_577 = arith.constant 2 : i32
          %sub3A_578 = arith.subi %add3A_576, %sub3A_577 : i32
          %add3A_579 = arith.constant 8 : i32
          %add3A_580 = arith.addi %sub3A_578, %add3A_579 : i32
          %dma_start3A_581 = arith.constant 3 : i32
          %dma_start3A_582 = arith.constant 0 : i32
          %dma_start3A_583 = arith.constant 0 : i32
          %dma_start3A_584 = tpu.memref_slice %arg8[%dma_start3A_581, %dma_start3A_582, %dma_start3A_583] : memref<8x32x128xf32, #tpu.memory_space<vmem>> -> memref<1x32x128xf32, #tpu.memory_space<vmem>>
          %dma_start3A_585 = tpu.memref_squeeze %dma_start3A_584 : memref<1x32x128xf32, #tpu.memory_space<vmem>> -> memref<32x128xf32, #tpu.memory_space<vmem>>
          %dma_start3A_586 = arith.constant 0 : i32
          %dma_start3A_587 = tpu.memref_slice %arg6[%add3A_580, %dma_start3A_586] : memref<40x32xi32, #tpu.memory_space<vmem>> -> memref<1x32xi32, #tpu.memory_space<vmem>>
          %dma_start3A_588 = tpu.memref_squeeze %dma_start3A_587 : memref<1x32xi32, #tpu.memory_space<vmem>> -> memref<32xi32, #tpu.memory_space<vmem>>
          %dma_start3A_589 = arith.constant 0 : i32
          %dma_start3A_590 = arith.constant 0 : i32
          %dma_start3A_591 = tpu.memref_slice %arg2[%dma_start3A_589, %dma_start3A_590] : memref<10240x128xf32, #tpu.memory_space<hbm>> -> memref<10240x128xf32, #tpu.memory_space<hbm>>
          tpu.enqueue_indirect_dma source(%dma_start3A_591 : memref<10240x128xf32, #tpu.memory_space<hbm>>) target(%dma_start3A_585 : memref<32x128xf32, #tpu.memory_space<vmem>>) offsets(%dma_start3A_588 : memref<32xi32, #tpu.memory_space<vmem>>) semaphore(%arg13 : memref<!tpu.dma_semaphore, #tpu.memory_space<semaphore_mem>>)
        } else {
        }
        %add3A_450 = arith.constant 5 : i32
        %add3A_451 = arith.addi %add3A_229, %add3A_450 : i32
        %dma_wait3A_452 = arith.constant 5 : i32
        %dma_wait3A_453 = arith.constant 0 : i32
        %dma_wait3A_454 = arith.constant 0 : i32
        %dma_wait3A_455 = tpu.memref_slice %arg8[%dma_wait3A_452, %dma_wait3A_453, %dma_wait3A_454] : memref<8x32x128xf32, #tpu.memory_space<vmem>> -> memref<1x32x128xf32, #tpu.memory_space<vmem>>
        %dma_wait3A_456 = tpu.memref_squeeze %dma_wait3A_455 : memref<1x32x128xf32, #tpu.memory_space<vmem>> -> memref<32x128xf32, #tpu.memory_space<vmem>>
        %dma_wait3A_457 = arith.constant 0 : i32
        %dma_wait3A_458 = tpu.memref_slice %arg6[%add3A_451, %dma_wait3A_457] : memref<40x32xi32, #tpu.memory_space<vmem>> -> memref<1x32xi32, #tpu.memory_space<vmem>>
        %dma_wait3A_459 = tpu.memref_squeeze %dma_wait3A_458 : memref<1x32xi32, #tpu.memory_space<vmem>> -> memref<32xi32, #tpu.memory_space<vmem>>
        %dma_wait3A_460 = arith.constant 0 : i32
        %dma_wait3A_461 = arith.constant 0 : i32
        %dma_wait3A_462 = tpu.memref_slice %arg2[%dma_wait3A_460, %dma_wait3A_461] : memref<10240x128xf32, #tpu.memory_space<hbm>> -> memref<10240x128xf32, #tpu.memory_space<hbm>>
        tpu.wait_indirect_dma semaphore(%arg15 : memref<!tpu.dma_semaphore, #tpu.memory_space<semaphore_mem>>) src(%dma_wait3A_462 : memref<10240x128xf32, #tpu.memory_space<hbm>>) dst(%dma_wait3A_456 : memref<32x128xf32, #tpu.memory_space<vmem>>)
        %add3A_463 = arith.constant 5 : i32
        %add3A_464 = arith.addi %add3A_229, %add3A_463 : i32
        %dma_start3A_465 = arith.constant 5 : i32
        %dma_start3A_466 = arith.constant 0 : i32
        %dma_start3A_467 = arith.constant 0 : i32
        %dma_start3A_468 = tpu.memref_slice %arg8[%dma_start3A_465, %dma_start3A_466, %dma_start3A_467] : memref<8x32x128xf32, #tpu.memory_space<vmem>> -> memref<1x32x128xf32, #tpu.memory_space<vmem>>
        %dma_start3A_469 = tpu.memref_squeeze %dma_start3A_468 : memref<1x32x128xf32, #tpu.memory_space<vmem>> -> memref<32x128xf32, #tpu.memory_space<vmem>>
        %dma_start3A_470 = arith.constant 0 : i32
        %dma_start3A_471 = tpu.memref_slice %arg7[%add3A_464, %dma_start3A_470] : memref<40x32xi32, #tpu.memory_space<vmem>> -> memref<1x32xi32, #tpu.memory_space<vmem>>
        %dma_start3A_472 = tpu.memref_squeeze %dma_start3A_471 : memref<1x32xi32, #tpu.memory_space<vmem>> -> memref<32xi32, #tpu.memory_space<vmem>>
        %dma_start3A_473 = arith.constant 0 : i32
        %dma_start3A_474 = arith.constant 0 : i32
        %dma_start3A_475 = tpu.memref_slice %arg9[%dma_start3A_473, %dma_start3A_474] : memref<10240x128xf32, #tpu.memory_space<vmem_shared>> -> memref<10240x128xf32, #tpu.memory_space<vmem_shared>>
        tpu.enqueue_indirect_dma source(%dma_start3A_469 : memref<32x128xf32, #tpu.memory_space<vmem>>) target(%dma_start3A_475 : memref<10240x128xf32, #tpu.memory_space<vmem_shared>>) offsets(%dma_start3A_472 : memref<32xi32, #tpu.memory_space<vmem>>) semaphore(%arg23 : memref<!tpu.dma_semaphore, #tpu.memory_space<semaphore_mem>>) {add = true}
        %add3A_476 = arith.constant 6 : i32
        %add3A_477 = arith.addi %add3A_229, %add3A_476 : i32
        %ge3A_478 = arith.constant 2 : i32
        %ge3A_479 = arith.cmpi sge, %add3A_477, %ge3A_478 : i32
        %add3A_480 = arith.constant 6 : i32
        %add3A_481 = arith.addi %add3A_229, %add3A_480 : i32
        %sub3A_482 = arith.constant 2 : i32
        %sub3A_483 = arith.subi %add3A_481, %sub3A_482 : i32
        %add3A_484 = arith.constant 8 : i32
        %add3A_485 = arith.addi %sub3A_483, %add3A_484 : i32
        %lt3A_486 = arith.constant 40 : i32
        %lt3A_487 = arith.cmpi slt, %add3A_485, %lt3A_486 : i32
        %and3A_488 = arith.andi %ge3A_479, %lt3A_487 : i1
        %convert_element_type3A_489 = arith.extui %and3A_488 : i1 to i32
        %cond3A_490 = arith.constant 0 : i32
        %cond3A_491 = arith.cmpi ne, %convert_element_type3A_489, %cond3A_490 : i32
        scf.if %cond3A_491 {
          %add3A_560 = arith.constant 6 : i32
          %add3A_561 = arith.addi %add3A_229, %add3A_560 : i32
          %sub3A_562 = arith.constant 2 : i32
          %sub3A_563 = arith.subi %add3A_561, %sub3A_562 : i32
          %dma_wait3A_564 = arith.constant 4 : i32
          %dma_wait3A_565 = arith.constant 0 : i32
          %dma_wait3A_566 = arith.constant 0 : i32
          %dma_wait3A_567 = tpu.memref_slice %arg8[%dma_wait3A_564, %dma_wait3A_565, %dma_wait3A_566] : memref<8x32x128xf32, #tpu.memory_space<vmem>> -> memref<1x32x128xf32, #tpu.memory_space<vmem>>
          %dma_wait3A_568 = tpu.memref_squeeze %dma_wait3A_567 : memref<1x32x128xf32, #tpu.memory_space<vmem>> -> memref<32x128xf32, #tpu.memory_space<vmem>>
          %dma_wait3A_569 = arith.constant 0 : i32
          %dma_wait3A_570 = tpu.memref_slice %arg7[%sub3A_563, %dma_wait3A_569] : memref<40x32xi32, #tpu.memory_space<vmem>> -> memref<1x32xi32, #tpu.memory_space<vmem>>
          %dma_wait3A_571 = tpu.memref_squeeze %dma_wait3A_570 : memref<1x32xi32, #tpu.memory_space<vmem>> -> memref<32xi32, #tpu.memory_space<vmem>>
          %dma_wait3A_572 = arith.constant 0 : i32
          %dma_wait3A_573 = arith.constant 0 : i32
          %dma_wait3A_574 = tpu.memref_slice %arg9[%dma_wait3A_572, %dma_wait3A_573] : memref<10240x128xf32, #tpu.memory_space<vmem_shared>> -> memref<10240x128xf32, #tpu.memory_space<vmem_shared>>
          tpu.wait_indirect_dma semaphore(%arg22 : memref<!tpu.dma_semaphore, #tpu.memory_space<semaphore_mem>>) src(%dma_wait3A_568 : memref<32x128xf32, #tpu.memory_space<vmem>>) dst(%dma_wait3A_574 : memref<10240x128xf32, #tpu.memory_space<vmem_shared>>)
          %add3A_575 = arith.constant 6 : i32
          %add3A_576 = arith.addi %add3A_229, %add3A_575 : i32
          %sub3A_577 = arith.constant 2 : i32
          %sub3A_578 = arith.subi %add3A_576, %sub3A_577 : i32
          %add3A_579 = arith.constant 8 : i32
          %add3A_580 = arith.addi %sub3A_578, %add3A_579 : i32
          %dma_start3A_581 = arith.constant 4 : i32
          %dma_start3A_582 = arith.constant 0 : i32
          %dma_start3A_583 = arith.constant 0 : i32
          %dma_start3A_584 = tpu.memref_slice %arg8[%dma_start3A_581, %dma_start3A_582, %dma_start3A_583] : memref<8x32x128xf32, #tpu.memory_space<vmem>> -> memref<1x32x128xf32, #tpu.memory_space<vmem>>
          %dma_start3A_585 = tpu.memref_squeeze %dma_start3A_584 : memref<1x32x128xf32, #tpu.memory_space<vmem>> -> memref<32x128xf32, #tpu.memory_space<vmem>>
          %dma_start3A_586 = arith.constant 0 : i32
          %dma_start3A_587 = tpu.memref_slice %arg6[%add3A_580, %dma_start3A_586] : memref<40x32xi32, #tpu.memory_space<vmem>> -> memref<1x32xi32, #tpu.memory_space<vmem>>
          %dma_start3A_588 = tpu.memref_squeeze %dma_start3A_587 : memref<1x32xi32, #tpu.memory_space<vmem>> -> memref<32xi32, #tpu.memory_space<vmem>>
          %dma_start3A_589 = arith.constant 0 : i32
          %dma_start3A_590 = arith.constant 0 : i32
          %dma_start3A_591 = tpu.memref_slice %arg2[%dma_start3A_589, %dma_start3A_590] : memref<10240x128xf32, #tpu.memory_space<hbm>> -> memref<10240x128xf32, #tpu.memory_space<hbm>>
          tpu.enqueue_indirect_dma source(%dma_start3A_591 : memref<10240x128xf32, #tpu.memory_space<hbm>>) target(%dma_start3A_585 : memref<32x128xf32, #tpu.memory_space<vmem>>) offsets(%dma_start3A_588 : memref<32xi32, #tpu.memory_space<vmem>>) semaphore(%arg14 : memref<!tpu.dma_semaphore, #tpu.memory_space<semaphore_mem>>)
        } else {
        }
        %add3A_492 = arith.constant 6 : i32
        %add3A_493 = arith.addi %add3A_229, %add3A_492 : i32
        %dma_wait3A_494 = arith.constant 6 : i32
        %dma_wait3A_495 = arith.constant 0 : i32
        %dma_wait3A_496 = arith.constant 0 : i32
        %dma_wait3A_497 = tpu.memref_slice %arg8[%dma_wait3A_494, %dma_wait3A_495, %dma_wait3A_496] : memref<8x32x128xf32, #tpu.memory_space<vmem>> -> memref<1x32x128xf32, #tpu.memory_space<vmem>>
        %dma_wait3A_498 = tpu.memref_squeeze %dma_wait3A_497 : memref<1x32x128xf32, #tpu.memory_space<vmem>> -> memref<32x128xf32, #tpu.memory_space<vmem>>
        %dma_wait3A_499 = arith.constant 0 : i32
        %dma_wait3A_500 = tpu.memref_slice %arg6[%add3A_493, %dma_wait3A_499] : memref<40x32xi32, #tpu.memory_space<vmem>> -> memref<1x32xi32, #tpu.memory_space<vmem>>
        %dma_wait3A_501 = tpu.memref_squeeze %dma_wait3A_500 : memref<1x32xi32, #tpu.memory_space<vmem>> -> memref<32xi32, #tpu.memory_space<vmem>>
        %dma_wait3A_502 = arith.constant 0 : i32
        %dma_wait3A_503 = arith.constant 0 : i32
        %dma_wait3A_504 = tpu.memref_slice %arg2[%dma_wait3A_502, %dma_wait3A_503] : memref<10240x128xf32, #tpu.memory_space<hbm>> -> memref<10240x128xf32, #tpu.memory_space<hbm>>
        tpu.wait_indirect_dma semaphore(%arg16 : memref<!tpu.dma_semaphore, #tpu.memory_space<semaphore_mem>>) src(%dma_wait3A_504 : memref<10240x128xf32, #tpu.memory_space<hbm>>) dst(%dma_wait3A_498 : memref<32x128xf32, #tpu.memory_space<vmem>>)
        %add3A_505 = arith.constant 6 : i32
        %add3A_506 = arith.addi %add3A_229, %add3A_505 : i32
        %dma_start3A_507 = arith.constant 6 : i32
        %dma_start3A_508 = arith.constant 0 : i32
        %dma_start3A_509 = arith.constant 0 : i32
        %dma_start3A_510 = tpu.memref_slice %arg8[%dma_start3A_507, %dma_start3A_508, %dma_start3A_509] : memref<8x32x128xf32, #tpu.memory_space<vmem>> -> memref<1x32x128xf32, #tpu.memory_space<vmem>>
        %dma_start3A_511 = tpu.memref_squeeze %dma_start3A_510 : memref<1x32x128xf32, #tpu.memory_space<vmem>> -> memref<32x128xf32, #tpu.memory_space<vmem>>
        %dma_start3A_512 = arith.constant 0 : i32
        %dma_start3A_513 = tpu.memref_slice %arg7[%add3A_506, %dma_start3A_512] : memref<40x32xi32, #tpu.memory_space<vmem>> -> memref<1x32xi32, #tpu.memory_space<vmem>>
        %dma_start3A_514 = tpu.memref_squeeze %dma_start3A_513 : memref<1x32xi32, #tpu.memory_space<vmem>> -> memref<32xi32, #tpu.memory_space<vmem>>
        %dma_start3A_515 = arith.constant 0 : i32
        %dma_start3A_516 = arith.constant 0 : i32
        %dma_start3A_517 = tpu.memref_slice %arg9[%dma_start3A_515, %dma_start3A_516] : memref<10240x128xf32, #tpu.memory_space<vmem_shared>> -> memref<10240x128xf32, #tpu.memory_space<vmem_shared>>
        tpu.enqueue_indirect_dma source(%dma_start3A_511 : memref<32x128xf32, #tpu.memory_space<vmem>>) target(%dma_start3A_517 : memref<10240x128xf32, #tpu.memory_space<vmem_shared>>) offsets(%dma_start3A_514 : memref<32xi32, #tpu.memory_space<vmem>>) semaphore(%arg24 : memref<!tpu.dma_semaphore, #tpu.memory_space<semaphore_mem>>) {add = true}
        %add3A_518 = arith.constant 7 : i32
        %add3A_519 = arith.addi %add3A_229, %add3A_518 : i32
        %ge3A_520 = arith.constant 2 : i32
        %ge3A_521 = arith.cmpi sge, %add3A_519, %ge3A_520 : i32
        %add3A_522 = arith.constant 7 : i32
        %add3A_523 = arith.addi %add3A_229, %add3A_522 : i32
        %sub3A_524 = arith.constant 2 : i32
        %sub3A_525 = arith.subi %add3A_523, %sub3A_524 : i32
        %add3A_526 = arith.constant 8 : i32
        %add3A_527 = arith.addi %sub3A_525, %add3A_526 : i32
        %lt3A_528 = arith.constant 40 : i32
        %lt3A_529 = arith.cmpi slt, %add3A_527, %lt3A_528 : i32
        %and3A_530 = arith.andi %ge3A_521, %lt3A_529 : i1
        %convert_element_type3A_531 = arith.extui %and3A_530 : i1 to i32
        %cond3A_532 = arith.constant 0 : i32
        %cond3A_533 = arith.cmpi ne, %convert_element_type3A_531, %cond3A_532 : i32
        scf.if %cond3A_533 {
          %add3A_560 = arith.constant 7 : i32
          %add3A_561 = arith.addi %add3A_229, %add3A_560 : i32
          %sub3A_562 = arith.constant 2 : i32
          %sub3A_563 = arith.subi %add3A_561, %sub3A_562 : i32
          %dma_wait3A_564 = arith.constant 5 : i32
          %dma_wait3A_565 = arith.constant 0 : i32
          %dma_wait3A_566 = arith.constant 0 : i32
          %dma_wait3A_567 = tpu.memref_slice %arg8[%dma_wait3A_564, %dma_wait3A_565, %dma_wait3A_566] : memref<8x32x128xf32, #tpu.memory_space<vmem>> -> memref<1x32x128xf32, #tpu.memory_space<vmem>>
          %dma_wait3A_568 = tpu.memref_squeeze %dma_wait3A_567 : memref<1x32x128xf32, #tpu.memory_space<vmem>> -> memref<32x128xf32, #tpu.memory_space<vmem>>
          %dma_wait3A_569 = arith.constant 0 : i32
          %dma_wait3A_570 = tpu.memref_slice %arg7[%sub3A_563, %dma_wait3A_569] : memref<40x32xi32, #tpu.memory_space<vmem>> -> memref<1x32xi32, #tpu.memory_space<vmem>>
          %dma_wait3A_571 = tpu.memref_squeeze %dma_wait3A_570 : memref<1x32xi32, #tpu.memory_space<vmem>> -> memref<32xi32, #tpu.memory_space<vmem>>
          %dma_wait3A_572 = arith.constant 0 : i32
          %dma_wait3A_573 = arith.constant 0 : i32
          %dma_wait3A_574 = tpu.memref_slice %arg9[%dma_wait3A_572, %dma_wait3A_573] : memref<10240x128xf32, #tpu.memory_space<vmem_shared>> -> memref<10240x128xf32, #tpu.memory_space<vmem_shared>>
          tpu.wait_indirect_dma semaphore(%arg23 : memref<!tpu.dma_semaphore, #tpu.memory_space<semaphore_mem>>) src(%dma_wait3A_568 : memref<32x128xf32, #tpu.memory_space<vmem>>) dst(%dma_wait3A_574 : memref<10240x128xf32, #tpu.memory_space<vmem_shared>>)
          %add3A_575 = arith.constant 7 : i32
          %add3A_576 = arith.addi %add3A_229, %add3A_575 : i32
          %sub3A_577 = arith.constant 2 : i32
          %sub3A_578 = arith.subi %add3A_576, %sub3A_577 : i32
          %add3A_579 = arith.constant 8 : i32
          %add3A_580 = arith.addi %sub3A_578, %add3A_579 : i32
          %dma_start3A_581 = arith.constant 5 : i32
          %dma_start3A_582 = arith.constant 0 : i32
          %dma_start3A_583 = arith.constant 0 : i32
          %dma_start3A_584 = tpu.memref_slice %arg8[%dma_start3A_581, %dma_start3A_582, %dma_start3A_583] : memref<8x32x128xf32, #tpu.memory_space<vmem>> -> memref<1x32x128xf32, #tpu.memory_space<vmem>>
          %dma_start3A_585 = tpu.memref_squeeze %dma_start3A_584 : memref<1x32x128xf32, #tpu.memory_space<vmem>> -> memref<32x128xf32, #tpu.memory_space<vmem>>
          %dma_start3A_586 = arith.constant 0 : i32
          %dma_start3A_587 = tpu.memref_slice %arg6[%add3A_580, %dma_start3A_586] : memref<40x32xi32, #tpu.memory_space<vmem>> -> memref<1x32xi32, #tpu.memory_space<vmem>>
          %dma_start3A_588 = tpu.memref_squeeze %dma_start3A_587 : memref<1x32xi32, #tpu.memory_space<vmem>> -> memref<32xi32, #tpu.memory_space<vmem>>
          %dma_start3A_589 = arith.constant 0 : i32
          %dma_start3A_590 = arith.constant 0 : i32
          %dma_start3A_591 = tpu.memref_slice %arg2[%dma_start3A_589, %dma_start3A_590] : memref<10240x128xf32, #tpu.memory_space<hbm>> -> memref<10240x128xf32, #tpu.memory_space<hbm>>
          tpu.enqueue_indirect_dma source(%dma_start3A_591 : memref<10240x128xf32, #tpu.memory_space<hbm>>) target(%dma_start3A_585 : memref<32x128xf32, #tpu.memory_space<vmem>>) offsets(%dma_start3A_588 : memref<32xi32, #tpu.memory_space<vmem>>) semaphore(%arg15 : memref<!tpu.dma_semaphore, #tpu.memory_space<semaphore_mem>>)
        } else {
        }
        %add3A_534 = arith.constant 7 : i32
        %add3A_535 = arith.addi %add3A_229, %add3A_534 : i32
        %dma_wait3A_536 = arith.constant 7 : i32
        %dma_wait3A_537 = arith.constant 0 : i32
        %dma_wait3A_538 = arith.constant 0 : i32
        %dma_wait3A_539 = tpu.memref_slice %arg8[%dma_wait3A_536, %dma_wait3A_537, %dma_wait3A_538] : memref<8x32x128xf32, #tpu.memory_space<vmem>> -> memref<1x32x128xf32, #tpu.memory_space<vmem>>
        %dma_wait3A_540 = tpu.memref_squeeze %dma_wait3A_539 : memref<1x32x128xf32, #tpu.memory_space<vmem>> -> memref<32x128xf32, #tpu.memory_space<vmem>>
        %dma_wait3A_541 = arith.constant 0 : i32
        %dma_wait3A_542 = tpu.memref_slice %arg6[%add3A_535, %dma_wait3A_541] : memref<40x32xi32, #tpu.memory_space<vmem>> -> memref<1x32xi32, #tpu.memory_space<vmem>>
        %dma_wait3A_543 = tpu.memref_squeeze %dma_wait3A_542 : memref<1x32xi32, #tpu.memory_space<vmem>> -> memref<32xi32, #tpu.memory_space<vmem>>
        %dma_wait3A_544 = arith.constant 0 : i32
        %dma_wait3A_545 = arith.constant 0 : i32
        %dma_wait3A_546 = tpu.memref_slice %arg2[%dma_wait3A_544, %dma_wait3A_545] : memref<10240x128xf32, #tpu.memory_space<hbm>> -> memref<10240x128xf32, #tpu.memory_space<hbm>>
        tpu.wait_indirect_dma semaphore(%arg17 : memref<!tpu.dma_semaphore, #tpu.memory_space<semaphore_mem>>) src(%dma_wait3A_546 : memref<10240x128xf32, #tpu.memory_space<hbm>>) dst(%dma_wait3A_540 : memref<32x128xf32, #tpu.memory_space<vmem>>)
        %add3A_547 = arith.constant 7 : i32
        %add3A_548 = arith.addi %add3A_229, %add3A_547 : i32
        %dma_start3A_549 = arith.constant 7 : i32
        %dma_start3A_550 = arith.constant 0 : i32
        %dma_start3A_551 = arith.constant 0 : i32
        %dma_start3A_552 = tpu.memref_slice %arg8[%dma_start3A_549, %dma_start3A_550, %dma_start3A_551] : memref<8x32x128xf32, #tpu.memory_space<vmem>> -> memref<1x32x128xf32, #tpu.memory_space<vmem>>
        %dma_start3A_553 = tpu.memref_squeeze %dma_start3A_552 : memref<1x32x128xf32, #tpu.memory_space<vmem>> -> memref<32x128xf32, #tpu.memory_space<vmem>>
        %dma_start3A_554 = arith.constant 0 : i32
        %dma_start3A_555 = tpu.memref_slice %arg7[%add3A_548, %dma_start3A_554] : memref<40x32xi32, #tpu.memory_space<vmem>> -> memref<1x32xi32, #tpu.memory_space<vmem>>
        %dma_start3A_556 = tpu.memref_squeeze %dma_start3A_555 : memref<1x32xi32, #tpu.memory_space<vmem>> -> memref<32xi32, #tpu.memory_space<vmem>>
        %dma_start3A_557 = arith.constant 0 : i32
        %dma_start3A_558 = arith.constant 0 : i32
        %dma_start3A_559 = tpu.memref_slice %arg9[%dma_start3A_557, %dma_start3A_558] : memref<10240x128xf32, #tpu.memory_space<vmem_shared>> -> memref<10240x128xf32, #tpu.memory_space<vmem_shared>>
        tpu.enqueue_indirect_dma source(%dma_start3A_553 : memref<32x128xf32, #tpu.memory_space<vmem>>) target(%dma_start3A_559 : memref<10240x128xf32, #tpu.memory_space<vmem_shared>>) offsets(%dma_start3A_556 : memref<32xi32, #tpu.memory_space<vmem>>) semaphore(%arg25 : memref<!tpu.dma_semaphore, #tpu.memory_space<semaphore_mem>>) {add = true}
      }
      %scan3A_129 = arith.constant 5 : i32
      %dma_wait3A = arith.constant 0 : i32
      %dma_wait3A_130 = arith.constant 32 : i32
      %dma_wait3A_131 = arith.constant 0 : i32
      %dma_wait3A_132 = arith.constant 0 : i32
      %dma_wait3A_133 = tpu.memref_slice %arg8[%dma_wait3A, %dma_wait3A_131, %dma_wait3A_132] : memref<8x32x128xf32, #tpu.memory_space<vmem>> -> memref<1x32x128xf32, #tpu.memory_space<vmem>>
      %dma_wait3A_134 = tpu.memref_squeeze %dma_wait3A_133 : memref<1x32x128xf32, #tpu.memory_space<vmem>> -> memref<32x128xf32, #tpu.memory_space<vmem>>
      %dma_wait3A_135 = arith.constant 0 : i32
      %dma_wait3A_136 = tpu.memref_slice %arg7[%dma_wait3A_130, %dma_wait3A_135] : memref<40x32xi32, #tpu.memory_space<vmem>> -> memref<1x32xi32, #tpu.memory_space<vmem>>
      %dma_wait3A_137 = tpu.memref_squeeze %dma_wait3A_136 : memref<1x32xi32, #tpu.memory_space<vmem>> -> memref<32xi32, #tpu.memory_space<vmem>>
      %dma_wait3A_138 = arith.constant 0 : i32
      %dma_wait3A_139 = arith.constant 0 : i32
      %dma_wait3A_140 = tpu.memref_slice %arg9[%dma_wait3A_138, %dma_wait3A_139] : memref<10240x128xf32, #tpu.memory_space<vmem_shared>> -> memref<10240x128xf32, #tpu.memory_space<vmem_shared>>
      tpu.wait_indirect_dma semaphore(%arg18 : memref<!tpu.dma_semaphore, #tpu.memory_space<semaphore_mem>>) src(%dma_wait3A_134 : memref<32x128xf32, #tpu.memory_space<vmem>>) dst(%dma_wait3A_140 : memref<10240x128xf32, #tpu.memory_space<vmem_shared>>)
      %dma_wait3A_141 = arith.constant 1 : i32
      %dma_wait3A_142 = arith.constant 33 : i32
      %dma_wait3A_143 = arith.constant 0 : i32
      %dma_wait3A_144 = arith.constant 0 : i32
      %dma_wait3A_145 = tpu.memref_slice %arg8[%dma_wait3A_141, %dma_wait3A_143, %dma_wait3A_144] : memref<8x32x128xf32, #tpu.memory_space<vmem>> -> memref<1x32x128xf32, #tpu.memory_space<vmem>>
      %dma_wait3A_146 = tpu.memref_squeeze %dma_wait3A_145 : memref<1x32x128xf32, #tpu.memory_space<vmem>> -> memref<32x128xf32, #tpu.memory_space<vmem>>
      %dma_wait3A_147 = arith.constant 0 : i32
      %dma_wait3A_148 = tpu.memref_slice %arg7[%dma_wait3A_142, %dma_wait3A_147] : memref<40x32xi32, #tpu.memory_space<vmem>> -> memref<1x32xi32, #tpu.memory_space<vmem>>
      %dma_wait3A_149 = tpu.memref_squeeze %dma_wait3A_148 : memref<1x32xi32, #tpu.memory_space<vmem>> -> memref<32xi32, #tpu.memory_space<vmem>>
      %dma_wait3A_150 = arith.constant 0 : i32
      %dma_wait3A_151 = arith.constant 0 : i32
      %dma_wait3A_152 = tpu.memref_slice %arg9[%dma_wait3A_150, %dma_wait3A_151] : memref<10240x128xf32, #tpu.memory_space<vmem_shared>> -> memref<10240x128xf32, #tpu.memory_space<vmem_shared>>
      tpu.wait_indirect_dma semaphore(%arg19 : memref<!tpu.dma_semaphore, #tpu.memory_space<semaphore_mem>>) src(%dma_wait3A_146 : memref<32x128xf32, #tpu.memory_space<vmem>>) dst(%dma_wait3A_152 : memref<10240x128xf32, #tpu.memory_space<vmem_shared>>)
      %dma_wait3A_153 = arith.constant 2 : i32
      %dma_wait3A_154 = arith.constant 34 : i32
      %dma_wait3A_155 = arith.constant 0 : i32
      %dma_wait3A_156 = arith.constant 0 : i32
      %dma_wait3A_157 = tpu.memref_slice %arg8[%dma_wait3A_153, %dma_wait3A_155, %dma_wait3A_156] : memref<8x32x128xf32, #tpu.memory_space<vmem>> -> memref<1x32x128xf32, #tpu.memory_space<vmem>>
      %dma_wait3A_158 = tpu.memref_squeeze %dma_wait3A_157 : memref<1x32x128xf32, #tpu.memory_space<vmem>> -> memref<32x128xf32, #tpu.memory_space<vmem>>
      %dma_wait3A_159 = arith.constant 0 : i32
      %dma_wait3A_160 = tpu.memref_slice %arg7[%dma_wait3A_154, %dma_wait3A_159] : memref<40x32xi32, #tpu.memory_space<vmem>> -> memref<1x32xi32, #tpu.memory_space<vmem>>
      %dma_wait3A_161 = tpu.memref_squeeze %dma_wait3A_160 : memref<1x32xi32, #tpu.memory_space<vmem>> -> memref<32xi32, #tpu.memory_space<vmem>>
      %dma_wait3A_162 = arith.constant 0 : i32
      %dma_wait3A_163 = arith.constant 0 : i32
      %dma_wait3A_164 = tpu.memref_slice %arg9[%dma_wait3A_162, %dma_wait3A_163] : memref<10240x128xf32, #tpu.memory_space<vmem_shared>> -> memref<10240x128xf32, #tpu.memory_space<vmem_shared>>
      tpu.wait_indirect_dma semaphore(%arg20 : memref<!tpu.dma_semaphore, #tpu.memory_space<semaphore_mem>>) src(%dma_wait3A_158 : memref<32x128xf32, #tpu.memory_space<vmem>>) dst(%dma_wait3A_164 : memref<10240x128xf32, #tpu.memory_space<vmem_shared>>)
      %dma_wait3A_165 = arith.constant 3 : i32
      %dma_wait3A_166 = arith.constant 35 : i32
      %dma_wait3A_167 = arith.constant 0 : i32
      %dma_wait3A_168 = arith.constant 0 : i32
      %dma_wait3A_169 = tpu.memref_slice %arg8[%dma_wait3A_165, %dma_wait3A_167, %dma_wait3A_168] : memref<8x32x128xf32, #tpu.memory_space<vmem>> -> memref<1x32x128xf32, #tpu.memory_space<vmem>>
      %dma_wait3A_170 = tpu.memref_squeeze %dma_wait3A_169 : memref<1x32x128xf32, #tpu.memory_space<vmem>> -> memref<32x128xf32, #tpu.memory_space<vmem>>
      %dma_wait3A_171 = arith.constant 0 : i32
      %dma_wait3A_172 = tpu.memref_slice %arg7[%dma_wait3A_166, %dma_wait3A_171] : memref<40x32xi32, #tpu.memory_space<vmem>> -> memref<1x32xi32, #tpu.memory_space<vmem>>
      %dma_wait3A_173 = tpu.memref_squeeze %dma_wait3A_172 : memref<1x32xi32, #tpu.memory_space<vmem>> -> memref<32xi32, #tpu.memory_space<vmem>>
      %dma_wait3A_174 = arith.constant 0 : i32
      %dma_wait3A_175 = arith.constant 0 : i32
      %dma_wait3A_176 = tpu.memref_slice %arg9[%dma_wait3A_174, %dma_wait3A_175] : memref<10240x128xf32, #tpu.memory_space<vmem_shared>> -> memref<10240x128xf32, #tpu.memory_space<vmem_shared>>
      tpu.wait_indirect_dma semaphore(%arg21 : memref<!tpu.dma_semaphore, #tpu.memory_space<semaphore_mem>>) src(%dma_wait3A_170 : memref<32x128xf32, #tpu.memory_space<vmem>>) dst(%dma_wait3A_176 : memref<10240x128xf32, #tpu.memory_space<vmem_shared>>)
      %dma_wait3A_177 = arith.constant 4 : i32
      %dma_wait3A_178 = arith.constant 36 : i32
      %dma_wait3A_179 = arith.constant 0 : i32
      %dma_wait3A_180 = arith.constant 0 : i32
      %dma_wait3A_181 = tpu.memref_slice %arg8[%dma_wait3A_177, %dma_wait3A_179, %dma_wait3A_180] : memref<8x32x128xf32, #tpu.memory_space<vmem>> -> memref<1x32x128xf32, #tpu.memory_space<vmem>>
      %dma_wait3A_182 = tpu.memref_squeeze %dma_wait3A_181 : memref<1x32x128xf32, #tpu.memory_space<vmem>> -> memref<32x128xf32, #tpu.memory_space<vmem>>
      %dma_wait3A_183 = arith.constant 0 : i32
      %dma_wait3A_184 = tpu.memref_slice %arg7[%dma_wait3A_178, %dma_wait3A_183] : memref<40x32xi32, #tpu.memory_space<vmem>> -> memref<1x32xi32, #tpu.memory_space<vmem>>
      %dma_wait3A_185 = tpu.memref_squeeze %dma_wait3A_184 : memref<1x32xi32, #tpu.memory_space<vmem>> -> memref<32xi32, #tpu.memory_space<vmem>>
      %dma_wait3A_186 = arith.constant 0 : i32
      %dma_wait3A_187 = arith.constant 0 : i32
      %dma_wait3A_188 = tpu.memref_slice %arg9[%dma_wait3A_186, %dma_wait3A_187] : memref<10240x128xf32, #tpu.memory_space<vmem_shared>> -> memref<10240x128xf32, #tpu.memory_space<vmem_shared>>
      tpu.wait_indirect_dma semaphore(%arg22 : memref<!tpu.dma_semaphore, #tpu.memory_space<semaphore_mem>>) src(%dma_wait3A_182 : memref<32x128xf32, #tpu.memory_space<vmem>>) dst(%dma_wait3A_188 : memref<10240x128xf32, #tpu.memory_space<vmem_shared>>)
      %dma_wait3A_189 = arith.constant 5 : i32
      %dma_wait3A_190 = arith.constant 37 : i32
      %dma_wait3A_191 = arith.constant 0 : i32
      %dma_wait3A_192 = arith.constant 0 : i32
      %dma_wait3A_193 = tpu.memref_slice %arg8[%dma_wait3A_189, %dma_wait3A_191, %dma_wait3A_192] : memref<8x32x128xf32, #tpu.memory_space<vmem>> -> memref<1x32x128xf32, #tpu.memory_space<vmem>>
      %dma_wait3A_194 = tpu.memref_squeeze %dma_wait3A_193 : memref<1x32x128xf32, #tpu.memory_space<vmem>> -> memref<32x128xf32, #tpu.memory_space<vmem>>
      %dma_wait3A_195 = arith.constant 0 : i32
      %dma_wait3A_196 = tpu.memref_slice %arg7[%dma_wait3A_190, %dma_wait3A_195] : memref<40x32xi32, #tpu.memory_space<vmem>> -> memref<1x32xi32, #tpu.memory_space<vmem>>
      %dma_wait3A_197 = tpu.memref_squeeze %dma_wait3A_196 : memref<1x32xi32, #tpu.memory_space<vmem>> -> memref<32xi32, #tpu.memory_space<vmem>>
      %dma_wait3A_198 = arith.constant 0 : i32
      %dma_wait3A_199 = arith.constant 0 : i32
      %dma_wait3A_200 = tpu.memref_slice %arg9[%dma_wait3A_198, %dma_wait3A_199] : memref<10240x128xf32, #tpu.memory_space<vmem_shared>> -> memref<10240x128xf32, #tpu.memory_space<vmem_shared>>
      tpu.wait_indirect_dma semaphore(%arg23 : memref<!tpu.dma_semaphore, #tpu.memory_space<semaphore_mem>>) src(%dma_wait3A_194 : memref<32x128xf32, #tpu.memory_space<vmem>>) dst(%dma_wait3A_200 : memref<10240x128xf32, #tpu.memory_space<vmem_shared>>)
      %dma_wait3A_201 = arith.constant 6 : i32
      %dma_wait3A_202 = arith.constant 38 : i32
      %dma_wait3A_203 = arith.constant 0 : i32
      %dma_wait3A_204 = arith.constant 0 : i32
      %dma_wait3A_205 = tpu.memref_slice %arg8[%dma_wait3A_201, %dma_wait3A_203, %dma_wait3A_204] : memref<8x32x128xf32, #tpu.memory_space<vmem>> -> memref<1x32x128xf32, #tpu.memory_space<vmem>>
      %dma_wait3A_206 = tpu.memref_squeeze %dma_wait3A_205 : memref<1x32x128xf32, #tpu.memory_space<vmem>> -> memref<32x128xf32, #tpu.memory_space<vmem>>
      %dma_wait3A_207 = arith.constant 0 : i32
      %dma_wait3A_208 = tpu.memref_slice %arg7[%dma_wait3A_202, %dma_wait3A_207] : memref<40x32xi32, #tpu.memory_space<vmem>> -> memref<1x32xi32, #tpu.memory_space<vmem>>
      %dma_wait3A_209 = tpu.memref_squeeze %dma_wait3A_208 : memref<1x32xi32, #tpu.memory_space<vmem>> -> memref<32xi32, #tpu.memory_space<vmem>>
      %dma_wait3A_210 = arith.constant 0 : i32
      %dma_wait3A_211 = arith.constant 0 : i32
      %dma_wait3A_212 = tpu.memref_slice %arg9[%dma_wait3A_210, %dma_wait3A_211] : memref<10240x128xf32, #tpu.memory_space<vmem_shared>> -> memref<10240x128xf32, #tpu.memory_space<vmem_shared>>
      tpu.wait_indirect_dma semaphore(%arg24 : memref<!tpu.dma_semaphore, #tpu.memory_space<semaphore_mem>>) src(%dma_wait3A_206 : memref<32x128xf32, #tpu.memory_space<vmem>>) dst(%dma_wait3A_212 : memref<10240x128xf32, #tpu.memory_space<vmem_shared>>)
      %dma_wait3A_213 = arith.constant 7 : i32
      %dma_wait3A_214 = arith.constant 39 : i32
      %dma_wait3A_215 = arith.constant 0 : i32
      %dma_wait3A_216 = arith.constant 0 : i32
      %dma_wait3A_217 = tpu.memref_slice %arg8[%dma_wait3A_213, %dma_wait3A_215, %dma_wait3A_216] : memref<8x32x128xf32, #tpu.memory_space<vmem>> -> memref<1x32x128xf32, #tpu.memory_space<vmem>>
      %dma_wait3A_218 = tpu.memref_squeeze %dma_wait3A_217 : memref<1x32x128xf32, #tpu.memory_space<vmem>> -> memref<32x128xf32, #tpu.memory_space<vmem>>
      %dma_wait3A_219 = arith.constant 0 : i32
      %dma_wait3A_220 = tpu.memref_slice %arg7[%dma_wait3A_214, %dma_wait3A_219] : memref<40x32xi32, #tpu.memory_space<vmem>> -> memref<1x32xi32, #tpu.memory_space<vmem>>
      %dma_wait3A_221 = tpu.memref_squeeze %dma_wait3A_220 : memref<1x32xi32, #tpu.memory_space<vmem>> -> memref<32xi32, #tpu.memory_space<vmem>>
      %dma_wait3A_222 = arith.constant 0 : i32
      %dma_wait3A_223 = arith.constant 0 : i32
      %dma_wait3A_224 = tpu.memref_slice %arg9[%dma_wait3A_222, %dma_wait3A_223] : memref<10240x128xf32, #tpu.memory_space<vmem_shared>> -> memref<10240x128xf32, #tpu.memory_space<vmem_shared>>
      tpu.wait_indirect_dma semaphore(%arg25 : memref<!tpu.dma_semaphore, #tpu.memory_space<semaphore_mem>>) src(%dma_wait3A_218 : memref<32x128xf32, #tpu.memory_space<vmem>>) dst(%dma_wait3A_224 : memref<10240x128xf32, #tpu.memory_space<vmem_shared>>)
    }
    %scan3A_15 = arith.constant 8 : i32
    %barrier3A_16 = arith.constant 0 : index
    tpu.barrier barrier_id(%barrier3A_16)
    %mul3A_17 = arith.constant 640 : i32
    %mul3A_18 = arith.muli %arg1, %mul3A_17 : i32
    %mul3A_19 = arith.constant 640 : i32
    %mul3A_20 = arith.muli %arg1, %mul3A_19 : i32
    "tpu.region"() ({
      %run_scoped3A = tpu.sem_alloc : memref<!tpu.dma_semaphore, #tpu.memory_space<semaphore_mem>>
      %dma_start3A = arith.constant 0 : i32
      %dma_start3A_21 = arith.constant 0 : i32
      %dma_start3A_22 = tpu.memref_slice %arg5[%arg0, %dma_start3A, %dma_start3A_21] : memref<2x10240x128xf32, #tpu.memory_space<hbm>> -> memref<1x10240x128xf32, #tpu.memory_space<hbm>>
      %dma_start3A_23 = tpu.memref_squeeze %dma_start3A_22 : memref<1x10240x128xf32, #tpu.memory_space<hbm>> -> memref<10240x128xf32, #tpu.memory_space<hbm>>
      %dma_start3A_24 = arith.constant 0 : i32
      %dma_start3A_25 = tpu.memref_slice %dma_start3A_23[%mul3A_20, %dma_start3A_24] : memref<10240x128xf32, #tpu.memory_space<hbm>> -> memref<640x128xf32, #tpu.memory_space<hbm>>
      %dma_start3A_26 = arith.constant 0 : i32
      %dma_start3A_27 = tpu.memref_slice %arg9[%mul3A_18, %dma_start3A_26] : memref<10240x128xf32, #tpu.memory_space<vmem_shared>> -> memref<640x128xf32, #tpu.memory_space<vmem_shared>>
      tpu.enqueue_dma source(%dma_start3A_27 : memref<640x128xf32, #tpu.memory_space<vmem_shared>>) target(%dma_start3A_25 : memref<640x128xf32, #tpu.memory_space<hbm>>) target_semaphore(%run_scoped3A : memref<!tpu.dma_semaphore, #tpu.memory_space<semaphore_mem>>)
      %dma_wait3A = arith.constant 0 : i32
      %dma_wait3A_28 = arith.constant 0 : i32
      %dma_wait3A_29 = tpu.memref_slice %arg5[%arg0, %dma_wait3A, %dma_wait3A_28] : memref<2x10240x128xf32, #tpu.memory_space<hbm>> -> memref<1x10240x128xf32, #tpu.memory_space<hbm>>
      %dma_wait3A_30 = tpu.memref_squeeze %dma_wait3A_29 : memref<1x10240x128xf32, #tpu.memory_space<hbm>> -> memref<10240x128xf32, #tpu.memory_space<hbm>>
      %dma_wait3A_31 = arith.constant 0 : i32
      %dma_wait3A_32 = tpu.memref_slice %dma_wait3A_30[%mul3A_20, %dma_wait3A_31] : memref<10240x128xf32, #tpu.memory_space<hbm>> -> memref<640x128xf32, #tpu.memory_space<hbm>>
      %dma_wait3A_33 = arith.constant 0 : i32
      %dma_wait3A_34 = tpu.memref_slice %arg9[%mul3A_18, %dma_wait3A_33] : memref<10240x128xf32, #tpu.memory_space<vmem_shared>> -> memref<640x128xf32, #tpu.memory_space<vmem_shared>>
      tpu.wait_dma2 semaphore(%run_scoped3A : memref<!tpu.dma_semaphore, #tpu.memory_space<semaphore_mem>>) src(%dma_wait3A_34 : memref<640x128xf32, #tpu.memory_space<vmem_shared>>) dst(%dma_wait3A_32 : memref<640x128xf32, #tpu.memory_space<hbm>>)
      tpu.yield
    }) : () -> ()
    return
  }
}

module attributes {stable_mosaic.version = 14 : i64} {
  func.func @body(%arg0: i32, %arg1: memref<1024x128xf32, #tpu.memory_space<vmem>>, %arg2: memref<128x128xf32, #tpu.memory_space<vmem>>, %arg3: memref<1024x128xf32, #tpu.memory_space<vmem>>) attributes {dimension_semantics = [#tpu.dimension_semantics<arbitrary>], iteration_bounds = array<i64: 10>, scalar_prefetch = 0 : i64, scratch_operands = 0 : i64, tpu.core_type = #tpu.core_type<tc>, window_params = [{transform_indices = @transform_0, window_bounds = array<i64: 1024, 128>}, {pipeline_mode = #tpu.pipeline_mode<synchronous>, transform_indices = @transform_1, window_bounds = array<i64: 128, 128>}, {transform_indices = @transform_2, window_bounds = array<i64: 1024, 128>}]} {
    %get3A = arith.constant 0 : index
    %get3A_0 = arith.constant 0 : index
    %get3A_1 = vector.load %arg1[%get3A, %get3A_0] : memref<1024x128xf32, #tpu.memory_space<vmem>>, vector<1024x128xf32>
    %get3A_2 = arith.constant 0 : index
    %get3A_3 = arith.constant 0 : index
    %get3A_4 = vector.load %arg2[%get3A_2, %get3A_3] : memref<128x128xf32, #tpu.memory_space<vmem>>, vector<128x128xf32>
    %dot_general3A = arith.constant dense<0.000000e+00> : vector<1024x128xf32>
    %dot_general3A_5 = tpu.matmul %get3A_1, %get3A_4, %dot_general3A {dimension_numbers = #tpu.dot_dimension_numbers<[1], [0], [0], [1], [0, 0, 1, 1], [], []>, precision = #tpu.contract_precision<fp32>, transpose_lhs_hint = false} : vector<1024x128xf32>, vector<128x128xf32>, vector<1024x128xf32> -> vector<1024x128xf32>
    %swap3A = arith.constant 0 : index
    %swap3A_6 = arith.constant 0 : index
    %swap3A_7 = vector.load %arg3[%swap3A, %swap3A_6] : memref<1024x128xf32, #tpu.memory_space<vmem>>, vector<1024x128xf32>
    tpu.vector_store %arg3[%swap3A, %swap3A_6], %dot_general3A_5 {strides = array<i32>} : memref<1024x128xf32, #tpu.memory_space<vmem>>, vector<1024x128xf32>,
    return
  }
  func.func @transform_0(%arg0: i32) -> (i32, i32) {
    %c0_i32 = arith.constant 0 : i32
    %c0_i32_0 = arith.constant 0 : i32
    return %arg0, %c0_i32 : i32, i32
  }
  func.func @transform_1(%arg0: i32) -> (i32, i32) {
    %c0_i32 = arith.constant 0 : i32
    %c0_i32_0 = arith.constant 0 : i32
    %c0_i32_1 = arith.constant 0 : i32
    return %c0_i32, %c0_i32_0 : i32, i32
  }
  func.func @transform_2(%arg0: i32) -> (i32, i32) {
    %c0_i32 = arith.constant 0 : i32
    %c0_i32_0 = arith.constant 0 : i32
    return %arg0, %c0_i32 : i32, i32
  }
}

module attributes {stable_mosaic.version = 14 : i64} {
  func.func @body(%arg0: i32, %arg1: memref<32x1024xf32, #tpu.memory_space<vmem>>, %arg2: memref<1024x128xf32, #tpu.memory_space<vmem>>, %arg3: memref<1024x1xf32, #tpu.memory_space<vmem>>, %arg4: memref<1024x128xf32, #tpu.memory_space<vmem>>) attributes {dimension_semantics = [#tpu.dimension_semantics<arbitrary>], iteration_bounds = array<i64: 10>, scalar_prefetch = 0 : i64, scratch_operands = 0 : i64, tpu.core_type = #tpu.core_type<tc>, window_params = [{transform_indices = @transform_0, window_bounds = array<i64: 32, 1024>}, {transform_indices = @transform_1, window_bounds = array<i64: 1024, 128>}, {transform_indices = @transform_2, window_bounds = array<i64: 1024, 1>}, {transform_indices = @transform_3, window_bounds = array<i64: 1024, 128>}]} {
    %get3A = arith.constant 0 : index
    %get3A_0 = arith.constant 0 : index
    %get3A_1 = vector.load %arg1[%get3A, %get3A_0] : memref<32x1024xf32, #tpu.memory_space<vmem>>, vector<32x1024xf32>
    %reduce_sum3A = arith.constant dense<0.000000e+00> : vector<1024xf32>
    %reduce_sum3A_2 = vector.multi_reduction <add>, %get3A_1, %reduce_sum3A [0] : vector<32x1024xf32> to vector<1024xf32>
    %add3A = arith.constant 1.000000e+00 : f32
    %add3A_3 = vector.broadcast %add3A : f32 to vector<1024xf32>
    %add3A_4 = arith.addf %reduce_sum3A_2, %add3A_3 : vector<1024xf32>
    %rsqrt3A = math.rsqrt %add3A_4 : vector<1024xf32>
    %broadcast_in_dim3A = vector.shape_cast %rsqrt3A : vector<1024xf32> to vector<1024x1xf32>
    %swap3A = arith.constant 0 : index
    %swap3A_5 = arith.constant 0 : index
    %swap3A_6 = vector.load %arg3[%swap3A, %swap3A_5] : memref<1024x1xf32, #tpu.memory_space<vmem>>, vector<1024x1xf32>
    tpu.vector_store %arg3[%swap3A, %swap3A_5], %broadcast_in_dim3A {strides = array<i32>} : memref<1024x1xf32, #tpu.memory_space<vmem>>, vector<1024x1xf32>,
    %get3A_7 = arith.constant 0 : index
    %get3A_8 = arith.constant 0 : index
    %get3A_9 = vector.load %arg2[%get3A_7, %get3A_8] : memref<1024x128xf32, #tpu.memory_space<vmem>>, vector<1024x128xf32>
    %broadcast_in_dim3A_10 = vector.shape_cast %rsqrt3A : vector<1024xf32> to vector<1024x1xf32>
    %mul3A = vector.broadcast %broadcast_in_dim3A_10 : vector<1024x1xf32> to vector<1024x128xf32>
    %mul3A_11 = arith.mulf %get3A_9, %mul3A : vector<1024x128xf32>
    %swap3A_12 = arith.constant 0 : index
    %swap3A_13 = arith.constant 0 : index
    %swap3A_14 = vector.load %arg4[%swap3A_12, %swap3A_13] : memref<1024x128xf32, #tpu.memory_space<vmem>>, vector<1024x128xf32>
    tpu.vector_store %arg4[%swap3A_12, %swap3A_13], %mul3A_11 {strides = array<i32>} : memref<1024x128xf32, #tpu.memory_space<vmem>>, vector<1024x128xf32>,
    return
  }
  func.func @transform_0(%arg0: i32) -> (i32, i32) {
    %c0_i32 = arith.constant 0 : i32
    %c0_i32_0 = arith.constant 0 : i32
    return %c0_i32, %arg0 : i32, i32
  }
  func.func @transform_1(%arg0: i32) -> (i32, i32) {
    %c0_i32 = arith.constant 0 : i32
    %c0_i32_0 = arith.constant 0 : i32
    return %arg0, %c0_i32 : i32, i32
  }
  func.func @transform_2(%arg0: i32) -> (i32, i32) {
    %c0_i32 = arith.constant 0 : i32
    %c0_i32_0 = arith.constant 0 : i32
    return %arg0, %c0_i32 : i32, i32
  }
  func.func @transform_3(%arg0: i32) -> (i32, i32) {
    %c0_i32 = arith.constant 0 : i32
    %c0_i32_0 = arith.constant 0 : i32
    return %arg0, %c0_i32 : i32, i32
  }
}

module attributes {stable_mosaic.version = 14 : i64} {
  func.func @body(%arg0: i32, %arg1: memref<2x1024x128xf32, #tpu.memory_space<vmem>>, %arg2: memref<1024x128xf32, #tpu.memory_space<vmem>>, %arg3: memref<1024x1xf32, #tpu.memory_space<vmem>>, %arg4: memref<1x128xf32, #tpu.memory_space<vmem>>, %arg5: memref<128x128xf32, #tpu.memory_space<vmem>>, %arg6: memref<1024x128xf32, #tpu.memory_space<vmem>>) attributes {dimension_semantics = [#tpu.dimension_semantics<arbitrary>], iteration_bounds = array<i64: 10>, scalar_prefetch = 0 : i64, scratch_operands = 0 : i64, tpu.core_type = #tpu.core_type<tc>, window_params = [{transform_indices = @transform_0, window_bounds = array<i64: 2, 1024, 128>}, {transform_indices = @transform_1, window_bounds = array<i64: 1024, 128>}, {transform_indices = @transform_2, window_bounds = array<i64: 1024, 1>}, {pipeline_mode = #tpu.pipeline_mode<synchronous>, transform_indices = @transform_3, window_bounds = array<i64: 1, 128>}, {pipeline_mode = #tpu.pipeline_mode<synchronous>, transform_indices = @transform_4, window_bounds = array<i64: 128, 128>}, {transform_indices = @transform_5, window_bounds = array<i64: 1024, 128>}]} {
    %get3A = arith.constant 0 : index
    %get3A_0 = arith.constant 0 : index
    %get3A_1 = vector.load %arg3[%get3A, %get3A_0] : memref<1024x1xf32, #tpu.memory_space<vmem>>, vector<1024x1xf32>
    %get3A_2 = arith.constant 0 : index
    %get3A_3 = arith.constant 0 : index
    %get3A_4 = arith.constant 0 : index
    %get3A_5 = vector.load %arg1[%get3A_2, %get3A_3, %get3A_4] : memref<2x1024x128xf32, #tpu.memory_space<vmem>>, vector<1x1024x128xf32>
    %get3A_6 = vector.shape_cast %get3A_5 : vector<1x1024x128xf32> to vector<1024x128xf32>
    %get3A_7 = arith.constant 1 : index
    %get3A_8 = arith.constant 0 : index
    %get3A_9 = arith.constant 0 : index
    %get3A_10 = vector.load %arg1[%get3A_7, %get3A_8, %get3A_9] : memref<2x1024x128xf32, #tpu.memory_space<vmem>>, vector<1x1024x128xf32>
    %get3A_11 = vector.shape_cast %get3A_10 : vector<1x1024x128xf32> to vector<1024x128xf32>
    %add3A = arith.addf %get3A_6, %get3A_11 : vector<1024x128xf32>
    %get3A_12 = arith.constant 0 : index
    %get3A_13 = arith.constant 0 : index
    %get3A_14 = vector.load %arg2[%get3A_12, %get3A_13] : memref<1024x128xf32, #tpu.memory_space<vmem>>, vector<1024x128xf32>
    %add3A_15 = arith.addf %add3A, %get3A_14 : vector<1024x128xf32>
    %mul3A = vector.broadcast %get3A_1 : vector<1024x1xf32> to vector<1024x128xf32>
    %mul3A_16 = arith.mulf %add3A_15, %mul3A : vector<1024x128xf32>
    %get3A_17 = arith.constant 0 : index
    %get3A_18 = arith.constant 0 : index
    %get3A_19 = vector.load %arg4[%get3A_17, %get3A_18] : memref<1x128xf32, #tpu.memory_space<vmem>>, vector<1x128xf32>
    %add3A_20 = vector.broadcast %get3A_19 : vector<1x128xf32> to vector<1024x128xf32>
    %add3A_21 = arith.addf %mul3A_16, %add3A_20 : vector<1024x128xf32>
    %max3A = arith.constant 0.000000e+00 : f32
    %max3A_22 = vector.broadcast %max3A : f32 to vector<1024x128xf32>
    %max3A_23 = arith.maximumf %add3A_21, %max3A_22 : vector<1024x128xf32>
    %get3A_24 = arith.constant 0 : index
    %get3A_25 = arith.constant 0 : index
    %get3A_26 = vector.load %arg5[%get3A_24, %get3A_25] : memref<128x128xf32, #tpu.memory_space<vmem>>, vector<128x128xf32>
    %dot_general3A = arith.constant dense<0.000000e+00> : vector<1024x128xf32>
    %dot_general3A_27 = tpu.matmul %max3A_23, %get3A_26, %dot_general3A {dimension_numbers = #tpu.dot_dimension_numbers<[1], [0], [0], [1], [0, 0, 1, 1], [], []>, precision = #tpu.contract_precision<fp32>, transpose_lhs_hint = false} : vector<1024x128xf32>, vector<128x128xf32>, vector<1024x128xf32> -> vector<1024x128xf32>
    %mul3A_28 = vector.broadcast %get3A_1 : vector<1024x1xf32> to vector<1024x128xf32>
    %mul3A_29 = arith.mulf %dot_general3A_27, %mul3A_28 : vector<1024x128xf32>
    %swap3A = arith.constant 0 : index
    %swap3A_30 = arith.constant 0 : index
    %swap3A_31 = vector.load %arg6[%swap3A, %swap3A_30] : memref<1024x128xf32, #tpu.memory_space<vmem>>, vector<1024x128xf32>
    tpu.vector_store %arg6[%swap3A, %swap3A_30], %mul3A_29 {strides = array<i32>} : memref<1024x128xf32, #tpu.memory_space<vmem>>, vector<1024x128xf32>,
    return
  }
  func.func @transform_0(%arg0: i32) -> (i32, i32, i32) {
    %c0_i32 = arith.constant 0 : i32
    %c0_i32_0 = arith.constant 0 : i32
    %c0_i32_1 = arith.constant 0 : i32
    return %c0_i32, %arg0, %c0_i32_0 : i32, i32, i32
  }
  func.func @transform_1(%arg0: i32) -> (i32, i32) {
    %c0_i32 = arith.constant 0 : i32
    %c0_i32_0 = arith.constant 0 : i32
    return %arg0, %c0_i32 : i32, i32
  }
  func.func @transform_2(%arg0: i32) -> (i32, i32) {
    %c0_i32 = arith.constant 0 : i32
    %c0_i32_0 = arith.constant 0 : i32
    return %arg0, %c0_i32 : i32, i32
  }
  func.func @transform_3(%arg0: i32) -> (i32, i32) {
    %c0_i32 = arith.constant 0 : i32
    %c0_i32_0 = arith.constant 0 : i32
    %c0_i32_1 = arith.constant 0 : i32
    return %c0_i32, %c0_i32_0 : i32, i32
  }
  func.func @transform_4(%arg0: i32) -> (i32, i32) {
    %c0_i32 = arith.constant 0 : i32
    %c0_i32_0 = arith.constant 0 : i32
    %c0_i32_1 = arith.constant 0 : i32
    return %c0_i32, %c0_i32_0 : i32, i32
  }
  func.func @transform_5(%arg0: i32) -> (i32, i32) {
    %c0_i32 = arith.constant 0 : i32
    %c0_i32_0 = arith.constant 0 : i32
    return %arg0, %c0_i32 : i32, i32
  }
}

module attributes {stable_mosaic.version = 14 : i64} {
  func.func @body(%arg0: i32, %arg1: memref<2x1024x128xf32, #tpu.memory_space<vmem>>, %arg2: memref<1024x128xf32, #tpu.memory_space<vmem>>, %arg3: memref<1024x1xf32, #tpu.memory_space<vmem>>, %arg4: memref<1x128xf32, #tpu.memory_space<vmem>>, %arg5: memref<1024x128xf32, #tpu.memory_space<vmem>>) attributes {dimension_semantics = [#tpu.dimension_semantics<arbitrary>], iteration_bounds = array<i64: 10>, scalar_prefetch = 0 : i64, scratch_operands = 0 : i64, tpu.core_type = #tpu.core_type<tc>, window_params = [{transform_indices = @transform_0, window_bounds = array<i64: 2, 1024, 128>}, {transform_indices = @transform_1, window_bounds = array<i64: 1024, 128>}, {transform_indices = @transform_2, window_bounds = array<i64: 1024, 1>}, {pipeline_mode = #tpu.pipeline_mode<synchronous>, transform_indices = @transform_3, window_bounds = array<i64: 1, 128>}, {transform_indices = @transform_4, window_bounds = array<i64: 1024, 128>}]} {
    %get3A = arith.constant 0 : index
    %get3A_0 = arith.constant 0 : index
    %get3A_1 = arith.constant 0 : index
    %get3A_2 = vector.load %arg1[%get3A, %get3A_0, %get3A_1] : memref<2x1024x128xf32, #tpu.memory_space<vmem>>, vector<1x1024x128xf32>
    %get3A_3 = vector.shape_cast %get3A_2 : vector<1x1024x128xf32> to vector<1024x128xf32>
    %get3A_4 = arith.constant 1 : index
    %get3A_5 = arith.constant 0 : index
    %get3A_6 = arith.constant 0 : index
    %get3A_7 = vector.load %arg1[%get3A_4, %get3A_5, %get3A_6] : memref<2x1024x128xf32, #tpu.memory_space<vmem>>, vector<1x1024x128xf32>
    %get3A_8 = vector.shape_cast %get3A_7 : vector<1x1024x128xf32> to vector<1024x128xf32>
    %add3A = arith.addf %get3A_3, %get3A_8 : vector<1024x128xf32>
    %get3A_9 = arith.constant 0 : index
    %get3A_10 = arith.constant 0 : index
    %get3A_11 = vector.load %arg2[%get3A_9, %get3A_10] : memref<1024x128xf32, #tpu.memory_space<vmem>>, vector<1024x128xf32>
    %add3A_12 = arith.addf %add3A, %get3A_11 : vector<1024x128xf32>
    %get3A_13 = arith.constant 0 : index
    %get3A_14 = arith.constant 0 : index
    %get3A_15 = vector.load %arg3[%get3A_13, %get3A_14] : memref<1024x1xf32, #tpu.memory_space<vmem>>, vector<1024x1xf32>
    %mul3A = vector.broadcast %get3A_15 : vector<1024x1xf32> to vector<1024x128xf32>
    %mul3A_16 = arith.mulf %add3A_12, %mul3A : vector<1024x128xf32>
    %get3A_17 = arith.constant 0 : index
    %get3A_18 = arith.constant 0 : index
    %get3A_19 = vector.load %arg4[%get3A_17, %get3A_18] : memref<1x128xf32, #tpu.memory_space<vmem>>, vector<1x128xf32>
    %add3A_20 = vector.broadcast %get3A_19 : vector<1x128xf32> to vector<1024x128xf32>
    %add3A_21 = arith.addf %mul3A_16, %add3A_20 : vector<1024x128xf32>
    %swap3A = arith.constant 0 : index
    %swap3A_22 = arith.constant 0 : index
    %swap3A_23 = vector.load %arg5[%swap3A, %swap3A_22] : memref<1024x128xf32, #tpu.memory_space<vmem>>, vector<1024x128xf32>
    tpu.vector_store %arg5[%swap3A, %swap3A_22], %add3A_21 {strides = array<i32>} : memref<1024x128xf32, #tpu.memory_space<vmem>>, vector<1024x128xf32>,
    return
  }
  func.func @transform_0(%arg0: i32) -> (i32, i32, i32) {
    %c0_i32 = arith.constant 0 : i32
    %c0_i32_0 = arith.constant 0 : i32
    %c0_i32_1 = arith.constant 0 : i32
    return %c0_i32, %arg0, %c0_i32_0 : i32, i32, i32
  }
  func.func @transform_1(%arg0: i32) -> (i32, i32) {
    %c0_i32 = arith.constant 0 : i32
    %c0_i32_0 = arith.constant 0 : i32
    return %arg0, %c0_i32 : i32, i32
  }
  func.func @transform_2(%arg0: i32) -> (i32, i32) {
    %c0_i32 = arith.constant 0 : i32
    %c0_i32_0 = arith.constant 0 : i32
    return %arg0, %c0_i32 : i32, i32
  }
  func.func @transform_3(%arg0: i32) -> (i32, i32) {
    %c0_i32 = arith.constant 0 : i32
    %c0_i32_0 = arith.constant 0 : i32
    %c0_i32_1 = arith.constant 0 : i32
    return %c0_i32, %c0_i32_0 : i32, i32
  }
  func.func @transform_4(%arg0: i32) -> (i32, i32) {
    %c0_i32 = arith.constant 0 : i32
    %c0_i32_0 = arith.constant 0 : i32
    return %arg0, %c0_i32 : i32, i32
  }
}

</mosaic_0001>

<sc_bundles>
// kernel: kernel.12.cloned.1.call-start
scs
__scs_entry_jumppad:
0x0: {  	(pc) =	sbr.rel $0x88, $3  }
0x1: {  	(tag) =	ssettag $0x0;
	lr =	simm.s32 $0x1  }
0x2: {  	[smem:$0x3F9B] =	sst lr;
	_ =	strace $0xD0000000  }
0x3: {  	_ = 	snop  }
0x4: {  	_ = 	snop  }
0x5: {  	_ = 	snop  }
0x6: {  	_ = 	snop  }
0x7: {  	_ = 	snop  }
__scs_overlays_trampoline_lowered:
0x8: {  	[smem:$0x3FAA] =	sst s0  }
0x9: {  	[smem:$0x3FAB] =	sst s1  }
0xa: {  	[smem:$0x3FAC] =	sst s2  }
0xb: {  	[smem:$0x3FAD] =	sst s3  }
0xc: {  	[smem:$0x3FAE] =	sst s4  }
0xd: {  	[smem:$0x3FAF] =	sst s5  }
0xe: {  	[smem:$0x3FB0] =	sst s6  }
0xf: {  	[smem:$0x3FB1] =	sst s7  }
0x10: {  	[smem:$0x3FB2] =	sst s8  }
0x11: {  	[smem:$0x3FB3] =	sst s9;
	s0 =	simm.s32 @!p0 $0x0  }
0x12: {  	s1 =	sld [smem:$0x3F99];
	s0 =	simm.s32 @p0 $0x1  }
0x13: {  	[smem:$0x3FB4] =	sst s0;
	s0 =	simm.s32 @!p1 $0x0  }
0x14: {  	s2 =	sld [smem:$0x3F98];
	s0 =	simm.s32 @p1 $0x1  }
0x15: {  	[smem:$0x3FB5] =	sst s0;
	s0 =	simm.s32 @!p2 $0x0  }
0x16: {  	s3 =	sld [smem:$0x3FDB];
	s0 =	simm.s32 @p2 $0x1  }
0x17: {  	s4 =	simm.s32 $0x1BF5;
	[smem:$0x3FB7] =	sst s0  }
0x18: {  	s0 =	sld [smem:$0x3F9A];
	_ =	swait.ge [sflag:s4], $0x0  }
0x19: {  	s7 =	sld [smem:$0x3F9B]  }
0x1a: {  	s8 =	sadd.s32 $0xFFFFE003, lr  }
0x1b: {  	s9 =	sadd.s32 $0xFFFFFEF7, lr;
	s5 =	simm.s32 $0xFFFFFFFF;
	p2 =	slt.u32 s8, $0xFFFFF086  }
0x1c: {  	p1 =	slt.u32 s9, $0xF7A;
	s5 =	simm.s32 @!p2 $0x0  }
0x1d: {  	s5 =	simm.s32 @p1 $0x1;
	p0 =	seq.s32 s7, s2  }
0x1e: {  	s7 =	smul.u32 @!p0 $0xF7A, s2;
	p2 =	seq.s32 @!p0 s5, $0x0  }
0x1f: {  	s9 =	smul.u32 $0xF7A, s1;
	s8 =	simm.s32 @!p0 $0x1BF5;
	p2 =	por !p2, p0  }
0x20: {  	[sflag:s8] =	ssyncset.s32 @!p0 $0xFFFFF086;
	s6 =	sadd.s32 @!p0 s3, s7;
	s7 =	simm.s32 @!p0 $0x108  }
0x21: {  	s3 =	sadd.s32 s3, s9;
	s6 =	sadd.s32 @!p0 $0x88, s6;
	s7 =	simm.s32 @p2 $0x1082  }
0x22: {  	[simem:s7], [sflag:s8] =	dma.local @!p0 [hbm:s6], $0xF7A  }
0x23: {  	s9 =	sor.u32 $0xD0000000, s2;
	s6 =	simm.s32 $0x108;
	_ =	swait.ge @!p0 [sflag:s8], $0x0  }
0x24: {  	s3 =	sadd.s32 $0x88, s3;
	s6 =	simm.s32 @!p1 $0x1082;
	[sflag:s4] =	ssyncset.s32 $0xFFFFF086  }
0x25: {  	[simem:s6], [sflag:s4] =	dma.local [hbm:s3], $0xF7A  }
0x26: {  	[smem:$0x3F9B] =	sst s1;
	(tag) =	ssettag s2;
	_ =	strace s9  }
0x27: {  	s1 =	sld [smem:$0x3FAB]  }
0x28: {  	s2 =	sld [smem:$0x3FAC]  }
0x29: {  	s4 =	sld [smem:$0x3FAE]  }
0x2a: {  	p0 =	seq.s32 s5, $0x0;
	s5 =	sld [smem:$0x3FAF]  }
0x2b: {  	s6 =	sld [smem:$0x3FB0]  }
0x2c: {  	s7 =	sld [smem:$0x3FB1]  }
0x2d: {  	s3 =	simm.s32 $0x108;
	s8 =	sld [smem:$0x3FB2]  }
0x2e: {  	s3 =	simm.s32 @!p0 $0x1082;
	s9 =	sld [smem:$0x3FB3]  }
0x2f: {  	lr =	sadd.s32 s0, s3;
	s0 =	sld [smem:$0x3FAA]  }
0x30: {  	s3 =	sld [smem:$0x3FAD]  }
0x31: {  	[smem:$0x3FB6] =	sst s10  }
0x32: {  	s10 =	sld [smem:$0x3FB4];
	_ =	sdelay $0x3  }
0x33: {  	p0 =	seq.s32 s10, $0x1;
	s10 =	sld [smem:$0x3FB6];
	_ =	sdelay $0x3  }
0x34: {  	[smem:$0x3FB6] =	sst s10  }
0x35: {  	s10 =	sld [smem:$0x3FB5];
	_ =	sdelay $0x3  }
0x36: {  	p1 =	seq.s32 s10, $0x1;
	s10 =	sld [smem:$0x3FB6];
	_ =	sdelay $0x3  }
0x37: {  	[smem:$0x3FB6] =	sst s10  }
0x38: {  	s10 =	sld [smem:$0x3FB7]  }
0x39: {  	_ = 	snop;
	(pc) =	sbr.ind lr, $3  }
0x3a: {  	_ = 	snop  }
0x3b: {  	_ = 	snop  }
0x3c: {  	p2 =	seq.s32 s10, $0x1;
	s10 =	sld [smem:$0x3FB6]  }
0x3d: {  	_ =	shalt  }
0x3e: {  	_ =	shalt  }
0x3f: {  	_ =	shalt  }
0x40: {  	_ =	shalt  }
0x41: {  	_ =	shalt  }
0x42: {  	_ =	shalt  }
0x43: {  	_ =	shalt  }
0x44: {  	_ =	shalt  }
0x45: {  	_ =	shalt  }
0x46: {  	_ =	shalt  }
0x47: {  	_ =	shalt  }
0x48: {  	_ =	shalt  }
0x49: {  	_ =	shalt  }
0x4a: {  	_ =	shalt  }
0x4b: {  	_ =	shalt  }
0x4c: {  	_ =	shalt  }
0x4d: {  	_ =	shalt  }
0x4e: {  	_ =	shalt  }
0x4f: {  	_ =	shalt  }
0x50: {  	_ =	shalt  }
0x51: {  	_ =	shalt  }
0x52: {  	_ =	shalt  }
0x53: {  	_ =	shalt  }
0x54: {  	_ =	shalt  }
0x55: {  	_ =	shalt  }
0x56: {  	_ =	shalt  }
0x57: {  	_ =	shalt  }
0x58: {  	_ =	shalt  }
0x59: {  	_ =	shalt  }
0x5a: {  	_ =	shalt  }
0x5b: {  	_ =	shalt  }
0x5c: {  	_ =	shalt  }
0x5d: {  	_ =	shalt  }
0x5e: {  	_ =	shalt  }
0x5f: {  	_ =	shalt  }
0x60: {  	_ =	shalt  }
0x61: {  	_ =	shalt  }
0x62: {  	_ =	shalt  }
0x63: {  	_ =	shalt  }
0x64: {  	_ =	shalt  }
0x65: {  	_ =	shalt  }
0x66: {  	_ =	shalt  }
0x67: {  	_ =	shalt  }
0x68: {  	_ =	shalt  }
0x69: {  	_ =	shalt  }
0x6a: {  	_ =	shalt  }
0x6b: {  	_ =	shalt  }
0x6c: {  	_ =	shalt  }
0x6d: {  	_ =	shalt  }
0x6e: {  	_ =	shalt  }
0x6f: {  	_ =	shalt  }
0x70: {  	_ =	shalt  }
0x71: {  	_ =	shalt  }
0x72: {  	_ =	shalt  }
0x73: {  	_ =	shalt  }
0x74: {  	_ =	shalt  }
0x75: {  	_ =	shalt  }
0x76: {  	_ =	shalt  }
0x77: {  	_ =	shalt  }
0x78: {  	_ =	shalt  }
0x79: {  	_ =	shalt  }
0x7a: {  	_ =	shalt  }
0x7b: {  	_ =	shalt  }
0x7c: {  	_ =	shalt  }
0x7d: {  	_ =	shalt  }
0x7e: {  	_ =	shalt  }
0x7f: {  	_ =	shalt  }
0x80: {  	_ =	shalt  }
0x81: {  	_ =	shalt  }
0x82: {  	_ =	shalt  }
0x83: {  	_ =	shalt  }
0x84: {  	_ =	shalt  }
0x85: {  	_ =	shalt  }
0x86: {  	_ =	shalt  }
0x87: {  	_ =	shalt  }
.Lfunc_end0:
.L_simem_size_0:
called_computation.1_lowered:
.L_overlay_start_0:
0x88: {  	s2 =	sld [smem:$0x3FD9]  }
0x89: {  	s3 =	sld [smem:$0x3FFE];
	_ =	sdelay $0x1  }
0x8a: {  	s1 =	srdreg.scid  }
0x8b: {  	s0 =	sand.u32 $0x1, s1  }
0x8c: {  	s16 =	sshll.u32 s0, $0xA;
	s2 =	sadd.s32 s3, s2  }
0x8d: {  	s2 =	sadd.s32 s2, s16  }
0x8e: {  	[smem:$0x3FC2] =	sst s2  }
0x8f: {  	_ = 	snop  }
0x90: {  	(tm) =	ssettm $0x1  }
0x91: {  	s17 =	sld [smem:$0x3FFB];
	_ =	sdelay $0x3  }
0x92: {  	_ =	strace s17  }
0x93: {  	s2 =	sld [smem:$0x3FFC];
	_ =	sdelay $0x3  }
0x94: {  	_ =	strace s2  }
0x95: {  	s2 =	sld [smem:$0x3FFD];
	_ =	sdelay $0x3  }
0x96: {  	_ =	strace s2  }
0x97: {  	_ =	strace $0x8FFFFFFF  }
0x98: {  	s18 =	sld [smem:$0x3FDB];
	_ =	sdelay $0x1  }
0x99: {  	s19 =	simm.s32 $_scs_section_size  }
0x9a: {  	s4 =	simm.s32 $_size__tile_overlayer_lowered;
	s5 =	simm.s32 $_tile_overlayer_lowered  }
0x9b: {  	s22 =	simm.s32 $0x1BFF;
	s21 =	sshll.u32 s5, $0x1;
	s2 =	sadd.s32 s19, s18  }
0x9c: {  	s6 =	simm.s32 $0x0;
	s20 =	sshll.u32 s4, $0x1;
	s4 =	sadd.s32 s21, s2  }
0x9d: {  	[timem:s6], [sflag:s22] =	dma.local [hbm:s4], s20  }
0x9e: {  	_ =	swait.ge [sflag:s22], s20  }
0x9f: {  	s3 =	ssub.s32 $0x0, s20;
	[sflag:s22] =	ssyncset.done $0x0  }
0xa0: {  	[sflag:s22] =	ssyncadd.s32 s3;
	_ =	sdelay $0x1  }
0xa1: {  	s23 =	simm.s32 $0x1B8B  }
0xa2: {  	_ =	swait.ge [sflag:s23], $0x1  }
0xa3: {  	[sflag:s23] =	ssyncset.done $0x0  }
0xa4: {  	s25 =	simm.s32 $0x1B8E;
	s24 =	sld [smem:$0x3FFE];
	[sflag:s23] =	ssyncadd.s32 $0xFFFFFFFF  }
0xa5: {  	s26 =	simm.s32 $execute0_lowered;
	[smem:$0x3FD2] =	sst s25  }
0xa6: {  	s4 =	sshll.u32 s26, $0x1;
	_ =	strace $0x80000049;
	[dreg:$0x1] =	wrdreg $0xFFFFFFFF  }
0xa7: {  	s28 =	simm.s32 $_size_execute0_lowered;
	s2 =	sadd.s32 s2, s4;
	[dreg:$0x0] =	wrdreg $0x0  }
0xa8: {  	s4 =	sshll.u32 s28, $0x1;
	[dreg:$0x2] =	wrdreg s2  }
0xa9: {  	[dreg:$0x3] =	wrdreg s4  }
0xaa: {  	[dreg:$0x4] =	wrdreg $0xC0  }
0xab: {  	_ =	task [dreg:s6], $0x5FFFF  }
0xac: {  	[dreg:$0x1] =	wrdreg $0xFFFFFFFF  }
0xad: {  	[dreg:$0x0] =	wrdreg $0x60  }
0xae: {  	[dreg:$0x2] =	wrdreg s24  }
0xaf: {  	[dreg:$0x3] =	wrdreg $0xA8000  }
0xb0: {  	[dreg:$0x4] =	wrdreg $0x9  }
0xb1: {  	_ =	task.clear_ibuf [dreg:s6], $0x5FFFF;
	_ =	strace $0x90000049  }
0xb2: {  	s29 =	simm.s32 $0x9;
	_ =	strace $0x8000004B  }
0xb3: {  	_ =	swait.ge [sflag:s29], $0x1  }
0xb4: {  	[sflag:s29] =	ssyncadd.s32 $0xFFFFFFFF  }
0xb5: {  	_ =	strace $0x9000004B  }
0xb6: {  	_ =	sfence  }
0xb7: {  	s30 =	sld [smem:$0x0];
	_ =	sdelay $0x2  }
0xb8: {  	s31 =	sshll.u32 s1, $0xD;
	s1 =	sshrl.u32 s1, $0x2  }
0xb9: {  	s3 =	sand.u32 $0x4000, s31;
	s1 =	sadd.s32 s1, s30  }
0xba: {  	s0 =	sor.u32 s3, s0;
	s1 =	sshll.u32 s1, $0x11  }
0xbb: {  	s0 =	sor.u32 s1, s0  }
0xbc: {  	s0 =	sadd.s32 $0x8F2B, s0  }
0xbd: {  	[sflag:s0] =	ssyncadd.remote.s32 $0x1  }
0xbe: {  	_ =	sfence.sel $0xFFFF  }
0xbf: {  	[dreg:$0x0] =	wrdreg $0xFFFFFFFF;
	(pc) =	sbr.abs _section_cstart, $3  }
0xc0: {  	[dreg:$0x1] =	wrdreg $0xFFFFFFFF  }
0xc1: {  	_ =	task.clear_ibuf [dreg:s6], $0x2FFFF;
	_ =	strace $0x9FFFFFFF  }
0xc2: {  	(tm) =	ssettm $0x7FFFFFFF  }
0xc3: {  	_ =	shalt  }
tec
execute0_lowered:
.L_overlay_start_1:
0x0: {  	(tag) =	ssettag $0x1  }
0x1: {  	s0 =	srdreg.scid;
	s1 =	rddreg [dreg:$0x0]  }
0x2: {  	s8 =	stileid.u32;
	s2 =	rddreg [dreg:$0x1]  }
0x3: {  	s0 =	sand.u32 $0x1, s0;
	s3 =	sshll.u32 s8, $0x1;
	s6 =	smul.u32 $0x50000, s8  }
0x4: {  	s3 =	sor.u32 s0, s3;
	s5 =	smul.u32 $0x28000, s0;
	s0 =	ssub.s32 $0x2, s0  }
0x5: {  	s10 =	simm.s32 $0x0;
	s7 =	sshrl.u32 s0, $0x1;
	s6 =	sshrl.u32 s6, $0x2  }
0x6: {  	[smem:$0x7FF] =	sst s10;
	s0 =	ssub.s32 s0, s7;
	s6 =	sadd.s32 s6, s2  }
0x7: {  	_ =	strace $0x8000004A;
	s0 =	smax.u32 s0, $0x1;
	[dreg:$0x4] =	wrdreg s6  }
0x8: {  	s9 =	sadd.s32 $0x1000, s6;
	[dreg:$0x7] =	wrdreg s0  }
0x9: {  	s11 =	sadd.s32 $0x2000, s6;
	[dreg:$0x8] =	wrdreg s9  }
0xa: {  	s12 =	sadd.s32 $0x3000, s6;
	[dreg:$0x9] =	wrdreg s11  }
0xb: {  	s13 =	sadd.s32 $0x4000, s6;
	[dreg:$0xa] =	wrdreg s12  }
0xc: {  	s14 =	sadd.s32 $0x5000, s6;
	[dreg:$0xb] =	wrdreg s13  }
0xd: {  	s15 =	sadd.s32 $0x6000, s6;
	[dreg:$0xc] =	wrdreg s14  }
0xe: {  	s16 =	sadd.s32 $0x7000, s6;
	[dreg:$0xd] =	wrdreg s15  }
0xf: {  	s17 =	sadd.s32 $0x8000, s6;
	[dreg:$0xe] =	wrdreg s16  }
0x10: {  	s18 =	sadd.s32 $0x9000, s6;
	[dreg:$0xf] =	wrdreg s17  }
0x11: {  	s19 =	sadd.s32 $0xA000, s6;
	[dreg:$0x10] =	wrdreg s18  }
0x12: {  	s30 =	simm.s32 $0x2800;
	s20 =	sadd.s32 $0xB000, s6;
	[dreg:$0x11] =	wrdreg s19  }
0x13: {  	s4 =	sadd.s32 $0x2000, s1;
	s21 =	sadd.s32 $0xC000, s6;
	[dreg:$0x12] =	wrdreg s20  }
0x14: {  	s3 =	smul.u32 $0x1400, s3;
	s22 =	sadd.s32 $0xD000, s6;
	[dreg:$0x13] =	wrdreg s21  }
0x15: {  	s8 =	smul.u32 $0x2800, s8;
	s23 =	sadd.s32 $0xE000, s6;
	[dreg:$0x14] =	wrdreg s22  }
0x16: {  	s3 =	sadd.s32 s3, s1;
	s24 =	sadd.s32 $0xF000, s6;
	[dreg:$0x15] =	wrdreg s23  }
0x17: {  	s1 =	sadd.s32 s5, s1;
	s26 =	sadd.s32 $0x10000, s6;
	[dreg:$0x16] =	wrdreg s24  }
0x18: {  	s28 =	sadd.s32 $0x11000, s6;
	s29 =	sadd.s32 $0x12000, s6;
	[dreg:$0x18] =	wrdreg s26  }
0x19: {  	s31 =	sadd.s32 $0x13000, s6;
	s7 =	sadd.s32 $0x7A000, s3;
	[dreg:$0x19] =	wrdreg s28  }
0x1a: {  	s3 =	sadd.s32 $0x52000, s3;
	s1 =	sadd.s32 $0xA2000, s1;
	[dreg:$0x1a] =	wrdreg s29  }
0x1b: {  	[dreg:$0x1b] =	wrdreg s31;
	s0 =	simm.s32 $0x20;
	s9 =	simm.s32 $0x3800  }
0x1c: {  	s13 =	simm.s32 $0x5800;
	s17 =	simm.s32 $0x7800;
	s21 =	simm.s32 $0x9800  }
0x1d: {  	s22 =	simm.s32 $0x1;
	s23 =	simm.s32 $0x2;
	[dreg:$0x5] =	wrdreg s7  }
0x1e: {  	s24 =	simm.s32 $0x4;
	[dreg:$0x6] =	wrdreg s3;
	s25 =	sadd.s32 s8, s1  }
0x1f: {  	v0 =	vimm.f32 $0.0e+00;
	s26 =	simm.s32 $0x8;
	[dreg:$0x17] =	wrdreg s25;
	s25 =	simm.s32 $0x6  }
.LBB2_1:
0x20: {  	[dreg:$0x3] =	wrdreg s10;
	s3 =	simm.s32 $0x0;
	s5 =	simm.s32 $0x200  }
.LBB2_2:
0x21: {  	p0 =	sne.s32 s5, $0x3E00;
	[tilespmem:s3+$0x2870] =	vst v0  }
0x22: {  	[tilespmem:s3+$0x2800] =	vst v0  }
0x23: {  	[tilespmem:s3+$0x2810] =	vst v0  }
.Ltmp0:
0x24: {  	[tilespmem:s3+$0x2820] =	vst v0;
	(pc) =	sbr.rel @p0 .LBB2_2-.Ltmp0, $4  }
0x25: {  	[tilespmem:s3+$0x2830] =	vst v0  }
0x26: {  	[tilespmem:s3+$0x2840] =	vst v0  }
0x27: {  	[tilespmem:s3+$0x2850] =	vst v0  }
0x28: {  	[tilespmem:s3+$0x2860] =	vst v0;
	s3 =	sshra.s32 s5, $0x2;
	s5 =	sadd.s32 $0x200, s5  }
0x29: {  	[tilespmem:s3+$0x2870] =	vst v0  }
0x2a: {  	[tilespmem:s3+$0x2800] =	vst v0  }
0x2b: {  	[tilespmem:s3+$0x2810] =	vst v0  }
0x2c: {  	[tilespmem:s3+$0x2820] =	vst v0  }
0x2d: {  	[tilespmem:s3+$0x2830] =	vst v0  }
0x2e: {  	[tilespmem:s3+$0x2840] =	vst v0  }
0x2f: {  	[tilespmem:s3+$0x2850] =	vst v0  }
0x30: {  	[tilespmem:s3+$0x2860] =	vst v0;
	s3 =	simm.s32 $0x11  }
0x31: {  	[spmem:s6] =	stream.linear.scatter [tilespmem:s30], [sflag:$0x11], $0x1000, $0x38;
	[tilespmem:$0x1E800] =	vst v63  }
0x32: {  	_ =	swait.ge [sflag:s3], $0x1000  }
0x33: {  	[sflag:s3] =	ssyncset.done $0x0  }
0x34: {  	s1 =	rddreg [dreg:$0x8];
	[sflag:s3] =	ssyncadd.s32 $0xFFFFF000  }
0x35: {  	[spmem:s1] =	stream.linear.scatter [tilespmem:s30], [sflag:$0x11], $0x1000, $0x38;
	[tilespmem:$0x1E800] =	vst v63  }
0x36: {  	_ =	swait.ge [sflag:s3], $0x1000  }
0x37: {  	[sflag:s3] =	ssyncset.done $0x0  }
0x38: {  	s29 =	rddreg [dreg:$0x9];
	[sflag:s3] =	ssyncadd.s32 $0xFFFFF000  }
0x39: {  	[spmem:s29] =	stream.linear.scatter [tilespmem:s30], [sflag:$0x11], $0x1000, $0x38;
	[tilespmem:$0x1E800] =	vst v63  }
0x3a: {  	_ =	swait.ge [sflag:s3], $0x1000  }
0x3b: {  	[sflag:s3] =	ssyncset.done $0x0  }
0x3c: {  	s31 =	rddreg [dreg:$0xa];
	[sflag:s3] =	ssyncadd.s32 $0xFFFFF000  }
0x3d: {  	[spmem:s31] =	stream.linear.scatter [tilespmem:s30], [sflag:$0x11], $0x1000, $0x38;
	[tilespmem:$0x1E800] =	vst v63  }
0x3e: {  	_ =	swait.ge [sflag:s3], $0x1000  }
0x3f: {  	[sflag:s3] =	ssyncset.done $0x0  }
0x40: {  	s5 =	rddreg [dreg:$0xb];
	[sflag:s3] =	ssyncadd.s32 $0xFFFFF000  }
0x41: {  	[spmem:s5] =	stream.linear.scatter [tilespmem:s30], [sflag:$0x11], $0x1000, $0x38;
	[tilespmem:$0x1E800] =	vst v63  }
0x42: {  	_ =	swait.ge [sflag:s3], $0x1000  }
0x43: {  	[sflag:s3] =	ssyncset.done $0x0  }
0x44: {  	s6 =	rddreg [dreg:$0xc];
	[sflag:s3] =	ssyncadd.s32 $0xFFFFF000  }
0x45: {  	[spmem:s6] =	stream.linear.scatter [tilespmem:s30], [sflag:$0x11], $0x1000, $0x38;
	[tilespmem:$0x1E800] =	vst v63  }
0x46: {  	_ =	swait.ge [sflag:s3], $0x1000  }
0x47: {  	[sflag:s3] =	ssyncset.done $0x0  }
0x48: {  	s7 =	rddreg [dreg:$0xd];
	[sflag:s3] =	ssyncadd.s32 $0xFFFFF000  }
0x49: {  	[spmem:s7] =	stream.linear.scatter [tilespmem:s30], [sflag:$0x11], $0x1000, $0x38;
	[tilespmem:$0x1E800] =	vst v63  }
0x4a: {  	_ =	swait.ge [sflag:s3], $0x1000  }
0x4b: {  	[sflag:s3] =	ssyncset.done $0x0  }
0x4c: {  	s8 =	rddreg [dreg:$0xe];
	[sflag:s3] =	ssyncadd.s32 $0xFFFFF000  }
0x4d: {  	[spmem:s8] =	stream.linear.scatter [tilespmem:s30], [sflag:$0x11], $0x1000, $0x38;
	[tilespmem:$0x1E800] =	vst v63  }
0x4e: {  	_ =	swait.ge [sflag:s3], $0x1000  }
0x4f: {  	[sflag:s3] =	ssyncset.done $0x0  }
0x50: {  	s10 =	rddreg [dreg:$0xf];
	[sflag:s3] =	ssyncadd.s32 $0xFFFFF000  }
0x51: {  	[spmem:s10] =	stream.linear.scatter [tilespmem:s30], [sflag:$0x11], $0x1000, $0x38;
	[tilespmem:$0x1E800] =	vst v63  }
0x52: {  	_ =	swait.ge [sflag:s3], $0x1000  }
0x53: {  	[sflag:s3] =	ssyncset.done $0x0  }
0x54: {  	s11 =	rddreg [dreg:$0x10];
	[sflag:s3] =	ssyncadd.s32 $0xFFFFF000  }
0x55: {  	[spmem:s11] =	stream.linear.scatter [tilespmem:s30], [sflag:$0x11], $0x1000, $0x38;
	[tilespmem:$0x1E800] =	vst v63  }
0x56: {  	_ =	swait.ge [sflag:s3], $0x1000  }
0x57: {  	[sflag:s3] =	ssyncset.done $0x0  }
0x58: {  	s12 =	rddreg [dreg:$0x11];
	[sflag:s3] =	ssyncadd.s32 $0xFFFFF000  }
0x59: {  	[spmem:s12] =	stream.linear.scatter [tilespmem:s30], [sflag:$0x11], $0x1000, $0x38;
	[tilespmem:$0x1E800] =	vst v63  }
0x5a: {  	_ =	swait.ge [sflag:s3], $0x1000  }
0x5b: {  	[sflag:s3] =	ssyncset.done $0x0  }
0x5c: {  	s14 =	rddreg [dreg:$0x12];
	[sflag:s3] =	ssyncadd.s32 $0xFFFFF000  }
0x5d: {  	[spmem:s14] =	stream.linear.scatter [tilespmem:s30], [sflag:$0x11], $0x1000, $0x38;
	[tilespmem:$0x1E800] =	vst v63  }
0x5e: {  	_ =	swait.ge [sflag:s3], $0x1000  }
0x5f: {  	[sflag:s3] =	ssyncset.done $0x0  }
0x60: {  	s15 =	rddreg [dreg:$0x13];
	[sflag:s3] =	ssyncadd.s32 $0xFFFFF000  }
0x61: {  	[spmem:s15] =	stream.linear.scatter [tilespmem:s30], [sflag:$0x11], $0x1000, $0x38;
	[tilespmem:$0x1E800] =	vst v63  }
0x62: {  	_ =	swait.ge [sflag:s3], $0x1000  }
0x63: {  	[sflag:s3] =	ssyncset.done $0x0  }
0x64: {  	s16 =	rddreg [dreg:$0x14];
	[sflag:s3] =	ssyncadd.s32 $0xFFFFF000  }
0x65: {  	[spmem:s16] =	stream.linear.scatter [tilespmem:s30], [sflag:$0x11], $0x1000, $0x38;
	[tilespmem:$0x1E800] =	vst v63  }
0x66: {  	_ =	swait.ge [sflag:s3], $0x1000  }
0x67: {  	[sflag:s3] =	ssyncset.done $0x0  }
0x68: {  	s18 =	rddreg [dreg:$0x15];
	[sflag:s3] =	ssyncadd.s32 $0xFFFFF000  }
0x69: {  	[spmem:s18] =	stream.linear.scatter [tilespmem:s30], [sflag:$0x11], $0x1000, $0x38;
	[tilespmem:$0x1E800] =	vst v63  }
0x6a: {  	_ =	swait.ge [sflag:s3], $0x1000  }
0x6b: {  	[sflag:s3] =	ssyncset.done $0x0  }
0x6c: {  	s19 =	rddreg [dreg:$0x16];
	[sflag:s3] =	ssyncadd.s32 $0xFFFFF000  }
0x6d: {  	[spmem:s19] =	stream.linear.scatter [tilespmem:s30], [sflag:$0x11], $0x1000, $0x38;
	[tilespmem:$0x1E800] =	vst v63  }
0x6e: {  	_ =	swait.ge [sflag:s3], $0x1000  }
0x6f: {  	[sflag:s3] =	ssyncset.done $0x0  }
0x70: {  	s20 =	rddreg [dreg:$0x18];
	[sflag:s3] =	ssyncadd.s32 $0xFFFFF000  }
0x71: {  	[spmem:s20] =	stream.linear.scatter [tilespmem:s30], [sflag:$0x11], $0x1000, $0x38;
	[tilespmem:$0x1E800] =	vst v63  }
0x72: {  	_ =	swait.ge [sflag:s3], $0x1000  }
0x73: {  	[sflag:s3] =	ssyncset.done $0x0  }
0x74: {  	s28 =	rddreg [dreg:$0x19];
	[sflag:s3] =	ssyncadd.s32 $0xFFFFF000  }
0x75: {  	[spmem:s28] =	stream.linear.scatter [tilespmem:s30], [sflag:$0x11], $0x1000, $0x38;
	[tilespmem:$0x1E800] =	vst v63  }
0x76: {  	_ =	swait.ge [sflag:s3], $0x1000  }
0x77: {  	[sflag:s3] =	ssyncset.done $0x0  }
0x78: {  	s29 =	rddreg [dreg:$0x1a];
	[sflag:s3] =	ssyncadd.s32 $0xFFFFF000  }
0x79: {  	[spmem:s29] =	stream.linear.scatter [tilespmem:s30], [sflag:$0x11], $0x1000, $0x38;
	[tilespmem:$0x1E800] =	vst v63  }
0x7a: {  	_ =	swait.ge [sflag:s3], $0x1000  }
0x7b: {  	[sflag:s3] =	ssyncset.done $0x0  }
0x7c: {  	s31 =	rddreg [dreg:$0x1b];
	[sflag:s3] =	ssyncadd.s32 $0xFFFFF000  }
0x7d: {  	[spmem:s31] =	stream.linear.scatter [tilespmem:s30], [sflag:$0x11], $0x1000, $0x38;
	[tilespmem:$0x1E800] =	vst v63  }
0x7e: {  	_ =	swait.ge [sflag:s3], $0x1000  }
0x7f: {  	[sflag:s3] =	ssyncset.done $0x0  }
0x80: {  	[sflag:s3] =	ssyncadd.s32 $0xFFFFF000  }
0x81: {  	s3 =	simm.s32 $0x0;
	[bflag:$0x0] =	sbarrier.arrive $0xFFFF  }
.LBB2_4:
0x82: {  	[dreg:$0x1c] =	wrdreg s3;
	s20 =	smul.u32 $0x280, s3  }
0x83: {  	s1 =	rddreg [dreg:$0x5]  }
0x84: {  	s6 =	simm.s32 $0x0;
	s28 =	simm.s32 $0x11;
	s5 =	sadd.s32 s20, s1  }
0x85: {  	[tilespmem:s6], [sflag:$0x11] =	stream.linear.gather [hbm4b:s5+s6], $0x1400, $0x38;
	[tilespmem:$0x1E800] =	vst v63  }
0x86: {  	_ =	swait.ge [sflag:s28], $0x1400  }
0x87: {  	[sflag:s28] =	ssyncset.done $0x0;
	s29 =	rddreg [dreg:$0x6]  }
0x88: {  	s31 =	simm.s32 $0x1400;
	[sflag:s28] =	ssyncadd.s32 $0xFFFFEC00;
	s3 =	sadd.s32 s20, s29  }
0x89: {  	[tilespmem:s31], [sflag:$0x11] =	stream.linear.gather [hbm4b:s3+s6], $0x1400, $0x38;
	[tilespmem:$0x1E800] =	vst v63  }
0x8a: {  	_ =	swait.ge [sflag:s28], $0x1400  }
0x8b: {  	[sflag:s28] =	ssyncset.done $0x0  }
0x8c: {  	[sflag:s28] =	ssyncadd.s32 $0xFFFFEC00  }
0x8d: {  	[tilespmem:s30], [sflag:$0x1] =	stream.indirect.gather [hbm4b:s4+s0], $0x80, s6, s0, $0xb8;
	[tilespmem:$0x1E800] =	vst v63  }
0x8e: {  	s7 =	simm.s32 $0x80  }
0x8f: {  	[tilespmem:s9], [sflag:$0x2] =	stream.indirect.gather [hbm4b:s4+s0], $0x80, s7, s0, $0xb8;
	[tilespmem:$0x1E800] =	vst v63  }
0x90: {  	s8 =	simm.s32 $0x100;
	s10 =	simm.s32 $0x4800  }
0x91: {  	[tilespmem:s10], [sflag:$0x3] =	stream.indirect.gather [hbm4b:s4+s0], $0x80, s8, s0, $0xb8;
	[tilespmem:$0x1E800] =	vst v63  }
0x92: {  	s11 =	simm.s32 $0x180  }
0x93: {  	[tilespmem:s13], [sflag:$0x4] =	stream.indirect.gather [hbm4b:s4+s0], $0x80, s11, s0, $0xb8;
	[tilespmem:$0x1E800] =	vst v63  }
0x94: {  	s12 =	simm.s32 $0x200;
	s14 =	simm.s32 $0x6800  }
0x95: {  	[tilespmem:s14], [sflag:$0x5] =	stream.indirect.gather [hbm4b:s4+s0], $0x80, s12, s0, $0xb8;
	[tilespmem:$0x1E800] =	vst v63  }
0x96: {  	s15 =	simm.s32 $0x280  }
0x97: {  	[tilespmem:s17], [sflag:$0x6] =	stream.indirect.gather [hbm4b:s4+s0], $0x80, s15, s0, $0xb8;
	[tilespmem:$0x1E800] =	vst v63  }
0x98: {  	s16 =	simm.s32 $0x300;
	s18 =	simm.s32 $0x8800;
	p0 =	por $0x1, $0x1  }
0x99: {  	[tilespmem:s18], [sflag:$0x7] =	stream.indirect.gather [hbm4b:s4+s0], $0x80, s16, s0, $0xb8;
	[tilespmem:$0x1E800] =	vst v63  }
0x9a: {  	s19 =	simm.s32 $0x380;
	s3 =	simm.s32 @!p0 $0xF  }
0x9b: {  	[tilespmem:s21], [sflag:$0x8] =	stream.indirect.gather [hbm4b:s4+s0], $0x80, s19, s0, $0xb8;
	[tilespmem:$0x1E800] =	vst v63  }
0x9c: {  	_ =	swait.ge @!p0 [sflag:s3], $0x1000  }
0x9d: {  	s5 =	simm.s32 @!p0 $0x8800;
	[sflag:s3] =	ssyncset.done @!p0 $0x0  }
0x9e: {  	s6 =	simm.s32 @!p0 $0x300;
	s7 =	simm.s32 @!p0 $0x20;
	[sflag:s3] =	ssyncadd.s32 @!p0 $0xFFFFF000  }
0x9f: {  	[tilespmem:s5], [sflag:$0x7] =	stream.indirect.gather @!p0 [hbm4b:s4+s7], $0x80, s6, s7, $0xb8;
	[tilespmem:$0x1E800] =	vst v63  }
0xa0: {  	_ =	swait.ge [sflag:s22], $0x1000  }
0xa1: {  	[sflag:s22] =	ssyncset.done $0x0  }
0xa2: {  	s20 =	simm.s32 $0x1400;
	s5 =	simm.s32 @!p0 $0x10;
	[sflag:s22] =	ssyncadd.s32 $0xFFFFF000  }
0xa3: {  	[spmem:s2] =	stream.indirect.scatter.add.f32 [tilespmem:s30], [sflag:$0x9], $0x80, s20, s0, $0xb8;
	[tilespmem:$0x1E800] =	vst v63  }
0xa4: {  	_ =	swait.ge @!p0 [sflag:s5], $0x1000  }
0xa5: {  	[sflag:s5] =	ssyncset.done @!p0 $0x0  }
0xa6: {  	s3 =	simm.s32 @!p0 $0x380;
	s6 =	simm.s32 @!p0 $0x9800;
	[sflag:s5] =	ssyncadd.s32 @!p0 $0xFFFFF000  }
0xa7: {  	[tilespmem:s6], [sflag:$0x8] =	stream.indirect.gather @!p0 [hbm4b:s4+s7], $0x80, s3, s7, $0xb8;
	[tilespmem:$0x1E800] =	vst v63  }
0xa8: {  	_ =	swait.ge [sflag:s23], $0x1000  }
0xa9: {  	p0 =	por $0x0, $0x0;
	[sflag:s23] =	ssyncset.done $0x0  }
0xaa: {  	s28 =	simm.s32 $0x1480;
	s5 =	simm.s32 @p0 $0x3;
	[sflag:s23] =	ssyncadd.s32 $0xFFFFF000  }
0xab: {  	[spmem:s2] =	stream.indirect.scatter.add.f32 [tilespmem:s9], [sflag:$0xA], $0x80, s28, s0, $0xb8;
	[tilespmem:$0x1E800] =	vst v63  }
0xac: {  	_ =	swait.ge @p0 [sflag:s5], $0x1000  }
0xad: {  	s3 =	simm.s32 @p0 $0x1500;
	s6 =	simm.s32 @p0 $0x20;
	[sflag:s5] =	ssyncset.done @p0 $0x0  }
0xae: {  	s7 =	simm.s32 @p0 $0x4800;
	s15 =	simm.s32 @!p0 $0x9;
	[sflag:s5] =	ssyncadd.s32 @p0 $0xFFFFF000  }
0xaf: {  	[spmem:s2] =	stream.indirect.scatter.add.f32 @p0 [tilespmem:s7], [sflag:$0xB], $0x80, s3, s6, $0xb8;
	[tilespmem:$0x1E800] =	vst v63  }
0xb0: {  	_ =	swait.ge @!p0 [sflag:s15], $0x1000  }
0xb1: {  	s5 =	simm.s32 @!p0 $0x20;
	s3 =	simm.s32 @!p0 $0x400;
	[sflag:s15] =	ssyncset.done @!p0 $0x0  }
0xb2: {  	s7 =	simm.s32 @!p0 $0x2800;
	[sflag:s15] =	ssyncadd.s32 @!p0 $0xFFFFF000;
	s15 =	simm.s32 @!p0 $0x3  }
0xb3: {  	[tilespmem:s7], [sflag:$0x1] =	stream.indirect.gather @!p0 [hbm4b:s4+s5], $0x80, s3, s5, $0xb8;
	[tilespmem:$0x1E800] =	vst v63  }
0xb4: {  	_ =	swait.ge @!p0 [sflag:s15], $0x1000  }
0xb5: {  	s3 =	simm.s32 @!p0 $0x1500;
	[sflag:s15] =	ssyncset.done @!p0 $0x0  }
0xb6: {  	s7 =	simm.s32 @!p0 $0x4800;
	[sflag:s15] =	ssyncadd.s32 @!p0 $0xFFFFF000;
	s15 =	simm.s32 @!p0 $0xA  }
0xb7: {  	[spmem:s2] =	stream.indirect.scatter.add.f32 @!p0 [tilespmem:s7], [sflag:$0xB], $0x80, s3, s5, $0xb8;
	[tilespmem:$0x1E800] =	vst v63  }
0xb8: {  	_ =	swait.ge @!p0 [sflag:s15], $0x1000  }
0xb9: {  	[sflag:s15] =	ssyncset.done @!p0 $0x0  }
0xba: {  	s3 =	simm.s32 @!p0 $0x480;
	[sflag:s15] =	ssyncadd.s32 @!p0 $0xFFFFF000;
	s15 =	simm.s32 @!p0 $0x3800  }
0xbb: {  	[tilespmem:s15], [sflag:$0x2] =	stream.indirect.gather @!p0 [hbm4b:s4+s5], $0x80, s3, s5, $0xb8;
	[tilespmem:$0x1E800] =	vst v63  }
0xbc: {  	_ =	swait.ge [sflag:s24], $0x1000  }
0xbd: {  	[sflag:s24] =	ssyncset.done $0x0  }
0xbe: {  	s29 =	simm.s32 $0x1580;
	s15 =	simm.s32 @p0 $0x5;
	[sflag:s24] =	ssyncadd.s32 $0xFFFFF000  }
0xbf: {  	[spmem:s2] =	stream.indirect.scatter.add.f32 [tilespmem:s13], [sflag:$0xC], $0x80, s29, s0, $0xb8;
	[tilespmem:$0x1E800] =	vst v63  }
0xc0: {  	_ =	swait.ge @p0 [sflag:s15], $0x1000  }
0xc1: {  	[sflag:s15] =	ssyncset.done @p0 $0x0  }
0xc2: {  	s3 =	simm.s32 @p0 $0x1600;
	[sflag:s15] =	ssyncadd.s32 @p0 $0xFFFFF000;
	s15 =	simm.s32 @p0 $0x6800  }
0xc3: {  	[spmem:s2] =	stream.indirect.scatter.add.f32 @p0 [tilespmem:s15], [sflag:$0xD], $0x80, s3, s6, $0xb8;
	[tilespmem:$0x1E800] =	vst v63  }
0xc4: {  	s3 =	simm.s32 @!p0 $0xB  }
0xc5: {  	_ =	swait.ge @!p0 [sflag:s3], $0x1000  }
0xc6: {  	[sflag:s3] =	ssyncset.done @!p0 $0x0  }
0xc7: {  	s15 =	simm.s32 @!p0 $0x500;
	[sflag:s3] =	ssyncadd.s32 @!p0 $0xFFFFF000;
	s3 =	simm.s32 @!p0 $0x5  }
0xc8: {  	[tilespmem:s7], [sflag:$0x3] =	stream.indirect.gather @!p0 [hbm4b:s4+s5], $0x80, s15, s5, $0xb8;
	[tilespmem:$0x1E800] =	vst v63  }
0xc9: {  	_ =	swait.ge @!p0 [sflag:s3], $0x1000  }
0xca: {  	s7 =	simm.s32 @!p0 $0x1600;
	[sflag:s3] =	ssyncset.done @!p0 $0x0  }
0xcb: {  	s15 =	simm.s32 @!p0 $0x6800;
	[sflag:s3] =	ssyncadd.s32 @!p0 $0xFFFFF000;
	s3 =	simm.s32 @!p0 $0xC  }
0xcc: {  	[spmem:s2] =	stream.indirect.scatter.add.f32 @!p0 [tilespmem:s15], [sflag:$0xD], $0x80, s7, s5, $0xb8;
	[tilespmem:$0x1E800] =	vst v63  }
0xcd: {  	_ =	swait.ge @!p0 [sflag:s3], $0x1000  }
0xce: {  	[sflag:s3] =	ssyncset.done @!p0 $0x0  }
0xcf: {  	s7 =	simm.s32 @!p0 $0x580;
	[sflag:s3] =	ssyncadd.s32 @!p0 $0xFFFFF000;
	s3 =	simm.s32 @!p0 $0x5800  }
0xd0: {  	[tilespmem:s3], [sflag:$0x4] =	stream.indirect.gather @!p0 [hbm4b:s4+s5], $0x80, s7, s5, $0xb8;
	[tilespmem:$0x1E800] =	vst v63  }
0xd1: {  	_ =	swait.ge [sflag:s25], $0x1000  }
0xd2: {  	[sflag:s25] =	ssyncset.done $0x0  }
0xd3: {  	s31 =	simm.s32 $0x1680;
	s7 =	simm.s32 @p0 $0x7;
	[sflag:s25] =	ssyncadd.s32 $0xFFFFF000  }
0xd4: {  	[spmem:s2] =	stream.indirect.scatter.add.f32 [tilespmem:s17], [sflag:$0xE], $0x80, s31, s0, $0xb8;
	[tilespmem:$0x1E800] =	vst v63  }
0xd5: {  	_ =	swait.ge @p0 [sflag:s7], $0x1000  }
0xd6: {  	[sflag:s7] =	ssyncset.done @p0 $0x0  }
0xd7: {  	s3 =	simm.s32 @p0 $0x2700;
	[sflag:s7] =	ssyncadd.s32 @p0 $0xFFFFF000;
	s7 =	simm.s32 @p0 $0x8800  }
0xd8: {  	[spmem:s2] =	stream.indirect.scatter.add.f32 @p0 [tilespmem:s7], [sflag:$0xF], $0x80, s3, s6, $0xb8;
	[tilespmem:$0x1E800] =	vst v63  }
0xd9: {  	s3 =	simm.s32 @!p0 $0xD  }
0xda: {  	_ =	swait.ge @!p0 [sflag:s3], $0x1000  }
0xdb: {  	[sflag:s3] =	ssyncset.done @!p0 $0x0  }
0xdc: {  	[sflag:s3] =	ssyncadd.s32 @!p0 $0xFFFFF000;
	s3 =	simm.s32 @!p0 $0x600  }
0xdd: {  	[tilespmem:s15], [sflag:$0x5] =	stream.indirect.gather @!p0 [hbm4b:s4+s5], $0x80, s3, s5, $0xb8;
	[tilespmem:$0x1E800] =	vst v63  }
0xde: {  	s3 =	simm.s32 @!p0 $0x7  }
0xdf: {  	_ =	swait.ge @!p0 [sflag:s3], $0x1000  }
0xe0: {  	[sflag:s3] =	ssyncset.done @!p0 $0x0  }
0xe1: {  	s6 =	simm.s32 @!p0 $0x1700;
	[sflag:s3] =	ssyncadd.s32 @!p0 $0xFFFFF000;
	s3 =	simm.s32 @!p0 $0x8800  }
0xe2: {  	[spmem:s2] =	stream.indirect.scatter.add.f32 @!p0 [tilespmem:s3], [sflag:$0xF], $0x80, s6, s5, $0xb8;
	[tilespmem:$0x1E800] =	vst v63  }
0xe3: {  	s3 =	simm.s32 @!p0 $0xE  }
0xe4: {  	_ =	swait.ge @!p0 [sflag:s3], $0x1000  }
0xe5: {  	p1 =	por $0x0, $0x0;
	s16 =	simm.s32 $0x1000;
	[sflag:s3] =	ssyncset.done @!p0 $0x0  }
0xe6: {  	s6 =	simm.s32 @!p0 $0x680;
	[sflag:s3] =	ssyncadd.s32 @!p0 $0xFFFFF000;
	s3 =	simm.s32 @!p0 $0x7800  }
0xe7: {  	[tilespmem:s3], [sflag:$0x6] =	stream.indirect.gather @!p0 [hbm4b:s4+s5], $0x80, s6, s5, $0xb8;
	[tilespmem:$0x1E800] =	vst v63  }
0xe8: {  	s18 =	simm.s32 $0x1780;
	s15 =	simm.s32 $0x2000;
	_ =	swait.ge [sflag:s26], $0x1000  }
.LBB2_5:
0xe9: {  	s3 =	simm.s32 @!p1 $0xF  }
0xea: {  	[sflag:s26] =	ssyncset.done $0x0;
	s28 =	smov.u32 s15;
	s15 =	sadd.s32 $0x1000, s15  }
0xeb: {  	p0 =	sne.s32 s15, $0x5000;
	[sflag:s26] =	ssyncadd.s32 $0xFFFFF000  }
0xec: {  	[spmem:s2] =	stream.indirect.scatter.add.f32 [tilespmem:s21], [sflag:$0x10], $0x80, s18, s0, $0xb8;
	[tilespmem:$0x1E800] =	vst v63  }
0xed: {  	s5 =	sshra.s32 @!p1 s16, $0x2;
	s6 =	simm.s32 @!p1 $0x8800;
	_ =	swait.ge @!p1 [sflag:s3], $0x1000  }
0xee: {  	s20 =	simm.s32 @!p1 $0x20;
	s7 =	sadd.s32 @!p1 $0x300, s5;
	[sflag:s3] =	ssyncset.done @!p1 $0x0  }
0xef: {  	[sflag:s3] =	ssyncadd.s32 @!p1 $0xFFFFF000;
	s3 =	sadd.s32 @!p1 $0x380, s5  }
0xf0: {  	[tilespmem:s6], [sflag:$0x7] =	stream.indirect.gather @!p1 [hbm4b:s4+s20], $0x80, s7, s20, $0xb8;
	[tilespmem:$0x1E800] =	vst v63  }
0xf1: {  	s19 =	sshra.s32 s16, $0x2;
	_ =	swait.ge [sflag:s22], $0x1000  }
0xf2: {  	s5 =	sadd.s32 $0x1400, s19;
	s6 =	simm.s32 @!p1 $0x10;
	[sflag:s22] =	ssyncset.done $0x0  }
0xf3: {  	s18 =	sadd.s32 $0x1780, s19;
	[sflag:s22] =	ssyncadd.s32 $0xFFFFF000  }
0xf4: {  	[spmem:s2] =	stream.indirect.scatter.add.f32 [tilespmem:s30], [sflag:$0x9], $0x80, s5, s0, $0xb8;
	[tilespmem:$0x1E800] =	vst v63  }
0xf5: {  	_ =	swait.ge @!p1 [sflag:s6], $0x1000  }
0xf6: {  	s5 =	simm.s32 @!p1 $0x9800;
	[sflag:s6] =	ssyncset.done @!p1 $0x0  }
0xf7: {  	[sflag:s6] =	ssyncadd.s32 @!p1 $0xFFFFF000  }
0xf8: {  	[tilespmem:s5], [sflag:$0x8] =	stream.indirect.gather @!p1 [hbm4b:s4+s20], $0x80, s3, s20, $0xb8;
	[tilespmem:$0x1E800] =	vst v63  }
0xf9: {  	_ =	swait.ge [sflag:s23], $0x1000  }
0xfa: {  	s3 =	sadd.s32 $0x1480, s19;
	p1 =	seq.s32 s16, $0x4000;
	[sflag:s23] =	ssyncset.done $0x0  }
0xfb: {  	s5 =	simm.s32 @p1 $0x3;
	s7 =	sshra.s32 @p1 s16, $0x2;
	[sflag:s23] =	ssyncadd.s32 $0xFFFFF000  }
0xfc: {  	[spmem:s2] =	stream.indirect.scatter.add.f32 [tilespmem:s9], [sflag:$0xA], $0x80, s3, s0, $0xb8;
	[tilespmem:$0x1E800] =	vst v63  }
0xfd: {  	s16 =	sshra.s32 @!p1 s16, $0x2;
	s3 =	sadd.s32 @p1 $0x1500, s7;
	_ =	swait.ge @p1 [sflag:s5], $0x1000  }
0xfe: {  	s6 =	simm.s32 @p1 $0x20;
	s20 =	simm.s32 @p1 $0x4800;
	[sflag:s5] =	ssyncset.done @p1 $0x0  }
0xff: {  	s29 =	sadd.s32 @!p1 $0x400, s16;
	[sflag:s5] =	ssyncadd.s32 @p1 $0xFFFFF000;
	s5 =	simm.s32 @!p1 $0x9  }
0x100: {  	[spmem:s2] =	stream.indirect.scatter.add.f32 @p1 [tilespmem:s20], [sflag:$0xB], $0x80, s3, s6, $0xb8;
	[tilespmem:$0x1E800] =	vst v63  }
0x101: {  	s1 =	sadd.s32 @!p1 $0x1500, s16;
	s8 =	sadd.s32 @!p1 $0x480, s16;
	_ =	swait.ge @!p1 [sflag:s5], $0x1000  }
0x102: {  	s20 =	simm.s32 @!p1 $0x20;
	s3 =	simm.s32 @!p1 $0x2800;
	[sflag:s5] =	ssyncset.done @!p1 $0x0  }
0x103: {  	s10 =	sadd.s32 @p1 $0x1600, s7;
	[sflag:s5] =	ssyncadd.s32 @!p1 $0xFFFFF000;
	s5 =	simm.s32 @!p1 $0x3  }
0x104: {  	[tilespmem:s3], [sflag:$0x1] =	stream.indirect.gather @!p1 [hbm4b:s4+s20], $0x80, s29, s20, $0xb8;
	[tilespmem:$0x1E800] =	vst v63  }
0x105: {  	s11 =	sadd.s32 @!p1 $0x500, s16;
	s12 =	sadd.s32 @!p1 $0x1600, s16;
	_ =	swait.ge @!p1 [sflag:s5], $0x1000  }
0x106: {  	s31 =	simm.s32 @!p1 $0x4800;
	s3 =	sadd.s32 @!p1 $0x580, s16;
	[sflag:s5] =	ssyncset.done @!p1 $0x0  }
0x107: {  	s14 =	simm.s32 @!p1 $0xA;
	[sflag:s5] =	ssyncadd.s32 @!p1 $0xFFFFF000;
	s5 =	sadd.s32 @!p1 $0x600, s16  }
0x108: {  	[spmem:s2] =	stream.indirect.scatter.add.f32 @!p1 [tilespmem:s31], [sflag:$0xB], $0x80, s1, s20, $0xb8;
	[tilespmem:$0x1E800] =	vst v63  }
0x109: {  	s7 =	sadd.s32 @!p1 $0x680, s16;
	s29 =	sadd.s32 @!p1 $0x1700, s16;
	_ =	swait.ge @!p1 [sflag:s14], $0x1000  }
0x10a: {  	s16 =	smov.u32 s28;
	s1 =	simm.s32 @!p1 $0x3800;
	[sflag:s14] =	ssyncset.done @!p1 $0x0  }
0x10b: {  	[sflag:s14] =	ssyncadd.s32 @!p1 $0xFFFFF000  }
0x10c: {  	[tilespmem:s1], [sflag:$0x2] =	stream.indirect.gather @!p1 [hbm4b:s4+s20], $0x80, s8, s20, $0xb8;
	[tilespmem:$0x1E800] =	vst v63  }
0x10d: {  	_ =	swait.ge [sflag:s24], $0x1000  }
0x10e: {  	s1 =	sadd.s32 $0x1580, s19;
	[sflag:s24] =	ssyncset.done $0x0  }
0x10f: {  	s8 =	simm.s32 @p1 $0x5;
	[sflag:s24] =	ssyncadd.s32 $0xFFFFF000  }
0x110: {  	[spmem:s2] =	stream.indirect.scatter.add.f32 [tilespmem:s13], [sflag:$0xC], $0x80, s1, s0, $0xb8;
	[tilespmem:$0x1E800] =	vst v63  }
0x111: {  	_ =	swait.ge @p1 [sflag:s8], $0x1000  }
0x112: {  	s1 =	simm.s32 @p1 $0x6800;
	[sflag:s8] =	ssyncset.done @p1 $0x0  }
0x113: {  	[sflag:s8] =	ssyncadd.s32 @p1 $0xFFFFF000;
	s8 =	simm.s32 @!p1 $0xB  }
0x114: {  	[spmem:s2] =	stream.indirect.scatter.add.f32 @p1 [tilespmem:s1], [sflag:$0xD], $0x80, s10, s6, $0xb8;
	[tilespmem:$0x1E800] =	vst v63  }
0x115: {  	_ =	swait.ge @!p1 [sflag:s8], $0x1000  }
0x116: {  	[sflag:s8] =	ssyncset.done @!p1 $0x0  }
0x117: {  	s1 =	simm.s32 @!p1 $0x5;
	[sflag:s8] =	ssyncadd.s32 @!p1 $0xFFFFF000  }
0x118: {  	[tilespmem:s31], [sflag:$0x3] =	stream.indirect.gather @!p1 [hbm4b:s4+s20], $0x80, s11, s20, $0xb8;
	[tilespmem:$0x1E800] =	vst v63  }
0x119: {  	_ =	swait.ge @!p1 [sflag:s1], $0x1000  }
0x11a: {  	s8 =	simm.s32 @!p1 $0x6800;
	[sflag:s1] =	ssyncset.done @!p1 $0x0  }
0x11b: {  	[sflag:s1] =	ssyncadd.s32 @!p1 $0xFFFFF000;
	s1 =	simm.s32 @!p1 $0xC  }
0x11c: {  	[spmem:s2] =	stream.indirect.scatter.add.f32 @!p1 [tilespmem:s8], [sflag:$0xD], $0x80, s12, s20, $0xb8;
	[tilespmem:$0x1E800] =	vst v63  }
0x11d: {  	_ =	swait.ge @!p1 [sflag:s1], $0x1000  }
0x11e: {  	s10 =	simm.s32 @!p1 $0x5800;
	[sflag:s1] =	ssyncset.done @!p1 $0x0  }
0x11f: {  	[sflag:s1] =	ssyncadd.s32 @!p1 $0xFFFFF000  }
0x120: {  	[tilespmem:s10], [sflag:$0x4] =	stream.indirect.gather @!p1 [hbm4b:s4+s20], $0x80, s3, s20, $0xb8;
	[tilespmem:$0x1E800] =	vst v63  }
0x121: {  	_ =	swait.ge [sflag:s25], $0x1000  }
0x122: {  	s1 =	sadd.s32 $0x1680, s19;
	[sflag:s25] =	ssyncset.done $0x0  }
0x123: {  	s3 =	simm.s32 @p1 $0x7;
	[sflag:s25] =	ssyncadd.s32 $0xFFFFF000  }
0x124: {  	[spmem:s2] =	stream.indirect.scatter.add.f32 [tilespmem:s17], [sflag:$0xE], $0x80, s1, s0, $0xb8;
	[tilespmem:$0x1E800] =	vst v63  }
0x125: {  	_ =	swait.ge @p1 [sflag:s3], $0x1000  }
0x126: {  	s10 =	simm.s32 @p1 $0x8800;
	s1 =	simm.s32 @p1 $0x2700;
	[sflag:s3] =	ssyncset.done @p1 $0x0  }
0x127: {  	[sflag:s3] =	ssyncadd.s32 @p1 $0xFFFFF000;
	s3 =	simm.s32 @!p1 $0xD  }
0x128: {  	[spmem:s2] =	stream.indirect.scatter.add.f32 @p1 [tilespmem:s10], [sflag:$0xF], $0x80, s1, s6, $0xb8;
	[tilespmem:$0x1E800] =	vst v63  }
0x129: {  	_ =	swait.ge @!p1 [sflag:s3], $0x1000  }
0x12a: {  	[sflag:s3] =	ssyncset.done @!p1 $0x0  }
0x12b: {  	s1 =	simm.s32 @!p1 $0x7;
	[sflag:s3] =	ssyncadd.s32 @!p1 $0xFFFFF000  }
0x12c: {  	[tilespmem:s8], [sflag:$0x5] =	stream.indirect.gather @!p1 [hbm4b:s4+s20], $0x80, s5, s20, $0xb8;
	[tilespmem:$0x1E800] =	vst v63  }
0x12d: {  	_ =	swait.ge @!p1 [sflag:s1], $0x1000  }
0x12e: {  	s3 =	simm.s32 @!p1 $0x8800;
	[sflag:s1] =	ssyncset.done @!p1 $0x0  }
0x12f: {  	[sflag:s1] =	ssyncadd.s32 @!p1 $0xFFFFF000;
	s1 =	simm.s32 @!p1 $0xE  }
0x130: {  	[spmem:s2] =	stream.indirect.scatter.add.f32 @!p1 [tilespmem:s3], [sflag:$0xF], $0x80, s29, s20, $0xb8;
	[tilespmem:$0x1E800] =	vst v63  }
.Ltmp1:
0x131: {  	_ =	swait.ge @!p1 [sflag:s1], $0x1000;
	(pc) =	sbr.rel @p0 .LBB2_5-.Ltmp1, $4  }
0x132: {  	s3 =	simm.s32 @!p1 $0x7800;
	[sflag:s1] =	ssyncset.done @!p1 $0x0  }
0x133: {  	[sflag:s1] =	ssyncadd.s32 @!p1 $0xFFFFF000  }
0x134: {  	[tilespmem:s3], [sflag:$0x6] =	stream.indirect.gather @!p1 [hbm4b:s4+s20], $0x80, s7, s20, $0xb8;
	[tilespmem:$0x1E800] =	vst v63  }
0x135: {  	p1 =	seq.s32 s16, $0x0;
	_ =	swait.ge [sflag:s26], $0x1000  }
0x136: {  	[sflag:s26] =	ssyncset.done $0x0  }
0x137: {  	s1 =	simm.s32 @!p1 $0xF;
	[sflag:s26] =	ssyncadd.s32 $0xFFFFF000  }
0x138: {  	[spmem:s2] =	stream.indirect.scatter.add.f32 [tilespmem:s21], [sflag:$0x10], $0x80, s18, s0, $0xb8;
	[tilespmem:$0x1E800] =	vst v63  }
0x139: {  	_ =	swait.ge @!p1 [sflag:s1], $0x1000  }
0x13a: {  	s3 =	sshra.s32 @!p1 s16, $0x2;
	s5 =	simm.s32 @!p1 $0x8800;
	[sflag:s1] =	ssyncset.done @!p1 $0x0  }
0x13b: {  	s7 =	simm.s32 @!p1 $0x20;
	s6 =	sadd.s32 @!p1 $0x300, s3;
	[sflag:s1] =	ssyncadd.s32 @!p1 $0xFFFFF000  }
0x13c: {  	[tilespmem:s5], [sflag:$0x7] =	stream.indirect.gather @!p1 [hbm4b:s4+s7], $0x80, s6, s7, $0xb8;
	[tilespmem:$0x1E800] =	vst v63  }
0x13d: {  	_ =	swait.ge [sflag:s22], $0x1000  }
0x13e: {  	s29 =	sshra.s32 s16, $0x2;
	[sflag:s22] =	ssyncset.done $0x0  }
0x13f: {  	s31 =	sadd.s32 $0x1400, s29;
	s5 =	simm.s32 @!p1 $0x10;
	[sflag:s22] =	ssyncadd.s32 $0xFFFFF000  }
0x140: {  	[spmem:s2] =	stream.indirect.scatter.add.f32 [tilespmem:s30], [sflag:$0x9], $0x80, s31, s0, $0xb8;
	[tilespmem:$0x1E800] =	vst v63  }
0x141: {  	_ =	swait.ge @!p1 [sflag:s5], $0x1000  }
0x142: {  	[sflag:s5] =	ssyncset.done @!p1 $0x0  }
0x143: {  	s1 =	sadd.s32 @!p1 $0x380, s3;
	s3 =	simm.s32 @!p1 $0x9800;
	[sflag:s5] =	ssyncadd.s32 @!p1 $0xFFFFF000  }
0x144: {  	[tilespmem:s3], [sflag:$0x8] =	stream.indirect.gather @!p1 [hbm4b:s4+s7], $0x80, s1, s7, $0xb8;
	[tilespmem:$0x1E800] =	vst v63  }
0x145: {  	_ =	swait.ge [sflag:s23], $0x1000  }
0x146: {  	p0 =	seq.s32 s16, $0x4000;
	[sflag:s23] =	ssyncset.done $0x0  }
0x147: {  	s7 =	sadd.s32 $0x1480, s29;
	s3 =	simm.s32 @p0 $0x3;
	[sflag:s23] =	ssyncadd.s32 $0xFFFFF000  }
0x148: {  	[spmem:s2] =	stream.indirect.scatter.add.f32 [tilespmem:s9], [sflag:$0xA], $0x80, s7, s0, $0xb8;
	[tilespmem:$0x1E800] =	vst v63  }
0x149: {  	s1 =	sshra.s32 @p0 s16, $0x2;
	_ =	swait.ge @p0 [sflag:s3], $0x1000  }
0x14a: {  	s15 =	simm.s32 @p0 $0x20;
	s5 =	sadd.s32 @p0 $0x1500, s1;
	[sflag:s3] =	ssyncset.done @p0 $0x0  }
0x14b: {  	s7 =	simm.s32 @p0 $0x4800;
	[sflag:s3] =	ssyncadd.s32 @p0 $0xFFFFF000;
	s3 =	simm.s32 @!p0 $0x9  }
0x14c: {  	[spmem:s2] =	stream.indirect.scatter.add.f32 @p0 [tilespmem:s7], [sflag:$0xB], $0x80, s5, s15, $0xb8;
	[tilespmem:$0x1E800] =	vst v63  }
0x14d: {  	s10 =	simm.s32 @!p0 $0x2800;
	_ =	swait.ge @!p0 [sflag:s3], $0x1000  }
0x14e: {  	s5 =	sshra.s32 @!p0 s16, $0x2;
	s7 =	simm.s32 @!p0 $0x20;
	[sflag:s3] =	ssyncset.done @!p0 $0x0  }
0x14f: {  	s8 =	sadd.s32 @!p0 $0x400, s5;
	[sflag:s3] =	ssyncadd.s32 @!p0 $0xFFFFF000;
	s3 =	simm.s32 @!p0 $0x3  }
0x150: {  	[tilespmem:s10], [sflag:$0x1] =	stream.indirect.gather @!p0 [hbm4b:s4+s7], $0x80, s8, s7, $0xb8;
	[tilespmem:$0x1E800] =	vst v63  }
0x151: {  	_ =	swait.ge @!p0 [sflag:s3], $0x1000  }
0x152: {  	s8 =	sadd.s32 @!p0 $0x1500, s5;
	[sflag:s3] =	ssyncset.done @!p0 $0x0  }
0x153: {  	s10 =	simm.s32 @!p0 $0x4800;
	[sflag:s3] =	ssyncadd.s32 @!p0 $0xFFFFF000;
	s3 =	simm.s32 @!p0 $0xA  }
0x154: {  	[spmem:s2] =	stream.indirect.scatter.add.f32 @!p0 [tilespmem:s10], [sflag:$0xB], $0x80, s8, s7, $0xb8;
	[tilespmem:$0x1E800] =	vst v63  }
0x155: {  	_ =	swait.ge @!p0 [sflag:s3], $0x1000  }
0x156: {  	[sflag:s3] =	ssyncset.done @!p0 $0x0  }
0x157: {  	s8 =	sadd.s32 @!p0 $0x480, s5;
	[sflag:s3] =	ssyncadd.s32 @!p0 $0xFFFFF000;
	s3 =	simm.s32 @!p0 $0x3800  }
0x158: {  	[tilespmem:s3], [sflag:$0x2] =	stream.indirect.gather @!p0 [hbm4b:s4+s7], $0x80, s8, s7, $0xb8;
	[tilespmem:$0x1E800] =	vst v63  }
0x159: {  	_ =	swait.ge [sflag:s24], $0x1000  }
0x15a: {  	[sflag:s24] =	ssyncset.done $0x0  }
0x15b: {  	s8 =	sadd.s32 $0x1580, s29;
	s3 =	simm.s32 @p0 $0x5;
	[sflag:s24] =	ssyncadd.s32 $0xFFFFF000  }
0x15c: {  	[spmem:s2] =	stream.indirect.scatter.add.f32 [tilespmem:s13], [sflag:$0xC], $0x80, s8, s0, $0xb8;
	[tilespmem:$0x1E800] =	vst v63  }
0x15d: {  	_ =	swait.ge @p0 [sflag:s3], $0x1000  }
0x15e: {  	[sflag:s3] =	ssyncset.done @p0 $0x0  }
0x15f: {  	s1 =	sadd.s32 @p0 $0x1600, s1;
	[sflag:s3] =	ssyncadd.s32 @p0 $0xFFFFF000;
	s3 =	simm.s32 @p0 $0x6800  }
0x160: {  	[spmem:s2] =	stream.indirect.scatter.add.f32 @p0 [tilespmem:s3], [sflag:$0xD], $0x80, s1, s15, $0xb8;
	[tilespmem:$0x1E800] =	vst v63  }
0x161: {  	s1 =	simm.s32 @!p0 $0xB  }
0x162: {  	_ =	swait.ge @!p0 [sflag:s1], $0x1000  }
0x163: {  	[sflag:s1] =	ssyncset.done @!p0 $0x0  }
0x164: {  	s3 =	sadd.s32 @!p0 $0x500, s5;
	[sflag:s1] =	ssyncadd.s32 @!p0 $0xFFFFF000;
	s1 =	simm.s32 @!p0 $0x5  }
0x165: {  	[tilespmem:s10], [sflag:$0x3] =	stream.indirect.gather @!p0 [hbm4b:s4+s7], $0x80, s3, s7, $0xb8;
	[tilespmem:$0x1E800] =	vst v63  }
0x166: {  	_ =	swait.ge @!p0 [sflag:s1], $0x1000  }
0x167: {  	s8 =	simm.s32 @!p0 $0x6800;
	[sflag:s1] =	ssyncset.done @!p0 $0x0  }
0x168: {  	s3 =	sadd.s32 @!p0 $0x1600, s5;
	[sflag:s1] =	ssyncadd.s32 @!p0 $0xFFFFF000;
	s1 =	simm.s32 @!p0 $0xC  }
0x169: {  	[spmem:s2] =	stream.indirect.scatter.add.f32 @!p0 [tilespmem:s8], [sflag:$0xD], $0x80, s3, s7, $0xb8;
	[tilespmem:$0x1E800] =	vst v63  }
0x16a: {  	_ =	swait.ge @!p0 [sflag:s1], $0x1000  }
0x16b: {  	[sflag:s1] =	ssyncset.done @!p0 $0x0  }
0x16c: {  	s3 =	sadd.s32 @!p0 $0x580, s5;
	[sflag:s1] =	ssyncadd.s32 @!p0 $0xFFFFF000;
	s1 =	simm.s32 @!p0 $0x5800  }
0x16d: {  	[tilespmem:s1], [sflag:$0x4] =	stream.indirect.gather @!p0 [hbm4b:s4+s7], $0x80, s3, s7, $0xb8;
	[tilespmem:$0x1E800] =	vst v63  }
0x16e: {  	_ =	swait.ge [sflag:s25], $0x1000  }
0x16f: {  	[sflag:s25] =	ssyncset.done $0x0  }
0x170: {  	s11 =	sadd.s32 $0x1680, s29;
	s3 =	simm.s32 @p0 $0x7;
	[sflag:s25] =	ssyncadd.s32 $0xFFFFF000  }
0x171: {  	[spmem:s2] =	stream.indirect.scatter.add.f32 [tilespmem:s17], [sflag:$0xE], $0x80, s11, s0, $0xb8;
	[tilespmem:$0x1E800] =	vst v63  }
0x172: {  	_ =	swait.ge @p0 [sflag:s3], $0x1000  }
0x173: {  	[sflag:s3] =	ssyncset.done @p0 $0x0  }
0x174: {  	s1 =	simm.s32 @p0 $0x2700;
	[sflag:s3] =	ssyncadd.s32 @p0 $0xFFFFF000;
	s3 =	simm.s32 @p0 $0x8800  }
0x175: {  	[spmem:s2] =	stream.indirect.scatter.add.f32 @p0 [tilespmem:s3], [sflag:$0xF], $0x80, s1, s15, $0xb8;
	[tilespmem:$0x1E800] =	vst v63  }
0x176: {  	s1 =	simm.s32 @!p0 $0xD  }
0x177: {  	_ =	swait.ge @!p0 [sflag:s1], $0x1000  }
0x178: {  	[sflag:s1] =	ssyncset.done @!p0 $0x0  }
0x179: {  	[sflag:s1] =	ssyncadd.s32 @!p0 $0xFFFFF000;
	s1 =	sadd.s32 @!p0 $0x600, s5  }
0x17a: {  	[tilespmem:s8], [sflag:$0x5] =	stream.indirect.gather @!p0 [hbm4b:s4+s7], $0x80, s1, s7, $0xb8;
	[tilespmem:$0x1E800] =	vst v63  }
0x17b: {  	s1 =	simm.s32 @!p0 $0x7  }
0x17c: {  	_ =	swait.ge @!p0 [sflag:s1], $0x1000  }
0x17d: {  	[sflag:s1] =	ssyncset.done @!p0 $0x0  }
0x17e: {  	s3 =	sadd.s32 @!p0 $0x1700, s5;
	[sflag:s1] =	ssyncadd.s32 @!p0 $0xFFFFF000;
	s1 =	simm.s32 @!p0 $0x8800  }
0x17f: {  	[spmem:s2] =	stream.indirect.scatter.add.f32 @!p0 [tilespmem:s1], [sflag:$0xF], $0x80, s3, s7, $0xb8;
	[tilespmem:$0x1E800] =	vst v63  }
0x180: {  	s1 =	simm.s32 @!p0 $0xE  }
0x181: {  	_ =	swait.ge @!p0 [sflag:s1], $0x1000  }
0x182: {  	[sflag:s1] =	ssyncset.done @!p0 $0x0  }
0x183: {  	s3 =	sadd.s32 @!p0 $0x680, s5;
	[sflag:s1] =	ssyncadd.s32 @!p0 $0xFFFFF000;
	s1 =	simm.s32 @!p0 $0x7800  }
0x184: {  	[tilespmem:s1], [sflag:$0x6] =	stream.indirect.gather @!p0 [hbm4b:s4+s7], $0x80, s3, s7, $0xb8;
	[tilespmem:$0x1E800] =	vst v63  }
0x185: {  	_ =	swait.ge [sflag:s26], $0x1000  }
0x186: {  	[sflag:s26] =	ssyncset.done $0x0  }
0x187: {  	s14 =	simm.s32 $0x9;
	s12 =	sadd.s32 $0x1780, s29;
	[sflag:s26] =	ssyncadd.s32 $0xFFFFF000  }
0x188: {  	[spmem:s2] =	stream.indirect.scatter.add.f32 [tilespmem:s21], [sflag:$0x10], $0x80, s12, s0, $0xb8;
	[tilespmem:$0x1E800] =	vst v63  }
0x189: {  	_ =	swait.ge [sflag:s14], $0x1000  }
0x18a: {  	[sflag:s14] =	ssyncset.done $0x0  }
0x18b: {  	s15 =	simm.s32 $0xA;
	[sflag:s14] =	ssyncadd.s32 $0xFFFFF000  }
0x18c: {  	_ =	swait.ge [sflag:s15], $0x1000  }
0x18d: {  	[sflag:s15] =	ssyncset.done $0x0  }
0x18e: {  	s16 =	simm.s32 $0xB;
	[sflag:s15] =	ssyncadd.s32 $0xFFFFF000  }
0x18f: {  	_ =	swait.ge [sflag:s16], $0x1000  }
0x190: {  	[sflag:s16] =	ssyncset.done $0x0  }
0x191: {  	s18 =	simm.s32 $0xC;
	[sflag:s16] =	ssyncadd.s32 $0xFFFFF000  }
0x192: {  	_ =	swait.ge [sflag:s18], $0x1000  }
0x193: {  	[sflag:s18] =	ssyncset.done $0x0  }
0x194: {  	s19 =	simm.s32 $0xD;
	[sflag:s18] =	ssyncadd.s32 $0xFFFFF000  }
0x195: {  	_ =	swait.ge [sflag:s19], $0x1000  }
0x196: {  	[sflag:s19] =	ssyncset.done $0x0  }
0x197: {  	s20 =	simm.s32 $0xE;
	[sflag:s19] =	ssyncadd.s32 $0xFFFFF000  }
0x198: {  	_ =	swait.ge [sflag:s20], $0x1000  }
0x199: {  	[sflag:s20] =	ssyncset.done $0x0  }
0x19a: {  	s28 =	simm.s32 $0xF;
	[sflag:s20] =	ssyncadd.s32 $0xFFFFF000  }
0x19b: {  	_ =	swait.ge [sflag:s28], $0x1000  }
0x19c: {  	[sflag:s28] =	ssyncset.done $0x0  }
0x19d: {  	s29 =	simm.s32 $0x10;
	[sflag:s28] =	ssyncadd.s32 $0xFFFFF000  }
0x19e: {  	_ =	swait.ge [sflag:s29], $0x1000  }
0x19f: {  	s31 =	rddreg [dreg:$0x1c]  }
0x1a0: {  	s3 =	sadd.s32 $0x1, s31  }
0x1a1: {  	p0 =	sne.s32 s3, $0x8  }
.Ltmp2:
0x1a2: {  	_ = 	snop;
	(pc) =	sbr.rel @p0 .LBB2_4-.Ltmp2, $3  }
0x1a3: {  	_ =	sdelay $0x1  }
0x1a4: {  	[sflag:s29] =	ssyncset.done $0x0  }
0x1a5: {  	[sflag:s29] =	ssyncadd.s32 $0xFFFFF000  }
0x1a6: {  	s1 =	stileid.u32;
	[bflag:$0x0] =	sbarrier.arrive $0xFFFF  }
0x1a7: {  	s29 =	simm.s32 $0x11;
	s1 =	sshll.u32 s1, $0x6;
	s6 =	rddreg [dreg:$0x4]  }
0x1a8: {  	s5 =	rddreg [dreg:$0x17];
	s1 =	sor.u32 $0x1C11, s1;
	s3 =	sshrl.u32 s6, $0x3  }
0x1a9: {  	[hbm:s5], [sflag:s1] =	dma.local [spmem:s3], $0x2800  }
0x1aa: {  	_ =	swait.ge [sflag:s29], $0x2800  }
0x1ab: {  	s10 =	rddreg [dreg:$0x3]  }
0x1ac: {  	s31 =	rddreg [dreg:$0x7];
	s10 =	sadd.s32 $0x1, s10  }
0x1ad: {  	p0 =	sne.s32 s10, s31  }
.Ltmp3:
0x1ae: {  	_ = 	snop;
	(pc) =	sbr.rel @p0 .LBB2_1-.Ltmp3, $3  }
0x1af: {  	_ =	sdelay $0x1  }
0x1b0: {  	[sflag:s29] =	ssyncset.done $0x0  }
0x1b1: {  	[sflag:s29] =	ssyncadd.s32 $0xFFFFD800  }
0x1b2: {  	_ =	sfence.sel $0x180000  }
0x1b3: {  	[bflag:$0x0] =	sbarrier.arrive $0xFFFF  }
0x1b4: {  	_ =	strace $0x9000004A  }
0x1b5: {  	s0 =	stileid.u32;
	[bflag:$0x2] =	sbarrier.arrive $0xFFFF  }
0x1b6: {  	p0 =	sne.s32 s0, $0x0;
	s0 =	rddreg [dreg:$0x2]  }
0x1b7: {  	s0 =	sadd.s32 @!p0 $0x100000, s0  }
0x1b8: {  	[sflag:s0] =	ssyncadd.tile.s32 @!p0 $0x1;
	_ =	shalt  }
.Lfunc_end2:
_tile_overlayer_lowered:
.L_overlay_start_2:
0x1b9: {  	(tag) =	ssettag $0x2  }
0x1ba: {  	s0 =	rddreg [dreg:$0x0];
	s2 =	stileid.u32  }
0x1bb: {  	s1 =	rddreg [dreg:$0x1];
	p0 =	sne.s32 s2, $0x0  }
0x1bc: {  	s3 =	rddreg [dreg:$0x2];
	[bflag:$0x3] =	sbarrier.arrive $0xFFFF;
	s2 =	simm.s32 @!p0 $0x1C11  }
0x1bd: {  	[timem:s3], [sflag:s2] =	dma.local @!p0 [hbm:s0], s1  }
0x1be: {  	s0 =	simm.s32 @!p0 $0x11  }
0x1bf: {  	_ =	swait.ge @!p0 [sflag:s0], s1  }
0x1c0: {  	s1 =	ssub.s32 @!p0 $0x0, s1;
	[sflag:s0] =	ssyncset.done @!p0 $0x0  }
0x1c1: {  	[sflag:s0] =	ssyncadd.s32 @!p0 s1  }
0x1c2: {  	[bflag:$0x3] =	sbarrier.arrive $0xFFFF  }
0x1c3: {  	_ =	shalt  }

// kernel: kernel.15.cloned.1.call-start
scs
__scs_entry_jumppad:
0x0: {  	(pc) =	sbr.rel $0x88, $3  }
0x1: {  	(tag) =	ssettag $0x0;
	lr =	simm.s32 $0x1  }
0x2: {  	[smem:$0x3F9B] =	sst lr;
	_ =	strace $0xD0000000  }
0x3: {  	_ = 	snop  }
0x4: {  	_ = 	snop  }
0x5: {  	_ = 	snop  }
0x6: {  	_ = 	snop  }
0x7: {  	_ = 	snop  }
__scs_overlays_trampoline_lowered:
0x8: {  	[smem:$0x3FAA] =	sst s0  }
0x9: {  	[smem:$0x3FAB] =	sst s1  }
0xa: {  	[smem:$0x3FAC] =	sst s2  }
0xb: {  	[smem:$0x3FAD] =	sst s3  }
0xc: {  	[smem:$0x3FAE] =	sst s4  }
0xd: {  	[smem:$0x3FAF] =	sst s5  }
0xe: {  	[smem:$0x3FB0] =	sst s6  }
0xf: {  	[smem:$0x3FB1] =	sst s7  }
0x10: {  	[smem:$0x3FB2] =	sst s8  }
0x11: {  	[smem:$0x3FB3] =	sst s9;
	s0 =	simm.s32 @!p0 $0x0  }
0x12: {  	s1 =	sld [smem:$0x3F99];
	s0 =	simm.s32 @p0 $0x1  }
0x13: {  	[smem:$0x3FB4] =	sst s0;
	s0 =	simm.s32 @!p1 $0x0  }
0x14: {  	s2 =	sld [smem:$0x3F98];
	s0 =	simm.s32 @p1 $0x1  }
0x15: {  	[smem:$0x3FB5] =	sst s0;
	s0 =	simm.s32 @!p2 $0x0  }
0x16: {  	s3 =	sld [smem:$0x3FDB];
	s0 =	simm.s32 @p2 $0x1  }
0x17: {  	s4 =	simm.s32 $0x1BF5;
	[smem:$0x3FB7] =	sst s0  }
0x18: {  	s0 =	sld [smem:$0x3F9A];
	_ =	swait.ge [sflag:s4], $0x0  }
0x19: {  	s7 =	sld [smem:$0x3F9B]  }
0x1a: {  	s8 =	sadd.s32 $0xFFFFE003, lr  }
0x1b: {  	s9 =	sadd.s32 $0xFFFFFEF7, lr;
	s5 =	simm.s32 $0xFFFFFFFF;
	p2 =	slt.u32 s8, $0xFFFFF086  }
0x1c: {  	p1 =	slt.u32 s9, $0xF7A;
	s5 =	simm.s32 @!p2 $0x0  }
0x1d: {  	s5 =	simm.s32 @p1 $0x1;
	p0 =	seq.s32 s7, s2  }
0x1e: {  	s7 =	smul.u32 @!p0 $0xF7A, s2;
	p2 =	seq.s32 @!p0 s5, $0x0  }
0x1f: {  	s9 =	smul.u32 $0xF7A, s1;
	s8 =	simm.s32 @!p0 $0x1BF5;
	p2 =	por !p2, p0  }
0x20: {  	[sflag:s8] =	ssyncset.s32 @!p0 $0xFFFFF086;
	s6 =	sadd.s32 @!p0 s3, s7;
	s7 =	simm.s32 @!p0 $0x108  }
0x21: {  	s3 =	sadd.s32 s3, s9;
	s6 =	sadd.s32 @!p0 $0x88, s6;
	s7 =	simm.s32 @p2 $0x1082  }
0x22: {  	[simem:s7], [sflag:s8] =	dma.local @!p0 [hbm:s6], $0xF7A  }
0x23: {  	s9 =	sor.u32 $0xD0000000, s2;
	s6 =	simm.s32 $0x108;
	_ =	swait.ge @!p0 [sflag:s8], $0x0  }
0x24: {  	s3 =	sadd.s32 $0x88, s3;
	s6 =	simm.s32 @!p1 $0x1082;
	[sflag:s4] =	ssyncset.s32 $0xFFFFF086  }
0x25: {  	[simem:s6], [sflag:s4] =	dma.local [hbm:s3], $0xF7A  }
0x26: {  	[smem:$0x3F9B] =	sst s1;
	(tag) =	ssettag s2;
	_ =	strace s9  }
0x27: {  	s1 =	sld [smem:$0x3FAB]  }
0x28: {  	s2 =	sld [smem:$0x3FAC]  }
0x29: {  	s4 =	sld [smem:$0x3FAE]  }
0x2a: {  	p0 =	seq.s32 s5, $0x0;
	s5 =	sld [smem:$0x3FAF]  }
0x2b: {  	s6 =	sld [smem:$0x3FB0]  }
0x2c: {  	s7 =	sld [smem:$0x3FB1]  }
0x2d: {  	s3 =	simm.s32 $0x108;
	s8 =	sld [smem:$0x3FB2]  }
0x2e: {  	s3 =	simm.s32 @!p0 $0x1082;
	s9 =	sld [smem:$0x3FB3]  }
0x2f: {  	lr =	sadd.s32 s0, s3;
	s0 =	sld [smem:$0x3FAA]  }
0x30: {  	s3 =	sld [smem:$0x3FAD]  }
0x31: {  	[smem:$0x3FB6] =	sst s10  }
0x32: {  	s10 =	sld [smem:$0x3FB4];
	_ =	sdelay $0x3  }
0x33: {  	p0 =	seq.s32 s10, $0x1;
	s10 =	sld [smem:$0x3FB6];
	_ =	sdelay $0x3  }
0x34: {  	[smem:$0x3FB6] =	sst s10  }
0x35: {  	s10 =	sld [smem:$0x3FB5];
	_ =	sdelay $0x3  }
0x36: {  	p1 =	seq.s32 s10, $0x1;
	s10 =	sld [smem:$0x3FB6];
	_ =	sdelay $0x3  }
0x37: {  	[smem:$0x3FB6] =	sst s10  }
0x38: {  	s10 =	sld [smem:$0x3FB7]  }
0x39: {  	_ = 	snop;
	(pc) =	sbr.ind lr, $3  }
0x3a: {  	_ = 	snop  }
0x3b: {  	_ = 	snop  }
0x3c: {  	p2 =	seq.s32 s10, $0x1;
	s10 =	sld [smem:$0x3FB6]  }
0x3d: {  	_ =	shalt  }
0x3e: {  	_ =	shalt  }
0x3f: {  	_ =	shalt  }
0x40: {  	_ =	shalt  }
0x41: {  	_ =	shalt  }
0x42: {  	_ =	shalt  }
0x43: {  	_ =	shalt  }
0x44: {  	_ =	shalt  }
0x45: {  	_ =	shalt  }
0x46: {  	_ =	shalt  }
0x47: {  	_ =	shalt  }
0x48: {  	_ =	shalt  }
0x49: {  	_ =	shalt  }
0x4a: {  	_ =	shalt  }
0x4b: {  	_ =	shalt  }
0x4c: {  	_ =	shalt  }
0x4d: {  	_ =	shalt  }
0x4e: {  	_ =	shalt  }
0x4f: {  	_ =	shalt  }
0x50: {  	_ =	shalt  }
0x51: {  	_ =	shalt  }
0x52: {  	_ =	shalt  }
0x53: {  	_ =	shalt  }
0x54: {  	_ =	shalt  }
0x55: {  	_ =	shalt  }
0x56: {  	_ =	shalt  }
0x57: {  	_ =	shalt  }
0x58: {  	_ =	shalt  }
0x59: {  	_ =	shalt  }
0x5a: {  	_ =	shalt  }
0x5b: {  	_ =	shalt  }
0x5c: {  	_ =	shalt  }
0x5d: {  	_ =	shalt  }
0x5e: {  	_ =	shalt  }
0x5f: {  	_ =	shalt  }
0x60: {  	_ =	shalt  }
0x61: {  	_ =	shalt  }
0x62: {  	_ =	shalt  }
0x63: {  	_ =	shalt  }
0x64: {  	_ =	shalt  }
0x65: {  	_ =	shalt  }
0x66: {  	_ =	shalt  }
0x67: {  	_ =	shalt  }
0x68: {  	_ =	shalt  }
0x69: {  	_ =	shalt  }
0x6a: {  	_ =	shalt  }
0x6b: {  	_ =	shalt  }
0x6c: {  	_ =	shalt  }
0x6d: {  	_ =	shalt  }
0x6e: {  	_ =	shalt  }
0x6f: {  	_ =	shalt  }
0x70: {  	_ =	shalt  }
0x71: {  	_ =	shalt  }
0x72: {  	_ =	shalt  }
0x73: {  	_ =	shalt  }
0x74: {  	_ =	shalt  }
0x75: {  	_ =	shalt  }
0x76: {  	_ =	shalt  }
0x77: {  	_ =	shalt  }
0x78: {  	_ =	shalt  }
0x79: {  	_ =	shalt  }
0x7a: {  	_ =	shalt  }
0x7b: {  	_ =	shalt  }
0x7c: {  	_ =	shalt  }
0x7d: {  	_ =	shalt  }
0x7e: {  	_ =	shalt  }
0x7f: {  	_ =	shalt  }
0x80: {  	_ =	shalt  }
0x81: {  	_ =	shalt  }
0x82: {  	_ =	shalt  }
0x83: {  	_ =	shalt  }
0x84: {  	_ =	shalt  }
0x85: {  	_ =	shalt  }
0x86: {  	_ =	shalt  }
0x87: {  	_ =	shalt  }
.Lfunc_end0:
.L_simem_size_0:
called_computation.2_lowered:
.L_overlay_start_0:
0x88: {  	s2 =	sld [smem:$0x3FD9]  }
0x89: {  	s3 =	sld [smem:$0x3FFE];
	_ =	sdelay $0x1  }
0x8a: {  	s1 =	srdreg.scid  }
0x8b: {  	s0 =	sand.u32 $0x1, s1  }
0x8c: {  	s16 =	sshll.u32 s0, $0xA;
	s2 =	sadd.s32 s3, s2  }
0x8d: {  	s2 =	sadd.s32 s2, s16  }
0x8e: {  	[smem:$0x3FC2] =	sst s2  }
0x8f: {  	_ = 	snop  }
0x90: {  	(tm) =	ssettm $0x1  }
0x91: {  	s17 =	sld [smem:$0x3FFB];
	_ =	sdelay $0x3  }
0x92: {  	_ =	strace s17  }
0x93: {  	s2 =	sld [smem:$0x3FFC];
	_ =	sdelay $0x3  }
0x94: {  	_ =	strace s2  }
0x95: {  	s2 =	sld [smem:$0x3FFD];
	_ =	sdelay $0x3  }
0x96: {  	_ =	strace s2  }
0x97: {  	_ =	strace $0x8FFFFFFF  }
0x98: {  	s18 =	sld [smem:$0x3FDB];
	_ =	sdelay $0x1  }
0x99: {  	s19 =	simm.s32 $_scs_section_size  }
0x9a: {  	s4 =	simm.s32 $_size__tile_overlayer_lowered;
	s5 =	simm.s32 $_tile_overlayer_lowered  }
0x9b: {  	s22 =	simm.s32 $0x1BFF;
	s21 =	sshll.u32 s5, $0x1;
	s2 =	sadd.s32 s19, s18  }
0x9c: {  	s6 =	simm.s32 $0x0;
	s20 =	sshll.u32 s4, $0x1;
	s4 =	sadd.s32 s21, s2  }
0x9d: {  	[timem:s6], [sflag:s22] =	dma.local [hbm:s4], s20  }
0x9e: {  	_ =	swait.ge [sflag:s22], s20  }
0x9f: {  	s3 =	ssub.s32 $0x0, s20;
	[sflag:s22] =	ssyncset.done $0x0  }
0xa0: {  	[sflag:s22] =	ssyncadd.s32 s3;
	_ =	sdelay $0x1  }
0xa1: {  	s23 =	simm.s32 $0x1B8B  }
0xa2: {  	_ =	swait.ge [sflag:s23], $0x1  }
0xa3: {  	[sflag:s23] =	ssyncset.done $0x0  }
0xa4: {  	s25 =	simm.s32 $0x1B8E;
	s24 =	sld [smem:$0x3FFE];
	[sflag:s23] =	ssyncadd.s32 $0xFFFFFFFF  }
0xa5: {  	s26 =	simm.s32 $execute0_lowered;
	[smem:$0x3FD2] =	sst s25  }
0xa6: {  	s4 =	sshll.u32 s26, $0x1;
	_ =	strace $0x8000004C;
	[dreg:$0x1] =	wrdreg $0xFFFFFFFF  }
0xa7: {  	s28 =	simm.s32 $_size_execute0_lowered;
	s2 =	sadd.s32 s2, s4;
	[dreg:$0x0] =	wrdreg $0x0  }
0xa8: {  	s4 =	sshll.u32 s28, $0x1;
	[dreg:$0x2] =	wrdreg s2  }
0xa9: {  	[dreg:$0x3] =	wrdreg s4  }
0xaa: {  	[dreg:$0x4] =	wrdreg $0xC0  }
0xab: {  	_ =	task [dreg:s6], $0x5FFFF  }
0xac: {  	[dreg:$0x1] =	wrdreg $0xFFFFFFFF  }
0xad: {  	[dreg:$0x0] =	wrdreg $0x60  }
0xae: {  	[dreg:$0x2] =	wrdreg s24  }
0xaf: {  	[dreg:$0x3] =	wrdreg $0xA8000  }
0xb0: {  	[dreg:$0x4] =	wrdreg $0x9  }
0xb1: {  	_ =	task.clear_ibuf [dreg:s6], $0x5FFFF;
	_ =	strace $0x9000004C  }
0xb2: {  	s29 =	simm.s32 $0x9;
	_ =	strace $0x8000004E  }
0xb3: {  	_ =	swait.ge [sflag:s29], $0x1  }
0xb4: {  	[sflag:s29] =	ssyncadd.s32 $0xFFFFFFFF  }
0xb5: {  	_ =	strace $0x9000004E  }
0xb6: {  	_ =	sfence  }
0xb7: {  	s30 =	sld [smem:$0x0];
	_ =	sdelay $0x2  }
0xb8: {  	s31 =	sshll.u32 s1, $0xD;
	s1 =	sshrl.u32 s1, $0x2  }
0xb9: {  	s3 =	sand.u32 $0x4000, s31;
	s1 =	sadd.s32 s1, s30  }
0xba: {  	s0 =	sor.u32 s3, s0;
	s1 =	sshll.u32 s1, $0x11  }
0xbb: {  	s0 =	sor.u32 s1, s0  }
0xbc: {  	s0 =	sadd.s32 $0x8F2B, s0  }
0xbd: {  	[sflag:s0] =	ssyncadd.remote.s32 $0x1  }
0xbe: {  	_ =	sfence.sel $0xFFFF  }
0xbf: {  	[dreg:$0x0] =	wrdreg $0xFFFFFFFF;
	(pc) =	sbr.abs _section_cstart, $3  }
0xc0: {  	[dreg:$0x1] =	wrdreg $0xFFFFFFFF  }
0xc1: {  	_ =	task.clear_ibuf [dreg:s6], $0x2FFFF;
	_ =	strace $0x9FFFFFFF  }
0xc2: {  	(tm) =	ssettm $0x7FFFFFFF  }
0xc3: {  	_ =	shalt  }
tec
execute0_lowered:
.L_overlay_start_1:
0x0: {  	(tag) =	ssettag $0x1  }
0x1: {  	s0 =	srdreg.scid;
	s1 =	rddreg [dreg:$0x0]  }
0x2: {  	s8 =	stileid.u32;
	s2 =	rddreg [dreg:$0x1]  }
0x3: {  	s0 =	sand.u32 $0x1, s0;
	s3 =	sshll.u32 s8, $0x1;
	s6 =	smul.u32 $0x50000, s8  }
0x4: {  	s3 =	sor.u32 s0, s3;
	s5 =	smul.u32 $0x28000, s0;
	s0 =	ssub.s32 $0x2, s0  }
0x5: {  	s10 =	simm.s32 $0x0;
	s7 =	sshrl.u32 s0, $0x1;
	s6 =	sshrl.u32 s6, $0x2  }
0x6: {  	[smem:$0x7FF] =	sst s10;
	s0 =	ssub.s32 s0, s7;
	s6 =	sadd.s32 s6, s2  }
0x7: {  	_ =	strace $0x8000004D;
	s0 =	smax.u32 s0, $0x1;
	[dreg:$0x4] =	wrdreg s6  }
0x8: {  	s9 =	sadd.s32 $0x1000, s6;
	[dreg:$0x7] =	wrdreg s0  }
0x9: {  	s11 =	sadd.s32 $0x2000, s6;
	[dreg:$0x8] =	wrdreg s9  }
0xa: {  	s12 =	sadd.s32 $0x3000, s6;
	[dreg:$0x9] =	wrdreg s11  }
0xb: {  	s13 =	sadd.s32 $0x4000, s6;
	[dreg:$0xa] =	wrdreg s12  }
0xc: {  	s14 =	sadd.s32 $0x5000, s6;
	[dreg:$0xb] =	wrdreg s13  }
0xd: {  	s15 =	sadd.s32 $0x6000, s6;
	[dreg:$0xc] =	wrdreg s14  }
0xe: {  	s16 =	sadd.s32 $0x7000, s6;
	[dreg:$0xd] =	wrdreg s15  }
0xf: {  	s17 =	sadd.s32 $0x8000, s6;
	[dreg:$0xe] =	wrdreg s16  }
0x10: {  	s18 =	sadd.s32 $0x9000, s6;
	[dreg:$0xf] =	wrdreg s17  }
0x11: {  	s19 =	sadd.s32 $0xA000, s6;
	[dreg:$0x10] =	wrdreg s18  }
0x12: {  	s30 =	simm.s32 $0x2800;
	s20 =	sadd.s32 $0xB000, s6;
	[dreg:$0x11] =	wrdreg s19  }
0x13: {  	s4 =	sadd.s32 $0x2000, s1;
	s21 =	sadd.s32 $0xC000, s6;
	[dreg:$0x12] =	wrdreg s20  }
0x14: {  	s3 =	smul.u32 $0x1400, s3;
	s22 =	sadd.s32 $0xD000, s6;
	[dreg:$0x13] =	wrdreg s21  }
0x15: {  	s8 =	smul.u32 $0x2800, s8;
	s23 =	sadd.s32 $0xE000, s6;
	[dreg:$0x14] =	wrdreg s22  }
0x16: {  	s3 =	sadd.s32 s3, s1;
	s24 =	sadd.s32 $0xF000, s6;
	[dreg:$0x15] =	wrdreg s23  }
0x17: {  	s1 =	sadd.s32 s5, s1;
	s26 =	sadd.s32 $0x10000, s6;
	[dreg:$0x16] =	wrdreg s24  }
0x18: {  	s28 =	sadd.s32 $0x11000, s6;
	s29 =	sadd.s32 $0x12000, s6;
	[dreg:$0x18] =	wrdreg s26  }
0x19: {  	s31 =	sadd.s32 $0x13000, s6;
	s7 =	sadd.s32 $0x7A000, s3;
	[dreg:$0x19] =	wrdreg s28  }
0x1a: {  	s3 =	sadd.s32 $0x52000, s3;
	s1 =	sadd.s32 $0xA2000, s1;
	[dreg:$0x1a] =	wrdreg s29  }
0x1b: {  	[dreg:$0x1b] =	wrdreg s31;
	s0 =	simm.s32 $0x20;
	s9 =	simm.s32 $0x3800  }
0x1c: {  	s13 =	simm.s32 $0x5800;
	s17 =	simm.s32 $0x7800;
	s21 =	simm.s32 $0x9800  }
0x1d: {  	s22 =	simm.s32 $0x1;
	s23 =	simm.s32 $0x2;
	[dreg:$0x5] =	wrdreg s7  }
0x1e: {  	s24 =	simm.s32 $0x4;
	[dreg:$0x6] =	wrdreg s3;
	s25 =	sadd.s32 s8, s1  }
0x1f: {  	v0 =	vimm.f32 $0.0e+00;
	s26 =	simm.s32 $0x8;
	[dreg:$0x17] =	wrdreg s25;
	s25 =	simm.s32 $0x6  }
.LBB2_1:
0x20: {  	[dreg:$0x3] =	wrdreg s10;
	s3 =	simm.s32 $0x0;
	s5 =	simm.s32 $0x200  }
.LBB2_2:
0x21: {  	p0 =	sne.s32 s5, $0x3E00;
	[tilespmem:s3+$0x2870] =	vst v0  }
0x22: {  	[tilespmem:s3+$0x2800] =	vst v0  }
0x23: {  	[tilespmem:s3+$0x2810] =	vst v0  }
.Ltmp0:
0x24: {  	[tilespmem:s3+$0x2820] =	vst v0;
	(pc) =	sbr.rel @p0 .LBB2_2-.Ltmp0, $4  }
0x25: {  	[tilespmem:s3+$0x2830] =	vst v0  }
0x26: {  	[tilespmem:s3+$0x2840] =	vst v0  }
0x27: {  	[tilespmem:s3+$0x2850] =	vst v0  }
0x28: {  	[tilespmem:s3+$0x2860] =	vst v0;
	s3 =	sshra.s32 s5, $0x2;
	s5 =	sadd.s32 $0x200, s5  }
0x29: {  	[tilespmem:s3+$0x2870] =	vst v0  }
0x2a: {  	[tilespmem:s3+$0x2800] =	vst v0  }
0x2b: {  	[tilespmem:s3+$0x2810] =	vst v0  }
0x2c: {  	[tilespmem:s3+$0x2820] =	vst v0  }
0x2d: {  	[tilespmem:s3+$0x2830] =	vst v0  }
0x2e: {  	[tilespmem:s3+$0x2840] =	vst v0  }
0x2f: {  	[tilespmem:s3+$0x2850] =	vst v0  }
0x30: {  	[tilespmem:s3+$0x2860] =	vst v0;
	s3 =	simm.s32 $0x11  }
0x31: {  	[spmem:s6] =	stream.linear.scatter [tilespmem:s30], [sflag:$0x11], $0x1000, $0x38;
	[tilespmem:$0x1E800] =	vst v63  }
0x32: {  	_ =	swait.ge [sflag:s3], $0x1000  }
0x33: {  	[sflag:s3] =	ssyncset.done $0x0  }
0x34: {  	s1 =	rddreg [dreg:$0x8];
	[sflag:s3] =	ssyncadd.s32 $0xFFFFF000  }
0x35: {  	[spmem:s1] =	stream.linear.scatter [tilespmem:s30], [sflag:$0x11], $0x1000, $0x38;
	[tilespmem:$0x1E800] =	vst v63  }
0x36: {  	_ =	swait.ge [sflag:s3], $0x1000  }
0x37: {  	[sflag:s3] =	ssyncset.done $0x0  }
0x38: {  	s29 =	rddreg [dreg:$0x9];
	[sflag:s3] =	ssyncadd.s32 $0xFFFFF000  }
0x39: {  	[spmem:s29] =	stream.linear.scatter [tilespmem:s30], [sflag:$0x11], $0x1000, $0x38;
	[tilespmem:$0x1E800] =	vst v63  }
0x3a: {  	_ =	swait.ge [sflag:s3], $0x1000  }
0x3b: {  	[sflag:s3] =	ssyncset.done $0x0  }
0x3c: {  	s31 =	rddreg [dreg:$0xa];
	[sflag:s3] =	ssyncadd.s32 $0xFFFFF000  }
0x3d: {  	[spmem:s31] =	stream.linear.scatter [tilespmem:s30], [sflag:$0x11], $0x1000, $0x38;
	[tilespmem:$0x1E800] =	vst v63  }
0x3e: {  	_ =	swait.ge [sflag:s3], $0x1000  }
0x3f: {  	[sflag:s3] =	ssyncset.done $0x0  }
0x40: {  	s5 =	rddreg [dreg:$0xb];
	[sflag:s3] =	ssyncadd.s32 $0xFFFFF000  }
0x41: {  	[spmem:s5] =	stream.linear.scatter [tilespmem:s30], [sflag:$0x11], $0x1000, $0x38;
	[tilespmem:$0x1E800] =	vst v63  }
0x42: {  	_ =	swait.ge [sflag:s3], $0x1000  }
0x43: {  	[sflag:s3] =	ssyncset.done $0x0  }
0x44: {  	s6 =	rddreg [dreg:$0xc];
	[sflag:s3] =	ssyncadd.s32 $0xFFFFF000  }
0x45: {  	[spmem:s6] =	stream.linear.scatter [tilespmem:s30], [sflag:$0x11], $0x1000, $0x38;
	[tilespmem:$0x1E800] =	vst v63  }
0x46: {  	_ =	swait.ge [sflag:s3], $0x1000  }
0x47: {  	[sflag:s3] =	ssyncset.done $0x0  }
0x48: {  	s7 =	rddreg [dreg:$0xd];
	[sflag:s3] =	ssyncadd.s32 $0xFFFFF000  }
0x49: {  	[spmem:s7] =	stream.linear.scatter [tilespmem:s30], [sflag:$0x11], $0x1000, $0x38;
	[tilespmem:$0x1E800] =	vst v63  }
0x4a: {  	_ =	swait.ge [sflag:s3], $0x1000  }
0x4b: {  	[sflag:s3] =	ssyncset.done $0x0  }
0x4c: {  	s8 =	rddreg [dreg:$0xe];
	[sflag:s3] =	ssyncadd.s32 $0xFFFFF000  }
0x4d: {  	[spmem:s8] =	stream.linear.scatter [tilespmem:s30], [sflag:$0x11], $0x1000, $0x38;
	[tilespmem:$0x1E800] =	vst v63  }
0x4e: {  	_ =	swait.ge [sflag:s3], $0x1000  }
0x4f: {  	[sflag:s3] =	ssyncset.done $0x0  }
0x50: {  	s10 =	rddreg [dreg:$0xf];
	[sflag:s3] =	ssyncadd.s32 $0xFFFFF000  }
0x51: {  	[spmem:s10] =	stream.linear.scatter [tilespmem:s30], [sflag:$0x11], $0x1000, $0x38;
	[tilespmem:$0x1E800] =	vst v63  }
0x52: {  	_ =	swait.ge [sflag:s3], $0x1000  }
0x53: {  	[sflag:s3] =	ssyncset.done $0x0  }
0x54: {  	s11 =	rddreg [dreg:$0x10];
	[sflag:s3] =	ssyncadd.s32 $0xFFFFF000  }
0x55: {  	[spmem:s11] =	stream.linear.scatter [tilespmem:s30], [sflag:$0x11], $0x1000, $0x38;
	[tilespmem:$0x1E800] =	vst v63  }
0x56: {  	_ =	swait.ge [sflag:s3], $0x1000  }
0x57: {  	[sflag:s3] =	ssyncset.done $0x0  }
0x58: {  	s12 =	rddreg [dreg:$0x11];
	[sflag:s3] =	ssyncadd.s32 $0xFFFFF000  }
0x59: {  	[spmem:s12] =	stream.linear.scatter [tilespmem:s30], [sflag:$0x11], $0x1000, $0x38;
	[tilespmem:$0x1E800] =	vst v63  }
0x5a: {  	_ =	swait.ge [sflag:s3], $0x1000  }
0x5b: {  	[sflag:s3] =	ssyncset.done $0x0  }
0x5c: {  	s14 =	rddreg [dreg:$0x12];
	[sflag:s3] =	ssyncadd.s32 $0xFFFFF000  }
0x5d: {  	[spmem:s14] =	stream.linear.scatter [tilespmem:s30], [sflag:$0x11], $0x1000, $0x38;
	[tilespmem:$0x1E800] =	vst v63  }
0x5e: {  	_ =	swait.ge [sflag:s3], $0x1000  }
0x5f: {  	[sflag:s3] =	ssyncset.done $0x0  }
0x60: {  	s15 =	rddreg [dreg:$0x13];
	[sflag:s3] =	ssyncadd.s32 $0xFFFFF000  }
0x61: {  	[spmem:s15] =	stream.linear.scatter [tilespmem:s30], [sflag:$0x11], $0x1000, $0x38;
	[tilespmem:$0x1E800] =	vst v63  }
0x62: {  	_ =	swait.ge [sflag:s3], $0x1000  }
0x63: {  	[sflag:s3] =	ssyncset.done $0x0  }
0x64: {  	s16 =	rddreg [dreg:$0x14];
	[sflag:s3] =	ssyncadd.s32 $0xFFFFF000  }
0x65: {  	[spmem:s16] =	stream.linear.scatter [tilespmem:s30], [sflag:$0x11], $0x1000, $0x38;
	[tilespmem:$0x1E800] =	vst v63  }
0x66: {  	_ =	swait.ge [sflag:s3], $0x1000  }
0x67: {  	[sflag:s3] =	ssyncset.done $0x0  }
0x68: {  	s18 =	rddreg [dreg:$0x15];
	[sflag:s3] =	ssyncadd.s32 $0xFFFFF000  }
0x69: {  	[spmem:s18] =	stream.linear.scatter [tilespmem:s30], [sflag:$0x11], $0x1000, $0x38;
	[tilespmem:$0x1E800] =	vst v63  }
0x6a: {  	_ =	swait.ge [sflag:s3], $0x1000  }
0x6b: {  	[sflag:s3] =	ssyncset.done $0x0  }
0x6c: {  	s19 =	rddreg [dreg:$0x16];
	[sflag:s3] =	ssyncadd.s32 $0xFFFFF000  }
0x6d: {  	[spmem:s19] =	stream.linear.scatter [tilespmem:s30], [sflag:$0x11], $0x1000, $0x38;
	[tilespmem:$0x1E800] =	vst v63  }
0x6e: {  	_ =	swait.ge [sflag:s3], $0x1000  }
0x6f: {  	[sflag:s3] =	ssyncset.done $0x0  }
0x70: {  	s20 =	rddreg [dreg:$0x18];
	[sflag:s3] =	ssyncadd.s32 $0xFFFFF000  }
0x71: {  	[spmem:s20] =	stream.linear.scatter [tilespmem:s30], [sflag:$0x11], $0x1000, $0x38;
	[tilespmem:$0x1E800] =	vst v63  }
0x72: {  	_ =	swait.ge [sflag:s3], $0x1000  }
0x73: {  	[sflag:s3] =	ssyncset.done $0x0  }
0x74: {  	s28 =	rddreg [dreg:$0x19];
	[sflag:s3] =	ssyncadd.s32 $0xFFFFF000  }
0x75: {  	[spmem:s28] =	stream.linear.scatter [tilespmem:s30], [sflag:$0x11], $0x1000, $0x38;
	[tilespmem:$0x1E800] =	vst v63  }
0x76: {  	_ =	swait.ge [sflag:s3], $0x1000  }
0x77: {  	[sflag:s3] =	ssyncset.done $0x0  }
0x78: {  	s29 =	rddreg [dreg:$0x1a];
	[sflag:s3] =	ssyncadd.s32 $0xFFFFF000  }
0x79: {  	[spmem:s29] =	stream.linear.scatter [tilespmem:s30], [sflag:$0x11], $0x1000, $0x38;
	[tilespmem:$0x1E800] =	vst v63  }
0x7a: {  	_ =	swait.ge [sflag:s3], $0x1000  }
0x7b: {  	[sflag:s3] =	ssyncset.done $0x0  }
0x7c: {  	s31 =	rddreg [dreg:$0x1b];
	[sflag:s3] =	ssyncadd.s32 $0xFFFFF000  }
0x7d: {  	[spmem:s31] =	stream.linear.scatter [tilespmem:s30], [sflag:$0x11], $0x1000, $0x38;
	[tilespmem:$0x1E800] =	vst v63  }
0x7e: {  	_ =	swait.ge [sflag:s3], $0x1000  }
0x7f: {  	[sflag:s3] =	ssyncset.done $0x0  }
0x80: {  	[sflag:s3] =	ssyncadd.s32 $0xFFFFF000  }
0x81: {  	s3 =	simm.s32 $0x0;
	[bflag:$0x0] =	sbarrier.arrive $0xFFFF  }
.LBB2_4:
0x82: {  	[dreg:$0x1c] =	wrdreg s3;
	s20 =	smul.u32 $0x280, s3  }
0x83: {  	s1 =	rddreg [dreg:$0x5]  }
0x84: {  	s6 =	simm.s32 $0x0;
	s28 =	simm.s32 $0x11;
	s5 =	sadd.s32 s20, s1  }
0x85: {  	[tilespmem:s6], [sflag:$0x11] =	stream.linear.gather [hbm4b:s5+s6], $0x1400, $0x38;
	[tilespmem:$0x1E800] =	vst v63  }
0x86: {  	_ =	swait.ge [sflag:s28], $0x1400  }
0x87: {  	[sflag:s28] =	ssyncset.done $0x0;
	s29 =	rddreg [dreg:$0x6]  }
0x88: {  	s31 =	simm.s32 $0x1400;
	[sflag:s28] =	ssyncadd.s32 $0xFFFFEC00;
	s3 =	sadd.s32 s20, s29  }
0x89: {  	[tilespmem:s31], [sflag:$0x11] =	stream.linear.gather [hbm4b:s3+s6], $0x1400, $0x38;
	[tilespmem:$0x1E800] =	vst v63  }
0x8a: {  	_ =	swait.ge [sflag:s28], $0x1400  }
0x8b: {  	[sflag:s28] =	ssyncset.done $0x0  }
0x8c: {  	[sflag:s28] =	ssyncadd.s32 $0xFFFFEC00  }
0x8d: {  	[tilespmem:s30], [sflag:$0x1] =	stream.indirect.gather [hbm4b:s4+s0], $0x80, s6, s0, $0xb8;
	[tilespmem:$0x1E800] =	vst v63  }
0x8e: {  	s7 =	simm.s32 $0x80  }
0x8f: {  	[tilespmem:s9], [sflag:$0x2] =	stream.indirect.gather [hbm4b:s4+s0], $0x80, s7, s0, $0xb8;
	[tilespmem:$0x1E800] =	vst v63  }
0x90: {  	s8 =	simm.s32 $0x100;
	s10 =	simm.s32 $0x4800  }
0x91: {  	[tilespmem:s10], [sflag:$0x3] =	stream.indirect.gather [hbm4b:s4+s0], $0x80, s8, s0, $0xb8;
	[tilespmem:$0x1E800] =	vst v63  }
0x92: {  	s11 =	simm.s32 $0x180  }
0x93: {  	[tilespmem:s13], [sflag:$0x4] =	stream.indirect.gather [hbm4b:s4+s0], $0x80, s11, s0, $0xb8;
	[tilespmem:$0x1E800] =	vst v63  }
0x94: {  	s12 =	simm.s32 $0x200;
	s14 =	simm.s32 $0x6800  }
0x95: {  	[tilespmem:s14], [sflag:$0x5] =	stream.indirect.gather [hbm4b:s4+s0], $0x80, s12, s0, $0xb8;
	[tilespmem:$0x1E800] =	vst v63  }
0x96: {  	s15 =	simm.s32 $0x280  }
0x97: {  	[tilespmem:s17], [sflag:$0x6] =	stream.indirect.gather [hbm4b:s4+s0], $0x80, s15, s0, $0xb8;
	[tilespmem:$0x1E800] =	vst v63  }
0x98: {  	s16 =	simm.s32 $0x300;
	s18 =	simm.s32 $0x8800;
	p0 =	por $0x1, $0x1  }
0x99: {  	[tilespmem:s18], [sflag:$0x7] =	stream.indirect.gather [hbm4b:s4+s0], $0x80, s16, s0, $0xb8;
	[tilespmem:$0x1E800] =	vst v63  }
0x9a: {  	s19 =	simm.s32 $0x380;
	s3 =	simm.s32 @!p0 $0xF  }
0x9b: {  	[tilespmem:s21], [sflag:$0x8] =	stream.indirect.gather [hbm4b:s4+s0], $0x80, s19, s0, $0xb8;
	[tilespmem:$0x1E800] =	vst v63  }
0x9c: {  	_ =	swait.ge @!p0 [sflag:s3], $0x1000  }
0x9d: {  	s5 =	simm.s32 @!p0 $0x8800;
	[sflag:s3] =	ssyncset.done @!p0 $0x0  }
0x9e: {  	s6 =	simm.s32 @!p0 $0x300;
	s7 =	simm.s32 @!p0 $0x20;
	[sflag:s3] =	ssyncadd.s32 @!p0 $0xFFFFF000  }
0x9f: {  	[tilespmem:s5], [sflag:$0x7] =	stream.indirect.gather @!p0 [hbm4b:s4+s7], $0x80, s6, s7, $0xb8;
	[tilespmem:$0x1E800] =	vst v63  }
0xa0: {  	_ =	swait.ge [sflag:s22], $0x1000  }
0xa1: {  	[sflag:s22] =	ssyncset.done $0x0  }
0xa2: {  	s20 =	simm.s32 $0x1400;
	s5 =	simm.s32 @!p0 $0x10;
	[sflag:s22] =	ssyncadd.s32 $0xFFFFF000  }
0xa3: {  	[spmem:s2] =	stream.indirect.scatter.add.f32 [tilespmem:s30], [sflag:$0x9], $0x80, s20, s0, $0xb8;
	[tilespmem:$0x1E800] =	vst v63  }
0xa4: {  	_ =	swait.ge @!p0 [sflag:s5], $0x1000  }
0xa5: {  	[sflag:s5] =	ssyncset.done @!p0 $0x0  }
0xa6: {  	s3 =	simm.s32 @!p0 $0x380;
	s6 =	simm.s32 @!p0 $0x9800;
	[sflag:s5] =	ssyncadd.s32 @!p0 $0xFFFFF000  }
0xa7: {  	[tilespmem:s6], [sflag:$0x8] =	stream.indirect.gather @!p0 [hbm4b:s4+s7], $0x80, s3, s7, $0xb8;
	[tilespmem:$0x1E800] =	vst v63  }
0xa8: {  	_ =	swait.ge [sflag:s23], $0x1000  }
0xa9: {  	p0 =	por $0x0, $0x0;
	[sflag:s23] =	ssyncset.done $0x0  }
0xaa: {  	s28 =	simm.s32 $0x1480;
	s5 =	simm.s32 @p0 $0x3;
	[sflag:s23] =	ssyncadd.s32 $0xFFFFF000  }
0xab: {  	[spmem:s2] =	stream.indirect.scatter.add.f32 [tilespmem:s9], [sflag:$0xA], $0x80, s28, s0, $0xb8;
	[tilespmem:$0x1E800] =	vst v63  }
0xac: {  	_ =	swait.ge @p0 [sflag:s5], $0x1000  }
0xad: {  	s3 =	simm.s32 @p0 $0x1500;
	s6 =	simm.s32 @p0 $0x20;
	[sflag:s5] =	ssyncset.done @p0 $0x0  }
0xae: {  	s7 =	simm.s32 @p0 $0x4800;
	s15 =	simm.s32 @!p0 $0x9;
	[sflag:s5] =	ssyncadd.s32 @p0 $0xFFFFF000  }
0xaf: {  	[spmem:s2] =	stream.indirect.scatter.add.f32 @p0 [tilespmem:s7], [sflag:$0xB], $0x80, s3, s6, $0xb8;
	[tilespmem:$0x1E800] =	vst v63  }
0xb0: {  	_ =	swait.ge @!p0 [sflag:s15], $0x1000  }
0xb1: {  	s5 =	simm.s32 @!p0 $0x20;
	s3 =	simm.s32 @!p0 $0x400;
	[sflag:s15] =	ssyncset.done @!p0 $0x0  }
0xb2: {  	s7 =	simm.s32 @!p0 $0x2800;
	[sflag:s15] =	ssyncadd.s32 @!p0 $0xFFFFF000;
	s15 =	simm.s32 @!p0 $0x3  }
0xb3: {  	[tilespmem:s7], [sflag:$0x1] =	stream.indirect.gather @!p0 [hbm4b:s4+s5], $0x80, s3, s5, $0xb8;
	[tilespmem:$0x1E800] =	vst v63  }
0xb4: {  	_ =	swait.ge @!p0 [sflag:s15], $0x1000  }
0xb5: {  	s3 =	simm.s32 @!p0 $0x1500;
	[sflag:s15] =	ssyncset.done @!p0 $0x0  }
0xb6: {  	s7 =	simm.s32 @!p0 $0x4800;
	[sflag:s15] =	ssyncadd.s32 @!p0 $0xFFFFF000;
	s15 =	simm.s32 @!p0 $0xA  }
0xb7: {  	[spmem:s2] =	stream.indirect.scatter.add.f32 @!p0 [tilespmem:s7], [sflag:$0xB], $0x80, s3, s5, $0xb8;
	[tilespmem:$0x1E800] =	vst v63  }
0xb8: {  	_ =	swait.ge @!p0 [sflag:s15], $0x1000  }
0xb9: {  	[sflag:s15] =	ssyncset.done @!p0 $0x0  }
0xba: {  	s3 =	simm.s32 @!p0 $0x480;
	[sflag:s15] =	ssyncadd.s32 @!p0 $0xFFFFF000;
	s15 =	simm.s32 @!p0 $0x3800  }
0xbb: {  	[tilespmem:s15], [sflag:$0x2] =	stream.indirect.gather @!p0 [hbm4b:s4+s5], $0x80, s3, s5, $0xb8;
	[tilespmem:$0x1E800] =	vst v63  }
0xbc: {  	_ =	swait.ge [sflag:s24], $0x1000  }
0xbd: {  	[sflag:s24] =	ssyncset.done $0x0  }
0xbe: {  	s29 =	simm.s32 $0x1580;
	s15 =	simm.s32 @p0 $0x5;
	[sflag:s24] =	ssyncadd.s32 $0xFFFFF000  }
0xbf: {  	[spmem:s2] =	stream.indirect.scatter.add.f32 [tilespmem:s13], [sflag:$0xC], $0x80, s29, s0, $0xb8;
	[tilespmem:$0x1E800] =	vst v63  }
0xc0: {  	_ =	swait.ge @p0 [sflag:s15], $0x1000  }
0xc1: {  	[sflag:s15] =	ssyncset.done @p0 $0x0  }
0xc2: {  	s3 =	simm.s32 @p0 $0x1600;
	[sflag:s15] =	ssyncadd.s32 @p0 $0xFFFFF000;
	s15 =	simm.s32 @p0 $0x6800  }
0xc3: {  	[spmem:s2] =	stream.indirect.scatter.add.f32 @p0 [tilespmem:s15], [sflag:$0xD], $0x80, s3, s6, $0xb8;
	[tilespmem:$0x1E800] =	vst v63  }
0xc4: {  	s3 =	simm.s32 @!p0 $0xB  }
0xc5: {  	_ =	swait.ge @!p0 [sflag:s3], $0x1000  }
0xc6: {  	[sflag:s3] =	ssyncset.done @!p0 $0x0  }
0xc7: {  	s15 =	simm.s32 @!p0 $0x500;
	[sflag:s3] =	ssyncadd.s32 @!p0 $0xFFFFF000;
	s3 =	simm.s32 @!p0 $0x5  }
0xc8: {  	[tilespmem:s7], [sflag:$0x3] =	stream.indirect.gather @!p0 [hbm4b:s4+s5], $0x80, s15, s5, $0xb8;
	[tilespmem:$0x1E800] =	vst v63  }
0xc9: {  	_ =	swait.ge @!p0 [sflag:s3], $0x1000  }
0xca: {  	s7 =	simm.s32 @!p0 $0x1600;
	[sflag:s3] =	ssyncset.done @!p0 $0x0  }
0xcb: {  	s15 =	simm.s32 @!p0 $0x6800;
	[sflag:s3] =	ssyncadd.s32 @!p0 $0xFFFFF000;
	s3 =	simm.s32 @!p0 $0xC  }
0xcc: {  	[spmem:s2] =	stream.indirect.scatter.add.f32 @!p0 [tilespmem:s15], [sflag:$0xD], $0x80, s7, s5, $0xb8;
	[tilespmem:$0x1E800] =	vst v63  }
0xcd: {  	_ =	swait.ge @!p0 [sflag:s3], $0x1000  }
0xce: {  	[sflag:s3] =	ssyncset.done @!p0 $0x0  }
0xcf: {  	s7 =	simm.s32 @!p0 $0x580;
	[sflag:s3] =	ssyncadd.s32 @!p0 $0xFFFFF000;
	s3 =	simm.s32 @!p0 $0x5800  }
0xd0: {  	[tilespmem:s3], [sflag:$0x4] =	stream.indirect.gather @!p0 [hbm4b:s4+s5], $0x80, s7, s5, $0xb8;
	[tilespmem:$0x1E800] =	vst v63  }
0xd1: {  	_ =	swait.ge [sflag:s25], $0x1000  }
0xd2: {  	[sflag:s25] =	ssyncset.done $0x0  }
0xd3: {  	s31 =	simm.s32 $0x1680;
	s7 =	simm.s32 @p0 $0x7;
	[sflag:s25] =	ssyncadd.s32 $0xFFFFF000  }
0xd4: {  	[spmem:s2] =	stream.indirect.scatter.add.f32 [tilespmem:s17], [sflag:$0xE], $0x80, s31, s0, $0xb8;
	[tilespmem:$0x1E800] =	vst v63  }
0xd5: {  	_ =	swait.ge @p0 [sflag:s7], $0x1000  }
0xd6: {  	[sflag:s7] =	ssyncset.done @p0 $0x0  }
0xd7: {  	s3 =	simm.s32 @p0 $0x2700;
	[sflag:s7] =	ssyncadd.s32 @p0 $0xFFFFF000;
	s7 =	simm.s32 @p0 $0x8800  }
0xd8: {  	[spmem:s2] =	stream.indirect.scatter.add.f32 @p0 [tilespmem:s7], [sflag:$0xF], $0x80, s3, s6, $0xb8;
	[tilespmem:$0x1E800] =	vst v63  }
0xd9: {  	s3 =	simm.s32 @!p0 $0xD  }
0xda: {  	_ =	swait.ge @!p0 [sflag:s3], $0x1000  }
0xdb: {  	[sflag:s3] =	ssyncset.done @!p0 $0x0  }
0xdc: {  	[sflag:s3] =	ssyncadd.s32 @!p0 $0xFFFFF000;
	s3 =	simm.s32 @!p0 $0x600  }
0xdd: {  	[tilespmem:s15], [sflag:$0x5] =	stream.indirect.gather @!p0 [hbm4b:s4+s5], $0x80, s3, s5, $0xb8;
	[tilespmem:$0x1E800] =	vst v63  }
0xde: {  	s3 =	simm.s32 @!p0 $0x7  }
0xdf: {  	_ =	swait.ge @!p0 [sflag:s3], $0x1000  }
0xe0: {  	[sflag:s3] =	ssyncset.done @!p0 $0x0  }
0xe1: {  	s6 =	simm.s32 @!p0 $0x1700;
	[sflag:s3] =	ssyncadd.s32 @!p0 $0xFFFFF000;
	s3 =	simm.s32 @!p0 $0x8800  }
0xe2: {  	[spmem:s2] =	stream.indirect.scatter.add.f32 @!p0 [tilespmem:s3], [sflag:$0xF], $0x80, s6, s5, $0xb8;
	[tilespmem:$0x1E800] =	vst v63  }
0xe3: {  	s3 =	simm.s32 @!p0 $0xE  }
0xe4: {  	_ =	swait.ge @!p0 [sflag:s3], $0x1000  }
0xe5: {  	p1 =	por $0x0, $0x0;
	s16 =	simm.s32 $0x1000;
	[sflag:s3] =	ssyncset.done @!p0 $0x0  }
0xe6: {  	s6 =	simm.s32 @!p0 $0x680;
	[sflag:s3] =	ssyncadd.s32 @!p0 $0xFFFFF000;
	s3 =	simm.s32 @!p0 $0x7800  }
0xe7: {  	[tilespmem:s3], [sflag:$0x6] =	stream.indirect.gather @!p0 [hbm4b:s4+s5], $0x80, s6, s5, $0xb8;
	[tilespmem:$0x1E800] =	vst v63  }
0xe8: {  	s18 =	simm.s32 $0x1780;
	s15 =	simm.s32 $0x2000;
	_ =	swait.ge [sflag:s26], $0x1000  }
.LBB2_5:
0xe9: {  	s3 =	simm.s32 @!p1 $0xF  }
0xea: {  	[sflag:s26] =	ssyncset.done $0x0;
	s28 =	smov.u32 s15;
	s15 =	sadd.s32 $0x1000, s15  }
0xeb: {  	p0 =	sne.s32 s15, $0x5000;
	[sflag:s26] =	ssyncadd.s32 $0xFFFFF000  }
0xec: {  	[spmem:s2] =	stream.indirect.scatter.add.f32 [tilespmem:s21], [sflag:$0x10], $0x80, s18, s0, $0xb8;
	[tilespmem:$0x1E800] =	vst v63  }
0xed: {  	s5 =	sshra.s32 @!p1 s16, $0x2;
	s6 =	simm.s32 @!p1 $0x8800;
	_ =	swait.ge @!p1 [sflag:s3], $0x1000  }
0xee: {  	s20 =	simm.s32 @!p1 $0x20;
	s7 =	sadd.s32 @!p1 $0x300, s5;
	[sflag:s3] =	ssyncset.done @!p1 $0x0  }
0xef: {  	[sflag:s3] =	ssyncadd.s32 @!p1 $0xFFFFF000;
	s3 =	sadd.s32 @!p1 $0x380, s5  }
0xf0: {  	[tilespmem:s6], [sflag:$0x7] =	stream.indirect.gather @!p1 [hbm4b:s4+s20], $0x80, s7, s20, $0xb8;
	[tilespmem:$0x1E800] =	vst v63  }
0xf1: {  	s19 =	sshra.s32 s16, $0x2;
	_ =	swait.ge [sflag:s22], $0x1000  }
0xf2: {  	s5 =	sadd.s32 $0x1400, s19;
	s6 =	simm.s32 @!p1 $0x10;
	[sflag:s22] =	ssyncset.done $0x0  }
0xf3: {  	s18 =	sadd.s32 $0x1780, s19;
	[sflag:s22] =	ssyncadd.s32 $0xFFFFF000  }
0xf4: {  	[spmem:s2] =	stream.indirect.scatter.add.f32 [tilespmem:s30], [sflag:$0x9], $0x80, s5, s0, $0xb8;
	[tilespmem:$0x1E800] =	vst v63  }
0xf5: {  	_ =	swait.ge @!p1 [sflag:s6], $0x1000  }
0xf6: {  	s5 =	simm.s32 @!p1 $0x9800;
	[sflag:s6] =	ssyncset.done @!p1 $0x0  }
0xf7: {  	[sflag:s6] =	ssyncadd.s32 @!p1 $0xFFFFF000  }
0xf8: {  	[tilespmem:s5], [sflag:$0x8] =	stream.indirect.gather @!p1 [hbm4b:s4+s20], $0x80, s3, s20, $0xb8;
	[tilespmem:$0x1E800] =	vst v63  }
0xf9: {  	_ =	swait.ge [sflag:s23], $0x1000  }
0xfa: {  	s3 =	sadd.s32 $0x1480, s19;
	p1 =	seq.s32 s16, $0x4000;
	[sflag:s23] =	ssyncset.done $0x0  }
0xfb: {  	s5 =	simm.s32 @p1 $0x3;
	s7 =	sshra.s32 @p1 s16, $0x2;
	[sflag:s23] =	ssyncadd.s32 $0xFFFFF000  }
0xfc: {  	[spmem:s2] =	stream.indirect.scatter.add.f32 [tilespmem:s9], [sflag:$0xA], $0x80, s3, s0, $0xb8;
	[tilespmem:$0x1E800] =	vst v63  }
0xfd: {  	s16 =	sshra.s32 @!p1 s16, $0x2;
	s3 =	sadd.s32 @p1 $0x1500, s7;
	_ =	swait.ge @p1 [sflag:s5], $0x1000  }
0xfe: {  	s6 =	simm.s32 @p1 $0x20;
	s20 =	simm.s32 @p1 $0x4800;
	[sflag:s5] =	ssyncset.done @p1 $0x0  }
0xff: {  	s29 =	sadd.s32 @!p1 $0x400, s16;
	[sflag:s5] =	ssyncadd.s32 @p1 $0xFFFFF000;
	s5 =	simm.s32 @!p1 $0x9  }
0x100: {  	[spmem:s2] =	stream.indirect.scatter.add.f32 @p1 [tilespmem:s20], [sflag:$0xB], $0x80, s3, s6, $0xb8;
	[tilespmem:$0x1E800] =	vst v63  }
0x101: {  	s1 =	sadd.s32 @!p1 $0x1500, s16;
	s8 =	sadd.s32 @!p1 $0x480, s16;
	_ =	swait.ge @!p1 [sflag:s5], $0x1000  }
0x102: {  	s20 =	simm.s32 @!p1 $0x20;
	s3 =	simm.s32 @!p1 $0x2800;
	[sflag:s5] =	ssyncset.done @!p1 $0x0  }
0x103: {  	s10 =	sadd.s32 @p1 $0x1600, s7;
	[sflag:s5] =	ssyncadd.s32 @!p1 $0xFFFFF000;
	s5 =	simm.s32 @!p1 $0x3  }
0x104: {  	[tilespmem:s3], [sflag:$0x1] =	stream.indirect.gather @!p1 [hbm4b:s4+s20], $0x80, s29, s20, $0xb8;
	[tilespmem:$0x1E800] =	vst v63  }
0x105: {  	s11 =	sadd.s32 @!p1 $0x500, s16;
	s12 =	sadd.s32 @!p1 $0x1600, s16;
	_ =	swait.ge @!p1 [sflag:s5], $0x1000  }
0x106: {  	s31 =	simm.s32 @!p1 $0x4800;
	s3 =	sadd.s32 @!p1 $0x580, s16;
	[sflag:s5] =	ssyncset.done @!p1 $0x0  }
0x107: {  	s14 =	simm.s32 @!p1 $0xA;
	[sflag:s5] =	ssyncadd.s32 @!p1 $0xFFFFF000;
	s5 =	sadd.s32 @!p1 $0x600, s16  }
0x108: {  	[spmem:s2] =	stream.indirect.scatter.add.f32 @!p1 [tilespmem:s31], [sflag:$0xB], $0x80, s1, s20, $0xb8;
	[tilespmem:$0x1E800] =	vst v63  }
0x109: {  	s7 =	sadd.s32 @!p1 $0x680, s16;
	s29 =	sadd.s32 @!p1 $0x1700, s16;
	_ =	swait.ge @!p1 [sflag:s14], $0x1000  }
0x10a: {  	s16 =	smov.u32 s28;
	s1 =	simm.s32 @!p1 $0x3800;
	[sflag:s14] =	ssyncset.done @!p1 $0x0  }
0x10b: {  	[sflag:s14] =	ssyncadd.s32 @!p1 $0xFFFFF000  }
0x10c: {  	[tilespmem:s1], [sflag:$0x2] =	stream.indirect.gather @!p1 [hbm4b:s4+s20], $0x80, s8, s20, $0xb8;
	[tilespmem:$0x1E800] =	vst v63  }
0x10d: {  	_ =	swait.ge [sflag:s24], $0x1000  }
0x10e: {  	s1 =	sadd.s32 $0x1580, s19;
	[sflag:s24] =	ssyncset.done $0x0  }
0x10f: {  	s8 =	simm.s32 @p1 $0x5;
	[sflag:s24] =	ssyncadd.s32 $0xFFFFF000  }
0x110: {  	[spmem:s2] =	stream.indirect.scatter.add.f32 [tilespmem:s13], [sflag:$0xC], $0x80, s1, s0, $0xb8;
	[tilespmem:$0x1E800] =	vst v63  }
0x111: {  	_ =	swait.ge @p1 [sflag:s8], $0x1000  }
0x112: {  	s1 =	simm.s32 @p1 $0x6800;
	[sflag:s8] =	ssyncset.done @p1 $0x0  }
0x113: {  	[sflag:s8] =	ssyncadd.s32 @p1 $0xFFFFF000;
	s8 =	simm.s32 @!p1 $0xB  }
0x114: {  	[spmem:s2] =	stream.indirect.scatter.add.f32 @p1 [tilespmem:s1], [sflag:$0xD], $0x80, s10, s6, $0xb8;
	[tilespmem:$0x1E800] =	vst v63  }
0x115: {  	_ =	swait.ge @!p1 [sflag:s8], $0x1000  }
0x116: {  	[sflag:s8] =	ssyncset.done @!p1 $0x0  }
0x117: {  	s1 =	simm.s32 @!p1 $0x5;
	[sflag:s8] =	ssyncadd.s32 @!p1 $0xFFFFF000  }
0x118: {  	[tilespmem:s31], [sflag:$0x3] =	stream.indirect.gather @!p1 [hbm4b:s4+s20], $0x80, s11, s20, $0xb8;
	[tilespmem:$0x1E800] =	vst v63  }
0x119: {  	_ =	swait.ge @!p1 [sflag:s1], $0x1000  }
0x11a: {  	s8 =	simm.s32 @!p1 $0x6800;
	[sflag:s1] =	ssyncset.done @!p1 $0x0  }
0x11b: {  	[sflag:s1] =	ssyncadd.s32 @!p1 $0xFFFFF000;
	s1 =	simm.s32 @!p1 $0xC  }
0x11c: {  	[spmem:s2] =	stream.indirect.scatter.add.f32 @!p1 [tilespmem:s8], [sflag:$0xD], $0x80, s12, s20, $0xb8;
	[tilespmem:$0x1E800] =	vst v63  }
0x11d: {  	_ =	swait.ge @!p1 [sflag:s1], $0x1000  }
0x11e: {  	s10 =	simm.s32 @!p1 $0x5800;
	[sflag:s1] =	ssyncset.done @!p1 $0x0  }
0x11f: {  	[sflag:s1] =	ssyncadd.s32 @!p1 $0xFFFFF000  }
0x120: {  	[tilespmem:s10], [sflag:$0x4] =	stream.indirect.gather @!p1 [hbm4b:s4+s20], $0x80, s3, s20, $0xb8;
	[tilespmem:$0x1E800] =	vst v63  }
0x121: {  	_ =	swait.ge [sflag:s25], $0x1000  }
0x122: {  	s1 =	sadd.s32 $0x1680, s19;
	[sflag:s25] =	ssyncset.done $0x0  }
0x123: {  	s3 =	simm.s32 @p1 $0x7;
	[sflag:s25] =	ssyncadd.s32 $0xFFFFF000  }
0x124: {  	[spmem:s2] =	stream.indirect.scatter.add.f32 [tilespmem:s17], [sflag:$0xE], $0x80, s1, s0, $0xb8;
	[tilespmem:$0x1E800] =	vst v63  }
0x125: {  	_ =	swait.ge @p1 [sflag:s3], $0x1000  }
0x126: {  	s10 =	simm.s32 @p1 $0x8800;
	s1 =	simm.s32 @p1 $0x2700;
	[sflag:s3] =	ssyncset.done @p1 $0x0  }
0x127: {  	[sflag:s3] =	ssyncadd.s32 @p1 $0xFFFFF000;
	s3 =	simm.s32 @!p1 $0xD  }
0x128: {  	[spmem:s2] =	stream.indirect.scatter.add.f32 @p1 [tilespmem:s10], [sflag:$0xF], $0x80, s1, s6, $0xb8;
	[tilespmem:$0x1E800] =	vst v63  }
0x129: {  	_ =	swait.ge @!p1 [sflag:s3], $0x1000  }
0x12a: {  	[sflag:s3] =	ssyncset.done @!p1 $0x0  }
0x12b: {  	s1 =	simm.s32 @!p1 $0x7;
	[sflag:s3] =	ssyncadd.s32 @!p1 $0xFFFFF000  }
0x12c: {  	[tilespmem:s8], [sflag:$0x5] =	stream.indirect.gather @!p1 [hbm4b:s4+s20], $0x80, s5, s20, $0xb8;
	[tilespmem:$0x1E800] =	vst v63  }
0x12d: {  	_ =	swait.ge @!p1 [sflag:s1], $0x1000  }
0x12e: {  	s3 =	simm.s32 @!p1 $0x8800;
	[sflag:s1] =	ssyncset.done @!p1 $0x0  }
0x12f: {  	[sflag:s1] =	ssyncadd.s32 @!p1 $0xFFFFF000;
	s1 =	simm.s32 @!p1 $0xE  }
0x130: {  	[spmem:s2] =	stream.indirect.scatter.add.f32 @!p1 [tilespmem:s3], [sflag:$0xF], $0x80, s29, s20, $0xb8;
	[tilespmem:$0x1E800] =	vst v63  }
.Ltmp1:
0x131: {  	_ =	swait.ge @!p1 [sflag:s1], $0x1000;
	(pc) =	sbr.rel @p0 .LBB2_5-.Ltmp1, $4  }
0x132: {  	s3 =	simm.s32 @!p1 $0x7800;
	[sflag:s1] =	ssyncset.done @!p1 $0x0  }
0x133: {  	[sflag:s1] =	ssyncadd.s32 @!p1 $0xFFFFF000  }
0x134: {  	[tilespmem:s3], [sflag:$0x6] =	stream.indirect.gather @!p1 [hbm4b:s4+s20], $0x80, s7, s20, $0xb8;
	[tilespmem:$0x1E800] =	vst v63  }
0x135: {  	p1 =	seq.s32 s16, $0x0;
	_ =	swait.ge [sflag:s26], $0x1000  }
0x136: {  	[sflag:s26] =	ssyncset.done $0x0  }
0x137: {  	s1 =	simm.s32 @!p1 $0xF;
	[sflag:s26] =	ssyncadd.s32 $0xFFFFF000  }
0x138: {  	[spmem:s2] =	stream.indirect.scatter.add.f32 [tilespmem:s21], [sflag:$0x10], $0x80, s18, s0, $0xb8;
	[tilespmem:$0x1E800] =	vst v63  }
0x139: {  	_ =	swait.ge @!p1 [sflag:s1], $0x1000  }
0x13a: {  	s3 =	sshra.s32 @!p1 s16, $0x2;
	s5 =	simm.s32 @!p1 $0x8800;
	[sflag:s1] =	ssyncset.done @!p1 $0x0  }
0x13b: {  	s7 =	simm.s32 @!p1 $0x20;
	s6 =	sadd.s32 @!p1 $0x300, s3;
	[sflag:s1] =	ssyncadd.s32 @!p1 $0xFFFFF000  }
0x13c: {  	[tilespmem:s5], [sflag:$0x7] =	stream.indirect.gather @!p1 [hbm4b:s4+s7], $0x80, s6, s7, $0xb8;
	[tilespmem:$0x1E800] =	vst v63  }
0x13d: {  	_ =	swait.ge [sflag:s22], $0x1000  }
0x13e: {  	s29 =	sshra.s32 s16, $0x2;
	[sflag:s22] =	ssyncset.done $0x0  }
0x13f: {  	s31 =	sadd.s32 $0x1400, s29;
	s5 =	simm.s32 @!p1 $0x10;
	[sflag:s22] =	ssyncadd.s32 $0xFFFFF000  }
0x140: {  	[spmem:s2] =	stream.indirect.scatter.add.f32 [tilespmem:s30], [sflag:$0x9], $0x80, s31, s0, $0xb8;
	[tilespmem:$0x1E800] =	vst v63  }
0x141: {  	_ =	swait.ge @!p1 [sflag:s5], $0x1000  }
0x142: {  	[sflag:s5] =	ssyncset.done @!p1 $0x0  }
0x143: {  	s1 =	sadd.s32 @!p1 $0x380, s3;
	s3 =	simm.s32 @!p1 $0x9800;
	[sflag:s5] =	ssyncadd.s32 @!p1 $0xFFFFF000  }
0x144: {  	[tilespmem:s3], [sflag:$0x8] =	stream.indirect.gather @!p1 [hbm4b:s4+s7], $0x80, s1, s7, $0xb8;
	[tilespmem:$0x1E800] =	vst v63  }
0x145: {  	_ =	swait.ge [sflag:s23], $0x1000  }
0x146: {  	p0 =	seq.s32 s16, $0x4000;
	[sflag:s23] =	ssyncset.done $0x0  }
0x147: {  	s7 =	sadd.s32 $0x1480, s29;
	s3 =	simm.s32 @p0 $0x3;
	[sflag:s23] =	ssyncadd.s32 $0xFFFFF000  }
0x148: {  	[spmem:s2] =	stream.indirect.scatter.add.f32 [tilespmem:s9], [sflag:$0xA], $0x80, s7, s0, $0xb8;
	[tilespmem:$0x1E800] =	vst v63  }
0x149: {  	s1 =	sshra.s32 @p0 s16, $0x2;
	_ =	swait.ge @p0 [sflag:s3], $0x1000  }
0x14a: {  	s15 =	simm.s32 @p0 $0x20;
	s5 =	sadd.s32 @p0 $0x1500, s1;
	[sflag:s3] =	ssyncset.done @p0 $0x0  }
0x14b: {  	s7 =	simm.s32 @p0 $0x4800;
	[sflag:s3] =	ssyncadd.s32 @p0 $0xFFFFF000;
	s3 =	simm.s32 @!p0 $0x9  }
0x14c: {  	[spmem:s2] =	stream.indirect.scatter.add.f32 @p0 [tilespmem:s7], [sflag:$0xB], $0x80, s5, s15, $0xb8;
	[tilespmem:$0x1E800] =	vst v63  }
0x14d: {  	s10 =	simm.s32 @!p0 $0x2800;
	_ =	swait.ge @!p0 [sflag:s3], $0x1000  }
0x14e: {  	s5 =	sshra.s32 @!p0 s16, $0x2;
	s7 =	simm.s32 @!p0 $0x20;
	[sflag:s3] =	ssyncset.done @!p0 $0x0  }
0x14f: {  	s8 =	sadd.s32 @!p0 $0x400, s5;
	[sflag:s3] =	ssyncadd.s32 @!p0 $0xFFFFF000;
	s3 =	simm.s32 @!p0 $0x3  }
0x150: {  	[tilespmem:s10], [sflag:$0x1] =	stream.indirect.gather @!p0 [hbm4b:s4+s7], $0x80, s8, s7, $0xb8;
	[tilespmem:$0x1E800] =	vst v63  }
0x151: {  	_ =	swait.ge @!p0 [sflag:s3], $0x1000  }
0x152: {  	s8 =	sadd.s32 @!p0 $0x1500, s5;
	[sflag:s3] =	ssyncset.done @!p0 $0x0  }
0x153: {  	s10 =	simm.s32 @!p0 $0x4800;
	[sflag:s3] =	ssyncadd.s32 @!p0 $0xFFFFF000;
	s3 =	simm.s32 @!p0 $0xA  }
0x154: {  	[spmem:s2] =	stream.indirect.scatter.add.f32 @!p0 [tilespmem:s10], [sflag:$0xB], $0x80, s8, s7, $0xb8;
	[tilespmem:$0x1E800] =	vst v63  }
0x155: {  	_ =	swait.ge @!p0 [sflag:s3], $0x1000  }
0x156: {  	[sflag:s3] =	ssyncset.done @!p0 $0x0  }
0x157: {  	s8 =	sadd.s32 @!p0 $0x480, s5;
	[sflag:s3] =	ssyncadd.s32 @!p0 $0xFFFFF000;
	s3 =	simm.s32 @!p0 $0x3800  }
0x158: {  	[tilespmem:s3], [sflag:$0x2] =	stream.indirect.gather @!p0 [hbm4b:s4+s7], $0x80, s8, s7, $0xb8;
	[tilespmem:$0x1E800] =	vst v63  }
0x159: {  	_ =	swait.ge [sflag:s24], $0x1000  }
0x15a: {  	[sflag:s24] =	ssyncset.done $0x0  }
0x15b: {  	s8 =	sadd.s32 $0x1580, s29;
	s3 =	simm.s32 @p0 $0x5;
	[sflag:s24] =	ssyncadd.s32 $0xFFFFF000  }
0x15c: {  	[spmem:s2] =	stream.indirect.scatter.add.f32 [tilespmem:s13], [sflag:$0xC], $0x80, s8, s0, $0xb8;
	[tilespmem:$0x1E800] =	vst v63  }
0x15d: {  	_ =	swait.ge @p0 [sflag:s3], $0x1000  }
0x15e: {  	[sflag:s3] =	ssyncset.done @p0 $0x0  }
0x15f: {  	s1 =	sadd.s32 @p0 $0x1600, s1;
	[sflag:s3] =	ssyncadd.s32 @p0 $0xFFFFF000;
	s3 =	simm.s32 @p0 $0x6800  }
0x160: {  	[spmem:s2] =	stream.indirect.scatter.add.f32 @p0 [tilespmem:s3], [sflag:$0xD], $0x80, s1, s15, $0xb8;
	[tilespmem:$0x1E800] =	vst v63  }
0x161: {  	s1 =	simm.s32 @!p0 $0xB  }
0x162: {  	_ =	swait.ge @!p0 [sflag:s1], $0x1000  }
0x163: {  	[sflag:s1] =	ssyncset.done @!p0 $0x0  }
0x164: {  	s3 =	sadd.s32 @!p0 $0x500, s5;
	[sflag:s1] =	ssyncadd.s32 @!p0 $0xFFFFF000;
	s1 =	simm.s32 @!p0 $0x5  }
0x165: {  	[tilespmem:s10], [sflag:$0x3] =	stream.indirect.gather @!p0 [hbm4b:s4+s7], $0x80, s3, s7, $0xb8;
	[tilespmem:$0x1E800] =	vst v63  }
0x166: {  	_ =	swait.ge @!p0 [sflag:s1], $0x1000  }
0x167: {  	s8 =	simm.s32 @!p0 $0x6800;
	[sflag:s1] =	ssyncset.done @!p0 $0x0  }
0x168: {  	s3 =	sadd.s32 @!p0 $0x1600, s5;
	[sflag:s1] =	ssyncadd.s32 @!p0 $0xFFFFF000;
	s1 =	simm.s32 @!p0 $0xC  }
0x169: {  	[spmem:s2] =	stream.indirect.scatter.add.f32 @!p0 [tilespmem:s8], [sflag:$0xD], $0x80, s3, s7, $0xb8;
	[tilespmem:$0x1E800] =	vst v63  }
0x16a: {  	_ =	swait.ge @!p0 [sflag:s1], $0x1000  }
0x16b: {  	[sflag:s1] =	ssyncset.done @!p0 $0x0  }
0x16c: {  	s3 =	sadd.s32 @!p0 $0x580, s5;
	[sflag:s1] =	ssyncadd.s32 @!p0 $0xFFFFF000;
	s1 =	simm.s32 @!p0 $0x5800  }
0x16d: {  	[tilespmem:s1], [sflag:$0x4] =	stream.indirect.gather @!p0 [hbm4b:s4+s7], $0x80, s3, s7, $0xb8;
	[tilespmem:$0x1E800] =	vst v63  }
0x16e: {  	_ =	swait.ge [sflag:s25], $0x1000  }
0x16f: {  	[sflag:s25] =	ssyncset.done $0x0  }
0x170: {  	s11 =	sadd.s32 $0x1680, s29;
	s3 =	simm.s32 @p0 $0x7;
	[sflag:s25] =	ssyncadd.s32 $0xFFFFF000  }
0x171: {  	[spmem:s2] =	stream.indirect.scatter.add.f32 [tilespmem:s17], [sflag:$0xE], $0x80, s11, s0, $0xb8;
	[tilespmem:$0x1E800] =	vst v63  }
0x172: {  	_ =	swait.ge @p0 [sflag:s3], $0x1000  }
0x173: {  	[sflag:s3] =	ssyncset.done @p0 $0x0  }
0x174: {  	s1 =	simm.s32 @p0 $0x2700;
	[sflag:s3] =	ssyncadd.s32 @p0 $0xFFFFF000;
	s3 =	simm.s32 @p0 $0x8800  }
0x175: {  	[spmem:s2] =	stream.indirect.scatter.add.f32 @p0 [tilespmem:s3], [sflag:$0xF], $0x80, s1, s15, $0xb8;
	[tilespmem:$0x1E800] =	vst v63  }
0x176: {  	s1 =	simm.s32 @!p0 $0xD  }
0x177: {  	_ =	swait.ge @!p0 [sflag:s1], $0x1000  }
0x178: {  	[sflag:s1] =	ssyncset.done @!p0 $0x0  }
0x179: {  	[sflag:s1] =	ssyncadd.s32 @!p0 $0xFFFFF000;
	s1 =	sadd.s32 @!p0 $0x600, s5  }
0x17a: {  	[tilespmem:s8], [sflag:$0x5] =	stream.indirect.gather @!p0 [hbm4b:s4+s7], $0x80, s1, s7, $0xb8;
	[tilespmem:$0x1E800] =	vst v63  }
0x17b: {  	s1 =	simm.s32 @!p0 $0x7  }
0x17c: {  	_ =	swait.ge @!p0 [sflag:s1], $0x1000  }
0x17d: {  	[sflag:s1] =	ssyncset.done @!p0 $0x0  }
0x17e: {  	s3 =	sadd.s32 @!p0 $0x1700, s5;
	[sflag:s1] =	ssyncadd.s32 @!p0 $0xFFFFF000;
	s1 =	simm.s32 @!p0 $0x8800  }
0x17f: {  	[spmem:s2] =	stream.indirect.scatter.add.f32 @!p0 [tilespmem:s1], [sflag:$0xF], $0x80, s3, s7, $0xb8;
	[tilespmem:$0x1E800] =	vst v63  }
0x180: {  	s1 =	simm.s32 @!p0 $0xE  }
0x181: {  	_ =	swait.ge @!p0 [sflag:s1], $0x1000  }
0x182: {  	[sflag:s1] =	ssyncset.done @!p0 $0x0  }
0x183: {  	s3 =	sadd.s32 @!p0 $0x680, s5;
	[sflag:s1] =	ssyncadd.s32 @!p0 $0xFFFFF000;
	s1 =	simm.s32 @!p0 $0x7800  }
0x184: {  	[tilespmem:s1], [sflag:$0x6] =	stream.indirect.gather @!p0 [hbm4b:s4+s7], $0x80, s3, s7, $0xb8;
	[tilespmem:$0x1E800] =	vst v63  }
0x185: {  	_ =	swait.ge [sflag:s26], $0x1000  }
0x186: {  	[sflag:s26] =	ssyncset.done $0x0  }
0x187: {  	s14 =	simm.s32 $0x9;
	s12 =	sadd.s32 $0x1780, s29;
	[sflag:s26] =	ssyncadd.s32 $0xFFFFF000  }
0x188: {  	[spmem:s2] =	stream.indirect.scatter.add.f32 [tilespmem:s21], [sflag:$0x10], $0x80, s12, s0, $0xb8;
	[tilespmem:$0x1E800] =	vst v63  }
0x189: {  	_ =	swait.ge [sflag:s14], $0x1000  }
0x18a: {  	[sflag:s14] =	ssyncset.done $0x0  }
0x18b: {  	s15 =	simm.s32 $0xA;
	[sflag:s14] =	ssyncadd.s32 $0xFFFFF000  }
0x18c: {  	_ =	swait.ge [sflag:s15], $0x1000  }
0x18d: {  	[sflag:s15] =	ssyncset.done $0x0  }
0x18e: {  	s16 =	simm.s32 $0xB;
	[sflag:s15] =	ssyncadd.s32 $0xFFFFF000  }
0x18f: {  	_ =	swait.ge [sflag:s16], $0x1000  }
0x190: {  	[sflag:s16] =	ssyncset.done $0x0  }
0x191: {  	s18 =	simm.s32 $0xC;
	[sflag:s16] =	ssyncadd.s32 $0xFFFFF000  }
0x192: {  	_ =	swait.ge [sflag:s18], $0x1000  }
0x193: {  	[sflag:s18] =	ssyncset.done $0x0  }
0x194: {  	s19 =	simm.s32 $0xD;
	[sflag:s18] =	ssyncadd.s32 $0xFFFFF000  }
0x195: {  	_ =	swait.ge [sflag:s19], $0x1000  }
0x196: {  	[sflag:s19] =	ssyncset.done $0x0  }
0x197: {  	s20 =	simm.s32 $0xE;
	[sflag:s19] =	ssyncadd.s32 $0xFFFFF000  }
0x198: {  	_ =	swait.ge [sflag:s20], $0x1000  }
0x199: {  	[sflag:s20] =	ssyncset.done $0x0  }
0x19a: {  	s28 =	simm.s32 $0xF;
	[sflag:s20] =	ssyncadd.s32 $0xFFFFF000  }
0x19b: {  	_ =	swait.ge [sflag:s28], $0x1000  }
0x19c: {  	[sflag:s28] =	ssyncset.done $0x0  }
0x19d: {  	s29 =	simm.s32 $0x10;
	[sflag:s28] =	ssyncadd.s32 $0xFFFFF000  }
0x19e: {  	_ =	swait.ge [sflag:s29], $0x1000  }
0x19f: {  	s31 =	rddreg [dreg:$0x1c]  }
0x1a0: {  	s3 =	sadd.s32 $0x1, s31  }
0x1a1: {  	p0 =	sne.s32 s3, $0x8  }
.Ltmp2:
0x1a2: {  	_ = 	snop;
	(pc) =	sbr.rel @p0 .LBB2_4-.Ltmp2, $3  }
0x1a3: {  	_ =	sdelay $0x1  }
0x1a4: {  	[sflag:s29] =	ssyncset.done $0x0  }
0x1a5: {  	[sflag:s29] =	ssyncadd.s32 $0xFFFFF000  }
0x1a6: {  	s1 =	stileid.u32;
	[bflag:$0x0] =	sbarrier.arrive $0xFFFF  }
0x1a7: {  	s29 =	simm.s32 $0x11;
	s1 =	sshll.u32 s1, $0x6;
	s6 =	rddreg [dreg:$0x4]  }
0x1a8: {  	s5 =	rddreg [dreg:$0x17];
	s1 =	sor.u32 $0x1C11, s1;
	s3 =	sshrl.u32 s6, $0x3  }
0x1a9: {  	[hbm:s5], [sflag:s1] =	dma.local [spmem:s3], $0x2800  }
0x1aa: {  	_ =	swait.ge [sflag:s29], $0x2800  }
0x1ab: {  	s10 =	rddreg [dreg:$0x3]  }
0x1ac: {  	s31 =	rddreg [dreg:$0x7];
	s10 =	sadd.s32 $0x1, s10  }
0x1ad: {  	p0 =	sne.s32 s10, s31  }
.Ltmp3:
0x1ae: {  	_ = 	snop;
	(pc) =	sbr.rel @p0 .LBB2_1-.Ltmp3, $3  }
0x1af: {  	_ =	sdelay $0x1  }
0x1b0: {  	[sflag:s29] =	ssyncset.done $0x0  }
0x1b1: {  	[sflag:s29] =	ssyncadd.s32 $0xFFFFD800  }
0x1b2: {  	_ =	sfence.sel $0x180000  }
0x1b3: {  	[bflag:$0x0] =	sbarrier.arrive $0xFFFF  }
0x1b4: {  	_ =	strace $0x9000004D  }
0x1b5: {  	s0 =	stileid.u32;
	[bflag:$0x2] =	sbarrier.arrive $0xFFFF  }
0x1b6: {  	p0 =	sne.s32 s0, $0x0;
	s0 =	rddreg [dreg:$0x2]  }
0x1b7: {  	s0 =	sadd.s32 @!p0 $0x100000, s0  }
0x1b8: {  	[sflag:s0] =	ssyncadd.tile.s32 @!p0 $0x1;
	_ =	shalt  }
.Lfunc_end2:
_tile_overlayer_lowered:
.L_overlay_start_2:
0x1b9: {  	(tag) =	ssettag $0x2  }
0x1ba: {  	s0 =	rddreg [dreg:$0x0];
	s2 =	stileid.u32  }
0x1bb: {  	s1 =	rddreg [dreg:$0x1];
	p0 =	sne.s32 s2, $0x0  }
0x1bc: {  	s3 =	rddreg [dreg:$0x2];
	[bflag:$0x3] =	sbarrier.arrive $0xFFFF;
	s2 =	simm.s32 @!p0 $0x1C11  }
0x1bd: {  	[timem:s3], [sflag:s2] =	dma.local @!p0 [hbm:s0], s1  }
0x1be: {  	s0 =	simm.s32 @!p0 $0x11  }
0x1bf: {  	_ =	swait.ge @!p0 [sflag:s0], s1  }
0x1c0: {  	s1 =	ssub.s32 @!p0 $0x0, s1;
	[sflag:s0] =	ssyncset.done @!p0 $0x0  }
0x1c1: {  	[sflag:s0] =	ssyncadd.s32 @!p0 s1  }
0x1c2: {  	[bflag:$0x3] =	sbarrier.arrive $0xFFFF  }
0x1c3: {  	_ =	shalt  }

// kernel: kernel.9.cloned.1.call-start
scs
__scs_entry_jumppad:
0x0: {  	(pc) =	sbr.rel $0x88, $3  }
0x1: {  	(tag) =	ssettag $0x0;
	lr =	simm.s32 $0x1  }
0x2: {  	[smem:$0x3F9B] =	sst lr;
	_ =	strace $0xD0000000  }
0x3: {  	_ = 	snop  }
0x4: {  	_ = 	snop  }
0x5: {  	_ = 	snop  }
0x6: {  	_ = 	snop  }
0x7: {  	_ = 	snop  }
__scs_overlays_trampoline_lowered:
0x8: {  	[smem:$0x3FAA] =	sst s0  }
0x9: {  	[smem:$0x3FAB] =	sst s1  }
0xa: {  	[smem:$0x3FAC] =	sst s2  }
0xb: {  	[smem:$0x3FAD] =	sst s3  }
0xc: {  	[smem:$0x3FAE] =	sst s4  }
0xd: {  	[smem:$0x3FAF] =	sst s5  }
0xe: {  	[smem:$0x3FB0] =	sst s6  }
0xf: {  	[smem:$0x3FB1] =	sst s7  }
0x10: {  	[smem:$0x3FB2] =	sst s8  }
0x11: {  	[smem:$0x3FB3] =	sst s9;
	s0 =	simm.s32 @!p0 $0x0  }
0x12: {  	s1 =	sld [smem:$0x3F99];
	s0 =	simm.s32 @p0 $0x1  }
0x13: {  	[smem:$0x3FB4] =	sst s0;
	s0 =	simm.s32 @!p1 $0x0  }
0x14: {  	s2 =	sld [smem:$0x3F98];
	s0 =	simm.s32 @p1 $0x1  }
0x15: {  	[smem:$0x3FB5] =	sst s0;
	s0 =	simm.s32 @!p2 $0x0  }
0x16: {  	s3 =	sld [smem:$0x3FDB];
	s0 =	simm.s32 @p2 $0x1  }
0x17: {  	s4 =	simm.s32 $0x1BF5;
	[smem:$0x3FB7] =	sst s0  }
0x18: {  	s0 =	sld [smem:$0x3F9A];
	_ =	swait.ge [sflag:s4], $0x0  }
0x19: {  	s7 =	sld [smem:$0x3F9B]  }
0x1a: {  	s8 =	sadd.s32 $0xFFFFE003, lr  }
0x1b: {  	s9 =	sadd.s32 $0xFFFFFEF7, lr;
	s5 =	simm.s32 $0xFFFFFFFF;
	p2 =	slt.u32 s8, $0xFFFFF086  }
0x1c: {  	p1 =	slt.u32 s9, $0xF7A;
	s5 =	simm.s32 @!p2 $0x0  }
0x1d: {  	s5 =	simm.s32 @p1 $0x1;
	p0 =	seq.s32 s7, s2  }
0x1e: {  	s7 =	smul.u32 @!p0 $0xF7A, s2;
	p2 =	seq.s32 @!p0 s5, $0x0  }
0x1f: {  	s9 =	smul.u32 $0xF7A, s1;
	s8 =	simm.s32 @!p0 $0x1BF5;
	p2 =	por !p2, p0  }
0x20: {  	[sflag:s8] =	ssyncset.s32 @!p0 $0xFFFFF086;
	s6 =	sadd.s32 @!p0 s3, s7;
	s7 =	simm.s32 @!p0 $0x108  }
0x21: {  	s3 =	sadd.s32 s3, s9;
	s6 =	sadd.s32 @!p0 $0x88, s6;
	s7 =	simm.s32 @p2 $0x1082  }
0x22: {  	[simem:s7], [sflag:s8] =	dma.local @!p0 [hbm:s6], $0xF7A  }
0x23: {  	s9 =	sor.u32 $0xD0000000, s2;
	s6 =	simm.s32 $0x108;
	_ =	swait.ge @!p0 [sflag:s8], $0x0  }
0x24: {  	s3 =	sadd.s32 $0x88, s3;
	s6 =	simm.s32 @!p1 $0x1082;
	[sflag:s4] =	ssyncset.s32 $0xFFFFF086  }
0x25: {  	[simem:s6], [sflag:s4] =	dma.local [hbm:s3], $0xF7A  }
0x26: {  	[smem:$0x3F9B] =	sst s1;
	(tag) =	ssettag s2;
	_ =	strace s9  }
0x27: {  	s1 =	sld [smem:$0x3FAB]  }
0x28: {  	s2 =	sld [smem:$0x3FAC]  }
0x29: {  	s4 =	sld [smem:$0x3FAE]  }
0x2a: {  	p0 =	seq.s32 s5, $0x0;
	s5 =	sld [smem:$0x3FAF]  }
0x2b: {  	s6 =	sld [smem:$0x3FB0]  }
0x2c: {  	s7 =	sld [smem:$0x3FB1]  }
0x2d: {  	s3 =	simm.s32 $0x108;
	s8 =	sld [smem:$0x3FB2]  }
0x2e: {  	s3 =	simm.s32 @!p0 $0x1082;
	s9 =	sld [smem:$0x3FB3]  }
0x2f: {  	lr =	sadd.s32 s0, s3;
	s0 =	sld [smem:$0x3FAA]  }
0x30: {  	s3 =	sld [smem:$0x3FAD]  }
0x31: {  	[smem:$0x3FB6] =	sst s10  }
0x32: {  	s10 =	sld [smem:$0x3FB4];
	_ =	sdelay $0x3  }
0x33: {  	p0 =	seq.s32 s10, $0x1;
	s10 =	sld [smem:$0x3FB6];
	_ =	sdelay $0x3  }
0x34: {  	[smem:$0x3FB6] =	sst s10  }
0x35: {  	s10 =	sld [smem:$0x3FB5];
	_ =	sdelay $0x3  }
0x36: {  	p1 =	seq.s32 s10, $0x1;
	s10 =	sld [smem:$0x3FB6];
	_ =	sdelay $0x3  }
0x37: {  	[smem:$0x3FB6] =	sst s10  }
0x38: {  	s10 =	sld [smem:$0x3FB7]  }
0x39: {  	_ = 	snop;
	(pc) =	sbr.ind lr, $3  }
0x3a: {  	_ = 	snop  }
0x3b: {  	_ = 	snop  }
0x3c: {  	p2 =	seq.s32 s10, $0x1;
	s10 =	sld [smem:$0x3FB6]  }
0x3d: {  	_ =	shalt  }
0x3e: {  	_ =	shalt  }
0x3f: {  	_ =	shalt  }
0x40: {  	_ =	shalt  }
0x41: {  	_ =	shalt  }
0x42: {  	_ =	shalt  }
0x43: {  	_ =	shalt  }
0x44: {  	_ =	shalt  }
0x45: {  	_ =	shalt  }
0x46: {  	_ =	shalt  }
0x47: {  	_ =	shalt  }
0x48: {  	_ =	shalt  }
0x49: {  	_ =	shalt  }
0x4a: {  	_ =	shalt  }
0x4b: {  	_ =	shalt  }
0x4c: {  	_ =	shalt  }
0x4d: {  	_ =	shalt  }
0x4e: {  	_ =	shalt  }
0x4f: {  	_ =	shalt  }
0x50: {  	_ =	shalt  }
0x51: {  	_ =	shalt  }
0x52: {  	_ =	shalt  }
0x53: {  	_ =	shalt  }
0x54: {  	_ =	shalt  }
0x55: {  	_ =	shalt  }
0x56: {  	_ =	shalt  }
0x57: {  	_ =	shalt  }
0x58: {  	_ =	shalt  }
0x59: {  	_ =	shalt  }
0x5a: {  	_ =	shalt  }
0x5b: {  	_ =	shalt  }
0x5c: {  	_ =	shalt  }
0x5d: {  	_ =	shalt  }
0x5e: {  	_ =	shalt  }
0x5f: {  	_ =	shalt  }
0x60: {  	_ =	shalt  }
0x61: {  	_ =	shalt  }
0x62: {  	_ =	shalt  }
0x63: {  	_ =	shalt  }
0x64: {  	_ =	shalt  }
0x65: {  	_ =	shalt  }
0x66: {  	_ =	shalt  }
0x67: {  	_ =	shalt  }
0x68: {  	_ =	shalt  }
0x69: {  	_ =	shalt  }
0x6a: {  	_ =	shalt  }
0x6b: {  	_ =	shalt  }
0x6c: {  	_ =	shalt  }
0x6d: {  	_ =	shalt  }
0x6e: {  	_ =	shalt  }
0x6f: {  	_ =	shalt  }
0x70: {  	_ =	shalt  }
0x71: {  	_ =	shalt  }
0x72: {  	_ =	shalt  }
0x73: {  	_ =	shalt  }
0x74: {  	_ =	shalt  }
0x75: {  	_ =	shalt  }
0x76: {  	_ =	shalt  }
0x77: {  	_ =	shalt  }
0x78: {  	_ =	shalt  }
0x79: {  	_ =	shalt  }
0x7a: {  	_ =	shalt  }
0x7b: {  	_ =	shalt  }
0x7c: {  	_ =	shalt  }
0x7d: {  	_ =	shalt  }
0x7e: {  	_ =	shalt  }
0x7f: {  	_ =	shalt  }
0x80: {  	_ =	shalt  }
0x81: {  	_ =	shalt  }
0x82: {  	_ =	shalt  }
0x83: {  	_ =	shalt  }
0x84: {  	_ =	shalt  }
0x85: {  	_ =	shalt  }
0x86: {  	_ =	shalt  }
0x87: {  	_ =	shalt  }
.Lfunc_end0:
.L_simem_size_0:
called_computation_lowered:
.L_overlay_start_0:
0x88: {  	s2 =	sld [smem:$0x3FD9]  }
0x89: {  	s3 =	sld [smem:$0x3FFE];
	_ =	sdelay $0x1  }
0x8a: {  	s1 =	srdreg.scid  }
0x8b: {  	s0 =	sand.u32 $0x1, s1  }
0x8c: {  	s17 =	sshll.u32 s0, $0xA;
	s2 =	sadd.s32 s3, s2  }
0x8d: {  	s2 =	sadd.s32 s2, s17  }
0x8e: {  	[smem:$0x3FC2] =	sst s2  }
0x8f: {  	_ = 	snop  }
0x90: {  	s2 =	sld [smem:$0x3FD0];
	(tm) =	ssettm $0x1  }
0x91: {  	s18 =	sld [smem:$0x3FFB];
	_ =	sdelay $0x3  }
0x92: {  	_ =	strace s18  }
0x93: {  	s3 =	sld [smem:$0x3FFC];
	_ =	sdelay $0x3  }
0x94: {  	_ =	strace s3  }
0x95: {  	s3 =	sld [smem:$0x3FFD];
	_ =	sdelay $0x3  }
0x96: {  	_ =	strace s3  }
0x97: {  	_ =	strace $0x8FFFFFFF  }
0x98: {  	s19 =	sld [smem:$0x3FDB];
	_ =	sdelay $0x1  }
0x99: {  	s4 =	simm.s32 $_scs_section_size  }
0x9a: {  	s5 =	simm.s32 $_size__tile_overlayer_lowered;
	s6 =	simm.s32 $_tile_overlayer_lowered  }
0x9b: {  	s22 =	simm.s32 $0x1BFF;
	s21 =	sshll.u32 s6, $0x1;
	s3 =	sadd.s32 s4, s19  }
0x9c: {  	s7 =	simm.s32 $0x0;
	s20 =	sshll.u32 s5, $0x1;
	s5 =	sadd.s32 s21, s3  }
0x9d: {  	[timem:s7], [sflag:s22] =	dma.local [hbm:s5], s20  }
0x9e: {  	_ =	swait.ge [sflag:s22], s20  }
0x9f: {  	s4 =	ssub.s32 $0x0, s20;
	[sflag:s22] =	ssyncset.done $0x0  }
0xa0: {  	[sflag:s22] =	ssyncadd.s32 s4;
	_ =	sdelay $0x1  }
0xa1: {  	s23 =	simm.s32 $0x1B8B  }
0xa2: {  	_ =	swait.ge [sflag:s23], $0x1  }
0xa3: {  	[sflag:s23] =	ssyncset.done $0x0  }
0xa4: {  	s25 =	simm.s32 $0x1B8E;
	s24 =	sld [smem:$0x3FFE];
	[sflag:s23] =	ssyncadd.s32 $0xFFFFFFFF  }
0xa5: {  	s26 =	simm.s32 $execute0_lowered;
	[smem:$0x3FD2] =	sst s25  }
0xa6: {  	s5 =	sshll.u32 s26, $0x1;
	_ =	strace $0x80000046;
	[dreg:$0x1] =	wrdreg $0xFFFFFFFF  }
0xa7: {  	s28 =	simm.s32 $_size_execute0_lowered;
	s3 =	sadd.s32 s3, s5;
	[dreg:$0x0] =	wrdreg $0x0  }
0xa8: {  	s5 =	sshll.u32 s28, $0x1;
	[dreg:$0x2] =	wrdreg s3  }
0xa9: {  	[dreg:$0x3] =	wrdreg s5  }
0xaa: {  	[dreg:$0x4] =	wrdreg $0xC0  }
0xab: {  	_ =	task [dreg:s7], $0x5FFFF  }
0xac: {  	[dreg:$0x1] =	wrdreg $0xFFFFFFFF  }
0xad: {  	[dreg:$0x0] =	wrdreg $0x60  }
0xae: {  	[dreg:$0x2] =	wrdreg s24  }
0xaf: {  	[dreg:$0x3] =	wrdreg s2  }
0xb0: {  	[dreg:$0x4] =	wrdreg $0x9  }
0xb1: {  	_ =	task.clear_ibuf [dreg:s7], $0x5FFFF;
	_ =	strace $0x90000046  }
0xb2: {  	s29 =	simm.s32 $0x9;
	_ =	strace $0x80000048  }
0xb3: {  	_ =	swait.ge [sflag:s29], $0x1  }
0xb4: {  	[sflag:s29] =	ssyncadd.s32 $0xFFFFFFFF  }
0xb5: {  	_ =	strace $0x90000048  }
0xb6: {  	_ =	sfence  }
0xb7: {  	s30 =	sld [smem:$0x0];
	_ =	sdelay $0x2  }
0xb8: {  	s31 =	sshll.u32 s1, $0xD;
	s1 =	sshrl.u32 s1, $0x2  }
0xb9: {  	s3 =	sand.u32 $0x4000, s31;
	s1 =	sadd.s32 s1, s30  }
0xba: {  	s0 =	sor.u32 s3, s0;
	s1 =	sshll.u32 s1, $0x11  }
0xbb: {  	s0 =	sor.u32 s1, s0  }
0xbc: {  	s0 =	sadd.s32 $0x8F2B, s0  }
0xbd: {  	[sflag:s0] =	ssyncadd.remote.s32 $0x1  }
0xbe: {  	_ =	sfence.sel $0xFFFF  }
0xbf: {  	[dreg:$0x0] =	wrdreg $0xFFFFFFFF;
	(pc) =	sbr.abs _section_cstart, $3  }
0xc0: {  	[dreg:$0x1] =	wrdreg $0xFFFFFFFF  }
0xc1: {  	_ =	task.clear_ibuf [dreg:s7], $0x2FFFF;
	_ =	strace $0x9FFFFFFF  }
0xc2: {  	(tm) =	ssettm $0x7FFFFFFF  }
0xc3: {  	_ =	shalt  }
tec
execute0_lowered:
.L_overlay_start_1:
0x0: {  	(tag) =	ssettag $0x1  }
0x1: {  	s3 =	rddreg [dreg:$0x0];
	s1 =	srdreg.scid  }
0x2: {  	s0 =	stileid.u32;
	s4 =	rddreg [dreg:$0x1];
	s9 =	simm.s32 $0x400  }
0x3: {  	s5 =	sand.u32 $0x1, s1;
	s2 =	sshll.u32 s0, $0x1;
	s8 =	sshrl.u32 s0, $0x2  }
0x4: {  	s1 =	rddreg [dreg:$0x2];
	s6 =	sor.u32 s5, s2;
	s8 =	smul.u32 $0x14000, s8  }
0x5: {  	s2 =	simm.s32 $0x0;
	s5 =	ssub.s32 $0x2, s5;
	s7 =	smul.u32 $0x2800, s6  }
0x6: {  	[smem:$0x7FF] =	sst s2;
	s6 =	sshll.u32 s6, $0x7;
	s31 =	sshrl.u32 s5, $0x1  }
0x7: {  	_ =	strace $0x80000047;
	s6 =	sand.u32 $0x380, s6;
	s5 =	ssub.s32 s5, s31  }
0x8: {  	s3 =	sadd.s32 s7, s3;
	s6 =	sor.u32 s8, s6;
	s5 =	smax.u32 s5, $0x1  }
0x9: {  	s7 =	simm.s32 $0x14000;
	s8 =	simm.s32 $0x80;
	s6 =	sshrl.u32 s6, $0x3  }
0xa: {  	v0 =	vimm.f32 $0.0e+00;
	v1 =	vimm.f32 $1.000000000e+00;
	s3 =	sadd.s32 $0x2000, s3;
	s4 =	sadd.s32 s4, s6;
	s6 =	simm.s32 $0x1  }
.LBB2_1:
0xb: {  	s10 =	simm.s32 $0x40;
	s11 =	simm.s32 $0x0  }
.LBB2_2:
0xc: {  	p0 =	sne.s32 s10, $0x9FC0;
	[tilespmem:s11+$0x14000] =	vst v0;
	s11 =	smov.u32 s10;
	s10 =	sadd.s32 $0x40, s10  }
.Ltmp0:
0xd: {  	(pc) =	sbr.rel @p0 .LBB2_2-.Ltmp0, $2  }
0xe: {  	_ =	sdelay $0x2  }
0xf: {  	s11 =	sshra.s32 s11, $0x2  }
0x10: {  	[tilespmem:s11+$0x14000] =	vst v0;
	s10 =	simm.s32 $0x0  }
0x11: {  	[tilespmem:s10], [sflag:$0x1] =	stream.linear.gather [hbm4b:s3+s10], $0x14000, $0x38;
	[tilespmem:$0x16800] =	vst v63  }
0x12: {  	_ =	swait.ge [sflag:s6], $0x14000  }
0x13: {  	[sflag:s6] =	ssyncset.done $0x0  }
0x14: {  	s11 =	simm.s32 $0x0;
	s10 =	simm.s32 $0x200;
	[sflag:s6] =	ssyncadd.s32 $0xFFFEC000  }
.LBB2_4:
0x15: {  	p0 =	sne.s32 s10, $0x4FE00;
	v2 =	vld [tilespmem:s11+$0x0];
	_ =	sdelay $0x3  }
.Ltmp1:
0x16: {  	(pc) =	sbr.rel @p0 .LBB2_4-.Ltmp1, $2  }
0x17: {  	_ =	sdelay $0x2  }
0x18: {  	s11 =	sshra.s32 s10, $0x2;
	s10 =	sadd.s32 $0x200, s10;
	[tilespmem:v2+s7+$0x0] =	vst.idx.add.f32.msk $0xffff, v1  }
0x19: {  	v2 =	vld [tilespmem:s11+$0x0];
	_ =	sdelay $0x5  }
0x1a: {  	s2 =	sadd.s32 $0x1, s2  }
0x1b: {  	p0 =	sne.s32 s2, s5  }
.Ltmp2:
0x1c: {  	[tilespmem:v2+s7+$0x0] =	vst.idx.add.f32.msk $0xffff, v1;
	(pc) =	sbr.rel @p0 .LBB2_1-.Ltmp2, $4  }
0x1d: {  	[hbm4b:s4+s8] =	stream.strided.scatter [tilespmem:s7], [sflag:$0x1], $0x2800, s9, s8, $0x38;
	[tilespmem:$0x16800] =	vst v63  }
0x1e: {  	_ =	swait.ge [sflag:s6], $0x2800  }
0x1f: {  	[sflag:s6] =	ssyncset.done $0x0  }
0x20: {  	[sflag:s6] =	ssyncadd.s32 $0xFFFFD800  }
0x21: {  	_ =	sfence.sel $0x180000  }
0x22: {  	[bflag:$0x0] =	sbarrier.arrive $0xFFFF  }
0x23: {  	p0 =	sne.s32 s0, $0x0;
	_ =	strace $0x90000047  }
0x24: {  	s0 =	sadd.s32 @!p0 $0x100000, s1;
	[bflag:$0x2] =	sbarrier.arrive $0xFFFF  }
0x25: {  	[sflag:s0] =	ssyncadd.tile.s32 @!p0 $0x1;
	_ =	shalt  }
.Lfunc_end2:
_tile_overlayer_lowered:
.L_overlay_start_2:
0x26: {  	(tag) =	ssettag $0x2  }
0x27: {  	s0 =	rddreg [dreg:$0x0];
	s2 =	stileid.u32  }
0x28: {  	s1 =	rddreg [dreg:$0x1];
	p0 =	sne.s32 s2, $0x0  }
0x29: {  	s3 =	rddreg [dreg:$0x2];
	[bflag:$0x3] =	sbarrier.arrive $0xFFFF;
	s2 =	simm.s32 @!p0 $0x1C01  }
0x2a: {  	[timem:s3], [sflag:s2] =	dma.local @!p0 [hbm:s0], s1  }
0x2b: {  	s0 =	simm.s32 @!p0 $0x1  }
0x2c: {  	_ =	swait.ge @!p0 [sflag:s0], s1  }
0x2d: {  	s1 =	ssub.s32 @!p0 $0x0, s1;
	[sflag:s0] =	ssyncset.done @!p0 $0x0  }
0x2e: {  	[sflag:s0] =	ssyncadd.s32 @!p0 s1  }
0x2f: {  	[bflag:$0x3] =	sbarrier.arrive $0xFFFF  }
0x30: {  	_ =	shalt  }

</sc_bundles>
